<compile_context>
chip_gen: v7x
topology: tpu7x:2x2x1
jax: 0.10.2.dev20260603
libtpu: 0.0.44.dev20260713+nightly
codegen_flags: <defaults>
</compile_context>

<pallas_src>
import functools

import jax
import jax.numpy as jnp
from jax import lax
from jax.experimental import pallas as pl
from jax.experimental.pallas import tpu as pltpu
from jax.experimental.pallas import tpu_sc as plsc

H = 128
NODES = 10000
EDGES = 320000
NCORES = 2
NSUB = 16
NW = NCORES * NSUB
NPW = 313
NPAD = NW * NPW
CHUNK = 6400
NCHUNK = EDGES // CHUNK
NEG = -1e30


def _segmax_body(dst_h, src_h, ea_h, xv_h, uw_h, m_h,
                 dstb, srcb, eab, xb, uwb, accb, std, sem):
    cid = lax.axis_index("c")
    sid = lax.axis_index("s")
    wid = sid * NCORES + cid
    lo = wid * NPW

    pltpu.sync_copy(xv_h, xb)
    pltpu.sync_copy(uw_h, uwb)

    u2v = [uwb[pl.ds(hh * 16, 16)] for hh in range(8)]
    w3v = [uwb[pl.ds(H + hh * 16, 16)] for hh in range(8)]

    neg = jnp.full((16,), NEG, jnp.float32)

    @plsc.parallel_loop(0, (NPW + 1) * H // 16, unroll=8)
    def init_blk(i):
        accb[pl.ds(i * 16, 16)] = neg

    dstb[pl.ds(2 * CHUNK, 16)] = jnp.full((16,), lo + NPW, jnp.int32)
    srcb[pl.ds(2 * CHUNK, 16)] = jnp.zeros((16,), jnp.int32)
    eab[pl.ds(2 * CHUNK, 16)] = jnp.zeros((16,), jnp.float32)
    dummy_idx = jnp.full((16,), 2 * CHUNK, jnp.int32)
    iota16 = lax.iota(jnp.int32, 16)

    def issue(g, par):
        hb = g * CHUNK
        sl = par * CHUNK
        pltpu.make_async_copy(dst_h.at[pl.ds(hb, CHUNK)],
                              dstb.at[pl.ds(sl, CHUNK)], sem.at[par]).start()
        pltpu.make_async_copy(src_h.at[pl.ds(hb, CHUNK)],
                              srcb.at[pl.ds(sl, CHUNK)], sem.at[par]).start()
        pltpu.make_async_copy(ea_h.at[pl.ds(hb, CHUNK)],
                              eab.at[pl.ds(sl, CHUNK)], sem.at[par]).start()

    def drain_dma(g, par):
        hb = g * CHUNK
        sl = par * CHUNK
        pltpu.make_async_copy(dst_h.at[pl.ds(hb, CHUNK)],
                              dstb.at[pl.ds(sl, CHUNK)], sem.at[par]).wait()
        pltpu.make_async_copy(src_h.at[pl.ds(hb, CHUNK)],
                              srcb.at[pl.ds(sl, CHUNK)], sem.at[par]).wait()
        pltpu.make_async_copy(ea_h.at[pl.ds(hb, CHUNK)],
                              eab.at[pl.ds(sl, CHUNK)], sem.at[par]).wait()

    issue(0, 0)

    def chunk_body(g, _):
        par = g % 2

        @pl.when(g + 1 < NCHUNK)
        def _():
            issue(g + 1, 1 - par)

        drain_dma(g, par)
        sl = par * CHUNK

        @plsc.parallel_loop(0, CHUNK // 16, carry=jnp.int32(0), unroll=4)
        def vec_body(i, ptr):
            d16 = dstb[pl.ds(sl + i * 16, 16)]
            hit = (d16 >= lo) & (d16 < lo + NPW)
            idx16 = iota16 + (sl + i * 16)
            plsc.store_compressed(std.at[pl.ds(ptr, 16)], idx16, mask=hit)
            nhit = plsc.all_reduce_population_count(hit)
            return ptr + nhit[0]

        ptr = vec_body

        std[pl.ds(ptr, 16)] = dummy_idx
        ngrp = (ptr + 15) // 16

        def drain(gi, _):
            idxg = std[pl.ds(gi * 16, 16)]
            d16 = plsc.load_gather(dstb, [idxg])
            s16 = plsc.load_gather(srcb, [idxg])
            c16 = plsc.load_gather(eab, [idxg])
            b16 = plsc.load_gather(xb, [s16])
            off16 = (d16 - lo) * H
            for j in range(16):
                off = off16[j]
                b = b16[j]
                c = c16[j]
                for hh in range(8):
                    cur = accb[pl.ds(off + hh * 16, 16)]
                    val = b * u2v[hh] + c * w3v[hh]
                    accb[pl.ds(off + hh * 16, 16)] = jnp.maximum(cur, val)
            return 0

        lax.fori_loop(0, ngrp, drain, 0)
        return 0

    lax.fori_loop(0, NCHUNK, chunk_body, 0)

    pltpu.sync_copy(accb.at[pl.ds(0, NPW * H)], m_h.at[pl.ds(lo * H, NPW * H)])


_segmax = functools.partial(
    pl.kernel,
    out_type=jax.ShapeDtypeStruct((NPAD * H,), jnp.float32),
    mesh=plsc.VectorSubcoreMesh(core_axis_name="c", subcore_axis_name="s"),
    compiler_params=pltpu.CompilerParams(needs_layout_passes=False),
    scratch_types=[
        pltpu.VMEM((2 * CHUNK + 16,), jnp.int32),
        pltpu.VMEM((2 * CHUNK + 16,), jnp.int32),
        pltpu.VMEM((2 * CHUNK + 16,), jnp.float32),
        pltpu.VMEM((NPAD,), jnp.float32),
        pltpu.VMEM((2 * H,), jnp.float32),
        pltpu.VMEM(((NPW + 1) * H,), jnp.float32),
        pltpu.VMEM((CHUNK + 16,), jnp.int32),
        pltpu.SemaphoreType.DMA((2,)),
    ],
)(_segmax_body)


def _tail_body(x_ref, m_ref, u1_ref, c0_ref, p_ref, q_ref, bu_ref,
               wu2_ref, wd_ref, bd_ref, wt_ref, bt_ref, out_ref, term_ref):
    xv = x_ref[:, :]
    aggr = jnp.maximum(xv * u1_ref[:, :] + c0_ref[:, :] + m_ref[:, :], 0.0)
    h2 = jnp.maximum(
        xv * p_ref[:, :] + q_ref[:, :] + bu_ref[:, :]
        + jnp.dot(aggr, wu2_ref[:, :], preferred_element_type=jnp.float32),
        0.0)
    logits = jnp.sum(h2 * wd_ref[:, :], axis=1, keepdims=True) + bd_ref[0, 0]
    out_ref[:, :] = jax.nn.sigmoid(logits)
    rid = lax.broadcasted_iota(jnp.int32, (NPAD, 1), 0)
    h2m = jnp.where(rid < NODES, h2, 0.0)
    mean = jnp.sum(h2m, axis=0, keepdims=True) * (1.0 / NODES)
    t = jnp.sum(mean * wt_ref[:, :], axis=1, keepdims=True) + bt_ref[0, 0]
    term_ref[:, :] = jax.nn.sigmoid(t)


_tail = pl.pallas_call(
    _tail_body,
    out_shape=[
        jax.ShapeDtypeStruct((NPAD, 1), jnp.float32),
        jax.ShapeDtypeStruct((1, 1), jnp.float32),
    ],
)


def kernel(x, edge_index, edge_attr, W_enc, b_enc, W_msg, b_msg,
           W_upd, b_upd, W_dec, b_dec, W_t, b_t):
    xv = x[:, 0]
    we = W_enc[0]
    Wm1, Wm2, w3 = W_msg[:H], W_msg[H:2 * H], W_msg[2 * H]
    u1 = we @ Wm1
    u2 = we @ Wm2
    c0 = b_enc @ Wm1 + b_enc @ Wm2 + b_msg
    Wu1, Wu2 = W_upd[:H], W_upd[H:]
    p = we @ Wu1
    q = b_enc @ Wu1

    xpad = jnp.pad(xv, (0, NPAD - NODES))
    src = edge_index[0]
    dst = edge_index[1]
    eav = edge_attr[:, 0]
    uw = jnp.concatenate([u2, w3])

    M = _segmax(dst, src, eav, xpad, uw).reshape(NPAD, H)

    out_pad, term = _tail(
        xpad[:, None], M, u1[None], c0[None], p[None], q[None],
        b_upd[None], Wu2, W_dec[:, 0][None], b_dec[None],
        W_t[:, 0][None], b_t[None])
    return (out_pad[:NODES], term)

# --- scband reference (transcript-rebuilt; emitter-appended) ---
"""Pipeline reference for scband-algorithm-executor-49821620633837 (READ-ONLY COPY).

The authoritative reference and input builder live on the scoring server;
editing this copy changes nothing except your own understanding.
"""

import jax, jax.numpy as jnp
import numpy as np

N = 10000
E = 320000
H = 128


def setup_inputs(seed: int = 0) -> dict:
    key = jax.random.key(seed)
    ks = jax.random.split(key, 14)
    x = jax.random.uniform(ks[0], (N, 1), dtype=jnp.float32)
    edge_index = jax.random.randint(ks[1], (2, E), 0, N, dtype=jnp.int32)
    edge_attr = jax.random.normal(ks[2], (E, 1), dtype=jnp.float32)
    s = 0.05
    W_enc = jax.random.normal(ks[3], (1, H), dtype=jnp.float32) * s
    b_enc = jax.random.normal(ks[4], (H,), dtype=jnp.float32) * s
    W_msg = jax.random.normal(ks[5], (2 * H + 1, H), dtype=jnp.float32) * s
    b_msg = jax.random.normal(ks[6], (H,), dtype=jnp.float32) * s
    W_upd = jax.random.normal(ks[7], (2 * H, H), dtype=jnp.float32) * s
    b_upd = jax.random.normal(ks[8], (H,), dtype=jnp.float32) * s
    W_dec = jax.random.normal(ks[9], (H, 1), dtype=jnp.float32) * s
    b_dec = jax.random.normal(ks[10], (1,), dtype=jnp.float32) * s
    W_t = jax.random.normal(ks[11], (H, 1), dtype=jnp.float32) * s
    b_t = jax.random.normal(ks[12], (1,), dtype=jnp.float32) * s
    return {
        "x": x, "edge_index": edge_index, "edge_attr": edge_attr,
        "W_enc": W_enc, "b_enc": b_enc,
        "W_msg": W_msg, "b_msg": b_msg,
        "W_upd": W_upd, "b_upd": b_upd,
        "W_dec": W_dec, "b_dec": b_dec,
        "W_t": W_t, "b_t": b_t,
    }


def reference(x, edge_index, edge_attr, W_enc, b_enc, W_msg, b_msg,
              W_upd, b_upd, W_dec, b_dec, W_t, b_t):
    # encoder_bfs: Linear(1, hidden_dim)
    h = x @ W_enc + b_enc
    src = edge_index[0]
    dst = edge_index[1]
    # Processor.message: msg_net(cat([x_i, x_j, edge_attr])) with x_i = h[dst], x_j = h[src]
    x_i = jnp.take(h, dst, axis=0)
    x_j = jnp.take(h, src, axis=0)
    m_in = jnp.concatenate([x_i, x_j, edge_attr], axis=-1)
    msg = jax.nn.relu(m_in @ W_msg + b_msg)
    # aggr='max' scatter-max into dst nodes; empty segments -> 0 (PyG default fill)
    aggr = jax.ops.segment_max(msg, dst, num_segments=N)
    aggr = jnp.where(jnp.isfinite(aggr), aggr, 0.0)
    # Processor.update: update_net(cat([x, aggr_out]))
    h2 = jax.nn.relu(jnp.concatenate([h, aggr], axis=-1) @ W_upd + b_upd)
    # decoder_bfs + sigmoid
    out = jax.nn.sigmoid(h2 @ W_dec + b_dec)
    # termination_bfs on mean over nodes
    term = jax.nn.sigmoid(jnp.mean(h2, axis=0, keepdims=True) @ W_t + b_t)
    return (out, term)

if __name__ == "__main__":
    import jax
    _d = setup_inputs()
    print(jax.jit(kernel)(*tuple(_d.values())))

</pallas_src>

<mosaic_0001>
#map = affine_map<(d0, d1) -> (0)>
module attributes {stable_mosaic.version = 14 : i64} {
  func.func @_segmax_body(%arg0: i32, %arg1: i32, %arg2: memref<320000xi32, #tpu.memory_space<hbm>>, %arg3: memref<320000xi32, #tpu.memory_space<hbm>>, %arg4: memref<320000xf32, #tpu.memory_space<hbm>>, %arg5: memref<10016xf32, #tpu.memory_space<hbm>>, %arg6: memref<256xf32, #tpu.memory_space<hbm>>, %arg7: memref<1282048xf32, #tpu.memory_space<hbm>>, %arg8: memref<12816xi32, #tpu.memory_space<vmem>>, %arg9: memref<12816xi32, #tpu.memory_space<vmem>>, %arg10: memref<12816xf32, #tpu.memory_space<vmem>>, %arg11: memref<10016xf32, #tpu.memory_space<vmem>>, %arg12: memref<256xf32, #tpu.memory_space<vmem>>, %arg13: memref<40192xf32, #tpu.memory_space<vmem>>, %arg14: memref<6416xi32, #tpu.memory_space<vmem>>, %arg15: memref<2x!tpu.dma_semaphore, #tpu.memory_space<semaphore_mem>>) attributes {dimension_semantics = [#tpu.dimension_semantics<core_parallel>, #tpu.dimension_semantics<subcore_parallel>], iteration_bounds = array<i64: 2, 16>, scalar_prefetch = 0 : i64, scratch_operands = 8 : i64, tpu.core_type = #tpu.core_type<sc_vector_subcore>, window_params = [{transform_indices = #map}, {transform_indices = #map}, {transform_indices = #map}, {transform_indices = #map}, {transform_indices = #map}, {transform_indices = #map}]} {
    %mul3A = arith.constant 2 : i32
    %mul3A_0 = arith.muli %arg1, %mul3A : i32
    %add3A = arith.addi %mul3A_0, %arg0 : i32
    %mul3A_1 = arith.constant 313 : i32
    %mul3A_2 = arith.muli %add3A, %mul3A_1 : i32
    "tpu.region"() ({
      %run_scoped3A = tpu.sem_alloc : memref<!tpu.dma_semaphore, #tpu.memory_space<semaphore_mem>>
      tpu.enqueue_dma source(%arg5 : memref<10016xf32, #tpu.memory_space<hbm>>) target(%arg11 : memref<10016xf32, #tpu.memory_space<vmem>>) target_semaphore(%run_scoped3A : memref<!tpu.dma_semaphore, #tpu.memory_space<semaphore_mem>>)
      tpu.wait_dma2 semaphore(%run_scoped3A : memref<!tpu.dma_semaphore, #tpu.memory_space<semaphore_mem>>) src(%arg5 : memref<10016xf32, #tpu.memory_space<hbm>>) dst(%arg11 : memref<10016xf32, #tpu.memory_space<vmem>>)
      tpu.yield
    }) : () -> ()
    "tpu.region"() ({
      %run_scoped3A = tpu.sem_alloc : memref<!tpu.dma_semaphore, #tpu.memory_space<semaphore_mem>>
      tpu.enqueue_dma source(%arg6 : memref<256xf32, #tpu.memory_space<hbm>>) target(%arg12 : memref<256xf32, #tpu.memory_space<vmem>>) target_semaphore(%run_scoped3A : memref<!tpu.dma_semaphore, #tpu.memory_space<semaphore_mem>>)
      tpu.wait_dma2 semaphore(%run_scoped3A : memref<!tpu.dma_semaphore, #tpu.memory_space<semaphore_mem>>) src(%arg6 : memref<256xf32, #tpu.memory_space<hbm>>) dst(%arg12 : memref<256xf32, #tpu.memory_space<vmem>>)
      tpu.yield
    }) : () -> ()
    %get3A = arith.constant 0 : index
    %get3A_3 = tpu.vector_load %arg12[%get3A] {strides = array<i32>} : memref<256xf32, #tpu.memory_space<vmem>>, vector<16xf32>,
    %get3A_4 = arith.constant 16 : index
    %get3A_5 = tpu.vector_load %arg12[%get3A_4] {strides = array<i32>} : memref<256xf32, #tpu.memory_space<vmem>>, vector<16xf32>,
    %get3A_6 = arith.constant 32 : index
    %get3A_7 = tpu.vector_load %arg12[%get3A_6] {strides = array<i32>} : memref<256xf32, #tpu.memory_space<vmem>>, vector<16xf32>,
    %get3A_8 = arith.constant 48 : index
    %get3A_9 = tpu.vector_load %arg12[%get3A_8] {strides = array<i32>} : memref<256xf32, #tpu.memory_space<vmem>>, vector<16xf32>,
    %get3A_10 = arith.constant 64 : index
    %get3A_11 = tpu.vector_load %arg12[%get3A_10] {strides = array<i32>} : memref<256xf32, #tpu.memory_space<vmem>>, vector<16xf32>,
    %get3A_12 = arith.constant 80 : index
    %get3A_13 = tpu.vector_load %arg12[%get3A_12] {strides = array<i32>} : memref<256xf32, #tpu.memory_space<vmem>>, vector<16xf32>,
    %get3A_14 = arith.constant 96 : index
    %get3A_15 = tpu.vector_load %arg12[%get3A_14] {strides = array<i32>} : memref<256xf32, #tpu.memory_space<vmem>>, vector<16xf32>,
    %get3A_16 = arith.constant 112 : index
    %get3A_17 = tpu.vector_load %arg12[%get3A_16] {strides = array<i32>} : memref<256xf32, #tpu.memory_space<vmem>>, vector<16xf32>,
    %get3A_18 = arith.constant 128 : index
    %get3A_19 = tpu.vector_load %arg12[%get3A_18] {strides = array<i32>} : memref<256xf32, #tpu.memory_space<vmem>>, vector<16xf32>,
    %get3A_20 = arith.constant 144 : index
    %get3A_21 = tpu.vector_load %arg12[%get3A_20] {strides = array<i32>} : memref<256xf32, #tpu.memory_space<vmem>>, vector<16xf32>,
    %get3A_22 = arith.constant 160 : index
    %get3A_23 = tpu.vector_load %arg12[%get3A_22] {strides = array<i32>} : memref<256xf32, #tpu.memory_space<vmem>>, vector<16xf32>,
    %get3A_24 = arith.constant 176 : index
    %get3A_25 = tpu.vector_load %arg12[%get3A_24] {strides = array<i32>} : memref<256xf32, #tpu.memory_space<vmem>>, vector<16xf32>,
    %get3A_26 = arith.constant 192 : index
    %get3A_27 = tpu.vector_load %arg12[%get3A_26] {strides = array<i32>} : memref<256xf32, #tpu.memory_space<vmem>>, vector<16xf32>,
    %get3A_28 = arith.constant 208 : index
    %get3A_29 = tpu.vector_load %arg12[%get3A_28] {strides = array<i32>} : memref<256xf32, #tpu.memory_space<vmem>>, vector<16xf32>,
    %get3A_30 = arith.constant 224 : index
    %get3A_31 = tpu.vector_load %arg12[%get3A_30] {strides = array<i32>} : memref<256xf32, #tpu.memory_space<vmem>>, vector<16xf32>,
    %get3A_32 = arith.constant 240 : index
    %get3A_33 = tpu.vector_load %arg12[%get3A_32] {strides = array<i32>} : memref<256xf32, #tpu.memory_space<vmem>>, vector<16xf32>,
    %broadcast_in_dim3A = arith.constant -1.000000e+30 : f32
    %broadcast_in_dim3A_34 = vector.broadcast %broadcast_in_dim3A : f32 to vector<16xf32>
    %parallel_loop3A = arith.constant 0 : i32
    %parallel_loop3A_35 = arith.constant 2512 : i32
    %parallel_loop3A_36 = arith.constant 1 : i32
    scf.for %parallel_loop3A_91 = %parallel_loop3A to %parallel_loop3A_35 step %parallel_loop3A_36  : i32 {
      %parallel_loop3A_92 = arith.constant 16 : i32
      %parallel_loop3A_93 = arith.muli %parallel_loop3A_91, %parallel_loop3A_92 : i32
      %parallel_loop3A_94 = arith.index_cast %parallel_loop3A_93 : i32 to index
      %parallel_loop3A_95 = tpu.vector_load %arg13[%parallel_loop3A_94] {strides = array<i32>} : memref<40192xf32, #tpu.memory_space<vmem>>, vector<16xf32>,
      tpu.vector_store %arg13[%parallel_loop3A_94], %broadcast_in_dim3A_34 {strides = array<i32>} : memref<40192xf32, #tpu.memory_space<vmem>>, vector<16xf32>,
    } {sc.loop_unroll_factor = 8 : i64, sc.parallel_access}
    %add3A_37 = arith.constant 313 : i32
    %add3A_38 = arith.addi %mul3A_2, %add3A_37 : i32
    %broadcast_in_dim3A_39 = vector.broadcast %add3A_38 : i32 to vector<16xi32>
    %swap3A = arith.constant 12800 : index
    %swap3A_40 = tpu.vector_load %arg8[%swap3A] {strides = array<i32>} : memref<12816xi32, #tpu.memory_space<vmem>>, vector<16xi32>,
    tpu.vector_store %arg8[%swap3A], %broadcast_in_dim3A_39 {strides = array<i32>} : memref<12816xi32, #tpu.memory_space<vmem>>, vector<16xi32>,
    %broadcast_in_dim3A_41 = arith.constant 0 : i32
    %broadcast_in_dim3A_42 = vector.broadcast %broadcast_in_dim3A_41 : i32 to vector<16xi32>
    %swap3A_43 = arith.constant 12800 : index
    %swap3A_44 = tpu.vector_load %arg9[%swap3A_43] {strides = array<i32>} : memref<12816xi32, #tpu.memory_space<vmem>>, vector<16xi32>,
    tpu.vector_store %arg9[%swap3A_43], %broadcast_in_dim3A_42 {strides = array<i32>} : memref<12816xi32, #tpu.memory_space<vmem>>, vector<16xi32>,
    %broadcast_in_dim3A_45 = arith.constant 0.000000e+00 : f32
    %broadcast_in_dim3A_46 = vector.broadcast %broadcast_in_dim3A_45 : f32 to vector<16xf32>
    %swap3A_47 = arith.constant 12800 : index
    %swap3A_48 = tpu.vector_load %arg10[%swap3A_47] {strides = array<i32>} : memref<12816xf32, #tpu.memory_space<vmem>>, vector<16xf32>,
    tpu.vector_store %arg10[%swap3A_47], %broadcast_in_dim3A_46 {strides = array<i32>} : memref<12816xf32, #tpu.memory_space<vmem>>, vector<16xf32>,
    %broadcast_in_dim3A_49 = arith.constant 12800 : i32
    %broadcast_in_dim3A_50 = vector.broadcast %broadcast_in_dim3A_49 : i32 to vector<16xi32>
    %iota3A = tpu.iota {dimensions = array<i32: 0>} : vector<16xi32>
    %dma_start3A = arith.constant 0 : i32
    %dma_start3A_51 = arith.constant 0 : i32
    %dma_start3A_52 = tpu.memref_slice %arg8[%dma_start3A_51] : memref<12816xi32, #tpu.memory_space<vmem>> -> memref<6400xi32, #tpu.memory_space<vmem>>
    %dma_start3A_53 = arith.constant 0 : i32
    %dma_start3A_54 = tpu.memref_slice %arg2[%dma_start3A_53] : memref<320000xi32, #tpu.memory_space<hbm>> -> memref<6400xi32, #tpu.memory_space<hbm>>
    %dma_start3A_55 = tpu.memref_slice %arg15[%dma_start3A] : memref<2x!tpu.dma_semaphore, #tpu.memory_space<semaphore_mem>> -> memref<1x!tpu.dma_semaphore, #tpu.memory_space<semaphore_mem>>
    %dma_start3A_56 = tpu.memref_squeeze %dma_start3A_55 : memref<1x!tpu.dma_semaphore, #tpu.memory_space<semaphore_mem>> -> memref<!tpu.dma_semaphore, #tpu.memory_space<semaphore_mem>>
    %dma_start3A_57 = arith.constant 0 : i32
    %dma_start3A_58 = tpu.memref_slice %arg8[%dma_start3A_57] : memref<12816xi32, #tpu.memory_space<vmem>> -> memref<6400xi32, #tpu.memory_space<vmem>>
    %dma_start3A_59 = arith.constant 0 : i32
    %dma_start3A_60 = tpu.memref_slice %arg2[%dma_start3A_59] : memref<320000xi32, #tpu.memory_space<hbm>> -> memref<6400xi32, #tpu.memory_space<hbm>>
    tpu.enqueue_dma source(%dma_start3A_60 : memref<6400xi32, #tpu.memory_space<hbm>>) target(%dma_start3A_58 : memref<6400xi32, #tpu.memory_space<vmem>>) target_semaphore(%dma_start3A_56 : memref<!tpu.dma_semaphore, #tpu.memory_space<semaphore_mem>>)
    %dma_start3A_61 = arith.constant 0 : i32
    %dma_start3A_62 = arith.constant 0 : i32
    %dma_start3A_63 = tpu.memref_slice %arg9[%dma_start3A_62] : memref<12816xi32, #tpu.memory_space<vmem>> -> memref<6400xi32, #tpu.memory_space<vmem>>
    %dma_start3A_64 = arith.constant 0 : i32
    %dma_start3A_65 = tpu.memref_slice %arg3[%dma_start3A_64] : memref<320000xi32, #tpu.memory_space<hbm>> -> memref<6400xi32, #tpu.memory_space<hbm>>
    %dma_start3A_66 = tpu.memref_slice %arg15[%dma_start3A_61] : memref<2x!tpu.dma_semaphore, #tpu.memory_space<semaphore_mem>> -> memref<1x!tpu.dma_semaphore, #tpu.memory_space<semaphore_mem>>
    %dma_start3A_67 = tpu.memref_squeeze %dma_start3A_66 : memref<1x!tpu.dma_semaphore, #tpu.memory_space<semaphore_mem>> -> memref<!tpu.dma_semaphore, #tpu.memory_space<semaphore_mem>>
    %dma_start3A_68 = arith.constant 0 : i32
    %dma_start3A_69 = tpu.memref_slice %arg9[%dma_start3A_68] : memref<12816xi32, #tpu.memory_space<vmem>> -> memref<6400xi32, #tpu.memory_space<vmem>>
    %dma_start3A_70 = arith.constant 0 : i32
    %dma_start3A_71 = tpu.memref_slice %arg3[%dma_start3A_70] : memref<320000xi32, #tpu.memory_space<hbm>> -> memref<6400xi32, #tpu.memory_space<hbm>>
    tpu.enqueue_dma source(%dma_start3A_71 : memref<6400xi32, #tpu.memory_space<hbm>>) target(%dma_start3A_69 : memref<6400xi32, #tpu.memory_space<vmem>>) target_semaphore(%dma_start3A_67 : memref<!tpu.dma_semaphore, #tpu.memory_space<semaphore_mem>>)
    %dma_start3A_72 = arith.constant 0 : i32
    %dma_start3A_73 = arith.constant 0 : i32
    %dma_start3A_74 = tpu.memref_slice %arg10[%dma_start3A_73] : memref<12816xf32, #tpu.memory_space<vmem>> -> memref<6400xf32, #tpu.memory_space<vmem>>
    %dma_start3A_75 = arith.constant 0 : i32
    %dma_start3A_76 = tpu.memref_slice %arg4[%dma_start3A_75] : memref<320000xf32, #tpu.memory_space<hbm>> -> memref<6400xf32, #tpu.memory_space<hbm>>
    %dma_start3A_77 = tpu.memref_slice %arg15[%dma_start3A_72] : memref<2x!tpu.dma_semaphore, #tpu.memory_space<semaphore_mem>> -> memref<1x!tpu.dma_semaphore, #tpu.memory_space<semaphore_mem>>
    %dma_start3A_78 = tpu.memref_squeeze %dma_start3A_77 : memref<1x!tpu.dma_semaphore, #tpu.memory_space<semaphore_mem>> -> memref<!tpu.dma_semaphore, #tpu.memory_space<semaphore_mem>>
    %dma_start3A_79 = arith.constant 0 : i32
    %dma_start3A_80 = tpu.memref_slice %arg10[%dma_start3A_79] : memref<12816xf32, #tpu.memory_space<vmem>> -> memref<6400xf32, #tpu.memory_space<vmem>>
    %dma_start3A_81 = arith.constant 0 : i32
    %dma_start3A_82 = tpu.memref_slice %arg4[%dma_start3A_81] : memref<320000xf32, #tpu.memory_space<hbm>> -> memref<6400xf32, #tpu.memory_space<hbm>>
    tpu.enqueue_dma source(%dma_start3A_82 : memref<6400xf32, #tpu.memory_space<hbm>>) target(%dma_start3A_80 : memref<6400xf32, #tpu.memory_space<vmem>>) target_semaphore(%dma_start3A_78 : memref<!tpu.dma_semaphore, #tpu.memory_space<semaphore_mem>>)
    %scan3A = arith.constant 0 : i32
    %scan3A_83 = arith.constant 0 : i32
    %scan3A_84 = arith.constant 50 : i32
    %scan3A_85 = arith.addi %scan3A_83, %scan3A_84 : i32
    %scan3A_86 = arith.constant 1 : i32
    %scan3A_87 = scf.for %scan3A_91 = %scan3A_83 to %scan3A_85 step %scan3A_86 iter_args(%scan3A_92 = %scan3A) -> (i32)  : i32 {
      %jit3A = arith.constant 2 : i32
      %eq3A = arith.constant 0 : i32
      %eq3A_93 = arith.cmpi eq, %jit3A, %eq3A : i32
      %jit3A_94 = arith.constant 1 : i32
      %select_n3A = arith.select %eq3A_93, %jit3A_94, %jit3A : i32
      %rem3A = arith.remsi %scan3A_91, %select_n3A : i32
      %ne3A = arith.constant 0 : i32
      %ne3A_95 = arith.cmpi ne, %rem3A, %ne3A : i32
      %lt3A = arith.constant 0 : i32
      %lt3A_96 = arith.cmpi slt, %rem3A, %lt3A : i32
      %lt3A_97 = arith.constant 0 : i32
      %lt3A_98 = arith.cmpi slt, %select_n3A, %lt3A_97 : i32
      %ne3A_99 = arith.xori %lt3A_96, %lt3A_98 : i1
      %and3A = arith.andi %ne3A_99, %ne3A_95 : i1
      %add3A_100 = arith.addi %rem3A, %select_n3A : i32
      %select_n3A_101 = arith.select %and3A, %add3A_100, %rem3A : i32
      %add3A_102 = arith.constant 1 : i32
      %add3A_103 = arith.addi %scan3A_91, %add3A_102 : i32
      %lt3A_104 = arith.constant 50 : i32
      %lt3A_105 = arith.cmpi slt, %add3A_103, %lt3A_104 : i32
      %convert_element_type3A = arith.extui %lt3A_105 : i1 to i32
      %cond3A = arith.constant 0 : i32
      %cond3A_106 = arith.cmpi ne, %convert_element_type3A, %cond3A : i32
      scf.if %cond3A_106 {
        %add3A_172 = arith.constant 1 : i32
        %add3A_173 = arith.addi %scan3A_91, %add3A_172 : i32
        %sub3A_174 = arith.constant 1 : i32
        %sub3A_175 = arith.subi %sub3A_174, %select_n3A_101 : i32
        %mul3A_176 = arith.constant 6400 : i32
        %mul3A_177 = arith.muli %add3A_173, %mul3A_176 : i32
        %mul3A_178 = arith.constant 6400 : i32
        %mul3A_179 = arith.muli %sub3A_175, %mul3A_178 : i32
        %dma_start3A_180 = tpu.memref_slice %arg8[%mul3A_179] : memref<12816xi32, #tpu.memory_space<vmem>> -> memref<6400xi32, #tpu.memory_space<vmem>>
        %dma_start3A_181 = tpu.memref_slice %arg2[%mul3A_177] : memref<320000xi32, #tpu.memory_space<hbm>> -> memref<6400xi32, #tpu.memory_space<hbm>>
        %dma_start3A_182 = tpu.memref_slice %arg15[%sub3A_175] : memref<2x!tpu.dma_semaphore, #tpu.memory_space<semaphore_mem>> -> memref<1x!tpu.dma_semaphore, #tpu.memory_space<semaphore_mem>>
        %dma_start3A_183 = tpu.memref_squeeze %dma_start3A_182 : memref<1x!tpu.dma_semaphore, #tpu.memory_space<semaphore_mem>> -> memref<!tpu.dma_semaphore, #tpu.memory_space<semaphore_mem>>
        %dma_start3A_184 = tpu.memref_slice %arg8[%mul3A_179] : memref<12816xi32, #tpu.memory_space<vmem>> -> memref<6400xi32, #tpu.memory_space<vmem>>
        %dma_start3A_185 = tpu.memref_slice %arg2[%mul3A_177] : memref<320000xi32, #tpu.memory_space<hbm>> -> memref<6400xi32, #tpu.memory_space<hbm>>
        tpu.enqueue_dma source(%dma_start3A_185 : memref<6400xi32, #tpu.memory_space<hbm>>) target(%dma_start3A_184 : memref<6400xi32, #tpu.memory_space<vmem>>) target_semaphore(%dma_start3A_183 : memref<!tpu.dma_semaphore, #tpu.memory_space<semaphore_mem>>)
        %dma_start3A_186 = tpu.memref_slice %arg9[%mul3A_179] : memref<12816xi32, #tpu.memory_space<vmem>> -> memref<6400xi32, #tpu.memory_space<vmem>>
        %dma_start3A_187 = tpu.memref_slice %arg3[%mul3A_177] : memref<320000xi32, #tpu.memory_space<hbm>> -> memref<6400xi32, #tpu.memory_space<hbm>>
        %dma_start3A_188 = tpu.memref_slice %arg15[%sub3A_175] : memref<2x!tpu.dma_semaphore, #tpu.memory_space<semaphore_mem>> -> memref<1x!tpu.dma_semaphore, #tpu.memory_space<semaphore_mem>>
        %dma_start3A_189 = tpu.memref_squeeze %dma_start3A_188 : memref<1x!tpu.dma_semaphore, #tpu.memory_space<semaphore_mem>> -> memref<!tpu.dma_semaphore, #tpu.memory_space<semaphore_mem>>
        %dma_start3A_190 = tpu.memref_slice %arg9[%mul3A_179] : memref<12816xi32, #tpu.memory_space<vmem>> -> memref<6400xi32, #tpu.memory_space<vmem>>
        %dma_start3A_191 = tpu.memref_slice %arg3[%mul3A_177] : memref<320000xi32, #tpu.memory_space<hbm>> -> memref<6400xi32, #tpu.memory_space<hbm>>
        tpu.enqueue_dma source(%dma_start3A_191 : memref<6400xi32, #tpu.memory_space<hbm>>) target(%dma_start3A_190 : memref<6400xi32, #tpu.memory_space<vmem>>) target_semaphore(%dma_start3A_189 : memref<!tpu.dma_semaphore, #tpu.memory_space<semaphore_mem>>)
        %dma_start3A_192 = tpu.memref_slice %arg10[%mul3A_179] : memref<12816xf32, #tpu.memory_space<vmem>> -> memref<6400xf32, #tpu.memory_space<vmem>>
        %dma_start3A_193 = tpu.memref_slice %arg4[%mul3A_177] : memref<320000xf32, #tpu.memory_space<hbm>> -> memref<6400xf32, #tpu.memory_space<hbm>>
        %dma_start3A_194 = tpu.memref_slice %arg15[%sub3A_175] : memref<2x!tpu.dma_semaphore, #tpu.memory_space<semaphore_mem>> -> memref<1x!tpu.dma_semaphore, #tpu.memory_space<semaphore_mem>>
        %dma_start3A_195 = tpu.memref_squeeze %dma_start3A_194 : memref<1x!tpu.dma_semaphore, #tpu.memory_space<semaphore_mem>> -> memref<!tpu.dma_semaphore, #tpu.memory_space<semaphore_mem>>
        %dma_start3A_196 = tpu.memref_slice %arg10[%mul3A_179] : memref<12816xf32, #tpu.memory_space<vmem>> -> memref<6400xf32, #tpu.memory_space<vmem>>
        %dma_start3A_197 = tpu.memref_slice %arg4[%mul3A_177] : memref<320000xf32, #tpu.memory_space<hbm>> -> memref<6400xf32, #tpu.memory_space<hbm>>
        tpu.enqueue_dma source(%dma_start3A_197 : memref<6400xf32, #tpu.memory_space<hbm>>) target(%dma_start3A_196 : memref<6400xf32, #tpu.memory_space<vmem>>) target_semaphore(%dma_start3A_195 : memref<!tpu.dma_semaphore, #tpu.memory_space<semaphore_mem>>)
      } else {
      }
      %mul3A_107 = arith.constant 6400 : i32
      %mul3A_108 = arith.muli %scan3A_91, %mul3A_107 : i32
      %mul3A_109 = arith.constant 6400 : i32
      %mul3A_110 = arith.muli %select_n3A_101, %mul3A_109 : i32
      %dma_wait3A = tpu.memref_slice %arg8[%mul3A_110] : memref<12816xi32, #tpu.memory_space<vmem>> -> memref<6400xi32, #tpu.memory_space<vmem>>
      %dma_wait3A_111 = tpu.memref_slice %arg2[%mul3A_108] : memref<320000xi32, #tpu.memory_space<hbm>> -> memref<6400xi32, #tpu.memory_space<hbm>>
      %dma_wait3A_112 = tpu.memref_slice %arg15[%select_n3A_101] : memref<2x!tpu.dma_semaphore, #tpu.memory_space<semaphore_mem>> -> memref<1x!tpu.dma_semaphore, #tpu.memory_space<semaphore_mem>>
      %dma_wait3A_113 = tpu.memref_squeeze %dma_wait3A_112 : memref<1x!tpu.dma_semaphore, #tpu.memory_space<semaphore_mem>> -> memref<!tpu.dma_semaphore, #tpu.memory_space<semaphore_mem>>
      %dma_wait3A_114 = tpu.memref_slice %arg8[%mul3A_110] : memref<12816xi32, #tpu.memory_space<vmem>> -> memref<6400xi32, #tpu.memory_space<vmem>>
      %dma_wait3A_115 = tpu.memref_slice %arg2[%mul3A_108] : memref<320000xi32, #tpu.memory_space<hbm>> -> memref<6400xi32, #tpu.memory_space<hbm>>
      tpu.wait_dma2 semaphore(%dma_wait3A_113 : memref<!tpu.dma_semaphore, #tpu.memory_space<semaphore_mem>>) src(%dma_wait3A_115 : memref<6400xi32, #tpu.memory_space<hbm>>) dst(%dma_wait3A_114 : memref<6400xi32, #tpu.memory_space<vmem>>)
      %dma_wait3A_116 = tpu.memref_slice %arg9[%mul3A_110] : memref<12816xi32, #tpu.memory_space<vmem>> -> memref<6400xi32, #tpu.memory_space<vmem>>
      %dma_wait3A_117 = tpu.memref_slice %arg3[%mul3A_108] : memref<320000xi32, #tpu.memory_space<hbm>> -> memref<6400xi32, #tpu.memory_space<hbm>>
      %dma_wait3A_118 = tpu.memref_slice %arg15[%select_n3A_101] : memref<2x!tpu.dma_semaphore, #tpu.memory_space<semaphore_mem>> -> memref<1x!tpu.dma_semaphore, #tpu.memory_space<semaphore_mem>>
      %dma_wait3A_119 = tpu.memref_squeeze %dma_wait3A_118 : memref<1x!tpu.dma_semaphore, #tpu.memory_space<semaphore_mem>> -> memref<!tpu.dma_semaphore, #tpu.memory_space<semaphore_mem>>
      %dma_wait3A_120 = tpu.memref_slice %arg9[%mul3A_110] : memref<12816xi32, #tpu.memory_space<vmem>> -> memref<6400xi32, #tpu.memory_space<vmem>>
      %dma_wait3A_121 = tpu.memref_slice %arg3[%mul3A_108] : memref<320000xi32, #tpu.memory_space<hbm>> -> memref<6400xi32, #tpu.memory_space<hbm>>
      tpu.wait_dma2 semaphore(%dma_wait3A_119 : memref<!tpu.dma_semaphore, #tpu.memory_space<semaphore_mem>>) src(%dma_wait3A_121 : memref<6400xi32, #tpu.memory_space<hbm>>) dst(%dma_wait3A_120 : memref<6400xi32, #tpu.memory_space<vmem>>)
      %dma_wait3A_122 = tpu.memref_slice %arg10[%mul3A_110] : memref<12816xf32, #tpu.memory_space<vmem>> -> memref<6400xf32, #tpu.memory_space<vmem>>
      %dma_wait3A_123 = tpu.memref_slice %arg4[%mul3A_108] : memref<320000xf32, #tpu.memory_space<hbm>> -> memref<6400xf32, #tpu.memory_space<hbm>>
      %dma_wait3A_124 = tpu.memref_slice %arg15[%select_n3A_101] : memref<2x!tpu.dma_semaphore, #tpu.memory_space<semaphore_mem>> -> memref<1x!tpu.dma_semaphore, #tpu.memory_space<semaphore_mem>>
      %dma_wait3A_125 = tpu.memref_squeeze %dma_wait3A_124 : memref<1x!tpu.dma_semaphore, #tpu.memory_space<semaphore_mem>> -> memref<!tpu.dma_semaphore, #tpu.memory_space<semaphore_mem>>
      %dma_wait3A_126 = tpu.memref_slice %arg10[%mul3A_110] : memref<12816xf32, #tpu.memory_space<vmem>> -> memref<6400xf32, #tpu.memory_space<vmem>>
      %dma_wait3A_127 = tpu.memref_slice %arg4[%mul3A_108] : memref<320000xf32, #tpu.memory_space<hbm>> -> memref<6400xf32, #tpu.memory_space<hbm>>
      tpu.wait_dma2 semaphore(%dma_wait3A_125 : memref<!tpu.dma_semaphore, #tpu.memory_space<semaphore_mem>>) src(%dma_wait3A_127 : memref<6400xf32, #tpu.memory_space<hbm>>) dst(%dma_wait3A_126 : memref<6400xf32, #tpu.memory_space<vmem>>)
      %mul3A_128 = arith.constant 6400 : i32
      %mul3A_129 = arith.muli %select_n3A_101, %mul3A_128 : i32
      %parallel_loop3A_130 = arith.constant 0 : i32
      %parallel_loop3A_131 = arith.constant 400 : i32
      %parallel_loop3A_132 = arith.constant 1 : i32
      %parallel_loop3A_133 = arith.constant 0 : i32
      %parallel_loop3A_134 = scf.for %parallel_loop3A_172 = %parallel_loop3A_130 to %parallel_loop3A_131 step %parallel_loop3A_132 iter_args(%parallel_loop3A_173 = %parallel_loop3A_133) -> (i32)  : i32 {
        %parallel_loop3A_174 = arith.constant 16 : i32
        %parallel_loop3A_175 = arith.muli %parallel_loop3A_172, %parallel_loop3A_174 : i32
        %parallel_loop3A_176 = arith.addi %mul3A_129, %parallel_loop3A_175 : i32
        %parallel_loop3A_177 = arith.index_cast %parallel_loop3A_176 : i32 to index
        %parallel_loop3A_178 = tpu.vector_load %arg8[%parallel_loop3A_177] {strides = array<i32>} : memref<12816xi32, #tpu.memory_space<vmem>>, vector<16xi32>,
        %parallel_loop3A_179 = vector.broadcast %mul3A_2 : i32 to vector<16xi32>
        %parallel_loop3A_180 = arith.cmpi sge, %parallel_loop3A_178, %parallel_loop3A_179 : vector<16xi32>
        %parallel_loop3A_181 = arith.constant 313 : i32
        %parallel_loop3A_182 = arith.addi %mul3A_2, %parallel_loop3A_181 : i32
        %parallel_loop3A_183 = vector.broadcast %parallel_loop3A_182 : i32 to vector<16xi32>
        %parallel_loop3A_184 = arith.cmpi slt, %parallel_loop3A_178, %parallel_loop3A_183 : vector<16xi32>
        %parallel_loop3A_185 = arith.andi %parallel_loop3A_180, %parallel_loop3A_184 : vector<16xi1>
        %parallel_loop3A_186 = arith.constant 16 : i32
        %parallel_loop3A_187 = arith.muli %parallel_loop3A_172, %parallel_loop3A_186 : i32
        %parallel_loop3A_188 = arith.addi %mul3A_129, %parallel_loop3A_187 : i32
        %parallel_loop3A_189 = vector.broadcast %parallel_loop3A_188 : i32 to vector<16xi32>
        %parallel_loop3A_190 = arith.addi %iota3A, %parallel_loop3A_189 : vector<16xi32>
        %parallel_loop3A_191 = arith.index_cast %parallel_loop3A_173 : i32 to index
        %parallel_loop3A_192 = tpu.vector_load %arg14[%parallel_loop3A_191] masked %parallel_loop3A_185 {strides = array<i32>} : memref<6416xi32, #tpu.memory_space<vmem>>, vector<16xi32>, vector<16xi1>
        tpu.vector_store %arg14[%parallel_loop3A_191], %parallel_loop3A_190 masked %parallel_loop3A_185 {strides = array<i32>} : memref<6416xi32, #tpu.memory_space<vmem>>, vector<16xi32>, vector<16xi1>
        %parallel_loop3A_193 = tpu.all_reduce %parallel_loop3A_185 {dim = 0 : i64, kind = #tpu.reduction_kind<sum>} : vector<16xi1> -> vector<16xi32>
        %parallel_loop3A_194 = vector.extract_strided_slice %parallel_loop3A_193 {offsets = [0], sizes = [1], strides = [1]} : vector<16xi32> to vector<1xi32>
        %parallel_loop3A_195 = vector.extract %parallel_loop3A_194[0] : i32 from vector<1xi32>
        %parallel_loop3A_196 = arith.addi %parallel_loop3A_173, %parallel_loop3A_195 : i32
        scf.yield %parallel_loop3A_196 : i32
      } {sc.loop_unroll_factor = 4 : i64, sc.parallel_access}
      %swap3A_135 = arith.index_cast %parallel_loop3A_134 : i32 to index
      %swap3A_136 = tpu.vector_load %arg14[%swap3A_135] {strides = array<i32>} : memref<6416xi32, #tpu.memory_space<vmem>>, vector<16xi32>,
      tpu.vector_store %arg14[%swap3A_135], %broadcast_in_dim3A_50 {strides = array<i32>} : memref<6416xi32, #tpu.memory_space<vmem>>, vector<16xi32>,
      %add3A_137 = arith.constant 15 : i32
      %add3A_138 = arith.addi %parallel_loop3A_134, %add3A_137 : i32
      %jit3A_139 = arith.constant 16 : i32
      %div3A = arith.divsi %add3A_138, %jit3A_139 : i32
      %sign3A = arith.constant 0 : i32
      %sign3A_140 = arith.cmpi sgt, %add3A_138, %sign3A : i32
      %sign3A_141 = arith.extui %sign3A_140 : i1 to i32
      %sign3A_142 = arith.constant 0 : i32
      %sign3A_143 = arith.cmpi slt, %add3A_138, %sign3A_142 : i32
      %sign3A_144 = arith.extui %sign3A_143 : i1 to i32
      %sign3A_145 = arith.subi %sign3A_141, %sign3A_144 : i32
      %sign3A_146 = arith.constant 0 : i32
      %sign3A_147 = arith.cmpi sgt, %jit3A_139, %sign3A_146 : i32
      %sign3A_148 = arith.extui %sign3A_147 : i1 to i32
      %sign3A_149 = arith.constant 0 : i32
      %sign3A_150 = arith.cmpi slt, %jit3A_139, %sign3A_149 : i32
      %sign3A_151 = arith.extui %sign3A_150 : i1 to i32
      %sign3A_152 = arith.subi %sign3A_148, %sign3A_151 : i32
      %ne3A_153 = arith.cmpi ne, %sign3A_145, %sign3A_152 : i32
      %rem3A_154 = arith.remsi %add3A_138, %jit3A_139 : i32
      %ne3A_155 = arith.constant 0 : i32
      %ne3A_156 = arith.cmpi ne, %rem3A_154, %ne3A_155 : i32
      %and3A_157 = arith.andi %ne3A_153, %ne3A_156 : i1
      %sub3A = arith.constant 1 : i32
      %sub3A_158 = arith.subi %div3A, %sub3A : i32
      %select_n3A_159 = arith.select %and3A_157, %sub3A_158, %div3A : i32
      %while3A = arith.constant 0 : i32
      %while3A_160 = arith.constant 0 : i32
      %while3A_161 = arith.subi %select_n3A_159, %while3A : i32
      %while3A_162 = arith.addi %while3A, %while3A_161 : i32
      %while3A_163 = arith.constant 1 : i32
      %while3A_164 = arith.divsi %while3A_161, %while3A_163 : i32
      %while3A_165 = arith.muli %while3A_164, %while3A_163 : i32
      %while3A_166 = arith.addi %while3A, %while3A_165 : i32
      %while3A_167 = arith.constant 1 : i32
      %while3A_168 = scf.for %while3A_172 = %while3A to %while3A_166 step %while3A_167 iter_args(%while3A_173 = %while3A_160) -> (i32)  : i32 {
        %mul3A_174 = arith.constant 16 : i32
        %mul3A_175 = arith.muli %while3A_172, %mul3A_174 : i32
        %get3A_176 = arith.index_cast %mul3A_175 : i32 to index
        %get3A_177 = tpu.vector_load %arg14[%get3A_176] {strides = array<i32>} : memref<6416xi32, #tpu.memory_space<vmem>>, vector<16xi32>,
        %gather3A = tpu.vector_load_idx %arg8[%get3A_177] : memref<12816xi32, #tpu.memory_space<vmem>>[vector<16xi32>], vector<16xi32>,
        %gather3A_178 = tpu.vector_load_idx %arg9[%get3A_177] : memref<12816xi32, #tpu.memory_space<vmem>>[vector<16xi32>], vector<16xi32>,
        %gather3A_179 = tpu.vector_load_idx %arg10[%get3A_177] : memref<12816xf32, #tpu.memory_space<vmem>>[vector<16xi32>], vector<16xf32>,
        %gather3A_180 = tpu.vector_load_idx %arg11[%gather3A_178] : memref<10016xf32, #tpu.memory_space<vmem>>[vector<16xi32>], vector<16xf32>,
        %sub3A_181 = vector.broadcast %mul3A_2 : i32 to vector<16xi32>
        %sub3A_182 = arith.subi %gather3A, %sub3A_181 : vector<16xi32>
        %mul3A_183 = arith.constant 128 : i32
        %mul3A_184 = vector.broadcast %mul3A_183 : i32 to vector<16xi32>
        %mul3A_185 = arith.muli %sub3A_182, %mul3A_184 : vector<16xi32>
        %slice3A = vector.extract_strided_slice %mul3A_185 {offsets = [0], sizes = [1], strides = [1]} : vector<16xi32> to vector<1xi32>
        %squeeze3A = vector.extract %slice3A[0] : i32 from vector<1xi32>
        %slice3A_186 = vector.extract_strided_slice %gather3A_180 {offsets = [0], sizes = [1], strides = [1]} : vector<16xf32> to vector<1xf32>
        %squeeze3A_187 = vector.extract %slice3A_186[0] : f32 from vector<1xf32>
        %slice3A_188 = vector.extract_strided_slice %gather3A_179 {offsets = [0], sizes = [1], strides = [1]} : vector<16xf32> to vector<1xf32>
        %squeeze3A_189 = vector.extract %slice3A_188[0] : f32 from vector<1xf32>
        %add3A_190 = arith.constant 0 : i32
        %add3A_191 = arith.addi %squeeze3A, %add3A_190 : i32
        %get3A_192 = arith.index_cast %add3A_191 : i32 to index
        %get3A_193 = tpu.vector_load %arg13[%get3A_192] {strides = array<i32>} : memref<40192xf32, #tpu.memory_space<vmem>>, vector<16xf32>,
        %mul3A_194 = vector.broadcast %squeeze3A_187 : f32 to vector<16xf32>
        %mul3A_195 = arith.mulf %mul3A_194, %get3A_3 : vector<16xf32>
        %mul3A_196 = vector.broadcast %squeeze3A_189 : f32 to vector<16xf32>
        %mul3A_197 = arith.mulf %mul3A_196, %get3A_19 : vector<16xf32>
        %add3A_198 = arith.addf %mul3A_195, %mul3A_197 : vector<16xf32>
        %max3A = arith.maximumf %get3A_193, %add3A_198 : vector<16xf32>
        %add3A_199 = arith.constant 0 : i32
        %add3A_200 = arith.addi %squeeze3A, %add3A_199 : i32
        %swap3A_201 = arith.index_cast %add3A_200 : i32 to index
        %swap3A_202 = tpu.vector_load %arg13[%swap3A_201] {strides = array<i32>} : memref<40192xf32, #tpu.memory_space<vmem>>, vector<16xf32>,
        tpu.vector_store %arg13[%swap3A_201], %max3A {strides = array<i32>} : memref<40192xf32, #tpu.memory_space<vmem>>, vector<16xf32>,
        %add3A_203 = arith.constant 16 : i32
        %add3A_204 = arith.addi %squeeze3A, %add3A_203 : i32
        %get3A_205 = arith.index_cast %add3A_204 : i32 to index
        %get3A_206 = tpu.vector_load %arg13[%get3A_205] {strides = array<i32>} : memref<40192xf32, #tpu.memory_space<vmem>>, vector<16xf32>,
        %mul3A_207 = vector.broadcast %squeeze3A_187 : f32 to vector<16xf32>
        %mul3A_208 = arith.mulf %mul3A_207, %get3A_5 : vector<16xf32>
        %mul3A_209 = vector.broadcast %squeeze3A_189 : f32 to vector<16xf32>
        %mul3A_210 = arith.mulf %mul3A_209, %get3A_21 : vector<16xf32>
        %add3A_211 = arith.addf %mul3A_208, %mul3A_210 : vector<16xf32>
        %max3A_212 = arith.maximumf %get3A_206, %add3A_211 : vector<16xf32>
        %add3A_213 = arith.constant 16 : i32
        %add3A_214 = arith.addi %squeeze3A, %add3A_213 : i32
        %swap3A_215 = arith.index_cast %add3A_214 : i32 to index
        %swap3A_216 = tpu.vector_load %arg13[%swap3A_215] {strides = array<i32>} : memref<40192xf32, #tpu.memory_space<vmem>>, vector<16xf32>,
        tpu.vector_store %arg13[%swap3A_215], %max3A_212 {strides = array<i32>} : memref<40192xf32, #tpu.memory_space<vmem>>, vector<16xf32>,
        %add3A_217 = arith.constant 32 : i32
        %add3A_218 = arith.addi %squeeze3A, %add3A_217 : i32
        %get3A_219 = arith.index_cast %add3A_218 : i32 to index
        %get3A_220 = tpu.vector_load %arg13[%get3A_219] {strides = array<i32>} : memref<40192xf32, #tpu.memory_space<vmem>>, vector<16xf32>,
        %mul3A_221 = vector.broadcast %squeeze3A_187 : f32 to vector<16xf32>
        %mul3A_222 = arith.mulf %mul3A_221, %get3A_7 : vector<16xf32>
        %mul3A_223 = vector.broadcast %squeeze3A_189 : f32 to vector<16xf32>
        %mul3A_224 = arith.mulf %mul3A_223, %get3A_23 : vector<16xf32>
        %add3A_225 = arith.addf %mul3A_222, %mul3A_224 : vector<16xf32>
        %max3A_226 = arith.maximumf %get3A_220, %add3A_225 : vector<16xf32>
        %add3A_227 = arith.constant 32 : i32
        %add3A_228 = arith.addi %squeeze3A, %add3A_227 : i32
        %swap3A_229 = arith.index_cast %add3A_228 : i32 to index
        %swap3A_230 = tpu.vector_load %arg13[%swap3A_229] {strides = array<i32>} : memref<40192xf32, #tpu.memory_space<vmem>>, vector<16xf32>,
        tpu.vector_store %arg13[%swap3A_229], %max3A_226 {strides = array<i32>} : memref<40192xf32, #tpu.memory_space<vmem>>, vector<16xf32>,
        %add3A_231 = arith.constant 48 : i32
        %add3A_232 = arith.addi %squeeze3A, %add3A_231 : i32
        %get3A_233 = arith.index_cast %add3A_232 : i32 to index
        %get3A_234 = tpu.vector_load %arg13[%get3A_233] {strides = array<i32>} : memref<40192xf32, #tpu.memory_space<vmem>>, vector<16xf32>,
        %mul3A_235 = vector.broadcast %squeeze3A_187 : f32 to vector<16xf32>
        %mul3A_236 = arith.mulf %mul3A_235, %get3A_9 : vector<16xf32>
        %mul3A_237 = vector.broadcast %squeeze3A_189 : f32 to vector<16xf32>
        %mul3A_238 = arith.mulf %mul3A_237, %get3A_25 : vector<16xf32>
        %add3A_239 = arith.addf %mul3A_236, %mul3A_238 : vector<16xf32>
        %max3A_240 = arith.maximumf %get3A_234, %add3A_239 : vector<16xf32>
        %add3A_241 = arith.constant 48 : i32
        %add3A_242 = arith.addi %squeeze3A, %add3A_241 : i32
        %swap3A_243 = arith.index_cast %add3A_242 : i32 to index
        %swap3A_244 = tpu.vector_load %arg13[%swap3A_243] {strides = array<i32>} : memref<40192xf32, #tpu.memory_space<vmem>>, vector<16xf32>,
        tpu.vector_store %arg13[%swap3A_243], %max3A_240 {strides = array<i32>} : memref<40192xf32, #tpu.memory_space<vmem>>, vector<16xf32>,
        %add3A_245 = arith.constant 64 : i32
        %add3A_246 = arith.addi %squeeze3A, %add3A_245 : i32
        %get3A_247 = arith.index_cast %add3A_246 : i32 to index
        %get3A_248 = tpu.vector_load %arg13[%get3A_247] {strides = array<i32>} : memref<40192xf32, #tpu.memory_space<vmem>>, vector<16xf32>,
        %mul3A_249 = vector.broadcast %squeeze3A_187 : f32 to vector<16xf32>
        %mul3A_250 = arith.mulf %mul3A_249, %get3A_11 : vector<16xf32>
        %mul3A_251 = vector.broadcast %squeeze3A_189 : f32 to vector<16xf32>
        %mul3A_252 = arith.mulf %mul3A_251, %get3A_27 : vector<16xf32>
        %add3A_253 = arith.addf %mul3A_250, %mul3A_252 : vector<16xf32>
        %max3A_254 = arith.maximumf %get3A_248, %add3A_253 : vector<16xf32>
        %add3A_255 = arith.constant 64 : i32
        %add3A_256 = arith.addi %squeeze3A, %add3A_255 : i32
        %swap3A_257 = arith.index_cast %add3A_256 : i32 to index
        %swap3A_258 = tpu.vector_load %arg13[%swap3A_257] {strides = array<i32>} : memref<40192xf32, #tpu.memory_space<vmem>>, vector<16xf32>,
        tpu.vector_store %arg13[%swap3A_257], %max3A_254 {strides = array<i32>} : memref<40192xf32, #tpu.memory_space<vmem>>, vector<16xf32>,
        %add3A_259 = arith.constant 80 : i32
        %add3A_260 = arith.addi %squeeze3A, %add3A_259 : i32
        %get3A_261 = arith.index_cast %add3A_260 : i32 to index
        %get3A_262 = tpu.vector_load %arg13[%get3A_261] {strides = array<i32>} : memref<40192xf32, #tpu.memory_space<vmem>>, vector<16xf32>,
        %mul3A_263 = vector.broadcast %squeeze3A_187 : f32 to vector<16xf32>
        %mul3A_264 = arith.mulf %mul3A_263, %get3A_13 : vector<16xf32>
        %mul3A_265 = vector.broadcast %squeeze3A_189 : f32 to vector<16xf32>
        %mul3A_266 = arith.mulf %mul3A_265, %get3A_29 : vector<16xf32>
        %add3A_267 = arith.addf %mul3A_264, %mul3A_266 : vector<16xf32>
        %max3A_268 = arith.maximumf %get3A_262, %add3A_267 : vector<16xf32>
        %add3A_269 = arith.constant 80 : i32
        %add3A_270 = arith.addi %squeeze3A, %add3A_269 : i32
        %swap3A_271 = arith.index_cast %add3A_270 : i32 to index
        %swap3A_272 = tpu.vector_load %arg13[%swap3A_271] {strides = array<i32>} : memref<40192xf32, #tpu.memory_space<vmem>>, vector<16xf32>,
        tpu.vector_store %arg13[%swap3A_271], %max3A_268 {strides = array<i32>} : memref<40192xf32, #tpu.memory_space<vmem>>, vector<16xf32>,
        %add3A_273 = arith.constant 96 : i32
        %add3A_274 = arith.addi %squeeze3A, %add3A_273 : i32
        %get3A_275 = arith.index_cast %add3A_274 : i32 to index
        %get3A_276 = tpu.vector_load %arg13[%get3A_275] {strides = array<i32>} : memref<40192xf32, #tpu.memory_space<vmem>>, vector<16xf32>,
        %mul3A_277 = vector.broadcast %squeeze3A_187 : f32 to vector<16xf32>
        %mul3A_278 = arith.mulf %mul3A_277, %get3A_15 : vector<16xf32>
        %mul3A_279 = vector.broadcast %squeeze3A_189 : f32 to vector<16xf32>
        %mul3A_280 = arith.mulf %mul3A_279, %get3A_31 : vector<16xf32>
        %add3A_281 = arith.addf %mul3A_278, %mul3A_280 : vector<16xf32>
        %max3A_282 = arith.maximumf %get3A_276, %add3A_281 : vector<16xf32>
        %add3A_283 = arith.constant 96 : i32
        %add3A_284 = arith.addi %squeeze3A, %add3A_283 : i32
        %swap3A_285 = arith.index_cast %add3A_284 : i32 to index
        %swap3A_286 = tpu.vector_load %arg13[%swap3A_285] {strides = array<i32>} : memref<40192xf32, #tpu.memory_space<vmem>>, vector<16xf32>,
        tpu.vector_store %arg13[%swap3A_285], %max3A_282 {strides = array<i32>} : memref<40192xf32, #tpu.memory_space<vmem>>, vector<16xf32>,
        %add3A_287 = arith.constant 112 : i32
        %add3A_288 = arith.addi %squeeze3A, %add3A_287 : i32
        %get3A_289 = arith.index_cast %add3A_288 : i32 to index
        %get3A_290 = tpu.vector_load %arg13[%get3A_289] {strides = array<i32>} : memref<40192xf32, #tpu.memory_space<vmem>>, vector<16xf32>,
        %mul3A_291 = vector.broadcast %squeeze3A_187 : f32 to vector<16xf32>
        %mul3A_292 = arith.mulf %mul3A_291, %get3A_17 : vector<16xf32>
        %mul3A_293 = vector.broadcast %squeeze3A_189 : f32 to vector<16xf32>
        %mul3A_294 = arith.mulf %mul3A_293, %get3A_33 : vector<16xf32>
        %add3A_295 = arith.addf %mul3A_292, %mul3A_294 : vector<16xf32>
        %max3A_296 = arith.maximumf %get3A_290, %add3A_295 : vector<16xf32>
        %add3A_297 = arith.constant 112 : i32
        %add3A_298 = arith.addi %squeeze3A, %add3A_297 : i32
        %swap3A_299 = arith.index_cast %add3A_298 : i32 to index
        %swap3A_300 = tpu.vector_load %arg13[%swap3A_299] {strides = array<i32>} : memref<40192xf32, #tpu.memory_space<vmem>>, vector<16xf32>,
        tpu.vector_store %arg13[%swap3A_299], %max3A_296 {strides = array<i32>} : memref<40192xf32, #tpu.memory_space<vmem>>, vector<16xf32>,
        %slice3A_301 = vector.extract_strided_slice %mul3A_185 {offsets = [1], sizes = [1], strides = [1]} : vector<16xi32> to vector<1xi32>
        %squeeze3A_302 = vector.extract %slice3A_301[0] : i32 from vector<1xi32>
        %slice3A_303 = vector.extract_strided_slice %gather3A_180 {offsets = [1], sizes = [1], strides = [1]} : vector<16xf32> to vector<1xf32>
        %squeeze3A_304 = vector.extract %slice3A_303[0] : f32 from vector<1xf32>
        %slice3A_305 = vector.extract_strided_slice %gather3A_179 {offsets = [1], sizes = [1], strides = [1]} : vector<16xf32> to vector<1xf32>
        %squeeze3A_306 = vector.extract %slice3A_305[0] : f32 from vector<1xf32>
        %add3A_307 = arith.constant 0 : i32
        %add3A_308 = arith.addi %squeeze3A_302, %add3A_307 : i32
        %get3A_309 = arith.index_cast %add3A_308 : i32 to index
        %get3A_310 = tpu.vector_load %arg13[%get3A_309] {strides = array<i32>} : memref<40192xf32, #tpu.memory_space<vmem>>, vector<16xf32>,
        %mul3A_311 = vector.broadcast %squeeze3A_304 : f32 to vector<16xf32>
        %mul3A_312 = arith.mulf %mul3A_311, %get3A_3 : vector<16xf32>
        %mul3A_313 = vector.broadcast %squeeze3A_306 : f32 to vector<16xf32>
        %mul3A_314 = arith.mulf %mul3A_313, %get3A_19 : vector<16xf32>
        %add3A_315 = arith.addf %mul3A_312, %mul3A_314 : vector<16xf32>
        %max3A_316 = arith.maximumf %get3A_310, %add3A_315 : vector<16xf32>
        %add3A_317 = arith.constant 0 : i32
        %add3A_318 = arith.addi %squeeze3A_302, %add3A_317 : i32
        %swap3A_319 = arith.index_cast %add3A_318 : i32 to index
        %swap3A_320 = tpu.vector_load %arg13[%swap3A_319] {strides = array<i32>} : memref<40192xf32, #tpu.memory_space<vmem>>, vector<16xf32>,
        tpu.vector_store %arg13[%swap3A_319], %max3A_316 {strides = array<i32>} : memref<40192xf32, #tpu.memory_space<vmem>>, vector<16xf32>,
        %add3A_321 = arith.constant 16 : i32
        %add3A_322 = arith.addi %squeeze3A_302, %add3A_321 : i32
        %get3A_323 = arith.index_cast %add3A_322 : i32 to index
        %get3A_324 = tpu.vector_load %arg13[%get3A_323] {strides = array<i32>} : memref<40192xf32, #tpu.memory_space<vmem>>, vector<16xf32>,
        %mul3A_325 = vector.broadcast %squeeze3A_304 : f32 to vector<16xf32>
        %mul3A_326 = arith.mulf %mul3A_325, %get3A_5 : vector<16xf32>
        %mul3A_327 = vector.broadcast %squeeze3A_306 : f32 to vector<16xf32>
        %mul3A_328 = arith.mulf %mul3A_327, %get3A_21 : vector<16xf32>
        %add3A_329 = arith.addf %mul3A_326, %mul3A_328 : vector<16xf32>
        %max3A_330 = arith.maximumf %get3A_324, %add3A_329 : vector<16xf32>
        %add3A_331 = arith.constant 16 : i32
        %add3A_332 = arith.addi %squeeze3A_302, %add3A_331 : i32
        %swap3A_333 = arith.index_cast %add3A_332 : i32 to index
        %swap3A_334 = tpu.vector_load %arg13[%swap3A_333] {strides = array<i32>} : memref<40192xf32, #tpu.memory_space<vmem>>, vector<16xf32>,
        tpu.vector_store %arg13[%swap3A_333], %max3A_330 {strides = array<i32>} : memref<40192xf32, #tpu.memory_space<vmem>>, vector<16xf32>,
        %add3A_335 = arith.constant 32 : i32
        %add3A_336 = arith.addi %squeeze3A_302, %add3A_335 : i32
        %get3A_337 = arith.index_cast %add3A_336 : i32 to index
        %get3A_338 = tpu.vector_load %arg13[%get3A_337] {strides = array<i32>} : memref<40192xf32, #tpu.memory_space<vmem>>, vector<16xf32>,
        %mul3A_339 = vector.broadcast %squeeze3A_304 : f32 to vector<16xf32>
        %mul3A_340 = arith.mulf %mul3A_339, %get3A_7 : vector<16xf32>
        %mul3A_341 = vector.broadcast %squeeze3A_306 : f32 to vector<16xf32>
        %mul3A_342 = arith.mulf %mul3A_341, %get3A_23 : vector<16xf32>
        %add3A_343 = arith.addf %mul3A_340, %mul3A_342 : vector<16xf32>
        %max3A_344 = arith.maximumf %get3A_338, %add3A_343 : vector<16xf32>
        %add3A_345 = arith.constant 32 : i32
        %add3A_346 = arith.addi %squeeze3A_302, %add3A_345 : i32
        %swap3A_347 = arith.index_cast %add3A_346 : i32 to index
        %swap3A_348 = tpu.vector_load %arg13[%swap3A_347] {strides = array<i32>} : memref<40192xf32, #tpu.memory_space<vmem>>, vector<16xf32>,
        tpu.vector_store %arg13[%swap3A_347], %max3A_344 {strides = array<i32>} : memref<40192xf32, #tpu.memory_space<vmem>>, vector<16xf32>,
        %add3A_349 = arith.constant 48 : i32
        %add3A_350 = arith.addi %squeeze3A_302, %add3A_349 : i32
        %get3A_351 = arith.index_cast %add3A_350 : i32 to index
        %get3A_352 = tpu.vector_load %arg13[%get3A_351] {strides = array<i32>} : memref<40192xf32, #tpu.memory_space<vmem>>, vector<16xf32>,
        %mul3A_353 = vector.broadcast %squeeze3A_304 : f32 to vector<16xf32>
        %mul3A_354 = arith.mulf %mul3A_353, %get3A_9 : vector<16xf32>
        %mul3A_355 = vector.broadcast %squeeze3A_306 : f32 to vector<16xf32>
        %mul3A_356 = arith.mulf %mul3A_355, %get3A_25 : vector<16xf32>
        %add3A_357 = arith.addf %mul3A_354, %mul3A_356 : vector<16xf32>
        %max3A_358 = arith.maximumf %get3A_352, %add3A_357 : vector<16xf32>
        %add3A_359 = arith.constant 48 : i32
        %add3A_360 = arith.addi %squeeze3A_302, %add3A_359 : i32
        %swap3A_361 = arith.index_cast %add3A_360 : i32 to index
        %swap3A_362 = tpu.vector_load %arg13[%swap3A_361] {strides = array<i32>} : memref<40192xf32, #tpu.memory_space<vmem>>, vector<16xf32>,
        tpu.vector_store %arg13[%swap3A_361], %max3A_358 {strides = array<i32>} : memref<40192xf32, #tpu.memory_space<vmem>>, vector<16xf32>,
        %add3A_363 = arith.constant 64 : i32
        %add3A_364 = arith.addi %squeeze3A_302, %add3A_363 : i32
        %get3A_365 = arith.index_cast %add3A_364 : i32 to index
        %get3A_366 = tpu.vector_load %arg13[%get3A_365] {strides = array<i32>} : memref<40192xf32, #tpu.memory_space<vmem>>, vector<16xf32>,
        %mul3A_367 = vector.broadcast %squeeze3A_304 : f32 to vector<16xf32>
        %mul3A_368 = arith.mulf %mul3A_367, %get3A_11 : vector<16xf32>
        %mul3A_369 = vector.broadcast %squeeze3A_306 : f32 to vector<16xf32>
        %mul3A_370 = arith.mulf %mul3A_369, %get3A_27 : vector<16xf32>
        %add3A_371 = arith.addf %mul3A_368, %mul3A_370 : vector<16xf32>
        %max3A_372 = arith.maximumf %get3A_366, %add3A_371 : vector<16xf32>
        %add3A_373 = arith.constant 64 : i32
        %add3A_374 = arith.addi %squeeze3A_302, %add3A_373 : i32
        %swap3A_375 = arith.index_cast %add3A_374 : i32 to index
        %swap3A_376 = tpu.vector_load %arg13[%swap3A_375] {strides = array<i32>} : memref<40192xf32, #tpu.memory_space<vmem>>, vector<16xf32>,
        tpu.vector_store %arg13[%swap3A_375], %max3A_372 {strides = array<i32>} : memref<40192xf32, #tpu.memory_space<vmem>>, vector<16xf32>,
        %add3A_377 = arith.constant 80 : i32
        %add3A_378 = arith.addi %squeeze3A_302, %add3A_377 : i32
        %get3A_379 = arith.index_cast %add3A_378 : i32 to index
        %get3A_380 = tpu.vector_load %arg13[%get3A_379] {strides = array<i32>} : memref<40192xf32, #tpu.memory_space<vmem>>, vector<16xf32>,
        %mul3A_381 = vector.broadcast %squeeze3A_304 : f32 to vector<16xf32>
        %mul3A_382 = arith.mulf %mul3A_381, %get3A_13 : vector<16xf32>
        %mul3A_383 = vector.broadcast %squeeze3A_306 : f32 to vector<16xf32>
        %mul3A_384 = arith.mulf %mul3A_383, %get3A_29 : vector<16xf32>
        %add3A_385 = arith.addf %mul3A_382, %mul3A_384 : vector<16xf32>
        %max3A_386 = arith.maximumf %get3A_380, %add3A_385 : vector<16xf32>
        %add3A_387 = arith.constant 80 : i32
        %add3A_388 = arith.addi %squeeze3A_302, %add3A_387 : i32
        %swap3A_389 = arith.index_cast %add3A_388 : i32 to index
        %swap3A_390 = tpu.vector_load %arg13[%swap3A_389] {strides = array<i32>} : memref<40192xf32, #tpu.memory_space<vmem>>, vector<16xf32>,
        tpu.vector_store %arg13[%swap3A_389], %max3A_386 {strides = array<i32>} : memref<40192xf32, #tpu.memory_space<vmem>>, vector<16xf32>,
        %add3A_391 = arith.constant 96 : i32
        %add3A_392 = arith.addi %squeeze3A_302, %add3A_391 : i32
        %get3A_393 = arith.index_cast %add3A_392 : i32 to index
        %get3A_394 = tpu.vector_load %arg13[%get3A_393] {strides = array<i32>} : memref<40192xf32, #tpu.memory_space<vmem>>, vector<16xf32>,
        %mul3A_395 = vector.broadcast %squeeze3A_304 : f32 to vector<16xf32>
        %mul3A_396 = arith.mulf %mul3A_395, %get3A_15 : vector<16xf32>
        %mul3A_397 = vector.broadcast %squeeze3A_306 : f32 to vector<16xf32>
        %mul3A_398 = arith.mulf %mul3A_397, %get3A_31 : vector<16xf32>
        %add3A_399 = arith.addf %mul3A_396, %mul3A_398 : vector<16xf32>
        %max3A_400 = arith.maximumf %get3A_394, %add3A_399 : vector<16xf32>
        %add3A_401 = arith.constant 96 : i32
        %add3A_402 = arith.addi %squeeze3A_302, %add3A_401 : i32
        %swap3A_403 = arith.index_cast %add3A_402 : i32 to index
        %swap3A_404 = tpu.vector_load %arg13[%swap3A_403] {strides = array<i32>} : memref<40192xf32, #tpu.memory_space<vmem>>, vector<16xf32>,
        tpu.vector_store %arg13[%swap3A_403], %max3A_400 {strides = array<i32>} : memref<40192xf32, #tpu.memory_space<vmem>>, vector<16xf32>,
        %add3A_405 = arith.constant 112 : i32
        %add3A_406 = arith.addi %squeeze3A_302, %add3A_405 : i32
        %get3A_407 = arith.index_cast %add3A_406 : i32 to index
        %get3A_408 = tpu.vector_load %arg13[%get3A_407] {strides = array<i32>} : memref<40192xf32, #tpu.memory_space<vmem>>, vector<16xf32>,
        %mul3A_409 = vector.broadcast %squeeze3A_304 : f32 to vector<16xf32>
        %mul3A_410 = arith.mulf %mul3A_409, %get3A_17 : vector<16xf32>
        %mul3A_411 = vector.broadcast %squeeze3A_306 : f32 to vector<16xf32>
        %mul3A_412 = arith.mulf %mul3A_411, %get3A_33 : vector<16xf32>
        %add3A_413 = arith.addf %mul3A_410, %mul3A_412 : vector<16xf32>
        %max3A_414 = arith.maximumf %get3A_408, %add3A_413 : vector<16xf32>
        %add3A_415 = arith.constant 112 : i32
        %add3A_416 = arith.addi %squeeze3A_302, %add3A_415 : i32
        %swap3A_417 = arith.index_cast %add3A_416 : i32 to index
        %swap3A_418 = tpu.vector_load %arg13[%swap3A_417] {strides = array<i32>} : memref<40192xf32, #tpu.memory_space<vmem>>, vector<16xf32>,
        tpu.vector_store %arg13[%swap3A_417], %max3A_414 {strides = array<i32>} : memref<40192xf32, #tpu.memory_space<vmem>>, vector<16xf32>,
        %slice3A_419 = vector.extract_strided_slice %mul3A_185 {offsets = [2], sizes = [1], strides = [1]} : vector<16xi32> to vector<1xi32>
        %squeeze3A_420 = vector.extract %slice3A_419[0] : i32 from vector<1xi32>
        %slice3A_421 = vector.extract_strided_slice %gather3A_180 {offsets = [2], sizes = [1], strides = [1]} : vector<16xf32> to vector<1xf32>
        %squeeze3A_422 = vector.extract %slice3A_421[0] : f32 from vector<1xf32>
        %slice3A_423 = vector.extract_strided_slice %gather3A_179 {offsets = [2], sizes = [1], strides = [1]} : vector<16xf32> to vector<1xf32>
        %squeeze3A_424 = vector.extract %slice3A_423[0] : f32 from vector<1xf32>
        %add3A_425 = arith.constant 0 : i32
        %add3A_426 = arith.addi %squeeze3A_420, %add3A_425 : i32
        %get3A_427 = arith.index_cast %add3A_426 : i32 to index
        %get3A_428 = tpu.vector_load %arg13[%get3A_427] {strides = array<i32>} : memref<40192xf32, #tpu.memory_space<vmem>>, vector<16xf32>,
        %mul3A_429 = vector.broadcast %squeeze3A_422 : f32 to vector<16xf32>
        %mul3A_430 = arith.mulf %mul3A_429, %get3A_3 : vector<16xf32>
        %mul3A_431 = vector.broadcast %squeeze3A_424 : f32 to vector<16xf32>
        %mul3A_432 = arith.mulf %mul3A_431, %get3A_19 : vector<16xf32>
        %add3A_433 = arith.addf %mul3A_430, %mul3A_432 : vector<16xf32>
        %max3A_434 = arith.maximumf %get3A_428, %add3A_433 : vector<16xf32>
        %add3A_435 = arith.constant 0 : i32
        %add3A_436 = arith.addi %squeeze3A_420, %add3A_435 : i32
        %swap3A_437 = arith.index_cast %add3A_436 : i32 to index
        %swap3A_438 = tpu.vector_load %arg13[%swap3A_437] {strides = array<i32>} : memref<40192xf32, #tpu.memory_space<vmem>>, vector<16xf32>,
        tpu.vector_store %arg13[%swap3A_437], %max3A_434 {strides = array<i32>} : memref<40192xf32, #tpu.memory_space<vmem>>, vector<16xf32>,
        %add3A_439 = arith.constant 16 : i32
        %add3A_440 = arith.addi %squeeze3A_420, %add3A_439 : i32
        %get3A_441 = arith.index_cast %add3A_440 : i32 to index
        %get3A_442 = tpu.vector_load %arg13[%get3A_441] {strides = array<i32>} : memref<40192xf32, #tpu.memory_space<vmem>>, vector<16xf32>,
        %mul3A_443 = vector.broadcast %squeeze3A_422 : f32 to vector<16xf32>
        %mul3A_444 = arith.mulf %mul3A_443, %get3A_5 : vector<16xf32>
        %mul3A_445 = vector.broadcast %squeeze3A_424 : f32 to vector<16xf32>
        %mul3A_446 = arith.mulf %mul3A_445, %get3A_21 : vector<16xf32>
        %add3A_447 = arith.addf %mul3A_444, %mul3A_446 : vector<16xf32>
        %max3A_448 = arith.maximumf %get3A_442, %add3A_447 : vector<16xf32>
        %add3A_449 = arith.constant 16 : i32
        %add3A_450 = arith.addi %squeeze3A_420, %add3A_449 : i32
        %swap3A_451 = arith.index_cast %add3A_450 : i32 to index
        %swap3A_452 = tpu.vector_load %arg13[%swap3A_451] {strides = array<i32>} : memref<40192xf32, #tpu.memory_space<vmem>>, vector<16xf32>,
        tpu.vector_store %arg13[%swap3A_451], %max3A_448 {strides = array<i32>} : memref<40192xf32, #tpu.memory_space<vmem>>, vector<16xf32>,
        %add3A_453 = arith.constant 32 : i32
        %add3A_454 = arith.addi %squeeze3A_420, %add3A_453 : i32
        %get3A_455 = arith.index_cast %add3A_454 : i32 to index
        %get3A_456 = tpu.vector_load %arg13[%get3A_455] {strides = array<i32>} : memref<40192xf32, #tpu.memory_space<vmem>>, vector<16xf32>,
        %mul3A_457 = vector.broadcast %squeeze3A_422 : f32 to vector<16xf32>
        %mul3A_458 = arith.mulf %mul3A_457, %get3A_7 : vector<16xf32>
        %mul3A_459 = vector.broadcast %squeeze3A_424 : f32 to vector<16xf32>
        %mul3A_460 = arith.mulf %mul3A_459, %get3A_23 : vector<16xf32>
        %add3A_461 = arith.addf %mul3A_458, %mul3A_460 : vector<16xf32>
        %max3A_462 = arith.maximumf %get3A_456, %add3A_461 : vector<16xf32>
        %add3A_463 = arith.constant 32 : i32
        %add3A_464 = arith.addi %squeeze3A_420, %add3A_463 : i32
        %swap3A_465 = arith.index_cast %add3A_464 : i32 to index
        %swap3A_466 = tpu.vector_load %arg13[%swap3A_465] {strides = array<i32>} : memref<40192xf32, #tpu.memory_space<vmem>>, vector<16xf32>,
        tpu.vector_store %arg13[%swap3A_465], %max3A_462 {strides = array<i32>} : memref<40192xf32, #tpu.memory_space<vmem>>, vector<16xf32>,
        %add3A_467 = arith.constant 48 : i32
        %add3A_468 = arith.addi %squeeze3A_420, %add3A_467 : i32
        %get3A_469 = arith.index_cast %add3A_468 : i32 to index
        %get3A_470 = tpu.vector_load %arg13[%get3A_469] {strides = array<i32>} : memref<40192xf32, #tpu.memory_space<vmem>>, vector<16xf32>,
        %mul3A_471 = vector.broadcast %squeeze3A_422 : f32 to vector<16xf32>
        %mul3A_472 = arith.mulf %mul3A_471, %get3A_9 : vector<16xf32>
        %mul3A_473 = vector.broadcast %squeeze3A_424 : f32 to vector<16xf32>
        %mul3A_474 = arith.mulf %mul3A_473, %get3A_25 : vector<16xf32>
        %add3A_475 = arith.addf %mul3A_472, %mul3A_474 : vector<16xf32>
        %max3A_476 = arith.maximumf %get3A_470, %add3A_475 : vector<16xf32>
        %add3A_477 = arith.constant 48 : i32
        %add3A_478 = arith.addi %squeeze3A_420, %add3A_477 : i32
        %swap3A_479 = arith.index_cast %add3A_478 : i32 to index
        %swap3A_480 = tpu.vector_load %arg13[%swap3A_479] {strides = array<i32>} : memref<40192xf32, #tpu.memory_space<vmem>>, vector<16xf32>,
        tpu.vector_store %arg13[%swap3A_479], %max3A_476 {strides = array<i32>} : memref<40192xf32, #tpu.memory_space<vmem>>, vector<16xf32>,
        %add3A_481 = arith.constant 64 : i32
        %add3A_482 = arith.addi %squeeze3A_420, %add3A_481 : i32
        %get3A_483 = arith.index_cast %add3A_482 : i32 to index
        %get3A_484 = tpu.vector_load %arg13[%get3A_483] {strides = array<i32>} : memref<40192xf32, #tpu.memory_space<vmem>>, vector<16xf32>,
        %mul3A_485 = vector.broadcast %squeeze3A_422 : f32 to vector<16xf32>
        %mul3A_486 = arith.mulf %mul3A_485, %get3A_11 : vector<16xf32>
        %mul3A_487 = vector.broadcast %squeeze3A_424 : f32 to vector<16xf32>
        %mul3A_488 = arith.mulf %mul3A_487, %get3A_27 : vector<16xf32>
        %add3A_489 = arith.addf %mul3A_486, %mul3A_488 : vector<16xf32>
        %max3A_490 = arith.maximumf %get3A_484, %add3A_489 : vector<16xf32>
        %add3A_491 = arith.constant 64 : i32
        %add3A_492 = arith.addi %squeeze3A_420, %add3A_491 : i32
        %swap3A_493 = arith.index_cast %add3A_492 : i32 to index
        %swap3A_494 = tpu.vector_load %arg13[%swap3A_493] {strides = array<i32>} : memref<40192xf32, #tpu.memory_space<vmem>>, vector<16xf32>,
        tpu.vector_store %arg13[%swap3A_493], %max3A_490 {strides = array<i32>} : memref<40192xf32, #tpu.memory_space<vmem>>, vector<16xf32>,
        %add3A_495 = arith.constant 80 : i32
        %add3A_496 = arith.addi %squeeze3A_420, %add3A_495 : i32
        %get3A_497 = arith.index_cast %add3A_496 : i32 to index
        %get3A_498 = tpu.vector_load %arg13[%get3A_497] {strides = array<i32>} : memref<40192xf32, #tpu.memory_space<vmem>>, vector<16xf32>,
        %mul3A_499 = vector.broadcast %squeeze3A_422 : f32 to vector<16xf32>
        %mul3A_500 = arith.mulf %mul3A_499, %get3A_13 : vector<16xf32>
        %mul3A_501 = vector.broadcast %squeeze3A_424 : f32 to vector<16xf32>
        %mul3A_502 = arith.mulf %mul3A_501, %get3A_29 : vector<16xf32>
        %add3A_503 = arith.addf %mul3A_500, %mul3A_502 : vector<16xf32>
        %max3A_504 = arith.maximumf %get3A_498, %add3A_503 : vector<16xf32>
        %add3A_505 = arith.constant 80 : i32
        %add3A_506 = arith.addi %squeeze3A_420, %add3A_505 : i32
        %swap3A_507 = arith.index_cast %add3A_506 : i32 to index
        %swap3A_508 = tpu.vector_load %arg13[%swap3A_507] {strides = array<i32>} : memref<40192xf32, #tpu.memory_space<vmem>>, vector<16xf32>,
        tpu.vector_store %arg13[%swap3A_507], %max3A_504 {strides = array<i32>} : memref<40192xf32, #tpu.memory_space<vmem>>, vector<16xf32>,
        %add3A_509 = arith.constant 96 : i32
        %add3A_510 = arith.addi %squeeze3A_420, %add3A_509 : i32
        %get3A_511 = arith.index_cast %add3A_510 : i32 to index
        %get3A_512 = tpu.vector_load %arg13[%get3A_511] {strides = array<i32>} : memref<40192xf32, #tpu.memory_space<vmem>>, vector<16xf32>,
        %mul3A_513 = vector.broadcast %squeeze3A_422 : f32 to vector<16xf32>
        %mul3A_514 = arith.mulf %mul3A_513, %get3A_15 : vector<16xf32>
        %mul3A_515 = vector.broadcast %squeeze3A_424 : f32 to vector<16xf32>
        %mul3A_516 = arith.mulf %mul3A_515, %get3A_31 : vector<16xf32>
        %add3A_517 = arith.addf %mul3A_514, %mul3A_516 : vector<16xf32>
        %max3A_518 = arith.maximumf %get3A_512, %add3A_517 : vector<16xf32>
        %add3A_519 = arith.constant 96 : i32
        %add3A_520 = arith.addi %squeeze3A_420, %add3A_519 : i32
        %swap3A_521 = arith.index_cast %add3A_520 : i32 to index
        %swap3A_522 = tpu.vector_load %arg13[%swap3A_521] {strides = array<i32>} : memref<40192xf32, #tpu.memory_space<vmem>>, vector<16xf32>,
        tpu.vector_store %arg13[%swap3A_521], %max3A_518 {strides = array<i32>} : memref<40192xf32, #tpu.memory_space<vmem>>, vector<16xf32>,
        %add3A_523 = arith.constant 112 : i32
        %add3A_524 = arith.addi %squeeze3A_420, %add3A_523 : i32
        %get3A_525 = arith.index_cast %add3A_524 : i32 to index
        %get3A_526 = tpu.vector_load %arg13[%get3A_525] {strides = array<i32>} : memref<40192xf32, #tpu.memory_space<vmem>>, vector<16xf32>,
        %mul3A_527 = vector.broadcast %squeeze3A_422 : f32 to vector<16xf32>
        %mul3A_528 = arith.mulf %mul3A_527, %get3A_17 : vector<16xf32>
        %mul3A_529 = vector.broadcast %squeeze3A_424 : f32 to vector<16xf32>
        %mul3A_530 = arith.mulf %mul3A_529, %get3A_33 : vector<16xf32>
        %add3A_531 = arith.addf %mul3A_528, %mul3A_530 : vector<16xf32>
        %max3A_532 = arith.maximumf %get3A_526, %add3A_531 : vector<16xf32>
        %add3A_533 = arith.constant 112 : i32
        %add3A_534 = arith.addi %squeeze3A_420, %add3A_533 : i32
        %swap3A_535 = arith.index_cast %add3A_534 : i32 to index
        %swap3A_536 = tpu.vector_load %arg13[%swap3A_535] {strides = array<i32>} : memref<40192xf32, #tpu.memory_space<vmem>>, vector<16xf32>,
        tpu.vector_store %arg13[%swap3A_535], %max3A_532 {strides = array<i32>} : memref<40192xf32, #tpu.memory_space<vmem>>, vector<16xf32>,
        %slice3A_537 = vector.extract_strided_slice %mul3A_185 {offsets = [3], sizes = [1], strides = [1]} : vector<16xi32> to vector<1xi32>
        %squeeze3A_538 = vector.extract %slice3A_537[0] : i32 from vector<1xi32>
        %slice3A_539 = vector.extract_strided_slice %gather3A_180 {offsets = [3], sizes = [1], strides = [1]} : vector<16xf32> to vector<1xf32>
        %squeeze3A_540 = vector.extract %slice3A_539[0] : f32 from vector<1xf32>
        %slice3A_541 = vector.extract_strided_slice %gather3A_179 {offsets = [3], sizes = [1], strides = [1]} : vector<16xf32> to vector<1xf32>
        %squeeze3A_542 = vector.extract %slice3A_541[0] : f32 from vector<1xf32>
        %add3A_543 = arith.constant 0 : i32
        %add3A_544 = arith.addi %squeeze3A_538, %add3A_543 : i32
        %get3A_545 = arith.index_cast %add3A_544 : i32 to index
        %get3A_546 = tpu.vector_load %arg13[%get3A_545] {strides = array<i32>} : memref<40192xf32, #tpu.memory_space<vmem>>, vector<16xf32>,
        %mul3A_547 = vector.broadcast %squeeze3A_540 : f32 to vector<16xf32>
        %mul3A_548 = arith.mulf %mul3A_547, %get3A_3 : vector<16xf32>
        %mul3A_549 = vector.broadcast %squeeze3A_542 : f32 to vector<16xf32>
        %mul3A_550 = arith.mulf %mul3A_549, %get3A_19 : vector<16xf32>
        %add3A_551 = arith.addf %mul3A_548, %mul3A_550 : vector<16xf32>
        %max3A_552 = arith.maximumf %get3A_546, %add3A_551 : vector<16xf32>
        %add3A_553 = arith.constant 0 : i32
        %add3A_554 = arith.addi %squeeze3A_538, %add3A_553 : i32
        %swap3A_555 = arith.index_cast %add3A_554 : i32 to index
        %swap3A_556 = tpu.vector_load %arg13[%swap3A_555] {strides = array<i32>} : memref<40192xf32, #tpu.memory_space<vmem>>, vector<16xf32>,
        tpu.vector_store %arg13[%swap3A_555], %max3A_552 {strides = array<i32>} : memref<40192xf32, #tpu.memory_space<vmem>>, vector<16xf32>,
        %add3A_557 = arith.constant 16 : i32
        %add3A_558 = arith.addi %squeeze3A_538, %add3A_557 : i32
        %get3A_559 = arith.index_cast %add3A_558 : i32 to index
        %get3A_560 = tpu.vector_load %arg13[%get3A_559] {strides = array<i32>} : memref<40192xf32, #tpu.memory_space<vmem>>, vector<16xf32>,
        %mul3A_561 = vector.broadcast %squeeze3A_540 : f32 to vector<16xf32>
        %mul3A_562 = arith.mulf %mul3A_561, %get3A_5 : vector<16xf32>
        %mul3A_563 = vector.broadcast %squeeze3A_542 : f32 to vector<16xf32>
        %mul3A_564 = arith.mulf %mul3A_563, %get3A_21 : vector<16xf32>
        %add3A_565 = arith.addf %mul3A_562, %mul3A_564 : vector<16xf32>
        %max3A_566 = arith.maximumf %get3A_560, %add3A_565 : vector<16xf32>
        %add3A_567 = arith.constant 16 : i32
        %add3A_568 = arith.addi %squeeze3A_538, %add3A_567 : i32
        %swap3A_569 = arith.index_cast %add3A_568 : i32 to index
        %swap3A_570 = tpu.vector_load %arg13[%swap3A_569] {strides = array<i32>} : memref<40192xf32, #tpu.memory_space<vmem>>, vector<16xf32>,
        tpu.vector_store %arg13[%swap3A_569], %max3A_566 {strides = array<i32>} : memref<40192xf32, #tpu.memory_space<vmem>>, vector<16xf32>,
        %add3A_571 = arith.constant 32 : i32
        %add3A_572 = arith.addi %squeeze3A_538, %add3A_571 : i32
        %get3A_573 = arith.index_cast %add3A_572 : i32 to index
        %get3A_574 = tpu.vector_load %arg13[%get3A_573] {strides = array<i32>} : memref<40192xf32, #tpu.memory_space<vmem>>, vector<16xf32>,
        %mul3A_575 = vector.broadcast %squeeze3A_540 : f32 to vector<16xf32>
        %mul3A_576 = arith.mulf %mul3A_575, %get3A_7 : vector<16xf32>
        %mul3A_577 = vector.broadcast %squeeze3A_542 : f32 to vector<16xf32>
        %mul3A_578 = arith.mulf %mul3A_577, %get3A_23 : vector<16xf32>
        %add3A_579 = arith.addf %mul3A_576, %mul3A_578 : vector<16xf32>
        %max3A_580 = arith.maximumf %get3A_574, %add3A_579 : vector<16xf32>
        %add3A_581 = arith.constant 32 : i32
        %add3A_582 = arith.addi %squeeze3A_538, %add3A_581 : i32
        %swap3A_583 = arith.index_cast %add3A_582 : i32 to index
        %swap3A_584 = tpu.vector_load %arg13[%swap3A_583] {strides = array<i32>} : memref<40192xf32, #tpu.memory_space<vmem>>, vector<16xf32>,
        tpu.vector_store %arg13[%swap3A_583], %max3A_580 {strides = array<i32>} : memref<40192xf32, #tpu.memory_space<vmem>>, vector<16xf32>,
        %add3A_585 = arith.constant 48 : i32
        %add3A_586 = arith.addi %squeeze3A_538, %add3A_585 : i32
        %get3A_587 = arith.index_cast %add3A_586 : i32 to index
        %get3A_588 = tpu.vector_load %arg13[%get3A_587] {strides = array<i32>} : memref<40192xf32, #tpu.memory_space<vmem>>, vector<16xf32>,
        %mul3A_589 = vector.broadcast %squeeze3A_540 : f32 to vector<16xf32>
        %mul3A_590 = arith.mulf %mul3A_589, %get3A_9 : vector<16xf32>
        %mul3A_591 = vector.broadcast %squeeze3A_542 : f32 to vector<16xf32>
        %mul3A_592 = arith.mulf %mul3A_591, %get3A_25 : vector<16xf32>
        %add3A_593 = arith.addf %mul3A_590, %mul3A_592 : vector<16xf32>
        %max3A_594 = arith.maximumf %get3A_588, %add3A_593 : vector<16xf32>
        %add3A_595 = arith.constant 48 : i32
        %add3A_596 = arith.addi %squeeze3A_538, %add3A_595 : i32
        %swap3A_597 = arith.index_cast %add3A_596 : i32 to index
        %swap3A_598 = tpu.vector_load %arg13[%swap3A_597] {strides = array<i32>} : memref<40192xf32, #tpu.memory_space<vmem>>, vector<16xf32>,
        tpu.vector_store %arg13[%swap3A_597], %max3A_594 {strides = array<i32>} : memref<40192xf32, #tpu.memory_space<vmem>>, vector<16xf32>,
        %add3A_599 = arith.constant 64 : i32
        %add3A_600 = arith.addi %squeeze3A_538, %add3A_599 : i32
        %get3A_601 = arith.index_cast %add3A_600 : i32 to index
        %get3A_602 = tpu.vector_load %arg13[%get3A_601] {strides = array<i32>} : memref<40192xf32, #tpu.memory_space<vmem>>, vector<16xf32>,
        %mul3A_603 = vector.broadcast %squeeze3A_540 : f32 to vector<16xf32>
        %mul3A_604 = arith.mulf %mul3A_603, %get3A_11 : vector<16xf32>
        %mul3A_605 = vector.broadcast %squeeze3A_542 : f32 to vector<16xf32>
        %mul3A_606 = arith.mulf %mul3A_605, %get3A_27 : vector<16xf32>
        %add3A_607 = arith.addf %mul3A_604, %mul3A_606 : vector<16xf32>
        %max3A_608 = arith.maximumf %get3A_602, %add3A_607 : vector<16xf32>
        %add3A_609 = arith.constant 64 : i32
        %add3A_610 = arith.addi %squeeze3A_538, %add3A_609 : i32
        %swap3A_611 = arith.index_cast %add3A_610 : i32 to index
        %swap3A_612 = tpu.vector_load %arg13[%swap3A_611] {strides = array<i32>} : memref<40192xf32, #tpu.memory_space<vmem>>, vector<16xf32>,
        tpu.vector_store %arg13[%swap3A_611], %max3A_608 {strides = array<i32>} : memref<40192xf32, #tpu.memory_space<vmem>>, vector<16xf32>,
        %add3A_613 = arith.constant 80 : i32
        %add3A_614 = arith.addi %squeeze3A_538, %add3A_613 : i32
        %get3A_615 = arith.index_cast %add3A_614 : i32 to index
        %get3A_616 = tpu.vector_load %arg13[%get3A_615] {strides = array<i32>} : memref<40192xf32, #tpu.memory_space<vmem>>, vector<16xf32>,
        %mul3A_617 = vector.broadcast %squeeze3A_540 : f32 to vector<16xf32>
        %mul3A_618 = arith.mulf %mul3A_617, %get3A_13 : vector<16xf32>
        %mul3A_619 = vector.broadcast %squeeze3A_542 : f32 to vector<16xf32>
        %mul3A_620 = arith.mulf %mul3A_619, %get3A_29 : vector<16xf32>
        %add3A_621 = arith.addf %mul3A_618, %mul3A_620 : vector<16xf32>
        %max3A_622 = arith.maximumf %get3A_616, %add3A_621 : vector<16xf32>
        %add3A_623 = arith.constant 80 : i32
        %add3A_624 = arith.addi %squeeze3A_538, %add3A_623 : i32
        %swap3A_625 = arith.index_cast %add3A_624 : i32 to index
        %swap3A_626 = tpu.vector_load %arg13[%swap3A_625] {strides = array<i32>} : memref<40192xf32, #tpu.memory_space<vmem>>, vector<16xf32>,
        tpu.vector_store %arg13[%swap3A_625], %max3A_622 {strides = array<i32>} : memref<40192xf32, #tpu.memory_space<vmem>>, vector<16xf32>,
        %add3A_627 = arith.constant 96 : i32
        %add3A_628 = arith.addi %squeeze3A_538, %add3A_627 : i32
        %get3A_629 = arith.index_cast %add3A_628 : i32 to index
        %get3A_630 = tpu.vector_load %arg13[%get3A_629] {strides = array<i32>} : memref<40192xf32, #tpu.memory_space<vmem>>, vector<16xf32>,
        %mul3A_631 = vector.broadcast %squeeze3A_540 : f32 to vector<16xf32>
        %mul3A_632 = arith.mulf %mul3A_631, %get3A_15 : vector<16xf32>
        %mul3A_633 = vector.broadcast %squeeze3A_542 : f32 to vector<16xf32>
        %mul3A_634 = arith.mulf %mul3A_633, %get3A_31 : vector<16xf32>
        %add3A_635 = arith.addf %mul3A_632, %mul3A_634 : vector<16xf32>
        %max3A_636 = arith.maximumf %get3A_630, %add3A_635 : vector<16xf32>
        %add3A_637 = arith.constant 96 : i32
        %add3A_638 = arith.addi %squeeze3A_538, %add3A_637 : i32
        %swap3A_639 = arith.index_cast %add3A_638 : i32 to index
        %swap3A_640 = tpu.vector_load %arg13[%swap3A_639] {strides = array<i32>} : memref<40192xf32, #tpu.memory_space<vmem>>, vector<16xf32>,
        tpu.vector_store %arg13[%swap3A_639], %max3A_636 {strides = array<i32>} : memref<40192xf32, #tpu.memory_space<vmem>>, vector<16xf32>,
        %add3A_641 = arith.constant 112 : i32
        %add3A_642 = arith.addi %squeeze3A_538, %add3A_641 : i32
        %get3A_643 = arith.index_cast %add3A_642 : i32 to index
        %get3A_644 = tpu.vector_load %arg13[%get3A_643] {strides = array<i32>} : memref<40192xf32, #tpu.memory_space<vmem>>, vector<16xf32>,
        %mul3A_645 = vector.broadcast %squeeze3A_540 : f32 to vector<16xf32>
        %mul3A_646 = arith.mulf %mul3A_645, %get3A_17 : vector<16xf32>
        %mul3A_647 = vector.broadcast %squeeze3A_542 : f32 to vector<16xf32>
        %mul3A_648 = arith.mulf %mul3A_647, %get3A_33 : vector<16xf32>
        %add3A_649 = arith.addf %mul3A_646, %mul3A_648 : vector<16xf32>
        %max3A_650 = arith.maximumf %get3A_644, %add3A_649 : vector<16xf32>
        %add3A_651 = arith.constant 112 : i32
        %add3A_652 = arith.addi %squeeze3A_538, %add3A_651 : i32
        %swap3A_653 = arith.index_cast %add3A_652 : i32 to index
        %swap3A_654 = tpu.vector_load %arg13[%swap3A_653] {strides = array<i32>} : memref<40192xf32, #tpu.memory_space<vmem>>, vector<16xf32>,
        tpu.vector_store %arg13[%swap3A_653], %max3A_650 {strides = array<i32>} : memref<40192xf32, #tpu.memory_space<vmem>>, vector<16xf32>,
        %slice3A_655 = vector.extract_strided_slice %mul3A_185 {offsets = [4], sizes = [1], strides = [1]} : vector<16xi32> to vector<1xi32>
        %squeeze3A_656 = vector.extract %slice3A_655[0] : i32 from vector<1xi32>
        %slice3A_657 = vector.extract_strided_slice %gather3A_180 {offsets = [4], sizes = [1], strides = [1]} : vector<16xf32> to vector<1xf32>
        %squeeze3A_658 = vector.extract %slice3A_657[0] : f32 from vector<1xf32>
        %slice3A_659 = vector.extract_strided_slice %gather3A_179 {offsets = [4], sizes = [1], strides = [1]} : vector<16xf32> to vector<1xf32>
        %squeeze3A_660 = vector.extract %slice3A_659[0] : f32 from vector<1xf32>
        %add3A_661 = arith.constant 0 : i32
        %add3A_662 = arith.addi %squeeze3A_656, %add3A_661 : i32
        %get3A_663 = arith.index_cast %add3A_662 : i32 to index
        %get3A_664 = tpu.vector_load %arg13[%get3A_663] {strides = array<i32>} : memref<40192xf32, #tpu.memory_space<vmem>>, vector<16xf32>,
        %mul3A_665 = vector.broadcast %squeeze3A_658 : f32 to vector<16xf32>
        %mul3A_666 = arith.mulf %mul3A_665, %get3A_3 : vector<16xf32>
        %mul3A_667 = vector.broadcast %squeeze3A_660 : f32 to vector<16xf32>
        %mul3A_668 = arith.mulf %mul3A_667, %get3A_19 : vector<16xf32>
        %add3A_669 = arith.addf %mul3A_666, %mul3A_668 : vector<16xf32>
        %max3A_670 = arith.maximumf %get3A_664, %add3A_669 : vector<16xf32>
        %add3A_671 = arith.constant 0 : i32
        %add3A_672 = arith.addi %squeeze3A_656, %add3A_671 : i32
        %swap3A_673 = arith.index_cast %add3A_672 : i32 to index
        %swap3A_674 = tpu.vector_load %arg13[%swap3A_673] {strides = array<i32>} : memref<40192xf32, #tpu.memory_space<vmem>>, vector<16xf32>,
        tpu.vector_store %arg13[%swap3A_673], %max3A_670 {strides = array<i32>} : memref<40192xf32, #tpu.memory_space<vmem>>, vector<16xf32>,
        %add3A_675 = arith.constant 16 : i32
        %add3A_676 = arith.addi %squeeze3A_656, %add3A_675 : i32
        %get3A_677 = arith.index_cast %add3A_676 : i32 to index
        %get3A_678 = tpu.vector_load %arg13[%get3A_677] {strides = array<i32>} : memref<40192xf32, #tpu.memory_space<vmem>>, vector<16xf32>,
        %mul3A_679 = vector.broadcast %squeeze3A_658 : f32 to vector<16xf32>
        %mul3A_680 = arith.mulf %mul3A_679, %get3A_5 : vector<16xf32>
        %mul3A_681 = vector.broadcast %squeeze3A_660 : f32 to vector<16xf32>
        %mul3A_682 = arith.mulf %mul3A_681, %get3A_21 : vector<16xf32>
        %add3A_683 = arith.addf %mul3A_680, %mul3A_682 : vector<16xf32>
        %max3A_684 = arith.maximumf %get3A_678, %add3A_683 : vector<16xf32>
        %add3A_685 = arith.constant 16 : i32
        %add3A_686 = arith.addi %squeeze3A_656, %add3A_685 : i32
        %swap3A_687 = arith.index_cast %add3A_686 : i32 to index
        %swap3A_688 = tpu.vector_load %arg13[%swap3A_687] {strides = array<i32>} : memref<40192xf32, #tpu.memory_space<vmem>>, vector<16xf32>,
        tpu.vector_store %arg13[%swap3A_687], %max3A_684 {strides = array<i32>} : memref<40192xf32, #tpu.memory_space<vmem>>, vector<16xf32>,
        %add3A_689 = arith.constant 32 : i32
        %add3A_690 = arith.addi %squeeze3A_656, %add3A_689 : i32
        %get3A_691 = arith.index_cast %add3A_690 : i32 to index
        %get3A_692 = tpu.vector_load %arg13[%get3A_691] {strides = array<i32>} : memref<40192xf32, #tpu.memory_space<vmem>>, vector<16xf32>,
        %mul3A_693 = vector.broadcast %squeeze3A_658 : f32 to vector<16xf32>
        %mul3A_694 = arith.mulf %mul3A_693, %get3A_7 : vector<16xf32>
        %mul3A_695 = vector.broadcast %squeeze3A_660 : f32 to vector<16xf32>
        %mul3A_696 = arith.mulf %mul3A_695, %get3A_23 : vector<16xf32>
        %add3A_697 = arith.addf %mul3A_694, %mul3A_696 : vector<16xf32>
        %max3A_698 = arith.maximumf %get3A_692, %add3A_697 : vector<16xf32>
        %add3A_699 = arith.constant 32 : i32
        %add3A_700 = arith.addi %squeeze3A_656, %add3A_699 : i32
        %swap3A_701 = arith.index_cast %add3A_700 : i32 to index
        %swap3A_702 = tpu.vector_load %arg13[%swap3A_701] {strides = array<i32>} : memref<40192xf32, #tpu.memory_space<vmem>>, vector<16xf32>,
        tpu.vector_store %arg13[%swap3A_701], %max3A_698 {strides = array<i32>} : memref<40192xf32, #tpu.memory_space<vmem>>, vector<16xf32>,
        %add3A_703 = arith.constant 48 : i32
        %add3A_704 = arith.addi %squeeze3A_656, %add3A_703 : i32
        %get3A_705 = arith.index_cast %add3A_704 : i32 to index
        %get3A_706 = tpu.vector_load %arg13[%get3A_705] {strides = array<i32>} : memref<40192xf32, #tpu.memory_space<vmem>>, vector<16xf32>,
        %mul3A_707 = vector.broadcast %squeeze3A_658 : f32 to vector<16xf32>
        %mul3A_708 = arith.mulf %mul3A_707, %get3A_9 : vector<16xf32>
        %mul3A_709 = vector.broadcast %squeeze3A_660 : f32 to vector<16xf32>
        %mul3A_710 = arith.mulf %mul3A_709, %get3A_25 : vector<16xf32>
        %add3A_711 = arith.addf %mul3A_708, %mul3A_710 : vector<16xf32>
        %max3A_712 = arith.maximumf %get3A_706, %add3A_711 : vector<16xf32>
        %add3A_713 = arith.constant 48 : i32
        %add3A_714 = arith.addi %squeeze3A_656, %add3A_713 : i32
        %swap3A_715 = arith.index_cast %add3A_714 : i32 to index
        %swap3A_716 = tpu.vector_load %arg13[%swap3A_715] {strides = array<i32>} : memref<40192xf32, #tpu.memory_space<vmem>>, vector<16xf32>,
        tpu.vector_store %arg13[%swap3A_715], %max3A_712 {strides = array<i32>} : memref<40192xf32, #tpu.memory_space<vmem>>, vector<16xf32>,
        %add3A_717 = arith.constant 64 : i32
        %add3A_718 = arith.addi %squeeze3A_656, %add3A_717 : i32
        %get3A_719 = arith.index_cast %add3A_718 : i32 to index
        %get3A_720 = tpu.vector_load %arg13[%get3A_719] {strides = array<i32>} : memref<40192xf32, #tpu.memory_space<vmem>>, vector<16xf32>,
        %mul3A_721 = vector.broadcast %squeeze3A_658 : f32 to vector<16xf32>
        %mul3A_722 = arith.mulf %mul3A_721, %get3A_11 : vector<16xf32>
        %mul3A_723 = vector.broadcast %squeeze3A_660 : f32 to vector<16xf32>
        %mul3A_724 = arith.mulf %mul3A_723, %get3A_27 : vector<16xf32>
        %add3A_725 = arith.addf %mul3A_722, %mul3A_724 : vector<16xf32>
        %max3A_726 = arith.maximumf %get3A_720, %add3A_725 : vector<16xf32>
        %add3A_727 = arith.constant 64 : i32
        %add3A_728 = arith.addi %squeeze3A_656, %add3A_727 : i32
        %swap3A_729 = arith.index_cast %add3A_728 : i32 to index
        %swap3A_730 = tpu.vector_load %arg13[%swap3A_729] {strides = array<i32>} : memref<40192xf32, #tpu.memory_space<vmem>>, vector<16xf32>,
        tpu.vector_store %arg13[%swap3A_729], %max3A_726 {strides = array<i32>} : memref<40192xf32, #tpu.memory_space<vmem>>, vector<16xf32>,
        %add3A_731 = arith.constant 80 : i32
        %add3A_732 = arith.addi %squeeze3A_656, %add3A_731 : i32
        %get3A_733 = arith.index_cast %add3A_732 : i32 to index
        %get3A_734 = tpu.vector_load %arg13[%get3A_733] {strides = array<i32>} : memref<40192xf32, #tpu.memory_space<vmem>>, vector<16xf32>,
        %mul3A_735 = vector.broadcast %squeeze3A_658 : f32 to vector<16xf32>
        %mul3A_736 = arith.mulf %mul3A_735, %get3A_13 : vector<16xf32>
        %mul3A_737 = vector.broadcast %squeeze3A_660 : f32 to vector<16xf32>
        %mul3A_738 = arith.mulf %mul3A_737, %get3A_29 : vector<16xf32>
        %add3A_739 = arith.addf %mul3A_736, %mul3A_738 : vector<16xf32>
        %max3A_740 = arith.maximumf %get3A_734, %add3A_739 : vector<16xf32>
        %add3A_741 = arith.constant 80 : i32
        %add3A_742 = arith.addi %squeeze3A_656, %add3A_741 : i32
        %swap3A_743 = arith.index_cast %add3A_742 : i32 to index
        %swap3A_744 = tpu.vector_load %arg13[%swap3A_743] {strides = array<i32>} : memref<40192xf32, #tpu.memory_space<vmem>>, vector<16xf32>,
        tpu.vector_store %arg13[%swap3A_743], %max3A_740 {strides = array<i32>} : memref<40192xf32, #tpu.memory_space<vmem>>, vector<16xf32>,
        %add3A_745 = arith.constant 96 : i32
        %add3A_746 = arith.addi %squeeze3A_656, %add3A_745 : i32
        %get3A_747 = arith.index_cast %add3A_746 : i32 to index
        %get3A_748 = tpu.vector_load %arg13[%get3A_747] {strides = array<i32>} : memref<40192xf32, #tpu.memory_space<vmem>>, vector<16xf32>,
        %mul3A_749 = vector.broadcast %squeeze3A_658 : f32 to vector<16xf32>
        %mul3A_750 = arith.mulf %mul3A_749, %get3A_15 : vector<16xf32>
        %mul3A_751 = vector.broadcast %squeeze3A_660 : f32 to vector<16xf32>
        %mul3A_752 = arith.mulf %mul3A_751, %get3A_31 : vector<16xf32>
        %add3A_753 = arith.addf %mul3A_750, %mul3A_752 : vector<16xf32>
        %max3A_754 = arith.maximumf %get3A_748, %add3A_753 : vector<16xf32>
        %add3A_755 = arith.constant 96 : i32
        %add3A_756 = arith.addi %squeeze3A_656, %add3A_755 : i32
        %swap3A_757 = arith.index_cast %add3A_756 : i32 to index
        %swap3A_758 = tpu.vector_load %arg13[%swap3A_757] {strides = array<i32>} : memref<40192xf32, #tpu.memory_space<vmem>>, vector<16xf32>,
        tpu.vector_store %arg13[%swap3A_757], %max3A_754 {strides = array<i32>} : memref<40192xf32, #tpu.memory_space<vmem>>, vector<16xf32>,
        %add3A_759 = arith.constant 112 : i32
        %add3A_760 = arith.addi %squeeze3A_656, %add3A_759 : i32
        %get3A_761 = arith.index_cast %add3A_760 : i32 to index
        %get3A_762 = tpu.vector_load %arg13[%get3A_761] {strides = array<i32>} : memref<40192xf32, #tpu.memory_space<vmem>>, vector<16xf32>,
        %mul3A_763 = vector.broadcast %squeeze3A_658 : f32 to vector<16xf32>
        %mul3A_764 = arith.mulf %mul3A_763, %get3A_17 : vector<16xf32>
        %mul3A_765 = vector.broadcast %squeeze3A_660 : f32 to vector<16xf32>
        %mul3A_766 = arith.mulf %mul3A_765, %get3A_33 : vector<16xf32>
        %add3A_767 = arith.addf %mul3A_764, %mul3A_766 : vector<16xf32>
        %max3A_768 = arith.maximumf %get3A_762, %add3A_767 : vector<16xf32>
        %add3A_769 = arith.constant 112 : i32
        %add3A_770 = arith.addi %squeeze3A_656, %add3A_769 : i32
        %swap3A_771 = arith.index_cast %add3A_770 : i32 to index
        %swap3A_772 = tpu.vector_load %arg13[%swap3A_771] {strides = array<i32>} : memref<40192xf32, #tpu.memory_space<vmem>>, vector<16xf32>,
        tpu.vector_store %arg13[%swap3A_771], %max3A_768 {strides = array<i32>} : memref<40192xf32, #tpu.memory_space<vmem>>, vector<16xf32>,
        %slice3A_773 = vector.extract_strided_slice %mul3A_185 {offsets = [5], sizes = [1], strides = [1]} : vector<16xi32> to vector<1xi32>
        %squeeze3A_774 = vector.extract %slice3A_773[0] : i32 from vector<1xi32>
        %slice3A_775 = vector.extract_strided_slice %gather3A_180 {offsets = [5], sizes = [1], strides = [1]} : vector<16xf32> to vector<1xf32>
        %squeeze3A_776 = vector.extract %slice3A_775[0] : f32 from vector<1xf32>
        %slice3A_777 = vector.extract_strided_slice %gather3A_179 {offsets = [5], sizes = [1], strides = [1]} : vector<16xf32> to vector<1xf32>
        %squeeze3A_778 = vector.extract %slice3A_777[0] : f32 from vector<1xf32>
        %add3A_779 = arith.constant 0 : i32
        %add3A_780 = arith.addi %squeeze3A_774, %add3A_779 : i32
        %get3A_781 = arith.index_cast %add3A_780 : i32 to index
        %get3A_782 = tpu.vector_load %arg13[%get3A_781] {strides = array<i32>} : memref<40192xf32, #tpu.memory_space<vmem>>, vector<16xf32>,
        %mul3A_783 = vector.broadcast %squeeze3A_776 : f32 to vector<16xf32>
        %mul3A_784 = arith.mulf %mul3A_783, %get3A_3 : vector<16xf32>
        %mul3A_785 = vector.broadcast %squeeze3A_778 : f32 to vector<16xf32>
        %mul3A_786 = arith.mulf %mul3A_785, %get3A_19 : vector<16xf32>
        %add3A_787 = arith.addf %mul3A_784, %mul3A_786 : vector<16xf32>
        %max3A_788 = arith.maximumf %get3A_782, %add3A_787 : vector<16xf32>
        %add3A_789 = arith.constant 0 : i32
        %add3A_790 = arith.addi %squeeze3A_774, %add3A_789 : i32
        %swap3A_791 = arith.index_cast %add3A_790 : i32 to index
        %swap3A_792 = tpu.vector_load %arg13[%swap3A_791] {strides = array<i32>} : memref<40192xf32, #tpu.memory_space<vmem>>, vector<16xf32>,
        tpu.vector_store %arg13[%swap3A_791], %max3A_788 {strides = array<i32>} : memref<40192xf32, #tpu.memory_space<vmem>>, vector<16xf32>,
        %add3A_793 = arith.constant 16 : i32
        %add3A_794 = arith.addi %squeeze3A_774, %add3A_793 : i32
        %get3A_795 = arith.index_cast %add3A_794 : i32 to index
        %get3A_796 = tpu.vector_load %arg13[%get3A_795] {strides = array<i32>} : memref<40192xf32, #tpu.memory_space<vmem>>, vector<16xf32>,
        %mul3A_797 = vector.broadcast %squeeze3A_776 : f32 to vector<16xf32>
        %mul3A_798 = arith.mulf %mul3A_797, %get3A_5 : vector<16xf32>
        %mul3A_799 = vector.broadcast %squeeze3A_778 : f32 to vector<16xf32>
        %mul3A_800 = arith.mulf %mul3A_799, %get3A_21 : vector<16xf32>
        %add3A_801 = arith.addf %mul3A_798, %mul3A_800 : vector<16xf32>
        %max3A_802 = arith.maximumf %get3A_796, %add3A_801 : vector<16xf32>
        %add3A_803 = arith.constant 16 : i32
        %add3A_804 = arith.addi %squeeze3A_774, %add3A_803 : i32
        %swap3A_805 = arith.index_cast %add3A_804 : i32 to index
        %swap3A_806 = tpu.vector_load %arg13[%swap3A_805] {strides = array<i32>} : memref<40192xf32, #tpu.memory_space<vmem>>, vector<16xf32>,
        tpu.vector_store %arg13[%swap3A_805], %max3A_802 {strides = array<i32>} : memref<40192xf32, #tpu.memory_space<vmem>>, vector<16xf32>,
        %add3A_807 = arith.constant 32 : i32
        %add3A_808 = arith.addi %squeeze3A_774, %add3A_807 : i32
        %get3A_809 = arith.index_cast %add3A_808 : i32 to index
        %get3A_810 = tpu.vector_load %arg13[%get3A_809] {strides = array<i32>} : memref<40192xf32, #tpu.memory_space<vmem>>, vector<16xf32>,
        %mul3A_811 = vector.broadcast %squeeze3A_776 : f32 to vector<16xf32>
        %mul3A_812 = arith.mulf %mul3A_811, %get3A_7 : vector<16xf32>
        %mul3A_813 = vector.broadcast %squeeze3A_778 : f32 to vector<16xf32>
        %mul3A_814 = arith.mulf %mul3A_813, %get3A_23 : vector<16xf32>
        %add3A_815 = arith.addf %mul3A_812, %mul3A_814 : vector<16xf32>
        %max3A_816 = arith.maximumf %get3A_810, %add3A_815 : vector<16xf32>
        %add3A_817 = arith.constant 32 : i32
        %add3A_818 = arith.addi %squeeze3A_774, %add3A_817 : i32
        %swap3A_819 = arith.index_cast %add3A_818 : i32 to index
        %swap3A_820 = tpu.vector_load %arg13[%swap3A_819] {strides = array<i32>} : memref<40192xf32, #tpu.memory_space<vmem>>, vector<16xf32>,
        tpu.vector_store %arg13[%swap3A_819], %max3A_816 {strides = array<i32>} : memref<40192xf32, #tpu.memory_space<vmem>>, vector<16xf32>,
        %add3A_821 = arith.constant 48 : i32
        %add3A_822 = arith.addi %squeeze3A_774, %add3A_821 : i32
        %get3A_823 = arith.index_cast %add3A_822 : i32 to index
        %get3A_824 = tpu.vector_load %arg13[%get3A_823] {strides = array<i32>} : memref<40192xf32, #tpu.memory_space<vmem>>, vector<16xf32>,
        %mul3A_825 = vector.broadcast %squeeze3A_776 : f32 to vector<16xf32>
        %mul3A_826 = arith.mulf %mul3A_825, %get3A_9 : vector<16xf32>
        %mul3A_827 = vector.broadcast %squeeze3A_778 : f32 to vector<16xf32>
        %mul3A_828 = arith.mulf %mul3A_827, %get3A_25 : vector<16xf32>
        %add3A_829 = arith.addf %mul3A_826, %mul3A_828 : vector<16xf32>
        %max3A_830 = arith.maximumf %get3A_824, %add3A_829 : vector<16xf32>
        %add3A_831 = arith.constant 48 : i32
        %add3A_832 = arith.addi %squeeze3A_774, %add3A_831 : i32
        %swap3A_833 = arith.index_cast %add3A_832 : i32 to index
        %swap3A_834 = tpu.vector_load %arg13[%swap3A_833] {strides = array<i32>} : memref<40192xf32, #tpu.memory_space<vmem>>, vector<16xf32>,
        tpu.vector_store %arg13[%swap3A_833], %max3A_830 {strides = array<i32>} : memref<40192xf32, #tpu.memory_space<vmem>>, vector<16xf32>,
        %add3A_835 = arith.constant 64 : i32
        %add3A_836 = arith.addi %squeeze3A_774, %add3A_835 : i32
        %get3A_837 = arith.index_cast %add3A_836 : i32 to index
        %get3A_838 = tpu.vector_load %arg13[%get3A_837] {strides = array<i32>} : memref<40192xf32, #tpu.memory_space<vmem>>, vector<16xf32>,
        %mul3A_839 = vector.broadcast %squeeze3A_776 : f32 to vector<16xf32>
        %mul3A_840 = arith.mulf %mul3A_839, %get3A_11 : vector<16xf32>
        %mul3A_841 = vector.broadcast %squeeze3A_778 : f32 to vector<16xf32>
        %mul3A_842 = arith.mulf %mul3A_841, %get3A_27 : vector<16xf32>
        %add3A_843 = arith.addf %mul3A_840, %mul3A_842 : vector<16xf32>
        %max3A_844 = arith.maximumf %get3A_838, %add3A_843 : vector<16xf32>
        %add3A_845 = arith.constant 64 : i32
        %add3A_846 = arith.addi %squeeze3A_774, %add3A_845 : i32
        %swap3A_847 = arith.index_cast %add3A_846 : i32 to index
        %swap3A_848 = tpu.vector_load %arg13[%swap3A_847] {strides = array<i32>} : memref<40192xf32, #tpu.memory_space<vmem>>, vector<16xf32>,
        tpu.vector_store %arg13[%swap3A_847], %max3A_844 {strides = array<i32>} : memref<40192xf32, #tpu.memory_space<vmem>>, vector<16xf32>,
        %add3A_849 = arith.constant 80 : i32
        %add3A_850 = arith.addi %squeeze3A_774, %add3A_849 : i32
        %get3A_851 = arith.index_cast %add3A_850 : i32 to index
        %get3A_852 = tpu.vector_load %arg13[%get3A_851] {strides = array<i32>} : memref<40192xf32, #tpu.memory_space<vmem>>, vector<16xf32>,
        %mul3A_853 = vector.broadcast %squeeze3A_776 : f32 to vector<16xf32>
        %mul3A_854 = arith.mulf %mul3A_853, %get3A_13 : vector<16xf32>
        %mul3A_855 = vector.broadcast %squeeze3A_778 : f32 to vector<16xf32>
        %mul3A_856 = arith.mulf %mul3A_855, %get3A_29 : vector<16xf32>
        %add3A_857 = arith.addf %mul3A_854, %mul3A_856 : vector<16xf32>
        %max3A_858 = arith.maximumf %get3A_852, %add3A_857 : vector<16xf32>
        %add3A_859 = arith.constant 80 : i32
        %add3A_860 = arith.addi %squeeze3A_774, %add3A_859 : i32
        %swap3A_861 = arith.index_cast %add3A_860 : i32 to index
        %swap3A_862 = tpu.vector_load %arg13[%swap3A_861] {strides = array<i32>} : memref<40192xf32, #tpu.memory_space<vmem>>, vector<16xf32>,
        tpu.vector_store %arg13[%swap3A_861], %max3A_858 {strides = array<i32>} : memref<40192xf32, #tpu.memory_space<vmem>>, vector<16xf32>,
        %add3A_863 = arith.constant 96 : i32
        %add3A_864 = arith.addi %squeeze3A_774, %add3A_863 : i32
        %get3A_865 = arith.index_cast %add3A_864 : i32 to index
        %get3A_866 = tpu.vector_load %arg13[%get3A_865] {strides = array<i32>} : memref<40192xf32, #tpu.memory_space<vmem>>, vector<16xf32>,
        %mul3A_867 = vector.broadcast %squeeze3A_776 : f32 to vector<16xf32>
        %mul3A_868 = arith.mulf %mul3A_867, %get3A_15 : vector<16xf32>
        %mul3A_869 = vector.broadcast %squeeze3A_778 : f32 to vector<16xf32>
        %mul3A_870 = arith.mulf %mul3A_869, %get3A_31 : vector<16xf32>
        %add3A_871 = arith.addf %mul3A_868, %mul3A_870 : vector<16xf32>
        %max3A_872 = arith.maximumf %get3A_866, %add3A_871 : vector<16xf32>
        %add3A_873 = arith.constant 96 : i32
        %add3A_874 = arith.addi %squeeze3A_774, %add3A_873 : i32
        %swap3A_875 = arith.index_cast %add3A_874 : i32 to index
        %swap3A_876 = tpu.vector_load %arg13[%swap3A_875] {strides = array<i32>} : memref<40192xf32, #tpu.memory_space<vmem>>, vector<16xf32>,
        tpu.vector_store %arg13[%swap3A_875], %max3A_872 {strides = array<i32>} : memref<40192xf32, #tpu.memory_space<vmem>>, vector<16xf32>,
        %add3A_877 = arith.constant 112 : i32
        %add3A_878 = arith.addi %squeeze3A_774, %add3A_877 : i32
        %get3A_879 = arith.index_cast %add3A_878 : i32 to index
        %get3A_880 = tpu.vector_load %arg13[%get3A_879] {strides = array<i32>} : memref<40192xf32, #tpu.memory_space<vmem>>, vector<16xf32>,
        %mul3A_881 = vector.broadcast %squeeze3A_776 : f32 to vector<16xf32>
        %mul3A_882 = arith.mulf %mul3A_881, %get3A_17 : vector<16xf32>
        %mul3A_883 = vector.broadcast %squeeze3A_778 : f32 to vector<16xf32>
        %mul3A_884 = arith.mulf %mul3A_883, %get3A_33 : vector<16xf32>
        %add3A_885 = arith.addf %mul3A_882, %mul3A_884 : vector<16xf32>
        %max3A_886 = arith.maximumf %get3A_880, %add3A_885 : vector<16xf32>
        %add3A_887 = arith.constant 112 : i32
        %add3A_888 = arith.addi %squeeze3A_774, %add3A_887 : i32
        %swap3A_889 = arith.index_cast %add3A_888 : i32 to index
        %swap3A_890 = tpu.vector_load %arg13[%swap3A_889] {strides = array<i32>} : memref<40192xf32, #tpu.memory_space<vmem>>, vector<16xf32>,
        tpu.vector_store %arg13[%swap3A_889], %max3A_886 {strides = array<i32>} : memref<40192xf32, #tpu.memory_space<vmem>>, vector<16xf32>,
        %slice3A_891 = vector.extract_strided_slice %mul3A_185 {offsets = [6], sizes = [1], strides = [1]} : vector<16xi32> to vector<1xi32>
        %squeeze3A_892 = vector.extract %slice3A_891[0] : i32 from vector<1xi32>
        %slice3A_893 = vector.extract_strided_slice %gather3A_180 {offsets = [6], sizes = [1], strides = [1]} : vector<16xf32> to vector<1xf32>
        %squeeze3A_894 = vector.extract %slice3A_893[0] : f32 from vector<1xf32>
        %slice3A_895 = vector.extract_strided_slice %gather3A_179 {offsets = [6], sizes = [1], strides = [1]} : vector<16xf32> to vector<1xf32>
        %squeeze3A_896 = vector.extract %slice3A_895[0] : f32 from vector<1xf32>
        %add3A_897 = arith.constant 0 : i32
        %add3A_898 = arith.addi %squeeze3A_892, %add3A_897 : i32
        %get3A_899 = arith.index_cast %add3A_898 : i32 to index
        %get3A_900 = tpu.vector_load %arg13[%get3A_899] {strides = array<i32>} : memref<40192xf32, #tpu.memory_space<vmem>>, vector<16xf32>,
        %mul3A_901 = vector.broadcast %squeeze3A_894 : f32 to vector<16xf32>
        %mul3A_902 = arith.mulf %mul3A_901, %get3A_3 : vector<16xf32>
        %mul3A_903 = vector.broadcast %squeeze3A_896 : f32 to vector<16xf32>
        %mul3A_904 = arith.mulf %mul3A_903, %get3A_19 : vector<16xf32>
        %add3A_905 = arith.addf %mul3A_902, %mul3A_904 : vector<16xf32>
        %max3A_906 = arith.maximumf %get3A_900, %add3A_905 : vector<16xf32>
        %add3A_907 = arith.constant 0 : i32
        %add3A_908 = arith.addi %squeeze3A_892, %add3A_907 : i32
        %swap3A_909 = arith.index_cast %add3A_908 : i32 to index
        %swap3A_910 = tpu.vector_load %arg13[%swap3A_909] {strides = array<i32>} : memref<40192xf32, #tpu.memory_space<vmem>>, vector<16xf32>,
        tpu.vector_store %arg13[%swap3A_909], %max3A_906 {strides = array<i32>} : memref<40192xf32, #tpu.memory_space<vmem>>, vector<16xf32>,
        %add3A_911 = arith.constant 16 : i32
        %add3A_912 = arith.addi %squeeze3A_892, %add3A_911 : i32
        %get3A_913 = arith.index_cast %add3A_912 : i32 to index
        %get3A_914 = tpu.vector_load %arg13[%get3A_913] {strides = array<i32>} : memref<40192xf32, #tpu.memory_space<vmem>>, vector<16xf32>,
        %mul3A_915 = vector.broadcast %squeeze3A_894 : f32 to vector<16xf32>
        %mul3A_916 = arith.mulf %mul3A_915, %get3A_5 : vector<16xf32>
        %mul3A_917 = vector.broadcast %squeeze3A_896 : f32 to vector<16xf32>
        %mul3A_918 = arith.mulf %mul3A_917, %get3A_21 : vector<16xf32>
        %add3A_919 = arith.addf %mul3A_916, %mul3A_918 : vector<16xf32>
        %max3A_920 = arith.maximumf %get3A_914, %add3A_919 : vector<16xf32>
        %add3A_921 = arith.constant 16 : i32
        %add3A_922 = arith.addi %squeeze3A_892, %add3A_921 : i32
        %swap3A_923 = arith.index_cast %add3A_922 : i32 to index
        %swap3A_924 = tpu.vector_load %arg13[%swap3A_923] {strides = array<i32>} : memref<40192xf32, #tpu.memory_space<vmem>>, vector<16xf32>,
        tpu.vector_store %arg13[%swap3A_923], %max3A_920 {strides = array<i32>} : memref<40192xf32, #tpu.memory_space<vmem>>, vector<16xf32>,
        %add3A_925 = arith.constant 32 : i32
        %add3A_926 = arith.addi %squeeze3A_892, %add3A_925 : i32
        %get3A_927 = arith.index_cast %add3A_926 : i32 to index
        %get3A_928 = tpu.vector_load %arg13[%get3A_927] {strides = array<i32>} : memref<40192xf32, #tpu.memory_space<vmem>>, vector<16xf32>,
        %mul3A_929 = vector.broadcast %squeeze3A_894 : f32 to vector<16xf32>
        %mul3A_930 = arith.mulf %mul3A_929, %get3A_7 : vector<16xf32>
        %mul3A_931 = vector.broadcast %squeeze3A_896 : f32 to vector<16xf32>
        %mul3A_932 = arith.mulf %mul3A_931, %get3A_23 : vector<16xf32>
        %add3A_933 = arith.addf %mul3A_930, %mul3A_932 : vector<16xf32>
        %max3A_934 = arith.maximumf %get3A_928, %add3A_933 : vector<16xf32>
        %add3A_935 = arith.constant 32 : i32
        %add3A_936 = arith.addi %squeeze3A_892, %add3A_935 : i32
        %swap3A_937 = arith.index_cast %add3A_936 : i32 to index
        %swap3A_938 = tpu.vector_load %arg13[%swap3A_937] {strides = array<i32>} : memref<40192xf32, #tpu.memory_space<vmem>>, vector<16xf32>,
        tpu.vector_store %arg13[%swap3A_937], %max3A_934 {strides = array<i32>} : memref<40192xf32, #tpu.memory_space<vmem>>, vector<16xf32>,
        %add3A_939 = arith.constant 48 : i32
        %add3A_940 = arith.addi %squeeze3A_892, %add3A_939 : i32
        %get3A_941 = arith.index_cast %add3A_940 : i32 to index
        %get3A_942 = tpu.vector_load %arg13[%get3A_941] {strides = array<i32>} : memref<40192xf32, #tpu.memory_space<vmem>>, vector<16xf32>,
        %mul3A_943 = vector.broadcast %squeeze3A_894 : f32 to vector<16xf32>
        %mul3A_944 = arith.mulf %mul3A_943, %get3A_9 : vector<16xf32>
        %mul3A_945 = vector.broadcast %squeeze3A_896 : f32 to vector<16xf32>
        %mul3A_946 = arith.mulf %mul3A_945, %get3A_25 : vector<16xf32>
        %add3A_947 = arith.addf %mul3A_944, %mul3A_946 : vector<16xf32>
        %max3A_948 = arith.maximumf %get3A_942, %add3A_947 : vector<16xf32>
        %add3A_949 = arith.constant 48 : i32
        %add3A_950 = arith.addi %squeeze3A_892, %add3A_949 : i32
        %swap3A_951 = arith.index_cast %add3A_950 : i32 to index
        %swap3A_952 = tpu.vector_load %arg13[%swap3A_951] {strides = array<i32>} : memref<40192xf32, #tpu.memory_space<vmem>>, vector<16xf32>,
        tpu.vector_store %arg13[%swap3A_951], %max3A_948 {strides = array<i32>} : memref<40192xf32, #tpu.memory_space<vmem>>, vector<16xf32>,
        %add3A_953 = arith.constant 64 : i32
        %add3A_954 = arith.addi %squeeze3A_892, %add3A_953 : i32
        %get3A_955 = arith.index_cast %add3A_954 : i32 to index
        %get3A_956 = tpu.vector_load %arg13[%get3A_955] {strides = array<i32>} : memref<40192xf32, #tpu.memory_space<vmem>>, vector<16xf32>,
        %mul3A_957 = vector.broadcast %squeeze3A_894 : f32 to vector<16xf32>
        %mul3A_958 = arith.mulf %mul3A_957, %get3A_11 : vector<16xf32>
        %mul3A_959 = vector.broadcast %squeeze3A_896 : f32 to vector<16xf32>
        %mul3A_960 = arith.mulf %mul3A_959, %get3A_27 : vector<16xf32>
        %add3A_961 = arith.addf %mul3A_958, %mul3A_960 : vector<16xf32>
        %max3A_962 = arith.maximumf %get3A_956, %add3A_961 : vector<16xf32>
        %add3A_963 = arith.constant 64 : i32
        %add3A_964 = arith.addi %squeeze3A_892, %add3A_963 : i32
        %swap3A_965 = arith.index_cast %add3A_964 : i32 to index
        %swap3A_966 = tpu.vector_load %arg13[%swap3A_965] {strides = array<i32>} : memref<40192xf32, #tpu.memory_space<vmem>>, vector<16xf32>,
        tpu.vector_store %arg13[%swap3A_965], %max3A_962 {strides = array<i32>} : memref<40192xf32, #tpu.memory_space<vmem>>, vector<16xf32>,
        %add3A_967 = arith.constant 80 : i32
        %add3A_968 = arith.addi %squeeze3A_892, %add3A_967 : i32
        %get3A_969 = arith.index_cast %add3A_968 : i32 to index
        %get3A_970 = tpu.vector_load %arg13[%get3A_969] {strides = array<i32>} : memref<40192xf32, #tpu.memory_space<vmem>>, vector<16xf32>,
        %mul3A_971 = vector.broadcast %squeeze3A_894 : f32 to vector<16xf32>
        %mul3A_972 = arith.mulf %mul3A_971, %get3A_13 : vector<16xf32>
        %mul3A_973 = vector.broadcast %squeeze3A_896 : f32 to vector<16xf32>
        %mul3A_974 = arith.mulf %mul3A_973, %get3A_29 : vector<16xf32>
        %add3A_975 = arith.addf %mul3A_972, %mul3A_974 : vector<16xf32>
        %max3A_976 = arith.maximumf %get3A_970, %add3A_975 : vector<16xf32>
        %add3A_977 = arith.constant 80 : i32
        %add3A_978 = arith.addi %squeeze3A_892, %add3A_977 : i32
        %swap3A_979 = arith.index_cast %add3A_978 : i32 to index
        %swap3A_980 = tpu.vector_load %arg13[%swap3A_979] {strides = array<i32>} : memref<40192xf32, #tpu.memory_space<vmem>>, vector<16xf32>,
        tpu.vector_store %arg13[%swap3A_979], %max3A_976 {strides = array<i32>} : memref<40192xf32, #tpu.memory_space<vmem>>, vector<16xf32>,
        %add3A_981 = arith.constant 96 : i32
        %add3A_982 = arith.addi %squeeze3A_892, %add3A_981 : i32
        %get3A_983 = arith.index_cast %add3A_982 : i32 to index
        %get3A_984 = tpu.vector_load %arg13[%get3A_983] {strides = array<i32>} : memref<40192xf32, #tpu.memory_space<vmem>>, vector<16xf32>,
        %mul3A_985 = vector.broadcast %squeeze3A_894 : f32 to vector<16xf32>
        %mul3A_986 = arith.mulf %mul3A_985, %get3A_15 : vector<16xf32>
        %mul3A_987 = vector.broadcast %squeeze3A_896 : f32 to vector<16xf32>
        %mul3A_988 = arith.mulf %mul3A_987, %get3A_31 : vector<16xf32>
        %add3A_989 = arith.addf %mul3A_986, %mul3A_988 : vector<16xf32>
        %max3A_990 = arith.maximumf %get3A_984, %add3A_989 : vector<16xf32>
        %add3A_991 = arith.constant 96 : i32
        %add3A_992 = arith.addi %squeeze3A_892, %add3A_991 : i32
        %swap3A_993 = arith.index_cast %add3A_992 : i32 to index
        %swap3A_994 = tpu.vector_load %arg13[%swap3A_993] {strides = array<i32>} : memref<40192xf32, #tpu.memory_space<vmem>>, vector<16xf32>,
        tpu.vector_store %arg13[%swap3A_993], %max3A_990 {strides = array<i32>} : memref<40192xf32, #tpu.memory_space<vmem>>, vector<16xf32>,
        %add3A_995 = arith.constant 112 : i32
        %add3A_996 = arith.addi %squeeze3A_892, %add3A_995 : i32
        %get3A_997 = arith.index_cast %add3A_996 : i32 to index
        %get3A_998 = tpu.vector_load %arg13[%get3A_997] {strides = array<i32>} : memref<40192xf32, #tpu.memory_space<vmem>>, vector<16xf32>,
        %mul3A_999 = vector.broadcast %squeeze3A_894 : f32 to vector<16xf32>
        %mul3A_1000 = arith.mulf %mul3A_999, %get3A_17 : vector<16xf32>
        %mul3A_1001 = vector.broadcast %squeeze3A_896 : f32 to vector<16xf32>
        %mul3A_1002 = arith.mulf %mul3A_1001, %get3A_33 : vector<16xf32>
        %add3A_1003 = arith.addf %mul3A_1000, %mul3A_1002 : vector<16xf32>
        %max3A_1004 = arith.maximumf %get3A_998, %add3A_1003 : vector<16xf32>
        %add3A_1005 = arith.constant 112 : i32
        %add3A_1006 = arith.addi %squeeze3A_892, %add3A_1005 : i32
        %swap3A_1007 = arith.index_cast %add3A_1006 : i32 to index
        %swap3A_1008 = tpu.vector_load %arg13[%swap3A_1007] {strides = array<i32>} : memref<40192xf32, #tpu.memory_space<vmem>>, vector<16xf32>,
        tpu.vector_store %arg13[%swap3A_1007], %max3A_1004 {strides = array<i32>} : memref<40192xf32, #tpu.memory_space<vmem>>, vector<16xf32>,
        %slice3A_1009 = vector.extract_strided_slice %mul3A_185 {offsets = [7], sizes = [1], strides = [1]} : vector<16xi32> to vector<1xi32>
        %squeeze3A_1010 = vector.extract %slice3A_1009[0] : i32 from vector<1xi32>
        %slice3A_1011 = vector.extract_strided_slice %gather3A_180 {offsets = [7], sizes = [1], strides = [1]} : vector<16xf32> to vector<1xf32>
        %squeeze3A_1012 = vector.extract %slice3A_1011[0] : f32 from vector<1xf32>
        %slice3A_1013 = vector.extract_strided_slice %gather3A_179 {offsets = [7], sizes = [1], strides = [1]} : vector<16xf32> to vector<1xf32>
        %squeeze3A_1014 = vector.extract %slice3A_1013[0] : f32 from vector<1xf32>
        %add3A_1015 = arith.constant 0 : i32
        %add3A_1016 = arith.addi %squeeze3A_1010, %add3A_1015 : i32
        %get3A_1017 = arith.index_cast %add3A_1016 : i32 to index
        %get3A_1018 = tpu.vector_load %arg13[%get3A_1017] {strides = array<i32>} : memref<40192xf32, #tpu.memory_space<vmem>>, vector<16xf32>,
        %mul3A_1019 = vector.broadcast %squeeze3A_1012 : f32 to vector<16xf32>
        %mul3A_1020 = arith.mulf %mul3A_1019, %get3A_3 : vector<16xf32>
        %mul3A_1021 = vector.broadcast %squeeze3A_1014 : f32 to vector<16xf32>
        %mul3A_1022 = arith.mulf %mul3A_1021, %get3A_19 : vector<16xf32>
        %add3A_1023 = arith.addf %mul3A_1020, %mul3A_1022 : vector<16xf32>
        %max3A_1024 = arith.maximumf %get3A_1018, %add3A_1023 : vector<16xf32>
        %add3A_1025 = arith.constant 0 : i32
        %add3A_1026 = arith.addi %squeeze3A_1010, %add3A_1025 : i32
        %swap3A_1027 = arith.index_cast %add3A_1026 : i32 to index
        %swap3A_1028 = tpu.vector_load %arg13[%swap3A_1027] {strides = array<i32>} : memref<40192xf32, #tpu.memory_space<vmem>>, vector<16xf32>,
        tpu.vector_store %arg13[%swap3A_1027], %max3A_1024 {strides = array<i32>} : memref<40192xf32, #tpu.memory_space<vmem>>, vector<16xf32>,
        %add3A_1029 = arith.constant 16 : i32
        %add3A_1030 = arith.addi %squeeze3A_1010, %add3A_1029 : i32
        %get3A_1031 = arith.index_cast %add3A_1030 : i32 to index
        %get3A_1032 = tpu.vector_load %arg13[%get3A_1031] {strides = array<i32>} : memref<40192xf32, #tpu.memory_space<vmem>>, vector<16xf32>,
        %mul3A_1033 = vector.broadcast %squeeze3A_1012 : f32 to vector<16xf32>
        %mul3A_1034 = arith.mulf %mul3A_1033, %get3A_5 : vector<16xf32>
        %mul3A_1035 = vector.broadcast %squeeze3A_1014 : f32 to vector<16xf32>
        %mul3A_1036 = arith.mulf %mul3A_1035, %get3A_21 : vector<16xf32>
        %add3A_1037 = arith.addf %mul3A_1034, %mul3A_1036 : vector<16xf32>
        %max3A_1038 = arith.maximumf %get3A_1032, %add3A_1037 : vector<16xf32>
        %add3A_1039 = arith.constant 16 : i32
        %add3A_1040 = arith.addi %squeeze3A_1010, %add3A_1039 : i32
        %swap3A_1041 = arith.index_cast %add3A_1040 : i32 to index
        %swap3A_1042 = tpu.vector_load %arg13[%swap3A_1041] {strides = array<i32>} : memref<40192xf32, #tpu.memory_space<vmem>>, vector<16xf32>,
        tpu.vector_store %arg13[%swap3A_1041], %max3A_1038 {strides = array<i32>} : memref<40192xf32, #tpu.memory_space<vmem>>, vector<16xf32>,
        %add3A_1043 = arith.constant 32 : i32
        %add3A_1044 = arith.addi %squeeze3A_1010, %add3A_1043 : i32
        %get3A_1045 = arith.index_cast %add3A_1044 : i32 to index
        %get3A_1046 = tpu.vector_load %arg13[%get3A_1045] {strides = array<i32>} : memref<40192xf32, #tpu.memory_space<vmem>>, vector<16xf32>,
        %mul3A_1047 = vector.broadcast %squeeze3A_1012 : f32 to vector<16xf32>
        %mul3A_1048 = arith.mulf %mul3A_1047, %get3A_7 : vector<16xf32>
        %mul3A_1049 = vector.broadcast %squeeze3A_1014 : f32 to vector<16xf32>
        %mul3A_1050 = arith.mulf %mul3A_1049, %get3A_23 : vector<16xf32>
        %add3A_1051 = arith.addf %mul3A_1048, %mul3A_1050 : vector<16xf32>
        %max3A_1052 = arith.maximumf %get3A_1046, %add3A_1051 : vector<16xf32>
        %add3A_1053 = arith.constant 32 : i32
        %add3A_1054 = arith.addi %squeeze3A_1010, %add3A_1053 : i32
        %swap3A_1055 = arith.index_cast %add3A_1054 : i32 to index
        %swap3A_1056 = tpu.vector_load %arg13[%swap3A_1055] {strides = array<i32>} : memref<40192xf32, #tpu.memory_space<vmem>>, vector<16xf32>,
        tpu.vector_store %arg13[%swap3A_1055], %max3A_1052 {strides = array<i32>} : memref<40192xf32, #tpu.memory_space<vmem>>, vector<16xf32>,
        %add3A_1057 = arith.constant 48 : i32
        %add3A_1058 = arith.addi %squeeze3A_1010, %add3A_1057 : i32
        %get3A_1059 = arith.index_cast %add3A_1058 : i32 to index
        %get3A_1060 = tpu.vector_load %arg13[%get3A_1059] {strides = array<i32>} : memref<40192xf32, #tpu.memory_space<vmem>>, vector<16xf32>,
        %mul3A_1061 = vector.broadcast %squeeze3A_1012 : f32 to vector<16xf32>
        %mul3A_1062 = arith.mulf %mul3A_1061, %get3A_9 : vector<16xf32>
        %mul3A_1063 = vector.broadcast %squeeze3A_1014 : f32 to vector<16xf32>
        %mul3A_1064 = arith.mulf %mul3A_1063, %get3A_25 : vector<16xf32>
        %add3A_1065 = arith.addf %mul3A_1062, %mul3A_1064 : vector<16xf32>
        %max3A_1066 = arith.maximumf %get3A_1060, %add3A_1065 : vector<16xf32>
        %add3A_1067 = arith.constant 48 : i32
        %add3A_1068 = arith.addi %squeeze3A_1010, %add3A_1067 : i32
        %swap3A_1069 = arith.index_cast %add3A_1068 : i32 to index
        %swap3A_1070 = tpu.vector_load %arg13[%swap3A_1069] {strides = array<i32>} : memref<40192xf32, #tpu.memory_space<vmem>>, vector<16xf32>,
        tpu.vector_store %arg13[%swap3A_1069], %max3A_1066 {strides = array<i32>} : memref<40192xf32, #tpu.memory_space<vmem>>, vector<16xf32>,
        %add3A_1071 = arith.constant 64 : i32
        %add3A_1072 = arith.addi %squeeze3A_1010, %add3A_1071 : i32
        %get3A_1073 = arith.index_cast %add3A_1072 : i32 to index
        %get3A_1074 = tpu.vector_load %arg13[%get3A_1073] {strides = array<i32>} : memref<40192xf32, #tpu.memory_space<vmem>>, vector<16xf32>,
        %mul3A_1075 = vector.broadcast %squeeze3A_1012 : f32 to vector<16xf32>
        %mul3A_1076 = arith.mulf %mul3A_1075, %get3A_11 : vector<16xf32>
        %mul3A_1077 = vector.broadcast %squeeze3A_1014 : f32 to vector<16xf32>
        %mul3A_1078 = arith.mulf %mul3A_1077, %get3A_27 : vector<16xf32>
        %add3A_1079 = arith.addf %mul3A_1076, %mul3A_1078 : vector<16xf32>
        %max3A_1080 = arith.maximumf %get3A_1074, %add3A_1079 : vector<16xf32>
        %add3A_1081 = arith.constant 64 : i32
        %add3A_1082 = arith.addi %squeeze3A_1010, %add3A_1081 : i32
        %swap3A_1083 = arith.index_cast %add3A_1082 : i32 to index
        %swap3A_1084 = tpu.vector_load %arg13[%swap3A_1083] {strides = array<i32>} : memref<40192xf32, #tpu.memory_space<vmem>>, vector<16xf32>,
        tpu.vector_store %arg13[%swap3A_1083], %max3A_1080 {strides = array<i32>} : memref<40192xf32, #tpu.memory_space<vmem>>, vector<16xf32>,
        %add3A_1085 = arith.constant 80 : i32
        %add3A_1086 = arith.addi %squeeze3A_1010, %add3A_1085 : i32
        %get3A_1087 = arith.index_cast %add3A_1086 : i32 to index
        %get3A_1088 = tpu.vector_load %arg13[%get3A_1087] {strides = array<i32>} : memref<40192xf32, #tpu.memory_space<vmem>>, vector<16xf32>,
        %mul3A_1089 = vector.broadcast %squeeze3A_1012 : f32 to vector<16xf32>
        %mul3A_1090 = arith.mulf %mul3A_1089, %get3A_13 : vector<16xf32>
        %mul3A_1091 = vector.broadcast %squeeze3A_1014 : f32 to vector<16xf32>
        %mul3A_1092 = arith.mulf %mul3A_1091, %get3A_29 : vector<16xf32>
        %add3A_1093 = arith.addf %mul3A_1090, %mul3A_1092 : vector<16xf32>
        %max3A_1094 = arith.maximumf %get3A_1088, %add3A_1093 : vector<16xf32>
        %add3A_1095 = arith.constant 80 : i32
        %add3A_1096 = arith.addi %squeeze3A_1010, %add3A_1095 : i32
        %swap3A_1097 = arith.index_cast %add3A_1096 : i32 to index
        %swap3A_1098 = tpu.vector_load %arg13[%swap3A_1097] {strides = array<i32>} : memref<40192xf32, #tpu.memory_space<vmem>>, vector<16xf32>,
        tpu.vector_store %arg13[%swap3A_1097], %max3A_1094 {strides = array<i32>} : memref<40192xf32, #tpu.memory_space<vmem>>, vector<16xf32>,
        %add3A_1099 = arith.constant 96 : i32
        %add3A_1100 = arith.addi %squeeze3A_1010, %add3A_1099 : i32
        %get3A_1101 = arith.index_cast %add3A_1100 : i32 to index
        %get3A_1102 = tpu.vector_load %arg13[%get3A_1101] {strides = array<i32>} : memref<40192xf32, #tpu.memory_space<vmem>>, vector<16xf32>,
        %mul3A_1103 = vector.broadcast %squeeze3A_1012 : f32 to vector<16xf32>
        %mul3A_1104 = arith.mulf %mul3A_1103, %get3A_15 : vector<16xf32>
        %mul3A_1105 = vector.broadcast %squeeze3A_1014 : f32 to vector<16xf32>
        %mul3A_1106 = arith.mulf %mul3A_1105, %get3A_31 : vector<16xf32>
        %add3A_1107 = arith.addf %mul3A_1104, %mul3A_1106 : vector<16xf32>
        %max3A_1108 = arith.maximumf %get3A_1102, %add3A_1107 : vector<16xf32>
        %add3A_1109 = arith.constant 96 : i32
        %add3A_1110 = arith.addi %squeeze3A_1010, %add3A_1109 : i32
        %swap3A_1111 = arith.index_cast %add3A_1110 : i32 to index
        %swap3A_1112 = tpu.vector_load %arg13[%swap3A_1111] {strides = array<i32>} : memref<40192xf32, #tpu.memory_space<vmem>>, vector<16xf32>,
        tpu.vector_store %arg13[%swap3A_1111], %max3A_1108 {strides = array<i32>} : memref<40192xf32, #tpu.memory_space<vmem>>, vector<16xf32>,
        %add3A_1113 = arith.constant 112 : i32
        %add3A_1114 = arith.addi %squeeze3A_1010, %add3A_1113 : i32
        %get3A_1115 = arith.index_cast %add3A_1114 : i32 to index
        %get3A_1116 = tpu.vector_load %arg13[%get3A_1115] {strides = array<i32>} : memref<40192xf32, #tpu.memory_space<vmem>>, vector<16xf32>,
        %mul3A_1117 = vector.broadcast %squeeze3A_1012 : f32 to vector<16xf32>
        %mul3A_1118 = arith.mulf %mul3A_1117, %get3A_17 : vector<16xf32>
        %mul3A_1119 = vector.broadcast %squeeze3A_1014 : f32 to vector<16xf32>
        %mul3A_1120 = arith.mulf %mul3A_1119, %get3A_33 : vector<16xf32>
        %add3A_1121 = arith.addf %mul3A_1118, %mul3A_1120 : vector<16xf32>
        %max3A_1122 = arith.maximumf %get3A_1116, %add3A_1121 : vector<16xf32>
        %add3A_1123 = arith.constant 112 : i32
        %add3A_1124 = arith.addi %squeeze3A_1010, %add3A_1123 : i32
        %swap3A_1125 = arith.index_cast %add3A_1124 : i32 to index
        %swap3A_1126 = tpu.vector_load %arg13[%swap3A_1125] {strides = array<i32>} : memref<40192xf32, #tpu.memory_space<vmem>>, vector<16xf32>,
        tpu.vector_store %arg13[%swap3A_1125], %max3A_1122 {strides = array<i32>} : memref<40192xf32, #tpu.memory_space<vmem>>, vector<16xf32>,
        %slice3A_1127 = vector.extract_strided_slice %mul3A_185 {offsets = [8], sizes = [1], strides = [1]} : vector<16xi32> to vector<1xi32>
        %squeeze3A_1128 = vector.extract %slice3A_1127[0] : i32 from vector<1xi32>
        %slice3A_1129 = vector.extract_strided_slice %gather3A_180 {offsets = [8], sizes = [1], strides = [1]} : vector<16xf32> to vector<1xf32>
        %squeeze3A_1130 = vector.extract %slice3A_1129[0] : f32 from vector<1xf32>
        %slice3A_1131 = vector.extract_strided_slice %gather3A_179 {offsets = [8], sizes = [1], strides = [1]} : vector<16xf32> to vector<1xf32>
        %squeeze3A_1132 = vector.extract %slice3A_1131[0] : f32 from vector<1xf32>
        %add3A_1133 = arith.constant 0 : i32
        %add3A_1134 = arith.addi %squeeze3A_1128, %add3A_1133 : i32
        %get3A_1135 = arith.index_cast %add3A_1134 : i32 to index
        %get3A_1136 = tpu.vector_load %arg13[%get3A_1135] {strides = array<i32>} : memref<40192xf32, #tpu.memory_space<vmem>>, vector<16xf32>,
        %mul3A_1137 = vector.broadcast %squeeze3A_1130 : f32 to vector<16xf32>
        %mul3A_1138 = arith.mulf %mul3A_1137, %get3A_3 : vector<16xf32>
        %mul3A_1139 = vector.broadcast %squeeze3A_1132 : f32 to vector<16xf32>
        %mul3A_1140 = arith.mulf %mul3A_1139, %get3A_19 : vector<16xf32>
        %add3A_1141 = arith.addf %mul3A_1138, %mul3A_1140 : vector<16xf32>
        %max3A_1142 = arith.maximumf %get3A_1136, %add3A_1141 : vector<16xf32>
        %add3A_1143 = arith.constant 0 : i32
        %add3A_1144 = arith.addi %squeeze3A_1128, %add3A_1143 : i32
        %swap3A_1145 = arith.index_cast %add3A_1144 : i32 to index
        %swap3A_1146 = tpu.vector_load %arg13[%swap3A_1145] {strides = array<i32>} : memref<40192xf32, #tpu.memory_space<vmem>>, vector<16xf32>,
        tpu.vector_store %arg13[%swap3A_1145], %max3A_1142 {strides = array<i32>} : memref<40192xf32, #tpu.memory_space<vmem>>, vector<16xf32>,
        %add3A_1147 = arith.constant 16 : i32
        %add3A_1148 = arith.addi %squeeze3A_1128, %add3A_1147 : i32
        %get3A_1149 = arith.index_cast %add3A_1148 : i32 to index
        %get3A_1150 = tpu.vector_load %arg13[%get3A_1149] {strides = array<i32>} : memref<40192xf32, #tpu.memory_space<vmem>>, vector<16xf32>,
        %mul3A_1151 = vector.broadcast %squeeze3A_1130 : f32 to vector<16xf32>
        %mul3A_1152 = arith.mulf %mul3A_1151, %get3A_5 : vector<16xf32>
        %mul3A_1153 = vector.broadcast %squeeze3A_1132 : f32 to vector<16xf32>
        %mul3A_1154 = arith.mulf %mul3A_1153, %get3A_21 : vector<16xf32>
        %add3A_1155 = arith.addf %mul3A_1152, %mul3A_1154 : vector<16xf32>
        %max3A_1156 = arith.maximumf %get3A_1150, %add3A_1155 : vector<16xf32>
        %add3A_1157 = arith.constant 16 : i32
        %add3A_1158 = arith.addi %squeeze3A_1128, %add3A_1157 : i32
        %swap3A_1159 = arith.index_cast %add3A_1158 : i32 to index
        %swap3A_1160 = tpu.vector_load %arg13[%swap3A_1159] {strides = array<i32>} : memref<40192xf32, #tpu.memory_space<vmem>>, vector<16xf32>,
        tpu.vector_store %arg13[%swap3A_1159], %max3A_1156 {strides = array<i32>} : memref<40192xf32, #tpu.memory_space<vmem>>, vector<16xf32>,
        %add3A_1161 = arith.constant 32 : i32
        %add3A_1162 = arith.addi %squeeze3A_1128, %add3A_1161 : i32
        %get3A_1163 = arith.index_cast %add3A_1162 : i32 to index
        %get3A_1164 = tpu.vector_load %arg13[%get3A_1163] {strides = array<i32>} : memref<40192xf32, #tpu.memory_space<vmem>>, vector<16xf32>,
        %mul3A_1165 = vector.broadcast %squeeze3A_1130 : f32 to vector<16xf32>
        %mul3A_1166 = arith.mulf %mul3A_1165, %get3A_7 : vector<16xf32>
        %mul3A_1167 = vector.broadcast %squeeze3A_1132 : f32 to vector<16xf32>
        %mul3A_1168 = arith.mulf %mul3A_1167, %get3A_23 : vector<16xf32>
        %add3A_1169 = arith.addf %mul3A_1166, %mul3A_1168 : vector<16xf32>
        %max3A_1170 = arith.maximumf %get3A_1164, %add3A_1169 : vector<16xf32>
        %add3A_1171 = arith.constant 32 : i32
        %add3A_1172 = arith.addi %squeeze3A_1128, %add3A_1171 : i32
        %swap3A_1173 = arith.index_cast %add3A_1172 : i32 to index
        %swap3A_1174 = tpu.vector_load %arg13[%swap3A_1173] {strides = array<i32>} : memref<40192xf32, #tpu.memory_space<vmem>>, vector<16xf32>,
        tpu.vector_store %arg13[%swap3A_1173], %max3A_1170 {strides = array<i32>} : memref<40192xf32, #tpu.memory_space<vmem>>, vector<16xf32>,
        %add3A_1175 = arith.constant 48 : i32
        %add3A_1176 = arith.addi %squeeze3A_1128, %add3A_1175 : i32
        %get3A_1177 = arith.index_cast %add3A_1176 : i32 to index
        %get3A_1178 = tpu.vector_load %arg13[%get3A_1177] {strides = array<i32>} : memref<40192xf32, #tpu.memory_space<vmem>>, vector<16xf32>,
        %mul3A_1179 = vector.broadcast %squeeze3A_1130 : f32 to vector<16xf32>
        %mul3A_1180 = arith.mulf %mul3A_1179, %get3A_9 : vector<16xf32>
        %mul3A_1181 = vector.broadcast %squeeze3A_1132 : f32 to vector<16xf32>
        %mul3A_1182 = arith.mulf %mul3A_1181, %get3A_25 : vector<16xf32>
        %add3A_1183 = arith.addf %mul3A_1180, %mul3A_1182 : vector<16xf32>
        %max3A_1184 = arith.maximumf %get3A_1178, %add3A_1183 : vector<16xf32>
        %add3A_1185 = arith.constant 48 : i32
        %add3A_1186 = arith.addi %squeeze3A_1128, %add3A_1185 : i32
        %swap3A_1187 = arith.index_cast %add3A_1186 : i32 to index
        %swap3A_1188 = tpu.vector_load %arg13[%swap3A_1187] {strides = array<i32>} : memref<40192xf32, #tpu.memory_space<vmem>>, vector<16xf32>,
        tpu.vector_store %arg13[%swap3A_1187], %max3A_1184 {strides = array<i32>} : memref<40192xf32, #tpu.memory_space<vmem>>, vector<16xf32>,
        %add3A_1189 = arith.constant 64 : i32
        %add3A_1190 = arith.addi %squeeze3A_1128, %add3A_1189 : i32
        %get3A_1191 = arith.index_cast %add3A_1190 : i32 to index
        %get3A_1192 = tpu.vector_load %arg13[%get3A_1191] {strides = array<i32>} : memref<40192xf32, #tpu.memory_space<vmem>>, vector<16xf32>,
        %mul3A_1193 = vector.broadcast %squeeze3A_1130 : f32 to vector<16xf32>
        %mul3A_1194 = arith.mulf %mul3A_1193, %get3A_11 : vector<16xf32>
        %mul3A_1195 = vector.broadcast %squeeze3A_1132 : f32 to vector<16xf32>
        %mul3A_1196 = arith.mulf %mul3A_1195, %get3A_27 : vector<16xf32>
        %add3A_1197 = arith.addf %mul3A_1194, %mul3A_1196 : vector<16xf32>
        %max3A_1198 = arith.maximumf %get3A_1192, %add3A_1197 : vector<16xf32>
        %add3A_1199 = arith.constant 64 : i32
        %add3A_1200 = arith.addi %squeeze3A_1128, %add3A_1199 : i32
        %swap3A_1201 = arith.index_cast %add3A_1200 : i32 to index
        %swap3A_1202 = tpu.vector_load %arg13[%swap3A_1201] {strides = array<i32>} : memref<40192xf32, #tpu.memory_space<vmem>>, vector<16xf32>,
        tpu.vector_store %arg13[%swap3A_1201], %max3A_1198 {strides = array<i32>} : memref<40192xf32, #tpu.memory_space<vmem>>, vector<16xf32>,
        %add3A_1203 = arith.constant 80 : i32
        %add3A_1204 = arith.addi %squeeze3A_1128, %add3A_1203 : i32
        %get3A_1205 = arith.index_cast %add3A_1204 : i32 to index
        %get3A_1206 = tpu.vector_load %arg13[%get3A_1205] {strides = array<i32>} : memref<40192xf32, #tpu.memory_space<vmem>>, vector<16xf32>,
        %mul3A_1207 = vector.broadcast %squeeze3A_1130 : f32 to vector<16xf32>
        %mul3A_1208 = arith.mulf %mul3A_1207, %get3A_13 : vector<16xf32>
        %mul3A_1209 = vector.broadcast %squeeze3A_1132 : f32 to vector<16xf32>
        %mul3A_1210 = arith.mulf %mul3A_1209, %get3A_29 : vector<16xf32>
        %add3A_1211 = arith.addf %mul3A_1208, %mul3A_1210 : vector<16xf32>
        %max3A_1212 = arith.maximumf %get3A_1206, %add3A_1211 : vector<16xf32>
        %add3A_1213 = arith.constant 80 : i32
        %add3A_1214 = arith.addi %squeeze3A_1128, %add3A_1213 : i32
        %swap3A_1215 = arith.index_cast %add3A_1214 : i32 to index
        %swap3A_1216 = tpu.vector_load %arg13[%swap3A_1215] {strides = array<i32>} : memref<40192xf32, #tpu.memory_space<vmem>>, vector<16xf32>,
        tpu.vector_store %arg13[%swap3A_1215], %max3A_1212 {strides = array<i32>} : memref<40192xf32, #tpu.memory_space<vmem>>, vector<16xf32>,
        %add3A_1217 = arith.constant 96 : i32
        %add3A_1218 = arith.addi %squeeze3A_1128, %add3A_1217 : i32
        %get3A_1219 = arith.index_cast %add3A_1218 : i32 to index
        %get3A_1220 = tpu.vector_load %arg13[%get3A_1219] {strides = array<i32>} : memref<40192xf32, #tpu.memory_space<vmem>>, vector<16xf32>,
        %mul3A_1221 = vector.broadcast %squeeze3A_1130 : f32 to vector<16xf32>
        %mul3A_1222 = arith.mulf %mul3A_1221, %get3A_15 : vector<16xf32>
        %mul3A_1223 = vector.broadcast %squeeze3A_1132 : f32 to vector<16xf32>
        %mul3A_1224 = arith.mulf %mul3A_1223, %get3A_31 : vector<16xf32>
        %add3A_1225 = arith.addf %mul3A_1222, %mul3A_1224 : vector<16xf32>
        %max3A_1226 = arith.maximumf %get3A_1220, %add3A_1225 : vector<16xf32>
        %add3A_1227 = arith.constant 96 : i32
        %add3A_1228 = arith.addi %squeeze3A_1128, %add3A_1227 : i32
        %swap3A_1229 = arith.index_cast %add3A_1228 : i32 to index
        %swap3A_1230 = tpu.vector_load %arg13[%swap3A_1229] {strides = array<i32>} : memref<40192xf32, #tpu.memory_space<vmem>>, vector<16xf32>,
        tpu.vector_store %arg13[%swap3A_1229], %max3A_1226 {strides = array<i32>} : memref<40192xf32, #tpu.memory_space<vmem>>, vector<16xf32>,
        %add3A_1231 = arith.constant 112 : i32
        %add3A_1232 = arith.addi %squeeze3A_1128, %add3A_1231 : i32
        %get3A_1233 = arith.index_cast %add3A_1232 : i32 to index
        %get3A_1234 = tpu.vector_load %arg13[%get3A_1233] {strides = array<i32>} : memref<40192xf32, #tpu.memory_space<vmem>>, vector<16xf32>,
        %mul3A_1235 = vector.broadcast %squeeze3A_1130 : f32 to vector<16xf32>
        %mul3A_1236 = arith.mulf %mul3A_1235, %get3A_17 : vector<16xf32>
        %mul3A_1237 = vector.broadcast %squeeze3A_1132 : f32 to vector<16xf32>
        %mul3A_1238 = arith.mulf %mul3A_1237, %get3A_33 : vector<16xf32>
        %add3A_1239 = arith.addf %mul3A_1236, %mul3A_1238 : vector<16xf32>
        %max3A_1240 = arith.maximumf %get3A_1234, %add3A_1239 : vector<16xf32>
        %add3A_1241 = arith.constant 112 : i32
        %add3A_1242 = arith.addi %squeeze3A_1128, %add3A_1241 : i32
        %swap3A_1243 = arith.index_cast %add3A_1242 : i32 to index
        %swap3A_1244 = tpu.vector_load %arg13[%swap3A_1243] {strides = array<i32>} : memref<40192xf32, #tpu.memory_space<vmem>>, vector<16xf32>,
        tpu.vector_store %arg13[%swap3A_1243], %max3A_1240 {strides = array<i32>} : memref<40192xf32, #tpu.memory_space<vmem>>, vector<16xf32>,
        %slice3A_1245 = vector.extract_strided_slice %mul3A_185 {offsets = [9], sizes = [1], strides = [1]} : vector<16xi32> to vector<1xi32>
        %squeeze3A_1246 = vector.extract %slice3A_1245[0] : i32 from vector<1xi32>
        %slice3A_1247 = vector.extract_strided_slice %gather3A_180 {offsets = [9], sizes = [1], strides = [1]} : vector<16xf32> to vector<1xf32>
        %squeeze3A_1248 = vector.extract %slice3A_1247[0] : f32 from vector<1xf32>
        %slice3A_1249 = vector.extract_strided_slice %gather3A_179 {offsets = [9], sizes = [1], strides = [1]} : vector<16xf32> to vector<1xf32>
        %squeeze3A_1250 = vector.extract %slice3A_1249[0] : f32 from vector<1xf32>
        %add3A_1251 = arith.constant 0 : i32
        %add3A_1252 = arith.addi %squeeze3A_1246, %add3A_1251 : i32
        %get3A_1253 = arith.index_cast %add3A_1252 : i32 to index
        %get3A_1254 = tpu.vector_load %arg13[%get3A_1253] {strides = array<i32>} : memref<40192xf32, #tpu.memory_space<vmem>>, vector<16xf32>,
        %mul3A_1255 = vector.broadcast %squeeze3A_1248 : f32 to vector<16xf32>
        %mul3A_1256 = arith.mulf %mul3A_1255, %get3A_3 : vector<16xf32>
        %mul3A_1257 = vector.broadcast %squeeze3A_1250 : f32 to vector<16xf32>
        %mul3A_1258 = arith.mulf %mul3A_1257, %get3A_19 : vector<16xf32>
        %add3A_1259 = arith.addf %mul3A_1256, %mul3A_1258 : vector<16xf32>
        %max3A_1260 = arith.maximumf %get3A_1254, %add3A_1259 : vector<16xf32>
        %add3A_1261 = arith.constant 0 : i32
        %add3A_1262 = arith.addi %squeeze3A_1246, %add3A_1261 : i32
        %swap3A_1263 = arith.index_cast %add3A_1262 : i32 to index
        %swap3A_1264 = tpu.vector_load %arg13[%swap3A_1263] {strides = array<i32>} : memref<40192xf32, #tpu.memory_space<vmem>>, vector<16xf32>,
        tpu.vector_store %arg13[%swap3A_1263], %max3A_1260 {strides = array<i32>} : memref<40192xf32, #tpu.memory_space<vmem>>, vector<16xf32>,
        %add3A_1265 = arith.constant 16 : i32
        %add3A_1266 = arith.addi %squeeze3A_1246, %add3A_1265 : i32
        %get3A_1267 = arith.index_cast %add3A_1266 : i32 to index
        %get3A_1268 = tpu.vector_load %arg13[%get3A_1267] {strides = array<i32>} : memref<40192xf32, #tpu.memory_space<vmem>>, vector<16xf32>,
        %mul3A_1269 = vector.broadcast %squeeze3A_1248 : f32 to vector<16xf32>
        %mul3A_1270 = arith.mulf %mul3A_1269, %get3A_5 : vector<16xf32>
        %mul3A_1271 = vector.broadcast %squeeze3A_1250 : f32 to vector<16xf32>
        %mul3A_1272 = arith.mulf %mul3A_1271, %get3A_21 : vector<16xf32>
        %add3A_1273 = arith.addf %mul3A_1270, %mul3A_1272 : vector<16xf32>
        %max3A_1274 = arith.maximumf %get3A_1268, %add3A_1273 : vector<16xf32>
        %add3A_1275 = arith.constant 16 : i32
        %add3A_1276 = arith.addi %squeeze3A_1246, %add3A_1275 : i32
        %swap3A_1277 = arith.index_cast %add3A_1276 : i32 to index
        %swap3A_1278 = tpu.vector_load %arg13[%swap3A_1277] {strides = array<i32>} : memref<40192xf32, #tpu.memory_space<vmem>>, vector<16xf32>,
        tpu.vector_store %arg13[%swap3A_1277], %max3A_1274 {strides = array<i32>} : memref<40192xf32, #tpu.memory_space<vmem>>, vector<16xf32>,
        %add3A_1279 = arith.constant 32 : i32
        %add3A_1280 = arith.addi %squeeze3A_1246, %add3A_1279 : i32
        %get3A_1281 = arith.index_cast %add3A_1280 : i32 to index
        %get3A_1282 = tpu.vector_load %arg13[%get3A_1281] {strides = array<i32>} : memref<40192xf32, #tpu.memory_space<vmem>>, vector<16xf32>,
        %mul3A_1283 = vector.broadcast %squeeze3A_1248 : f32 to vector<16xf32>
        %mul3A_1284 = arith.mulf %mul3A_1283, %get3A_7 : vector<16xf32>
        %mul3A_1285 = vector.broadcast %squeeze3A_1250 : f32 to vector<16xf32>
        %mul3A_1286 = arith.mulf %mul3A_1285, %get3A_23 : vector<16xf32>
        %add3A_1287 = arith.addf %mul3A_1284, %mul3A_1286 : vector<16xf32>
        %max3A_1288 = arith.maximumf %get3A_1282, %add3A_1287 : vector<16xf32>
        %add3A_1289 = arith.constant 32 : i32
        %add3A_1290 = arith.addi %squeeze3A_1246, %add3A_1289 : i32
        %swap3A_1291 = arith.index_cast %add3A_1290 : i32 to index
        %swap3A_1292 = tpu.vector_load %arg13[%swap3A_1291] {strides = array<i32>} : memref<40192xf32, #tpu.memory_space<vmem>>, vector<16xf32>,
        tpu.vector_store %arg13[%swap3A_1291], %max3A_1288 {strides = array<i32>} : memref<40192xf32, #tpu.memory_space<vmem>>, vector<16xf32>,
        %add3A_1293 = arith.constant 48 : i32
        %add3A_1294 = arith.addi %squeeze3A_1246, %add3A_1293 : i32
        %get3A_1295 = arith.index_cast %add3A_1294 : i32 to index
        %get3A_1296 = tpu.vector_load %arg13[%get3A_1295] {strides = array<i32>} : memref<40192xf32, #tpu.memory_space<vmem>>, vector<16xf32>,
        %mul3A_1297 = vector.broadcast %squeeze3A_1248 : f32 to vector<16xf32>
        %mul3A_1298 = arith.mulf %mul3A_1297, %get3A_9 : vector<16xf32>
        %mul3A_1299 = vector.broadcast %squeeze3A_1250 : f32 to vector<16xf32>
        %mul3A_1300 = arith.mulf %mul3A_1299, %get3A_25 : vector<16xf32>
        %add3A_1301 = arith.addf %mul3A_1298, %mul3A_1300 : vector<16xf32>
        %max3A_1302 = arith.maximumf %get3A_1296, %add3A_1301 : vector<16xf32>
        %add3A_1303 = arith.constant 48 : i32
        %add3A_1304 = arith.addi %squeeze3A_1246, %add3A_1303 : i32
        %swap3A_1305 = arith.index_cast %add3A_1304 : i32 to index
        %swap3A_1306 = tpu.vector_load %arg13[%swap3A_1305] {strides = array<i32>} : memref<40192xf32, #tpu.memory_space<vmem>>, vector<16xf32>,
        tpu.vector_store %arg13[%swap3A_1305], %max3A_1302 {strides = array<i32>} : memref<40192xf32, #tpu.memory_space<vmem>>, vector<16xf32>,
        %add3A_1307 = arith.constant 64 : i32
        %add3A_1308 = arith.addi %squeeze3A_1246, %add3A_1307 : i32
        %get3A_1309 = arith.index_cast %add3A_1308 : i32 to index
        %get3A_1310 = tpu.vector_load %arg13[%get3A_1309] {strides = array<i32>} : memref<40192xf32, #tpu.memory_space<vmem>>, vector<16xf32>,
        %mul3A_1311 = vector.broadcast %squeeze3A_1248 : f32 to vector<16xf32>
        %mul3A_1312 = arith.mulf %mul3A_1311, %get3A_11 : vector<16xf32>
        %mul3A_1313 = vector.broadcast %squeeze3A_1250 : f32 to vector<16xf32>
        %mul3A_1314 = arith.mulf %mul3A_1313, %get3A_27 : vector<16xf32>
        %add3A_1315 = arith.addf %mul3A_1312, %mul3A_1314 : vector<16xf32>
        %max3A_1316 = arith.maximumf %get3A_1310, %add3A_1315 : vector<16xf32>
        %add3A_1317 = arith.constant 64 : i32
        %add3A_1318 = arith.addi %squeeze3A_1246, %add3A_1317 : i32
        %swap3A_1319 = arith.index_cast %add3A_1318 : i32 to index
        %swap3A_1320 = tpu.vector_load %arg13[%swap3A_1319] {strides = array<i32>} : memref<40192xf32, #tpu.memory_space<vmem>>, vector<16xf32>,
        tpu.vector_store %arg13[%swap3A_1319], %max3A_1316 {strides = array<i32>} : memref<40192xf32, #tpu.memory_space<vmem>>, vector<16xf32>,
        %add3A_1321 = arith.constant 80 : i32
        %add3A_1322 = arith.addi %squeeze3A_1246, %add3A_1321 : i32
        %get3A_1323 = arith.index_cast %add3A_1322 : i32 to index
        %get3A_1324 = tpu.vector_load %arg13[%get3A_1323] {strides = array<i32>} : memref<40192xf32, #tpu.memory_space<vmem>>, vector<16xf32>,
        %mul3A_1325 = vector.broadcast %squeeze3A_1248 : f32 to vector<16xf32>
        %mul3A_1326 = arith.mulf %mul3A_1325, %get3A_13 : vector<16xf32>
        %mul3A_1327 = vector.broadcast %squeeze3A_1250 : f32 to vector<16xf32>
        %mul3A_1328 = arith.mulf %mul3A_1327, %get3A_29 : vector<16xf32>
        %add3A_1329 = arith.addf %mul3A_1326, %mul3A_1328 : vector<16xf32>
        %max3A_1330 = arith.maximumf %get3A_1324, %add3A_1329 : vector<16xf32>
        %add3A_1331 = arith.constant 80 : i32
        %add3A_1332 = arith.addi %squeeze3A_1246, %add3A_1331 : i32
        %swap3A_1333 = arith.index_cast %add3A_1332 : i32 to index
        %swap3A_1334 = tpu.vector_load %arg13[%swap3A_1333] {strides = array<i32>} : memref<40192xf32, #tpu.memory_space<vmem>>, vector<16xf32>,
        tpu.vector_store %arg13[%swap3A_1333], %max3A_1330 {strides = array<i32>} : memref<40192xf32, #tpu.memory_space<vmem>>, vector<16xf32>,
        %add3A_1335 = arith.constant 96 : i32
        %add3A_1336 = arith.addi %squeeze3A_1246, %add3A_1335 : i32
        %get3A_1337 = arith.index_cast %add3A_1336 : i32 to index
        %get3A_1338 = tpu.vector_load %arg13[%get3A_1337] {strides = array<i32>} : memref<40192xf32, #tpu.memory_space<vmem>>, vector<16xf32>,
        %mul3A_1339 = vector.broadcast %squeeze3A_1248 : f32 to vector<16xf32>
        %mul3A_1340 = arith.mulf %mul3A_1339, %get3A_15 : vector<16xf32>
        %mul3A_1341 = vector.broadcast %squeeze3A_1250 : f32 to vector<16xf32>
        %mul3A_1342 = arith.mulf %mul3A_1341, %get3A_31 : vector<16xf32>
        %add3A_1343 = arith.addf %mul3A_1340, %mul3A_1342 : vector<16xf32>
        %max3A_1344 = arith.maximumf %get3A_1338, %add3A_1343 : vector<16xf32>
        %add3A_1345 = arith.constant 96 : i32
        %add3A_1346 = arith.addi %squeeze3A_1246, %add3A_1345 : i32
        %swap3A_1347 = arith.index_cast %add3A_1346 : i32 to index
        %swap3A_1348 = tpu.vector_load %arg13[%swap3A_1347] {strides = array<i32>} : memref<40192xf32, #tpu.memory_space<vmem>>, vector<16xf32>,
        tpu.vector_store %arg13[%swap3A_1347], %max3A_1344 {strides = array<i32>} : memref<40192xf32, #tpu.memory_space<vmem>>, vector<16xf32>,
        %add3A_1349 = arith.constant 112 : i32
        %add3A_1350 = arith.addi %squeeze3A_1246, %add3A_1349 : i32
        %get3A_1351 = arith.index_cast %add3A_1350 : i32 to index
        %get3A_1352 = tpu.vector_load %arg13[%get3A_1351] {strides = array<i32>} : memref<40192xf32, #tpu.memory_space<vmem>>, vector<16xf32>,
        %mul3A_1353 = vector.broadcast %squeeze3A_1248 : f32 to vector<16xf32>
        %mul3A_1354 = arith.mulf %mul3A_1353, %get3A_17 : vector<16xf32>
        %mul3A_1355 = vector.broadcast %squeeze3A_1250 : f32 to vector<16xf32>
        %mul3A_1356 = arith.mulf %mul3A_1355, %get3A_33 : vector<16xf32>
        %add3A_1357 = arith.addf %mul3A_1354, %mul3A_1356 : vector<16xf32>
        %max3A_1358 = arith.maximumf %get3A_1352, %add3A_1357 : vector<16xf32>
        %add3A_1359 = arith.constant 112 : i32
        %add3A_1360 = arith.addi %squeeze3A_1246, %add3A_1359 : i32
        %swap3A_1361 = arith.index_cast %add3A_1360 : i32 to index
        %swap3A_1362 = tpu.vector_load %arg13[%swap3A_1361] {strides = array<i32>} : memref<40192xf32, #tpu.memory_space<vmem>>, vector<16xf32>,
        tpu.vector_store %arg13[%swap3A_1361], %max3A_1358 {strides = array<i32>} : memref<40192xf32, #tpu.memory_space<vmem>>, vector<16xf32>,
        %slice3A_1363 = vector.extract_strided_slice %mul3A_185 {offsets = [10], sizes = [1], strides = [1]} : vector<16xi32> to vector<1xi32>
        %squeeze3A_1364 = vector.extract %slice3A_1363[0] : i32 from vector<1xi32>
        %slice3A_1365 = vector.extract_strided_slice %gather3A_180 {offsets = [10], sizes = [1], strides = [1]} : vector<16xf32> to vector<1xf32>
        %squeeze3A_1366 = vector.extract %slice3A_1365[0] : f32 from vector<1xf32>
        %slice3A_1367 = vector.extract_strided_slice %gather3A_179 {offsets = [10], sizes = [1], strides = [1]} : vector<16xf32> to vector<1xf32>
        %squeeze3A_1368 = vector.extract %slice3A_1367[0] : f32 from vector<1xf32>
        %add3A_1369 = arith.constant 0 : i32
        %add3A_1370 = arith.addi %squeeze3A_1364, %add3A_1369 : i32
        %get3A_1371 = arith.index_cast %add3A_1370 : i32 to index
        %get3A_1372 = tpu.vector_load %arg13[%get3A_1371] {strides = array<i32>} : memref<40192xf32, #tpu.memory_space<vmem>>, vector<16xf32>,
        %mul3A_1373 = vector.broadcast %squeeze3A_1366 : f32 to vector<16xf32>
        %mul3A_1374 = arith.mulf %mul3A_1373, %get3A_3 : vector<16xf32>
        %mul3A_1375 = vector.broadcast %squeeze3A_1368 : f32 to vector<16xf32>
        %mul3A_1376 = arith.mulf %mul3A_1375, %get3A_19 : vector<16xf32>
        %add3A_1377 = arith.addf %mul3A_1374, %mul3A_1376 : vector<16xf32>
        %max3A_1378 = arith.maximumf %get3A_1372, %add3A_1377 : vector<16xf32>
        %add3A_1379 = arith.constant 0 : i32
        %add3A_1380 = arith.addi %squeeze3A_1364, %add3A_1379 : i32
        %swap3A_1381 = arith.index_cast %add3A_1380 : i32 to index
        %swap3A_1382 = tpu.vector_load %arg13[%swap3A_1381] {strides = array<i32>} : memref<40192xf32, #tpu.memory_space<vmem>>, vector<16xf32>,
        tpu.vector_store %arg13[%swap3A_1381], %max3A_1378 {strides = array<i32>} : memref<40192xf32, #tpu.memory_space<vmem>>, vector<16xf32>,
        %add3A_1383 = arith.constant 16 : i32
        %add3A_1384 = arith.addi %squeeze3A_1364, %add3A_1383 : i32
        %get3A_1385 = arith.index_cast %add3A_1384 : i32 to index
        %get3A_1386 = tpu.vector_load %arg13[%get3A_1385] {strides = array<i32>} : memref<40192xf32, #tpu.memory_space<vmem>>, vector<16xf32>,
        %mul3A_1387 = vector.broadcast %squeeze3A_1366 : f32 to vector<16xf32>
        %mul3A_1388 = arith.mulf %mul3A_1387, %get3A_5 : vector<16xf32>
        %mul3A_1389 = vector.broadcast %squeeze3A_1368 : f32 to vector<16xf32>
        %mul3A_1390 = arith.mulf %mul3A_1389, %get3A_21 : vector<16xf32>
        %add3A_1391 = arith.addf %mul3A_1388, %mul3A_1390 : vector<16xf32>
        %max3A_1392 = arith.maximumf %get3A_1386, %add3A_1391 : vector<16xf32>
        %add3A_1393 = arith.constant 16 : i32
        %add3A_1394 = arith.addi %squeeze3A_1364, %add3A_1393 : i32
        %swap3A_1395 = arith.index_cast %add3A_1394 : i32 to index
        %swap3A_1396 = tpu.vector_load %arg13[%swap3A_1395] {strides = array<i32>} : memref<40192xf32, #tpu.memory_space<vmem>>, vector<16xf32>,
        tpu.vector_store %arg13[%swap3A_1395], %max3A_1392 {strides = array<i32>} : memref<40192xf32, #tpu.memory_space<vmem>>, vector<16xf32>,
        %add3A_1397 = arith.constant 32 : i32
        %add3A_1398 = arith.addi %squeeze3A_1364, %add3A_1397 : i32
        %get3A_1399 = arith.index_cast %add3A_1398 : i32 to index
        %get3A_1400 = tpu.vector_load %arg13[%get3A_1399] {strides = array<i32>} : memref<40192xf32, #tpu.memory_space<vmem>>, vector<16xf32>,
        %mul3A_1401 = vector.broadcast %squeeze3A_1366 : f32 to vector<16xf32>
        %mul3A_1402 = arith.mulf %mul3A_1401, %get3A_7 : vector<16xf32>
        %mul3A_1403 = vector.broadcast %squeeze3A_1368 : f32 to vector<16xf32>
        %mul3A_1404 = arith.mulf %mul3A_1403, %get3A_23 : vector<16xf32>
        %add3A_1405 = arith.addf %mul3A_1402, %mul3A_1404 : vector<16xf32>
        %max3A_1406 = arith.maximumf %get3A_1400, %add3A_1405 : vector<16xf32>
        %add3A_1407 = arith.constant 32 : i32
        %add3A_1408 = arith.addi %squeeze3A_1364, %add3A_1407 : i32
        %swap3A_1409 = arith.index_cast %add3A_1408 : i32 to index
        %swap3A_1410 = tpu.vector_load %arg13[%swap3A_1409] {strides = array<i32>} : memref<40192xf32, #tpu.memory_space<vmem>>, vector<16xf32>,
        tpu.vector_store %arg13[%swap3A_1409], %max3A_1406 {strides = array<i32>} : memref<40192xf32, #tpu.memory_space<vmem>>, vector<16xf32>,
        %add3A_1411 = arith.constant 48 : i32
        %add3A_1412 = arith.addi %squeeze3A_1364, %add3A_1411 : i32
        %get3A_1413 = arith.index_cast %add3A_1412 : i32 to index
        %get3A_1414 = tpu.vector_load %arg13[%get3A_1413] {strides = array<i32>} : memref<40192xf32, #tpu.memory_space<vmem>>, vector<16xf32>,
        %mul3A_1415 = vector.broadcast %squeeze3A_1366 : f32 to vector<16xf32>
        %mul3A_1416 = arith.mulf %mul3A_1415, %get3A_9 : vector<16xf32>
        %mul3A_1417 = vector.broadcast %squeeze3A_1368 : f32 to vector<16xf32>
        %mul3A_1418 = arith.mulf %mul3A_1417, %get3A_25 : vector<16xf32>
        %add3A_1419 = arith.addf %mul3A_1416, %mul3A_1418 : vector<16xf32>
        %max3A_1420 = arith.maximumf %get3A_1414, %add3A_1419 : vector<16xf32>
        %add3A_1421 = arith.constant 48 : i32
        %add3A_1422 = arith.addi %squeeze3A_1364, %add3A_1421 : i32
        %swap3A_1423 = arith.index_cast %add3A_1422 : i32 to index
        %swap3A_1424 = tpu.vector_load %arg13[%swap3A_1423] {strides = array<i32>} : memref<40192xf32, #tpu.memory_space<vmem>>, vector<16xf32>,
        tpu.vector_store %arg13[%swap3A_1423], %max3A_1420 {strides = array<i32>} : memref<40192xf32, #tpu.memory_space<vmem>>, vector<16xf32>,
        %add3A_1425 = arith.constant 64 : i32
        %add3A_1426 = arith.addi %squeeze3A_1364, %add3A_1425 : i32
        %get3A_1427 = arith.index_cast %add3A_1426 : i32 to index
        %get3A_1428 = tpu.vector_load %arg13[%get3A_1427] {strides = array<i32>} : memref<40192xf32, #tpu.memory_space<vmem>>, vector<16xf32>,
        %mul3A_1429 = vector.broadcast %squeeze3A_1366 : f32 to vector<16xf32>
        %mul3A_1430 = arith.mulf %mul3A_1429, %get3A_11 : vector<16xf32>
        %mul3A_1431 = vector.broadcast %squeeze3A_1368 : f32 to vector<16xf32>
        %mul3A_1432 = arith.mulf %mul3A_1431, %get3A_27 : vector<16xf32>
        %add3A_1433 = arith.addf %mul3A_1430, %mul3A_1432 : vector<16xf32>
        %max3A_1434 = arith.maximumf %get3A_1428, %add3A_1433 : vector<16xf32>
        %add3A_1435 = arith.constant 64 : i32
        %add3A_1436 = arith.addi %squeeze3A_1364, %add3A_1435 : i32
        %swap3A_1437 = arith.index_cast %add3A_1436 : i32 to index
        %swap3A_1438 = tpu.vector_load %arg13[%swap3A_1437] {strides = array<i32>} : memref<40192xf32, #tpu.memory_space<vmem>>, vector<16xf32>,
        tpu.vector_store %arg13[%swap3A_1437], %max3A_1434 {strides = array<i32>} : memref<40192xf32, #tpu.memory_space<vmem>>, vector<16xf32>,
        %add3A_1439 = arith.constant 80 : i32
        %add3A_1440 = arith.addi %squeeze3A_1364, %add3A_1439 : i32
        %get3A_1441 = arith.index_cast %add3A_1440 : i32 to index
        %get3A_1442 = tpu.vector_load %arg13[%get3A_1441] {strides = array<i32>} : memref<40192xf32, #tpu.memory_space<vmem>>, vector<16xf32>,
        %mul3A_1443 = vector.broadcast %squeeze3A_1366 : f32 to vector<16xf32>
        %mul3A_1444 = arith.mulf %mul3A_1443, %get3A_13 : vector<16xf32>
        %mul3A_1445 = vector.broadcast %squeeze3A_1368 : f32 to vector<16xf32>
        %mul3A_1446 = arith.mulf %mul3A_1445, %get3A_29 : vector<16xf32>
        %add3A_1447 = arith.addf %mul3A_1444, %mul3A_1446 : vector<16xf32>
        %max3A_1448 = arith.maximumf %get3A_1442, %add3A_1447 : vector<16xf32>
        %add3A_1449 = arith.constant 80 : i32
        %add3A_1450 = arith.addi %squeeze3A_1364, %add3A_1449 : i32
        %swap3A_1451 = arith.index_cast %add3A_1450 : i32 to index
        %swap3A_1452 = tpu.vector_load %arg13[%swap3A_1451] {strides = array<i32>} : memref<40192xf32, #tpu.memory_space<vmem>>, vector<16xf32>,
        tpu.vector_store %arg13[%swap3A_1451], %max3A_1448 {strides = array<i32>} : memref<40192xf32, #tpu.memory_space<vmem>>, vector<16xf32>,
        %add3A_1453 = arith.constant 96 : i32
        %add3A_1454 = arith.addi %squeeze3A_1364, %add3A_1453 : i32
        %get3A_1455 = arith.index_cast %add3A_1454 : i32 to index
        %get3A_1456 = tpu.vector_load %arg13[%get3A_1455] {strides = array<i32>} : memref<40192xf32, #tpu.memory_space<vmem>>, vector<16xf32>,
        %mul3A_1457 = vector.broadcast %squeeze3A_1366 : f32 to vector<16xf32>
        %mul3A_1458 = arith.mulf %mul3A_1457, %get3A_15 : vector<16xf32>
        %mul3A_1459 = vector.broadcast %squeeze3A_1368 : f32 to vector<16xf32>
        %mul3A_1460 = arith.mulf %mul3A_1459, %get3A_31 : vector<16xf32>
        %add3A_1461 = arith.addf %mul3A_1458, %mul3A_1460 : vector<16xf32>
        %max3A_1462 = arith.maximumf %get3A_1456, %add3A_1461 : vector<16xf32>
        %add3A_1463 = arith.constant 96 : i32
        %add3A_1464 = arith.addi %squeeze3A_1364, %add3A_1463 : i32
        %swap3A_1465 = arith.index_cast %add3A_1464 : i32 to index
        %swap3A_1466 = tpu.vector_load %arg13[%swap3A_1465] {strides = array<i32>} : memref<40192xf32, #tpu.memory_space<vmem>>, vector<16xf32>,
        tpu.vector_store %arg13[%swap3A_1465], %max3A_1462 {strides = array<i32>} : memref<40192xf32, #tpu.memory_space<vmem>>, vector<16xf32>,
        %add3A_1467 = arith.constant 112 : i32
        %add3A_1468 = arith.addi %squeeze3A_1364, %add3A_1467 : i32
        %get3A_1469 = arith.index_cast %add3A_1468 : i32 to index
        %get3A_1470 = tpu.vector_load %arg13[%get3A_1469] {strides = array<i32>} : memref<40192xf32, #tpu.memory_space<vmem>>, vector<16xf32>,
        %mul3A_1471 = vector.broadcast %squeeze3A_1366 : f32 to vector<16xf32>
        %mul3A_1472 = arith.mulf %mul3A_1471, %get3A_17 : vector<16xf32>
        %mul3A_1473 = vector.broadcast %squeeze3A_1368 : f32 to vector<16xf32>
        %mul3A_1474 = arith.mulf %mul3A_1473, %get3A_33 : vector<16xf32>
        %add3A_1475 = arith.addf %mul3A_1472, %mul3A_1474 : vector<16xf32>
        %max3A_1476 = arith.maximumf %get3A_1470, %add3A_1475 : vector<16xf32>
        %add3A_1477 = arith.constant 112 : i32
        %add3A_1478 = arith.addi %squeeze3A_1364, %add3A_1477 : i32
        %swap3A_1479 = arith.index_cast %add3A_1478 : i32 to index
        %swap3A_1480 = tpu.vector_load %arg13[%swap3A_1479] {strides = array<i32>} : memref<40192xf32, #tpu.memory_space<vmem>>, vector<16xf32>,
        tpu.vector_store %arg13[%swap3A_1479], %max3A_1476 {strides = array<i32>} : memref<40192xf32, #tpu.memory_space<vmem>>, vector<16xf32>,
        %slice3A_1481 = vector.extract_strided_slice %mul3A_185 {offsets = [11], sizes = [1], strides = [1]} : vector<16xi32> to vector<1xi32>
        %squeeze3A_1482 = vector.extract %slice3A_1481[0] : i32 from vector<1xi32>
        %slice3A_1483 = vector.extract_strided_slice %gather3A_180 {offsets = [11], sizes = [1], strides = [1]} : vector<16xf32> to vector<1xf32>
        %squeeze3A_1484 = vector.extract %slice3A_1483[0] : f32 from vector<1xf32>
        %slice3A_1485 = vector.extract_strided_slice %gather3A_179 {offsets = [11], sizes = [1], strides = [1]} : vector<16xf32> to vector<1xf32>
        %squeeze3A_1486 = vector.extract %slice3A_1485[0] : f32 from vector<1xf32>
        %add3A_1487 = arith.constant 0 : i32
        %add3A_1488 = arith.addi %squeeze3A_1482, %add3A_1487 : i32
        %get3A_1489 = arith.index_cast %add3A_1488 : i32 to index
        %get3A_1490 = tpu.vector_load %arg13[%get3A_1489] {strides = array<i32>} : memref<40192xf32, #tpu.memory_space<vmem>>, vector<16xf32>,
        %mul3A_1491 = vector.broadcast %squeeze3A_1484 : f32 to vector<16xf32>
        %mul3A_1492 = arith.mulf %mul3A_1491, %get3A_3 : vector<16xf32>
        %mul3A_1493 = vector.broadcast %squeeze3A_1486 : f32 to vector<16xf32>
        %mul3A_1494 = arith.mulf %mul3A_1493, %get3A_19 : vector<16xf32>
        %add3A_1495 = arith.addf %mul3A_1492, %mul3A_1494 : vector<16xf32>
        %max3A_1496 = arith.maximumf %get3A_1490, %add3A_1495 : vector<16xf32>
        %add3A_1497 = arith.constant 0 : i32
        %add3A_1498 = arith.addi %squeeze3A_1482, %add3A_1497 : i32
        %swap3A_1499 = arith.index_cast %add3A_1498 : i32 to index
        %swap3A_1500 = tpu.vector_load %arg13[%swap3A_1499] {strides = array<i32>} : memref<40192xf32, #tpu.memory_space<vmem>>, vector<16xf32>,
        tpu.vector_store %arg13[%swap3A_1499], %max3A_1496 {strides = array<i32>} : memref<40192xf32, #tpu.memory_space<vmem>>, vector<16xf32>,
        %add3A_1501 = arith.constant 16 : i32
        %add3A_1502 = arith.addi %squeeze3A_1482, %add3A_1501 : i32
        %get3A_1503 = arith.index_cast %add3A_1502 : i32 to index
        %get3A_1504 = tpu.vector_load %arg13[%get3A_1503] {strides = array<i32>} : memref<40192xf32, #tpu.memory_space<vmem>>, vector<16xf32>,
        %mul3A_1505 = vector.broadcast %squeeze3A_1484 : f32 to vector<16xf32>
        %mul3A_1506 = arith.mulf %mul3A_1505, %get3A_5 : vector<16xf32>
        %mul3A_1507 = vector.broadcast %squeeze3A_1486 : f32 to vector<16xf32>
        %mul3A_1508 = arith.mulf %mul3A_1507, %get3A_21 : vector<16xf32>
        %add3A_1509 = arith.addf %mul3A_1506, %mul3A_1508 : vector<16xf32>
        %max3A_1510 = arith.maximumf %get3A_1504, %add3A_1509 : vector<16xf32>
        %add3A_1511 = arith.constant 16 : i32
        %add3A_1512 = arith.addi %squeeze3A_1482, %add3A_1511 : i32
        %swap3A_1513 = arith.index_cast %add3A_1512 : i32 to index
        %swap3A_1514 = tpu.vector_load %arg13[%swap3A_1513] {strides = array<i32>} : memref<40192xf32, #tpu.memory_space<vmem>>, vector<16xf32>,
        tpu.vector_store %arg13[%swap3A_1513], %max3A_1510 {strides = array<i32>} : memref<40192xf32, #tpu.memory_space<vmem>>, vector<16xf32>,
        %add3A_1515 = arith.constant 32 : i32
        %add3A_1516 = arith.addi %squeeze3A_1482, %add3A_1515 : i32
        %get3A_1517 = arith.index_cast %add3A_1516 : i32 to index
        %get3A_1518 = tpu.vector_load %arg13[%get3A_1517] {strides = array<i32>} : memref<40192xf32, #tpu.memory_space<vmem>>, vector<16xf32>,
        %mul3A_1519 = vector.broadcast %squeeze3A_1484 : f32 to vector<16xf32>
        %mul3A_1520 = arith.mulf %mul3A_1519, %get3A_7 : vector<16xf32>
        %mul3A_1521 = vector.broadcast %squeeze3A_1486 : f32 to vector<16xf32>
        %mul3A_1522 = arith.mulf %mul3A_1521, %get3A_23 : vector<16xf32>
        %add3A_1523 = arith.addf %mul3A_1520, %mul3A_1522 : vector<16xf32>
        %max3A_1524 = arith.maximumf %get3A_1518, %add3A_1523 : vector<16xf32>
        %add3A_1525 = arith.constant 32 : i32
        %add3A_1526 = arith.addi %squeeze3A_1482, %add3A_1525 : i32
        %swap3A_1527 = arith.index_cast %add3A_1526 : i32 to index
        %swap3A_1528 = tpu.vector_load %arg13[%swap3A_1527] {strides = array<i32>} : memref<40192xf32, #tpu.memory_space<vmem>>, vector<16xf32>,
        tpu.vector_store %arg13[%swap3A_1527], %max3A_1524 {strides = array<i32>} : memref<40192xf32, #tpu.memory_space<vmem>>, vector<16xf32>,
        %add3A_1529 = arith.constant 48 : i32
        %add3A_1530 = arith.addi %squeeze3A_1482, %add3A_1529 : i32
        %get3A_1531 = arith.index_cast %add3A_1530 : i32 to index
        %get3A_1532 = tpu.vector_load %arg13[%get3A_1531] {strides = array<i32>} : memref<40192xf32, #tpu.memory_space<vmem>>, vector<16xf32>,
        %mul3A_1533 = vector.broadcast %squeeze3A_1484 : f32 to vector<16xf32>
        %mul3A_1534 = arith.mulf %mul3A_1533, %get3A_9 : vector<16xf32>
        %mul3A_1535 = vector.broadcast %squeeze3A_1486 : f32 to vector<16xf32>
        %mul3A_1536 = arith.mulf %mul3A_1535, %get3A_25 : vector<16xf32>
        %add3A_1537 = arith.addf %mul3A_1534, %mul3A_1536 : vector<16xf32>
        %max3A_1538 = arith.maximumf %get3A_1532, %add3A_1537 : vector<16xf32>
        %add3A_1539 = arith.constant 48 : i32
        %add3A_1540 = arith.addi %squeeze3A_1482, %add3A_1539 : i32
        %swap3A_1541 = arith.index_cast %add3A_1540 : i32 to index
        %swap3A_1542 = tpu.vector_load %arg13[%swap3A_1541] {strides = array<i32>} : memref<40192xf32, #tpu.memory_space<vmem>>, vector<16xf32>,
        tpu.vector_store %arg13[%swap3A_1541], %max3A_1538 {strides = array<i32>} : memref<40192xf32, #tpu.memory_space<vmem>>, vector<16xf32>,
        %add3A_1543 = arith.constant 64 : i32
        %add3A_1544 = arith.addi %squeeze3A_1482, %add3A_1543 : i32
        %get3A_1545 = arith.index_cast %add3A_1544 : i32 to index
        %get3A_1546 = tpu.vector_load %arg13[%get3A_1545] {strides = array<i32>} : memref<40192xf32, #tpu.memory_space<vmem>>, vector<16xf32>,
        %mul3A_1547 = vector.broadcast %squeeze3A_1484 : f32 to vector<16xf32>
        %mul3A_1548 = arith.mulf %mul3A_1547, %get3A_11 : vector<16xf32>
        %mul3A_1549 = vector.broadcast %squeeze3A_1486 : f32 to vector<16xf32>
        %mul3A_1550 = arith.mulf %mul3A_1549, %get3A_27 : vector<16xf32>
        %add3A_1551 = arith.addf %mul3A_1548, %mul3A_1550 : vector<16xf32>
        %max3A_1552 = arith.maximumf %get3A_1546, %add3A_1551 : vector<16xf32>
        %add3A_1553 = arith.constant 64 : i32
        %add3A_1554 = arith.addi %squeeze3A_1482, %add3A_1553 : i32
        %swap3A_1555 = arith.index_cast %add3A_1554 : i32 to index
        %swap3A_1556 = tpu.vector_load %arg13[%swap3A_1555] {strides = array<i32>} : memref<40192xf32, #tpu.memory_space<vmem>>, vector<16xf32>,
        tpu.vector_store %arg13[%swap3A_1555], %max3A_1552 {strides = array<i32>} : memref<40192xf32, #tpu.memory_space<vmem>>, vector<16xf32>,
        %add3A_1557 = arith.constant 80 : i32
        %add3A_1558 = arith.addi %squeeze3A_1482, %add3A_1557 : i32
        %get3A_1559 = arith.index_cast %add3A_1558 : i32 to index
        %get3A_1560 = tpu.vector_load %arg13[%get3A_1559] {strides = array<i32>} : memref<40192xf32, #tpu.memory_space<vmem>>, vector<16xf32>,
        %mul3A_1561 = vector.broadcast %squeeze3A_1484 : f32 to vector<16xf32>
        %mul3A_1562 = arith.mulf %mul3A_1561, %get3A_13 : vector<16xf32>
        %mul3A_1563 = vector.broadcast %squeeze3A_1486 : f32 to vector<16xf32>
        %mul3A_1564 = arith.mulf %mul3A_1563, %get3A_29 : vector<16xf32>
        %add3A_1565 = arith.addf %mul3A_1562, %mul3A_1564 : vector<16xf32>
        %max3A_1566 = arith.maximumf %get3A_1560, %add3A_1565 : vector<16xf32>
        %add3A_1567 = arith.constant 80 : i32
        %add3A_1568 = arith.addi %squeeze3A_1482, %add3A_1567 : i32
        %swap3A_1569 = arith.index_cast %add3A_1568 : i32 to index
        %swap3A_1570 = tpu.vector_load %arg13[%swap3A_1569] {strides = array<i32>} : memref<40192xf32, #tpu.memory_space<vmem>>, vector<16xf32>,
        tpu.vector_store %arg13[%swap3A_1569], %max3A_1566 {strides = array<i32>} : memref<40192xf32, #tpu.memory_space<vmem>>, vector<16xf32>,
        %add3A_1571 = arith.constant 96 : i32
        %add3A_1572 = arith.addi %squeeze3A_1482, %add3A_1571 : i32
        %get3A_1573 = arith.index_cast %add3A_1572 : i32 to index
        %get3A_1574 = tpu.vector_load %arg13[%get3A_1573] {strides = array<i32>} : memref<40192xf32, #tpu.memory_space<vmem>>, vector<16xf32>,
        %mul3A_1575 = vector.broadcast %squeeze3A_1484 : f32 to vector<16xf32>
        %mul3A_1576 = arith.mulf %mul3A_1575, %get3A_15 : vector<16xf32>
        %mul3A_1577 = vector.broadcast %squeeze3A_1486 : f32 to vector<16xf32>
        %mul3A_1578 = arith.mulf %mul3A_1577, %get3A_31 : vector<16xf32>
        %add3A_1579 = arith.addf %mul3A_1576, %mul3A_1578 : vector<16xf32>
        %max3A_1580 = arith.maximumf %get3A_1574, %add3A_1579 : vector<16xf32>
        %add3A_1581 = arith.constant 96 : i32
        %add3A_1582 = arith.addi %squeeze3A_1482, %add3A_1581 : i32
        %swap3A_1583 = arith.index_cast %add3A_1582 : i32 to index
        %swap3A_1584 = tpu.vector_load %arg13[%swap3A_1583] {strides = array<i32>} : memref<40192xf32, #tpu.memory_space<vmem>>, vector<16xf32>,
        tpu.vector_store %arg13[%swap3A_1583], %max3A_1580 {strides = array<i32>} : memref<40192xf32, #tpu.memory_space<vmem>>, vector<16xf32>,
        %add3A_1585 = arith.constant 112 : i32
        %add3A_1586 = arith.addi %squeeze3A_1482, %add3A_1585 : i32
        %get3A_1587 = arith.index_cast %add3A_1586 : i32 to index
        %get3A_1588 = tpu.vector_load %arg13[%get3A_1587] {strides = array<i32>} : memref<40192xf32, #tpu.memory_space<vmem>>, vector<16xf32>,
        %mul3A_1589 = vector.broadcast %squeeze3A_1484 : f32 to vector<16xf32>
        %mul3A_1590 = arith.mulf %mul3A_1589, %get3A_17 : vector<16xf32>
        %mul3A_1591 = vector.broadcast %squeeze3A_1486 : f32 to vector<16xf32>
        %mul3A_1592 = arith.mulf %mul3A_1591, %get3A_33 : vector<16xf32>
        %add3A_1593 = arith.addf %mul3A_1590, %mul3A_1592 : vector<16xf32>
        %max3A_1594 = arith.maximumf %get3A_1588, %add3A_1593 : vector<16xf32>
        %add3A_1595 = arith.constant 112 : i32
        %add3A_1596 = arith.addi %squeeze3A_1482, %add3A_1595 : i32
        %swap3A_1597 = arith.index_cast %add3A_1596 : i32 to index
        %swap3A_1598 = tpu.vector_load %arg13[%swap3A_1597] {strides = array<i32>} : memref<40192xf32, #tpu.memory_space<vmem>>, vector<16xf32>,
        tpu.vector_store %arg13[%swap3A_1597], %max3A_1594 {strides = array<i32>} : memref<40192xf32, #tpu.memory_space<vmem>>, vector<16xf32>,
        %slice3A_1599 = vector.extract_strided_slice %mul3A_185 {offsets = [12], sizes = [1], strides = [1]} : vector<16xi32> to vector<1xi32>
        %squeeze3A_1600 = vector.extract %slice3A_1599[0] : i32 from vector<1xi32>
        %slice3A_1601 = vector.extract_strided_slice %gather3A_180 {offsets = [12], sizes = [1], strides = [1]} : vector<16xf32> to vector<1xf32>
        %squeeze3A_1602 = vector.extract %slice3A_1601[0] : f32 from vector<1xf32>
        %slice3A_1603 = vector.extract_strided_slice %gather3A_179 {offsets = [12], sizes = [1], strides = [1]} : vector<16xf32> to vector<1xf32>
        %squeeze3A_1604 = vector.extract %slice3A_1603[0] : f32 from vector<1xf32>
        %add3A_1605 = arith.constant 0 : i32
        %add3A_1606 = arith.addi %squeeze3A_1600, %add3A_1605 : i32
        %get3A_1607 = arith.index_cast %add3A_1606 : i32 to index
        %get3A_1608 = tpu.vector_load %arg13[%get3A_1607] {strides = array<i32>} : memref<40192xf32, #tpu.memory_space<vmem>>, vector<16xf32>,
        %mul3A_1609 = vector.broadcast %squeeze3A_1602 : f32 to vector<16xf32>
        %mul3A_1610 = arith.mulf %mul3A_1609, %get3A_3 : vector<16xf32>
        %mul3A_1611 = vector.broadcast %squeeze3A_1604 : f32 to vector<16xf32>
        %mul3A_1612 = arith.mulf %mul3A_1611, %get3A_19 : vector<16xf32>
        %add3A_1613 = arith.addf %mul3A_1610, %mul3A_1612 : vector<16xf32>
        %max3A_1614 = arith.maximumf %get3A_1608, %add3A_1613 : vector<16xf32>
        %add3A_1615 = arith.constant 0 : i32
        %add3A_1616 = arith.addi %squeeze3A_1600, %add3A_1615 : i32
        %swap3A_1617 = arith.index_cast %add3A_1616 : i32 to index
        %swap3A_1618 = tpu.vector_load %arg13[%swap3A_1617] {strides = array<i32>} : memref<40192xf32, #tpu.memory_space<vmem>>, vector<16xf32>,
        tpu.vector_store %arg13[%swap3A_1617], %max3A_1614 {strides = array<i32>} : memref<40192xf32, #tpu.memory_space<vmem>>, vector<16xf32>,
        %add3A_1619 = arith.constant 16 : i32
        %add3A_1620 = arith.addi %squeeze3A_1600, %add3A_1619 : i32
        %get3A_1621 = arith.index_cast %add3A_1620 : i32 to index
        %get3A_1622 = tpu.vector_load %arg13[%get3A_1621] {strides = array<i32>} : memref<40192xf32, #tpu.memory_space<vmem>>, vector<16xf32>,
        %mul3A_1623 = vector.broadcast %squeeze3A_1602 : f32 to vector<16xf32>
        %mul3A_1624 = arith.mulf %mul3A_1623, %get3A_5 : vector<16xf32>
        %mul3A_1625 = vector.broadcast %squeeze3A_1604 : f32 to vector<16xf32>
        %mul3A_1626 = arith.mulf %mul3A_1625, %get3A_21 : vector<16xf32>
        %add3A_1627 = arith.addf %mul3A_1624, %mul3A_1626 : vector<16xf32>
        %max3A_1628 = arith.maximumf %get3A_1622, %add3A_1627 : vector<16xf32>
        %add3A_1629 = arith.constant 16 : i32
        %add3A_1630 = arith.addi %squeeze3A_1600, %add3A_1629 : i32
        %swap3A_1631 = arith.index_cast %add3A_1630 : i32 to index
        %swap3A_1632 = tpu.vector_load %arg13[%swap3A_1631] {strides = array<i32>} : memref<40192xf32, #tpu.memory_space<vmem>>, vector<16xf32>,
        tpu.vector_store %arg13[%swap3A_1631], %max3A_1628 {strides = array<i32>} : memref<40192xf32, #tpu.memory_space<vmem>>, vector<16xf32>,
        %add3A_1633 = arith.constant 32 : i32
        %add3A_1634 = arith.addi %squeeze3A_1600, %add3A_1633 : i32
        %get3A_1635 = arith.index_cast %add3A_1634 : i32 to index
        %get3A_1636 = tpu.vector_load %arg13[%get3A_1635] {strides = array<i32>} : memref<40192xf32, #tpu.memory_space<vmem>>, vector<16xf32>,
        %mul3A_1637 = vector.broadcast %squeeze3A_1602 : f32 to vector<16xf32>
        %mul3A_1638 = arith.mulf %mul3A_1637, %get3A_7 : vector<16xf32>
        %mul3A_1639 = vector.broadcast %squeeze3A_1604 : f32 to vector<16xf32>
        %mul3A_1640 = arith.mulf %mul3A_1639, %get3A_23 : vector<16xf32>
        %add3A_1641 = arith.addf %mul3A_1638, %mul3A_1640 : vector<16xf32>
        %max3A_1642 = arith.maximumf %get3A_1636, %add3A_1641 : vector<16xf32>
        %add3A_1643 = arith.constant 32 : i32
        %add3A_1644 = arith.addi %squeeze3A_1600, %add3A_1643 : i32
        %swap3A_1645 = arith.index_cast %add3A_1644 : i32 to index
        %swap3A_1646 = tpu.vector_load %arg13[%swap3A_1645] {strides = array<i32>} : memref<40192xf32, #tpu.memory_space<vmem>>, vector<16xf32>,
        tpu.vector_store %arg13[%swap3A_1645], %max3A_1642 {strides = array<i32>} : memref<40192xf32, #tpu.memory_space<vmem>>, vector<16xf32>,
        %add3A_1647 = arith.constant 48 : i32
        %add3A_1648 = arith.addi %squeeze3A_1600, %add3A_1647 : i32
        %get3A_1649 = arith.index_cast %add3A_1648 : i32 to index
        %get3A_1650 = tpu.vector_load %arg13[%get3A_1649] {strides = array<i32>} : memref<40192xf32, #tpu.memory_space<vmem>>, vector<16xf32>,
        %mul3A_1651 = vector.broadcast %squeeze3A_1602 : f32 to vector<16xf32>
        %mul3A_1652 = arith.mulf %mul3A_1651, %get3A_9 : vector<16xf32>
        %mul3A_1653 = vector.broadcast %squeeze3A_1604 : f32 to vector<16xf32>
        %mul3A_1654 = arith.mulf %mul3A_1653, %get3A_25 : vector<16xf32>
        %add3A_1655 = arith.addf %mul3A_1652, %mul3A_1654 : vector<16xf32>
        %max3A_1656 = arith.maximumf %get3A_1650, %add3A_1655 : vector<16xf32>
        %add3A_1657 = arith.constant 48 : i32
        %add3A_1658 = arith.addi %squeeze3A_1600, %add3A_1657 : i32
        %swap3A_1659 = arith.index_cast %add3A_1658 : i32 to index
        %swap3A_1660 = tpu.vector_load %arg13[%swap3A_1659] {strides = array<i32>} : memref<40192xf32, #tpu.memory_space<vmem>>, vector<16xf32>,
        tpu.vector_store %arg13[%swap3A_1659], %max3A_1656 {strides = array<i32>} : memref<40192xf32, #tpu.memory_space<vmem>>, vector<16xf32>,
        %add3A_1661 = arith.constant 64 : i32
        %add3A_1662 = arith.addi %squeeze3A_1600, %add3A_1661 : i32
        %get3A_1663 = arith.index_cast %add3A_1662 : i32 to index
        %get3A_1664 = tpu.vector_load %arg13[%get3A_1663] {strides = array<i32>} : memref<40192xf32, #tpu.memory_space<vmem>>, vector<16xf32>,
        %mul3A_1665 = vector.broadcast %squeeze3A_1602 : f32 to vector<16xf32>
        %mul3A_1666 = arith.mulf %mul3A_1665, %get3A_11 : vector<16xf32>
        %mul3A_1667 = vector.broadcast %squeeze3A_1604 : f32 to vector<16xf32>
        %mul3A_1668 = arith.mulf %mul3A_1667, %get3A_27 : vector<16xf32>
        %add3A_1669 = arith.addf %mul3A_1666, %mul3A_1668 : vector<16xf32>
        %max3A_1670 = arith.maximumf %get3A_1664, %add3A_1669 : vector<16xf32>
        %add3A_1671 = arith.constant 64 : i32
        %add3A_1672 = arith.addi %squeeze3A_1600, %add3A_1671 : i32
        %swap3A_1673 = arith.index_cast %add3A_1672 : i32 to index
        %swap3A_1674 = tpu.vector_load %arg13[%swap3A_1673] {strides = array<i32>} : memref<40192xf32, #tpu.memory_space<vmem>>, vector<16xf32>,
        tpu.vector_store %arg13[%swap3A_1673], %max3A_1670 {strides = array<i32>} : memref<40192xf32, #tpu.memory_space<vmem>>, vector<16xf32>,
        %add3A_1675 = arith.constant 80 : i32
        %add3A_1676 = arith.addi %squeeze3A_1600, %add3A_1675 : i32
        %get3A_1677 = arith.index_cast %add3A_1676 : i32 to index
        %get3A_1678 = tpu.vector_load %arg13[%get3A_1677] {strides = array<i32>} : memref<40192xf32, #tpu.memory_space<vmem>>, vector<16xf32>,
        %mul3A_1679 = vector.broadcast %squeeze3A_1602 : f32 to vector<16xf32>
        %mul3A_1680 = arith.mulf %mul3A_1679, %get3A_13 : vector<16xf32>
        %mul3A_1681 = vector.broadcast %squeeze3A_1604 : f32 to vector<16xf32>
        %mul3A_1682 = arith.mulf %mul3A_1681, %get3A_29 : vector<16xf32>
        %add3A_1683 = arith.addf %mul3A_1680, %mul3A_1682 : vector<16xf32>
        %max3A_1684 = arith.maximumf %get3A_1678, %add3A_1683 : vector<16xf32>
        %add3A_1685 = arith.constant 80 : i32
        %add3A_1686 = arith.addi %squeeze3A_1600, %add3A_1685 : i32
        %swap3A_1687 = arith.index_cast %add3A_1686 : i32 to index
        %swap3A_1688 = tpu.vector_load %arg13[%swap3A_1687] {strides = array<i32>} : memref<40192xf32, #tpu.memory_space<vmem>>, vector<16xf32>,
        tpu.vector_store %arg13[%swap3A_1687], %max3A_1684 {strides = array<i32>} : memref<40192xf32, #tpu.memory_space<vmem>>, vector<16xf32>,
        %add3A_1689 = arith.constant 96 : i32
        %add3A_1690 = arith.addi %squeeze3A_1600, %add3A_1689 : i32
        %get3A_1691 = arith.index_cast %add3A_1690 : i32 to index
        %get3A_1692 = tpu.vector_load %arg13[%get3A_1691] {strides = array<i32>} : memref<40192xf32, #tpu.memory_space<vmem>>, vector<16xf32>,
        %mul3A_1693 = vector.broadcast %squeeze3A_1602 : f32 to vector<16xf32>
        %mul3A_1694 = arith.mulf %mul3A_1693, %get3A_15 : vector<16xf32>
        %mul3A_1695 = vector.broadcast %squeeze3A_1604 : f32 to vector<16xf32>
        %mul3A_1696 = arith.mulf %mul3A_1695, %get3A_31 : vector<16xf32>
        %add3A_1697 = arith.addf %mul3A_1694, %mul3A_1696 : vector<16xf32>
        %max3A_1698 = arith.maximumf %get3A_1692, %add3A_1697 : vector<16xf32>
        %add3A_1699 = arith.constant 96 : i32
        %add3A_1700 = arith.addi %squeeze3A_1600, %add3A_1699 : i32
        %swap3A_1701 = arith.index_cast %add3A_1700 : i32 to index
        %swap3A_1702 = tpu.vector_load %arg13[%swap3A_1701] {strides = array<i32>} : memref<40192xf32, #tpu.memory_space<vmem>>, vector<16xf32>,
        tpu.vector_store %arg13[%swap3A_1701], %max3A_1698 {strides = array<i32>} : memref<40192xf32, #tpu.memory_space<vmem>>, vector<16xf32>,
        %add3A_1703 = arith.constant 112 : i32
        %add3A_1704 = arith.addi %squeeze3A_1600, %add3A_1703 : i32
        %get3A_1705 = arith.index_cast %add3A_1704 : i32 to index
        %get3A_1706 = tpu.vector_load %arg13[%get3A_1705] {strides = array<i32>} : memref<40192xf32, #tpu.memory_space<vmem>>, vector<16xf32>,
        %mul3A_1707 = vector.broadcast %squeeze3A_1602 : f32 to vector<16xf32>
        %mul3A_1708 = arith.mulf %mul3A_1707, %get3A_17 : vector<16xf32>
        %mul3A_1709 = vector.broadcast %squeeze3A_1604 : f32 to vector<16xf32>
        %mul3A_1710 = arith.mulf %mul3A_1709, %get3A_33 : vector<16xf32>
        %add3A_1711 = arith.addf %mul3A_1708, %mul3A_1710 : vector<16xf32>
        %max3A_1712 = arith.maximumf %get3A_1706, %add3A_1711 : vector<16xf32>
        %add3A_1713 = arith.constant 112 : i32
        %add3A_1714 = arith.addi %squeeze3A_1600, %add3A_1713 : i32
        %swap3A_1715 = arith.index_cast %add3A_1714 : i32 to index
        %swap3A_1716 = tpu.vector_load %arg13[%swap3A_1715] {strides = array<i32>} : memref<40192xf32, #tpu.memory_space<vmem>>, vector<16xf32>,
        tpu.vector_store %arg13[%swap3A_1715], %max3A_1712 {strides = array<i32>} : memref<40192xf32, #tpu.memory_space<vmem>>, vector<16xf32>,
        %slice3A_1717 = vector.extract_strided_slice %mul3A_185 {offsets = [13], sizes = [1], strides = [1]} : vector<16xi32> to vector<1xi32>
        %squeeze3A_1718 = vector.extract %slice3A_1717[0] : i32 from vector<1xi32>
        %slice3A_1719 = vector.extract_strided_slice %gather3A_180 {offsets = [13], sizes = [1], strides = [1]} : vector<16xf32> to vector<1xf32>
        %squeeze3A_1720 = vector.extract %slice3A_1719[0] : f32 from vector<1xf32>
        %slice3A_1721 = vector.extract_strided_slice %gather3A_179 {offsets = [13], sizes = [1], strides = [1]} : vector<16xf32> to vector<1xf32>
        %squeeze3A_1722 = vector.extract %slice3A_1721[0] : f32 from vector<1xf32>
        %add3A_1723 = arith.constant 0 : i32
        %add3A_1724 = arith.addi %squeeze3A_1718, %add3A_1723 : i32
        %get3A_1725 = arith.index_cast %add3A_1724 : i32 to index
        %get3A_1726 = tpu.vector_load %arg13[%get3A_1725] {strides = array<i32>} : memref<40192xf32, #tpu.memory_space<vmem>>, vector<16xf32>,
        %mul3A_1727 = vector.broadcast %squeeze3A_1720 : f32 to vector<16xf32>
        %mul3A_1728 = arith.mulf %mul3A_1727, %get3A_3 : vector<16xf32>
        %mul3A_1729 = vector.broadcast %squeeze3A_1722 : f32 to vector<16xf32>
        %mul3A_1730 = arith.mulf %mul3A_1729, %get3A_19 : vector<16xf32>
        %add3A_1731 = arith.addf %mul3A_1728, %mul3A_1730 : vector<16xf32>
        %max3A_1732 = arith.maximumf %get3A_1726, %add3A_1731 : vector<16xf32>
        %add3A_1733 = arith.constant 0 : i32
        %add3A_1734 = arith.addi %squeeze3A_1718, %add3A_1733 : i32
        %swap3A_1735 = arith.index_cast %add3A_1734 : i32 to index
        %swap3A_1736 = tpu.vector_load %arg13[%swap3A_1735] {strides = array<i32>} : memref<40192xf32, #tpu.memory_space<vmem>>, vector<16xf32>,
        tpu.vector_store %arg13[%swap3A_1735], %max3A_1732 {strides = array<i32>} : memref<40192xf32, #tpu.memory_space<vmem>>, vector<16xf32>,
        %add3A_1737 = arith.constant 16 : i32
        %add3A_1738 = arith.addi %squeeze3A_1718, %add3A_1737 : i32
        %get3A_1739 = arith.index_cast %add3A_1738 : i32 to index
        %get3A_1740 = tpu.vector_load %arg13[%get3A_1739] {strides = array<i32>} : memref<40192xf32, #tpu.memory_space<vmem>>, vector<16xf32>,
        %mul3A_1741 = vector.broadcast %squeeze3A_1720 : f32 to vector<16xf32>
        %mul3A_1742 = arith.mulf %mul3A_1741, %get3A_5 : vector<16xf32>
        %mul3A_1743 = vector.broadcast %squeeze3A_1722 : f32 to vector<16xf32>
        %mul3A_1744 = arith.mulf %mul3A_1743, %get3A_21 : vector<16xf32>
        %add3A_1745 = arith.addf %mul3A_1742, %mul3A_1744 : vector<16xf32>
        %max3A_1746 = arith.maximumf %get3A_1740, %add3A_1745 : vector<16xf32>
        %add3A_1747 = arith.constant 16 : i32
        %add3A_1748 = arith.addi %squeeze3A_1718, %add3A_1747 : i32
        %swap3A_1749 = arith.index_cast %add3A_1748 : i32 to index
        %swap3A_1750 = tpu.vector_load %arg13[%swap3A_1749] {strides = array<i32>} : memref<40192xf32, #tpu.memory_space<vmem>>, vector<16xf32>,
        tpu.vector_store %arg13[%swap3A_1749], %max3A_1746 {strides = array<i32>} : memref<40192xf32, #tpu.memory_space<vmem>>, vector<16xf32>,
        %add3A_1751 = arith.constant 32 : i32
        %add3A_1752 = arith.addi %squeeze3A_1718, %add3A_1751 : i32
        %get3A_1753 = arith.index_cast %add3A_1752 : i32 to index
        %get3A_1754 = tpu.vector_load %arg13[%get3A_1753] {strides = array<i32>} : memref<40192xf32, #tpu.memory_space<vmem>>, vector<16xf32>,
        %mul3A_1755 = vector.broadcast %squeeze3A_1720 : f32 to vector<16xf32>
        %mul3A_1756 = arith.mulf %mul3A_1755, %get3A_7 : vector<16xf32>
        %mul3A_1757 = vector.broadcast %squeeze3A_1722 : f32 to vector<16xf32>
        %mul3A_1758 = arith.mulf %mul3A_1757, %get3A_23 : vector<16xf32>
        %add3A_1759 = arith.addf %mul3A_1756, %mul3A_1758 : vector<16xf32>
        %max3A_1760 = arith.maximumf %get3A_1754, %add3A_1759 : vector<16xf32>
        %add3A_1761 = arith.constant 32 : i32
        %add3A_1762 = arith.addi %squeeze3A_1718, %add3A_1761 : i32
        %swap3A_1763 = arith.index_cast %add3A_1762 : i32 to index
        %swap3A_1764 = tpu.vector_load %arg13[%swap3A_1763] {strides = array<i32>} : memref<40192xf32, #tpu.memory_space<vmem>>, vector<16xf32>,
        tpu.vector_store %arg13[%swap3A_1763], %max3A_1760 {strides = array<i32>} : memref<40192xf32, #tpu.memory_space<vmem>>, vector<16xf32>,
        %add3A_1765 = arith.constant 48 : i32
        %add3A_1766 = arith.addi %squeeze3A_1718, %add3A_1765 : i32
        %get3A_1767 = arith.index_cast %add3A_1766 : i32 to index
        %get3A_1768 = tpu.vector_load %arg13[%get3A_1767] {strides = array<i32>} : memref<40192xf32, #tpu.memory_space<vmem>>, vector<16xf32>,
        %mul3A_1769 = vector.broadcast %squeeze3A_1720 : f32 to vector<16xf32>
        %mul3A_1770 = arith.mulf %mul3A_1769, %get3A_9 : vector<16xf32>
        %mul3A_1771 = vector.broadcast %squeeze3A_1722 : f32 to vector<16xf32>
        %mul3A_1772 = arith.mulf %mul3A_1771, %get3A_25 : vector<16xf32>
        %add3A_1773 = arith.addf %mul3A_1770, %mul3A_1772 : vector<16xf32>
        %max3A_1774 = arith.maximumf %get3A_1768, %add3A_1773 : vector<16xf32>
        %add3A_1775 = arith.constant 48 : i32
        %add3A_1776 = arith.addi %squeeze3A_1718, %add3A_1775 : i32
        %swap3A_1777 = arith.index_cast %add3A_1776 : i32 to index
        %swap3A_1778 = tpu.vector_load %arg13[%swap3A_1777] {strides = array<i32>} : memref<40192xf32, #tpu.memory_space<vmem>>, vector<16xf32>,
        tpu.vector_store %arg13[%swap3A_1777], %max3A_1774 {strides = array<i32>} : memref<40192xf32, #tpu.memory_space<vmem>>, vector<16xf32>,
        %add3A_1779 = arith.constant 64 : i32
        %add3A_1780 = arith.addi %squeeze3A_1718, %add3A_1779 : i32
        %get3A_1781 = arith.index_cast %add3A_1780 : i32 to index
        %get3A_1782 = tpu.vector_load %arg13[%get3A_1781] {strides = array<i32>} : memref<40192xf32, #tpu.memory_space<vmem>>, vector<16xf32>,
        %mul3A_1783 = vector.broadcast %squeeze3A_1720 : f32 to vector<16xf32>
        %mul3A_1784 = arith.mulf %mul3A_1783, %get3A_11 : vector<16xf32>
        %mul3A_1785 = vector.broadcast %squeeze3A_1722 : f32 to vector<16xf32>
        %mul3A_1786 = arith.mulf %mul3A_1785, %get3A_27 : vector<16xf32>
        %add3A_1787 = arith.addf %mul3A_1784, %mul3A_1786 : vector<16xf32>
        %max3A_1788 = arith.maximumf %get3A_1782, %add3A_1787 : vector<16xf32>
        %add3A_1789 = arith.constant 64 : i32
        %add3A_1790 = arith.addi %squeeze3A_1718, %add3A_1789 : i32
        %swap3A_1791 = arith.index_cast %add3A_1790 : i32 to index
        %swap3A_1792 = tpu.vector_load %arg13[%swap3A_1791] {strides = array<i32>} : memref<40192xf32, #tpu.memory_space<vmem>>, vector<16xf32>,
        tpu.vector_store %arg13[%swap3A_1791], %max3A_1788 {strides = array<i32>} : memref<40192xf32, #tpu.memory_space<vmem>>, vector<16xf32>,
        %add3A_1793 = arith.constant 80 : i32
        %add3A_1794 = arith.addi %squeeze3A_1718, %add3A_1793 : i32
        %get3A_1795 = arith.index_cast %add3A_1794 : i32 to index
        %get3A_1796 = tpu.vector_load %arg13[%get3A_1795] {strides = array<i32>} : memref<40192xf32, #tpu.memory_space<vmem>>, vector<16xf32>,
        %mul3A_1797 = vector.broadcast %squeeze3A_1720 : f32 to vector<16xf32>
        %mul3A_1798 = arith.mulf %mul3A_1797, %get3A_13 : vector<16xf32>
        %mul3A_1799 = vector.broadcast %squeeze3A_1722 : f32 to vector<16xf32>
        %mul3A_1800 = arith.mulf %mul3A_1799, %get3A_29 : vector<16xf32>
        %add3A_1801 = arith.addf %mul3A_1798, %mul3A_1800 : vector<16xf32>
        %max3A_1802 = arith.maximumf %get3A_1796, %add3A_1801 : vector<16xf32>
        %add3A_1803 = arith.constant 80 : i32
        %add3A_1804 = arith.addi %squeeze3A_1718, %add3A_1803 : i32
        %swap3A_1805 = arith.index_cast %add3A_1804 : i32 to index
        %swap3A_1806 = tpu.vector_load %arg13[%swap3A_1805] {strides = array<i32>} : memref<40192xf32, #tpu.memory_space<vmem>>, vector<16xf32>,
        tpu.vector_store %arg13[%swap3A_1805], %max3A_1802 {strides = array<i32>} : memref<40192xf32, #tpu.memory_space<vmem>>, vector<16xf32>,
        %add3A_1807 = arith.constant 96 : i32
        %add3A_1808 = arith.addi %squeeze3A_1718, %add3A_1807 : i32
        %get3A_1809 = arith.index_cast %add3A_1808 : i32 to index
        %get3A_1810 = tpu.vector_load %arg13[%get3A_1809] {strides = array<i32>} : memref<40192xf32, #tpu.memory_space<vmem>>, vector<16xf32>,
        %mul3A_1811 = vector.broadcast %squeeze3A_1720 : f32 to vector<16xf32>
        %mul3A_1812 = arith.mulf %mul3A_1811, %get3A_15 : vector<16xf32>
        %mul3A_1813 = vector.broadcast %squeeze3A_1722 : f32 to vector<16xf32>
        %mul3A_1814 = arith.mulf %mul3A_1813, %get3A_31 : vector<16xf32>
        %add3A_1815 = arith.addf %mul3A_1812, %mul3A_1814 : vector<16xf32>
        %max3A_1816 = arith.maximumf %get3A_1810, %add3A_1815 : vector<16xf32>
        %add3A_1817 = arith.constant 96 : i32
        %add3A_1818 = arith.addi %squeeze3A_1718, %add3A_1817 : i32
        %swap3A_1819 = arith.index_cast %add3A_1818 : i32 to index
        %swap3A_1820 = tpu.vector_load %arg13[%swap3A_1819] {strides = array<i32>} : memref<40192xf32, #tpu.memory_space<vmem>>, vector<16xf32>,
        tpu.vector_store %arg13[%swap3A_1819], %max3A_1816 {strides = array<i32>} : memref<40192xf32, #tpu.memory_space<vmem>>, vector<16xf32>,
        %add3A_1821 = arith.constant 112 : i32
        %add3A_1822 = arith.addi %squeeze3A_1718, %add3A_1821 : i32
        %get3A_1823 = arith.index_cast %add3A_1822 : i32 to index
        %get3A_1824 = tpu.vector_load %arg13[%get3A_1823] {strides = array<i32>} : memref<40192xf32, #tpu.memory_space<vmem>>, vector<16xf32>,
        %mul3A_1825 = vector.broadcast %squeeze3A_1720 : f32 to vector<16xf32>
        %mul3A_1826 = arith.mulf %mul3A_1825, %get3A_17 : vector<16xf32>
        %mul3A_1827 = vector.broadcast %squeeze3A_1722 : f32 to vector<16xf32>
        %mul3A_1828 = arith.mulf %mul3A_1827, %get3A_33 : vector<16xf32>
        %add3A_1829 = arith.addf %mul3A_1826, %mul3A_1828 : vector<16xf32>
        %max3A_1830 = arith.maximumf %get3A_1824, %add3A_1829 : vector<16xf32>
        %add3A_1831 = arith.constant 112 : i32
        %add3A_1832 = arith.addi %squeeze3A_1718, %add3A_1831 : i32
        %swap3A_1833 = arith.index_cast %add3A_1832 : i32 to index
        %swap3A_1834 = tpu.vector_load %arg13[%swap3A_1833] {strides = array<i32>} : memref<40192xf32, #tpu.memory_space<vmem>>, vector<16xf32>,
        tpu.vector_store %arg13[%swap3A_1833], %max3A_1830 {strides = array<i32>} : memref<40192xf32, #tpu.memory_space<vmem>>, vector<16xf32>,
        %slice3A_1835 = vector.extract_strided_slice %mul3A_185 {offsets = [14], sizes = [1], strides = [1]} : vector<16xi32> to vector<1xi32>
        %squeeze3A_1836 = vector.extract %slice3A_1835[0] : i32 from vector<1xi32>
        %slice3A_1837 = vector.extract_strided_slice %gather3A_180 {offsets = [14], sizes = [1], strides = [1]} : vector<16xf32> to vector<1xf32>
        %squeeze3A_1838 = vector.extract %slice3A_1837[0] : f32 from vector<1xf32>
        %slice3A_1839 = vector.extract_strided_slice %gather3A_179 {offsets = [14], sizes = [1], strides = [1]} : vector<16xf32> to vector<1xf32>
        %squeeze3A_1840 = vector.extract %slice3A_1839[0] : f32 from vector<1xf32>
        %add3A_1841 = arith.constant 0 : i32
        %add3A_1842 = arith.addi %squeeze3A_1836, %add3A_1841 : i32
        %get3A_1843 = arith.index_cast %add3A_1842 : i32 to index
        %get3A_1844 = tpu.vector_load %arg13[%get3A_1843] {strides = array<i32>} : memref<40192xf32, #tpu.memory_space<vmem>>, vector<16xf32>,
        %mul3A_1845 = vector.broadcast %squeeze3A_1838 : f32 to vector<16xf32>
        %mul3A_1846 = arith.mulf %mul3A_1845, %get3A_3 : vector<16xf32>
        %mul3A_1847 = vector.broadcast %squeeze3A_1840 : f32 to vector<16xf32>
        %mul3A_1848 = arith.mulf %mul3A_1847, %get3A_19 : vector<16xf32>
        %add3A_1849 = arith.addf %mul3A_1846, %mul3A_1848 : vector<16xf32>
        %max3A_1850 = arith.maximumf %get3A_1844, %add3A_1849 : vector<16xf32>
        %add3A_1851 = arith.constant 0 : i32
        %add3A_1852 = arith.addi %squeeze3A_1836, %add3A_1851 : i32
        %swap3A_1853 = arith.index_cast %add3A_1852 : i32 to index
        %swap3A_1854 = tpu.vector_load %arg13[%swap3A_1853] {strides = array<i32>} : memref<40192xf32, #tpu.memory_space<vmem>>, vector<16xf32>,
        tpu.vector_store %arg13[%swap3A_1853], %max3A_1850 {strides = array<i32>} : memref<40192xf32, #tpu.memory_space<vmem>>, vector<16xf32>,
        %add3A_1855 = arith.constant 16 : i32
        %add3A_1856 = arith.addi %squeeze3A_1836, %add3A_1855 : i32
        %get3A_1857 = arith.index_cast %add3A_1856 : i32 to index
        %get3A_1858 = tpu.vector_load %arg13[%get3A_1857] {strides = array<i32>} : memref<40192xf32, #tpu.memory_space<vmem>>, vector<16xf32>,
        %mul3A_1859 = vector.broadcast %squeeze3A_1838 : f32 to vector<16xf32>
        %mul3A_1860 = arith.mulf %mul3A_1859, %get3A_5 : vector<16xf32>
        %mul3A_1861 = vector.broadcast %squeeze3A_1840 : f32 to vector<16xf32>
        %mul3A_1862 = arith.mulf %mul3A_1861, %get3A_21 : vector<16xf32>
        %add3A_1863 = arith.addf %mul3A_1860, %mul3A_1862 : vector<16xf32>
        %max3A_1864 = arith.maximumf %get3A_1858, %add3A_1863 : vector<16xf32>
        %add3A_1865 = arith.constant 16 : i32
        %add3A_1866 = arith.addi %squeeze3A_1836, %add3A_1865 : i32
        %swap3A_1867 = arith.index_cast %add3A_1866 : i32 to index
        %swap3A_1868 = tpu.vector_load %arg13[%swap3A_1867] {strides = array<i32>} : memref<40192xf32, #tpu.memory_space<vmem>>, vector<16xf32>,
        tpu.vector_store %arg13[%swap3A_1867], %max3A_1864 {strides = array<i32>} : memref<40192xf32, #tpu.memory_space<vmem>>, vector<16xf32>,
        %add3A_1869 = arith.constant 32 : i32
        %add3A_1870 = arith.addi %squeeze3A_1836, %add3A_1869 : i32
        %get3A_1871 = arith.index_cast %add3A_1870 : i32 to index
        %get3A_1872 = tpu.vector_load %arg13[%get3A_1871] {strides = array<i32>} : memref<40192xf32, #tpu.memory_space<vmem>>, vector<16xf32>,
        %mul3A_1873 = vector.broadcast %squeeze3A_1838 : f32 to vector<16xf32>
        %mul3A_1874 = arith.mulf %mul3A_1873, %get3A_7 : vector<16xf32>
        %mul3A_1875 = vector.broadcast %squeeze3A_1840 : f32 to vector<16xf32>
        %mul3A_1876 = arith.mulf %mul3A_1875, %get3A_23 : vector<16xf32>
        %add3A_1877 = arith.addf %mul3A_1874, %mul3A_1876 : vector<16xf32>
        %max3A_1878 = arith.maximumf %get3A_1872, %add3A_1877 : vector<16xf32>
        %add3A_1879 = arith.constant 32 : i32
        %add3A_1880 = arith.addi %squeeze3A_1836, %add3A_1879 : i32
        %swap3A_1881 = arith.index_cast %add3A_1880 : i32 to index
        %swap3A_1882 = tpu.vector_load %arg13[%swap3A_1881] {strides = array<i32>} : memref<40192xf32, #tpu.memory_space<vmem>>, vector<16xf32>,
        tpu.vector_store %arg13[%swap3A_1881], %max3A_1878 {strides = array<i32>} : memref<40192xf32, #tpu.memory_space<vmem>>, vector<16xf32>,
        %add3A_1883 = arith.constant 48 : i32
        %add3A_1884 = arith.addi %squeeze3A_1836, %add3A_1883 : i32
        %get3A_1885 = arith.index_cast %add3A_1884 : i32 to index
        %get3A_1886 = tpu.vector_load %arg13[%get3A_1885] {strides = array<i32>} : memref<40192xf32, #tpu.memory_space<vmem>>, vector<16xf32>,
        %mul3A_1887 = vector.broadcast %squeeze3A_1838 : f32 to vector<16xf32>
        %mul3A_1888 = arith.mulf %mul3A_1887, %get3A_9 : vector<16xf32>
        %mul3A_1889 = vector.broadcast %squeeze3A_1840 : f32 to vector<16xf32>
        %mul3A_1890 = arith.mulf %mul3A_1889, %get3A_25 : vector<16xf32>
        %add3A_1891 = arith.addf %mul3A_1888, %mul3A_1890 : vector<16xf32>
        %max3A_1892 = arith.maximumf %get3A_1886, %add3A_1891 : vector<16xf32>
        %add3A_1893 = arith.constant 48 : i32
        %add3A_1894 = arith.addi %squeeze3A_1836, %add3A_1893 : i32
        %swap3A_1895 = arith.index_cast %add3A_1894 : i32 to index
        %swap3A_1896 = tpu.vector_load %arg13[%swap3A_1895] {strides = array<i32>} : memref<40192xf32, #tpu.memory_space<vmem>>, vector<16xf32>,
        tpu.vector_store %arg13[%swap3A_1895], %max3A_1892 {strides = array<i32>} : memref<40192xf32, #tpu.memory_space<vmem>>, vector<16xf32>,
        %add3A_1897 = arith.constant 64 : i32
        %add3A_1898 = arith.addi %squeeze3A_1836, %add3A_1897 : i32
        %get3A_1899 = arith.index_cast %add3A_1898 : i32 to index
        %get3A_1900 = tpu.vector_load %arg13[%get3A_1899] {strides = array<i32>} : memref<40192xf32, #tpu.memory_space<vmem>>, vector<16xf32>,
        %mul3A_1901 = vector.broadcast %squeeze3A_1838 : f32 to vector<16xf32>
        %mul3A_1902 = arith.mulf %mul3A_1901, %get3A_11 : vector<16xf32>
        %mul3A_1903 = vector.broadcast %squeeze3A_1840 : f32 to vector<16xf32>
        %mul3A_1904 = arith.mulf %mul3A_1903, %get3A_27 : vector<16xf32>
        %add3A_1905 = arith.addf %mul3A_1902, %mul3A_1904 : vector<16xf32>
        %max3A_1906 = arith.maximumf %get3A_1900, %add3A_1905 : vector<16xf32>
        %add3A_1907 = arith.constant 64 : i32
        %add3A_1908 = arith.addi %squeeze3A_1836, %add3A_1907 : i32
        %swap3A_1909 = arith.index_cast %add3A_1908 : i32 to index
        %swap3A_1910 = tpu.vector_load %arg13[%swap3A_1909] {strides = array<i32>} : memref<40192xf32, #tpu.memory_space<vmem>>, vector<16xf32>,
        tpu.vector_store %arg13[%swap3A_1909], %max3A_1906 {strides = array<i32>} : memref<40192xf32, #tpu.memory_space<vmem>>, vector<16xf32>,
        %add3A_1911 = arith.constant 80 : i32
        %add3A_1912 = arith.addi %squeeze3A_1836, %add3A_1911 : i32
        %get3A_1913 = arith.index_cast %add3A_1912 : i32 to index
        %get3A_1914 = tpu.vector_load %arg13[%get3A_1913] {strides = array<i32>} : memref<40192xf32, #tpu.memory_space<vmem>>, vector<16xf32>,
        %mul3A_1915 = vector.broadcast %squeeze3A_1838 : f32 to vector<16xf32>
        %mul3A_1916 = arith.mulf %mul3A_1915, %get3A_13 : vector<16xf32>
        %mul3A_1917 = vector.broadcast %squeeze3A_1840 : f32 to vector<16xf32>
        %mul3A_1918 = arith.mulf %mul3A_1917, %get3A_29 : vector<16xf32>
        %add3A_1919 = arith.addf %mul3A_1916, %mul3A_1918 : vector<16xf32>
        %max3A_1920 = arith.maximumf %get3A_1914, %add3A_1919 : vector<16xf32>
        %add3A_1921 = arith.constant 80 : i32
        %add3A_1922 = arith.addi %squeeze3A_1836, %add3A_1921 : i32
        %swap3A_1923 = arith.index_cast %add3A_1922 : i32 to index
        %swap3A_1924 = tpu.vector_load %arg13[%swap3A_1923] {strides = array<i32>} : memref<40192xf32, #tpu.memory_space<vmem>>, vector<16xf32>,
        tpu.vector_store %arg13[%swap3A_1923], %max3A_1920 {strides = array<i32>} : memref<40192xf32, #tpu.memory_space<vmem>>, vector<16xf32>,
        %add3A_1925 = arith.constant 96 : i32
        %add3A_1926 = arith.addi %squeeze3A_1836, %add3A_1925 : i32
        %get3A_1927 = arith.index_cast %add3A_1926 : i32 to index
        %get3A_1928 = tpu.vector_load %arg13[%get3A_1927] {strides = array<i32>} : memref<40192xf32, #tpu.memory_space<vmem>>, vector<16xf32>,
        %mul3A_1929 = vector.broadcast %squeeze3A_1838 : f32 to vector<16xf32>
        %mul3A_1930 = arith.mulf %mul3A_1929, %get3A_15 : vector<16xf32>
        %mul3A_1931 = vector.broadcast %squeeze3A_1840 : f32 to vector<16xf32>
        %mul3A_1932 = arith.mulf %mul3A_1931, %get3A_31 : vector<16xf32>
        %add3A_1933 = arith.addf %mul3A_1930, %mul3A_1932 : vector<16xf32>
        %max3A_1934 = arith.maximumf %get3A_1928, %add3A_1933 : vector<16xf32>
        %add3A_1935 = arith.constant 96 : i32
        %add3A_1936 = arith.addi %squeeze3A_1836, %add3A_1935 : i32
        %swap3A_1937 = arith.index_cast %add3A_1936 : i32 to index
        %swap3A_1938 = tpu.vector_load %arg13[%swap3A_1937] {strides = array<i32>} : memref<40192xf32, #tpu.memory_space<vmem>>, vector<16xf32>,
        tpu.vector_store %arg13[%swap3A_1937], %max3A_1934 {strides = array<i32>} : memref<40192xf32, #tpu.memory_space<vmem>>, vector<16xf32>,
        %add3A_1939 = arith.constant 112 : i32
        %add3A_1940 = arith.addi %squeeze3A_1836, %add3A_1939 : i32
        %get3A_1941 = arith.index_cast %add3A_1940 : i32 to index
        %get3A_1942 = tpu.vector_load %arg13[%get3A_1941] {strides = array<i32>} : memref<40192xf32, #tpu.memory_space<vmem>>, vector<16xf32>,
        %mul3A_1943 = vector.broadcast %squeeze3A_1838 : f32 to vector<16xf32>
        %mul3A_1944 = arith.mulf %mul3A_1943, %get3A_17 : vector<16xf32>
        %mul3A_1945 = vector.broadcast %squeeze3A_1840 : f32 to vector<16xf32>
        %mul3A_1946 = arith.mulf %mul3A_1945, %get3A_33 : vector<16xf32>
        %add3A_1947 = arith.addf %mul3A_1944, %mul3A_1946 : vector<16xf32>
        %max3A_1948 = arith.maximumf %get3A_1942, %add3A_1947 : vector<16xf32>
        %add3A_1949 = arith.constant 112 : i32
        %add3A_1950 = arith.addi %squeeze3A_1836, %add3A_1949 : i32
        %swap3A_1951 = arith.index_cast %add3A_1950 : i32 to index
        %swap3A_1952 = tpu.vector_load %arg13[%swap3A_1951] {strides = array<i32>} : memref<40192xf32, #tpu.memory_space<vmem>>, vector<16xf32>,
        tpu.vector_store %arg13[%swap3A_1951], %max3A_1948 {strides = array<i32>} : memref<40192xf32, #tpu.memory_space<vmem>>, vector<16xf32>,
        %slice3A_1953 = vector.extract_strided_slice %mul3A_185 {offsets = [15], sizes = [1], strides = [1]} : vector<16xi32> to vector<1xi32>
        %squeeze3A_1954 = vector.extract %slice3A_1953[0] : i32 from vector<1xi32>
        %slice3A_1955 = vector.extract_strided_slice %gather3A_180 {offsets = [15], sizes = [1], strides = [1]} : vector<16xf32> to vector<1xf32>
        %squeeze3A_1956 = vector.extract %slice3A_1955[0] : f32 from vector<1xf32>
        %slice3A_1957 = vector.extract_strided_slice %gather3A_179 {offsets = [15], sizes = [1], strides = [1]} : vector<16xf32> to vector<1xf32>
        %squeeze3A_1958 = vector.extract %slice3A_1957[0] : f32 from vector<1xf32>
        %add3A_1959 = arith.constant 0 : i32
        %add3A_1960 = arith.addi %squeeze3A_1954, %add3A_1959 : i32
        %get3A_1961 = arith.index_cast %add3A_1960 : i32 to index
        %get3A_1962 = tpu.vector_load %arg13[%get3A_1961] {strides = array<i32>} : memref<40192xf32, #tpu.memory_space<vmem>>, vector<16xf32>,
        %mul3A_1963 = vector.broadcast %squeeze3A_1956 : f32 to vector<16xf32>
        %mul3A_1964 = arith.mulf %mul3A_1963, %get3A_3 : vector<16xf32>
        %mul3A_1965 = vector.broadcast %squeeze3A_1958 : f32 to vector<16xf32>
        %mul3A_1966 = arith.mulf %mul3A_1965, %get3A_19 : vector<16xf32>
        %add3A_1967 = arith.addf %mul3A_1964, %mul3A_1966 : vector<16xf32>
        %max3A_1968 = arith.maximumf %get3A_1962, %add3A_1967 : vector<16xf32>
        %add3A_1969 = arith.constant 0 : i32
        %add3A_1970 = arith.addi %squeeze3A_1954, %add3A_1969 : i32
        %swap3A_1971 = arith.index_cast %add3A_1970 : i32 to index
        %swap3A_1972 = tpu.vector_load %arg13[%swap3A_1971] {strides = array<i32>} : memref<40192xf32, #tpu.memory_space<vmem>>, vector<16xf32>,
        tpu.vector_store %arg13[%swap3A_1971], %max3A_1968 {strides = array<i32>} : memref<40192xf32, #tpu.memory_space<vmem>>, vector<16xf32>,
        %add3A_1973 = arith.constant 16 : i32
        %add3A_1974 = arith.addi %squeeze3A_1954, %add3A_1973 : i32
        %get3A_1975 = arith.index_cast %add3A_1974 : i32 to index
        %get3A_1976 = tpu.vector_load %arg13[%get3A_1975] {strides = array<i32>} : memref<40192xf32, #tpu.memory_space<vmem>>, vector<16xf32>,
        %mul3A_1977 = vector.broadcast %squeeze3A_1956 : f32 to vector<16xf32>
        %mul3A_1978 = arith.mulf %mul3A_1977, %get3A_5 : vector<16xf32>
        %mul3A_1979 = vector.broadcast %squeeze3A_1958 : f32 to vector<16xf32>
        %mul3A_1980 = arith.mulf %mul3A_1979, %get3A_21 : vector<16xf32>
        %add3A_1981 = arith.addf %mul3A_1978, %mul3A_1980 : vector<16xf32>
        %max3A_1982 = arith.maximumf %get3A_1976, %add3A_1981 : vector<16xf32>
        %add3A_1983 = arith.constant 16 : i32
        %add3A_1984 = arith.addi %squeeze3A_1954, %add3A_1983 : i32
        %swap3A_1985 = arith.index_cast %add3A_1984 : i32 to index
        %swap3A_1986 = tpu.vector_load %arg13[%swap3A_1985] {strides = array<i32>} : memref<40192xf32, #tpu.memory_space<vmem>>, vector<16xf32>,
        tpu.vector_store %arg13[%swap3A_1985], %max3A_1982 {strides = array<i32>} : memref<40192xf32, #tpu.memory_space<vmem>>, vector<16xf32>,
        %add3A_1987 = arith.constant 32 : i32
        %add3A_1988 = arith.addi %squeeze3A_1954, %add3A_1987 : i32
        %get3A_1989 = arith.index_cast %add3A_1988 : i32 to index
        %get3A_1990 = tpu.vector_load %arg13[%get3A_1989] {strides = array<i32>} : memref<40192xf32, #tpu.memory_space<vmem>>, vector<16xf32>,
        %mul3A_1991 = vector.broadcast %squeeze3A_1956 : f32 to vector<16xf32>
        %mul3A_1992 = arith.mulf %mul3A_1991, %get3A_7 : vector<16xf32>
        %mul3A_1993 = vector.broadcast %squeeze3A_1958 : f32 to vector<16xf32>
        %mul3A_1994 = arith.mulf %mul3A_1993, %get3A_23 : vector<16xf32>
        %add3A_1995 = arith.addf %mul3A_1992, %mul3A_1994 : vector<16xf32>
        %max3A_1996 = arith.maximumf %get3A_1990, %add3A_1995 : vector<16xf32>
        %add3A_1997 = arith.constant 32 : i32
        %add3A_1998 = arith.addi %squeeze3A_1954, %add3A_1997 : i32
        %swap3A_1999 = arith.index_cast %add3A_1998 : i32 to index
        %swap3A_2000 = tpu.vector_load %arg13[%swap3A_1999] {strides = array<i32>} : memref<40192xf32, #tpu.memory_space<vmem>>, vector<16xf32>,
        tpu.vector_store %arg13[%swap3A_1999], %max3A_1996 {strides = array<i32>} : memref<40192xf32, #tpu.memory_space<vmem>>, vector<16xf32>,
        %add3A_2001 = arith.constant 48 : i32
        %add3A_2002 = arith.addi %squeeze3A_1954, %add3A_2001 : i32
        %get3A_2003 = arith.index_cast %add3A_2002 : i32 to index
        %get3A_2004 = tpu.vector_load %arg13[%get3A_2003] {strides = array<i32>} : memref<40192xf32, #tpu.memory_space<vmem>>, vector<16xf32>,
        %mul3A_2005 = vector.broadcast %squeeze3A_1956 : f32 to vector<16xf32>
        %mul3A_2006 = arith.mulf %mul3A_2005, %get3A_9 : vector<16xf32>
        %mul3A_2007 = vector.broadcast %squeeze3A_1958 : f32 to vector<16xf32>
        %mul3A_2008 = arith.mulf %mul3A_2007, %get3A_25 : vector<16xf32>
        %add3A_2009 = arith.addf %mul3A_2006, %mul3A_2008 : vector<16xf32>
        %max3A_2010 = arith.maximumf %get3A_2004, %add3A_2009 : vector<16xf32>
        %add3A_2011 = arith.constant 48 : i32
        %add3A_2012 = arith.addi %squeeze3A_1954, %add3A_2011 : i32
        %swap3A_2013 = arith.index_cast %add3A_2012 : i32 to index
        %swap3A_2014 = tpu.vector_load %arg13[%swap3A_2013] {strides = array<i32>} : memref<40192xf32, #tpu.memory_space<vmem>>, vector<16xf32>,
        tpu.vector_store %arg13[%swap3A_2013], %max3A_2010 {strides = array<i32>} : memref<40192xf32, #tpu.memory_space<vmem>>, vector<16xf32>,
        %add3A_2015 = arith.constant 64 : i32
        %add3A_2016 = arith.addi %squeeze3A_1954, %add3A_2015 : i32
        %get3A_2017 = arith.index_cast %add3A_2016 : i32 to index
        %get3A_2018 = tpu.vector_load %arg13[%get3A_2017] {strides = array<i32>} : memref<40192xf32, #tpu.memory_space<vmem>>, vector<16xf32>,
        %mul3A_2019 = vector.broadcast %squeeze3A_1956 : f32 to vector<16xf32>
        %mul3A_2020 = arith.mulf %mul3A_2019, %get3A_11 : vector<16xf32>
        %mul3A_2021 = vector.broadcast %squeeze3A_1958 : f32 to vector<16xf32>
        %mul3A_2022 = arith.mulf %mul3A_2021, %get3A_27 : vector<16xf32>
        %add3A_2023 = arith.addf %mul3A_2020, %mul3A_2022 : vector<16xf32>
        %max3A_2024 = arith.maximumf %get3A_2018, %add3A_2023 : vector<16xf32>
        %add3A_2025 = arith.constant 64 : i32
        %add3A_2026 = arith.addi %squeeze3A_1954, %add3A_2025 : i32
        %swap3A_2027 = arith.index_cast %add3A_2026 : i32 to index
        %swap3A_2028 = tpu.vector_load %arg13[%swap3A_2027] {strides = array<i32>} : memref<40192xf32, #tpu.memory_space<vmem>>, vector<16xf32>,
        tpu.vector_store %arg13[%swap3A_2027], %max3A_2024 {strides = array<i32>} : memref<40192xf32, #tpu.memory_space<vmem>>, vector<16xf32>,
        %add3A_2029 = arith.constant 80 : i32
        %add3A_2030 = arith.addi %squeeze3A_1954, %add3A_2029 : i32
        %get3A_2031 = arith.index_cast %add3A_2030 : i32 to index
        %get3A_2032 = tpu.vector_load %arg13[%get3A_2031] {strides = array<i32>} : memref<40192xf32, #tpu.memory_space<vmem>>, vector<16xf32>,
        %mul3A_2033 = vector.broadcast %squeeze3A_1956 : f32 to vector<16xf32>
        %mul3A_2034 = arith.mulf %mul3A_2033, %get3A_13 : vector<16xf32>
        %mul3A_2035 = vector.broadcast %squeeze3A_1958 : f32 to vector<16xf32>
        %mul3A_2036 = arith.mulf %mul3A_2035, %get3A_29 : vector<16xf32>
        %add3A_2037 = arith.addf %mul3A_2034, %mul3A_2036 : vector<16xf32>
        %max3A_2038 = arith.maximumf %get3A_2032, %add3A_2037 : vector<16xf32>
        %add3A_2039 = arith.constant 80 : i32
        %add3A_2040 = arith.addi %squeeze3A_1954, %add3A_2039 : i32
        %swap3A_2041 = arith.index_cast %add3A_2040 : i32 to index
        %swap3A_2042 = tpu.vector_load %arg13[%swap3A_2041] {strides = array<i32>} : memref<40192xf32, #tpu.memory_space<vmem>>, vector<16xf32>,
        tpu.vector_store %arg13[%swap3A_2041], %max3A_2038 {strides = array<i32>} : memref<40192xf32, #tpu.memory_space<vmem>>, vector<16xf32>,
        %add3A_2043 = arith.constant 96 : i32
        %add3A_2044 = arith.addi %squeeze3A_1954, %add3A_2043 : i32
        %get3A_2045 = arith.index_cast %add3A_2044 : i32 to index
        %get3A_2046 = tpu.vector_load %arg13[%get3A_2045] {strides = array<i32>} : memref<40192xf32, #tpu.memory_space<vmem>>, vector<16xf32>,
        %mul3A_2047 = vector.broadcast %squeeze3A_1956 : f32 to vector<16xf32>
        %mul3A_2048 = arith.mulf %mul3A_2047, %get3A_15 : vector<16xf32>
        %mul3A_2049 = vector.broadcast %squeeze3A_1958 : f32 to vector<16xf32>
        %mul3A_2050 = arith.mulf %mul3A_2049, %get3A_31 : vector<16xf32>
        %add3A_2051 = arith.addf %mul3A_2048, %mul3A_2050 : vector<16xf32>
        %max3A_2052 = arith.maximumf %get3A_2046, %add3A_2051 : vector<16xf32>
        %add3A_2053 = arith.constant 96 : i32
        %add3A_2054 = arith.addi %squeeze3A_1954, %add3A_2053 : i32
        %swap3A_2055 = arith.index_cast %add3A_2054 : i32 to index
        %swap3A_2056 = tpu.vector_load %arg13[%swap3A_2055] {strides = array<i32>} : memref<40192xf32, #tpu.memory_space<vmem>>, vector<16xf32>,
        tpu.vector_store %arg13[%swap3A_2055], %max3A_2052 {strides = array<i32>} : memref<40192xf32, #tpu.memory_space<vmem>>, vector<16xf32>,
        %add3A_2057 = arith.constant 112 : i32
        %add3A_2058 = arith.addi %squeeze3A_1954, %add3A_2057 : i32
        %get3A_2059 = arith.index_cast %add3A_2058 : i32 to index
        %get3A_2060 = tpu.vector_load %arg13[%get3A_2059] {strides = array<i32>} : memref<40192xf32, #tpu.memory_space<vmem>>, vector<16xf32>,
        %mul3A_2061 = vector.broadcast %squeeze3A_1956 : f32 to vector<16xf32>
        %mul3A_2062 = arith.mulf %mul3A_2061, %get3A_17 : vector<16xf32>
        %mul3A_2063 = vector.broadcast %squeeze3A_1958 : f32 to vector<16xf32>
        %mul3A_2064 = arith.mulf %mul3A_2063, %get3A_33 : vector<16xf32>
        %add3A_2065 = arith.addf %mul3A_2062, %mul3A_2064 : vector<16xf32>
        %max3A_2066 = arith.maximumf %get3A_2060, %add3A_2065 : vector<16xf32>
        %add3A_2067 = arith.constant 112 : i32
        %add3A_2068 = arith.addi %squeeze3A_1954, %add3A_2067 : i32
        %swap3A_2069 = arith.index_cast %add3A_2068 : i32 to index
        %swap3A_2070 = tpu.vector_load %arg13[%swap3A_2069] {strides = array<i32>} : memref<40192xf32, #tpu.memory_space<vmem>>, vector<16xf32>,
        tpu.vector_store %arg13[%swap3A_2069], %max3A_2066 {strides = array<i32>} : memref<40192xf32, #tpu.memory_space<vmem>>, vector<16xf32>,
        %while3A_2071 = arith.constant 0 : i32
        scf.yield %while3A_2071 : i32
      }
      %while3A_169 = arith.constant 1 : i32
      %while3A_170 = scf.for %while3A_172 = %while3A_166 to %while3A_162 step %while3A_169 iter_args(%while3A_173 = %while3A_168) -> (i32)  : i32 {
        %mul3A_174 = arith.constant 16 : i32
        %mul3A_175 = arith.muli %while3A_172, %mul3A_174 : i32
        %get3A_176 = arith.index_cast %mul3A_175 : i32 to index
        %get3A_177 = tpu.vector_load %arg14[%get3A_176] {strides = array<i32>} : memref<6416xi32, #tpu.memory_space<vmem>>, vector<16xi32>,
        %gather3A = tpu.vector_load_idx %arg8[%get3A_177] : memref<12816xi32, #tpu.memory_space<vmem>>[vector<16xi32>], vector<16xi32>,
        %gather3A_178 = tpu.vector_load_idx %arg9[%get3A_177] : memref<12816xi32, #tpu.memory_space<vmem>>[vector<16xi32>], vector<16xi32>,
        %gather3A_179 = tpu.vector_load_idx %arg10[%get3A_177] : memref<12816xf32, #tpu.memory_space<vmem>>[vector<16xi32>], vector<16xf32>,
        %gather3A_180 = tpu.vector_load_idx %arg11[%gather3A_178] : memref<10016xf32, #tpu.memory_space<vmem>>[vector<16xi32>], vector<16xf32>,
        %sub3A_181 = vector.broadcast %mul3A_2 : i32 to vector<16xi32>
        %sub3A_182 = arith.subi %gather3A, %sub3A_181 : vector<16xi32>
        %mul3A_183 = arith.constant 128 : i32
        %mul3A_184 = vector.broadcast %mul3A_183 : i32 to vector<16xi32>
        %mul3A_185 = arith.muli %sub3A_182, %mul3A_184 : vector<16xi32>
        %slice3A = vector.extract_strided_slice %mul3A_185 {offsets = [0], sizes = [1], strides = [1]} : vector<16xi32> to vector<1xi32>
        %squeeze3A = vector.extract %slice3A[0] : i32 from vector<1xi32>
        %slice3A_186 = vector.extract_strided_slice %gather3A_180 {offsets = [0], sizes = [1], strides = [1]} : vector<16xf32> to vector<1xf32>
        %squeeze3A_187 = vector.extract %slice3A_186[0] : f32 from vector<1xf32>
        %slice3A_188 = vector.extract_strided_slice %gather3A_179 {offsets = [0], sizes = [1], strides = [1]} : vector<16xf32> to vector<1xf32>
        %squeeze3A_189 = vector.extract %slice3A_188[0] : f32 from vector<1xf32>
        %add3A_190 = arith.constant 0 : i32
        %add3A_191 = arith.addi %squeeze3A, %add3A_190 : i32
        %get3A_192 = arith.index_cast %add3A_191 : i32 to index
        %get3A_193 = tpu.vector_load %arg13[%get3A_192] {strides = array<i32>} : memref<40192xf32, #tpu.memory_space<vmem>>, vector<16xf32>,
        %mul3A_194 = vector.broadcast %squeeze3A_187 : f32 to vector<16xf32>
        %mul3A_195 = arith.mulf %mul3A_194, %get3A_3 : vector<16xf32>
        %mul3A_196 = vector.broadcast %squeeze3A_189 : f32 to vector<16xf32>
        %mul3A_197 = arith.mulf %mul3A_196, %get3A_19 : vector<16xf32>
        %add3A_198 = arith.addf %mul3A_195, %mul3A_197 : vector<16xf32>
        %max3A = arith.maximumf %get3A_193, %add3A_198 : vector<16xf32>
        %add3A_199 = arith.constant 0 : i32
        %add3A_200 = arith.addi %squeeze3A, %add3A_199 : i32
        %swap3A_201 = arith.index_cast %add3A_200 : i32 to index
        %swap3A_202 = tpu.vector_load %arg13[%swap3A_201] {strides = array<i32>} : memref<40192xf32, #tpu.memory_space<vmem>>, vector<16xf32>,
        tpu.vector_store %arg13[%swap3A_201], %max3A {strides = array<i32>} : memref<40192xf32, #tpu.memory_space<vmem>>, vector<16xf32>,
        %add3A_203 = arith.constant 16 : i32
        %add3A_204 = arith.addi %squeeze3A, %add3A_203 : i32
        %get3A_205 = arith.index_cast %add3A_204 : i32 to index
        %get3A_206 = tpu.vector_load %arg13[%get3A_205] {strides = array<i32>} : memref<40192xf32, #tpu.memory_space<vmem>>, vector<16xf32>,
        %mul3A_207 = vector.broadcast %squeeze3A_187 : f32 to vector<16xf32>
        %mul3A_208 = arith.mulf %mul3A_207, %get3A_5 : vector<16xf32>
        %mul3A_209 = vector.broadcast %squeeze3A_189 : f32 to vector<16xf32>
        %mul3A_210 = arith.mulf %mul3A_209, %get3A_21 : vector<16xf32>
        %add3A_211 = arith.addf %mul3A_208, %mul3A_210 : vector<16xf32>
        %max3A_212 = arith.maximumf %get3A_206, %add3A_211 : vector<16xf32>
        %add3A_213 = arith.constant 16 : i32
        %add3A_214 = arith.addi %squeeze3A, %add3A_213 : i32
        %swap3A_215 = arith.index_cast %add3A_214 : i32 to index
        %swap3A_216 = tpu.vector_load %arg13[%swap3A_215] {strides = array<i32>} : memref<40192xf32, #tpu.memory_space<vmem>>, vector<16xf32>,
        tpu.vector_store %arg13[%swap3A_215], %max3A_212 {strides = array<i32>} : memref<40192xf32, #tpu.memory_space<vmem>>, vector<16xf32>,
        %add3A_217 = arith.constant 32 : i32
        %add3A_218 = arith.addi %squeeze3A, %add3A_217 : i32
        %get3A_219 = arith.index_cast %add3A_218 : i32 to index
        %get3A_220 = tpu.vector_load %arg13[%get3A_219] {strides = array<i32>} : memref<40192xf32, #tpu.memory_space<vmem>>, vector<16xf32>,
        %mul3A_221 = vector.broadcast %squeeze3A_187 : f32 to vector<16xf32>
        %mul3A_222 = arith.mulf %mul3A_221, %get3A_7 : vector<16xf32>
        %mul3A_223 = vector.broadcast %squeeze3A_189 : f32 to vector<16xf32>
        %mul3A_224 = arith.mulf %mul3A_223, %get3A_23 : vector<16xf32>
        %add3A_225 = arith.addf %mul3A_222, %mul3A_224 : vector<16xf32>
        %max3A_226 = arith.maximumf %get3A_220, %add3A_225 : vector<16xf32>
        %add3A_227 = arith.constant 32 : i32
        %add3A_228 = arith.addi %squeeze3A, %add3A_227 : i32
        %swap3A_229 = arith.index_cast %add3A_228 : i32 to index
        %swap3A_230 = tpu.vector_load %arg13[%swap3A_229] {strides = array<i32>} : memref<40192xf32, #tpu.memory_space<vmem>>, vector<16xf32>,
        tpu.vector_store %arg13[%swap3A_229], %max3A_226 {strides = array<i32>} : memref<40192xf32, #tpu.memory_space<vmem>>, vector<16xf32>,
        %add3A_231 = arith.constant 48 : i32
        %add3A_232 = arith.addi %squeeze3A, %add3A_231 : i32
        %get3A_233 = arith.index_cast %add3A_232 : i32 to index
        %get3A_234 = tpu.vector_load %arg13[%get3A_233] {strides = array<i32>} : memref<40192xf32, #tpu.memory_space<vmem>>, vector<16xf32>,
        %mul3A_235 = vector.broadcast %squeeze3A_187 : f32 to vector<16xf32>
        %mul3A_236 = arith.mulf %mul3A_235, %get3A_9 : vector<16xf32>
        %mul3A_237 = vector.broadcast %squeeze3A_189 : f32 to vector<16xf32>
        %mul3A_238 = arith.mulf %mul3A_237, %get3A_25 : vector<16xf32>
        %add3A_239 = arith.addf %mul3A_236, %mul3A_238 : vector<16xf32>
        %max3A_240 = arith.maximumf %get3A_234, %add3A_239 : vector<16xf32>
        %add3A_241 = arith.constant 48 : i32
        %add3A_242 = arith.addi %squeeze3A, %add3A_241 : i32
        %swap3A_243 = arith.index_cast %add3A_242 : i32 to index
        %swap3A_244 = tpu.vector_load %arg13[%swap3A_243] {strides = array<i32>} : memref<40192xf32, #tpu.memory_space<vmem>>, vector<16xf32>,
        tpu.vector_store %arg13[%swap3A_243], %max3A_240 {strides = array<i32>} : memref<40192xf32, #tpu.memory_space<vmem>>, vector<16xf32>,
        %add3A_245 = arith.constant 64 : i32
        %add3A_246 = arith.addi %squeeze3A, %add3A_245 : i32
        %get3A_247 = arith.index_cast %add3A_246 : i32 to index
        %get3A_248 = tpu.vector_load %arg13[%get3A_247] {strides = array<i32>} : memref<40192xf32, #tpu.memory_space<vmem>>, vector<16xf32>,
        %mul3A_249 = vector.broadcast %squeeze3A_187 : f32 to vector<16xf32>
        %mul3A_250 = arith.mulf %mul3A_249, %get3A_11 : vector<16xf32>
        %mul3A_251 = vector.broadcast %squeeze3A_189 : f32 to vector<16xf32>
        %mul3A_252 = arith.mulf %mul3A_251, %get3A_27 : vector<16xf32>
        %add3A_253 = arith.addf %mul3A_250, %mul3A_252 : vector<16xf32>
        %max3A_254 = arith.maximumf %get3A_248, %add3A_253 : vector<16xf32>
        %add3A_255 = arith.constant 64 : i32
        %add3A_256 = arith.addi %squeeze3A, %add3A_255 : i32
        %swap3A_257 = arith.index_cast %add3A_256 : i32 to index
        %swap3A_258 = tpu.vector_load %arg13[%swap3A_257] {strides = array<i32>} : memref<40192xf32, #tpu.memory_space<vmem>>, vector<16xf32>,
        tpu.vector_store %arg13[%swap3A_257], %max3A_254 {strides = array<i32>} : memref<40192xf32, #tpu.memory_space<vmem>>, vector<16xf32>,
        %add3A_259 = arith.constant 80 : i32
        %add3A_260 = arith.addi %squeeze3A, %add3A_259 : i32
        %get3A_261 = arith.index_cast %add3A_260 : i32 to index
        %get3A_262 = tpu.vector_load %arg13[%get3A_261] {strides = array<i32>} : memref<40192xf32, #tpu.memory_space<vmem>>, vector<16xf32>,
        %mul3A_263 = vector.broadcast %squeeze3A_187 : f32 to vector<16xf32>
        %mul3A_264 = arith.mulf %mul3A_263, %get3A_13 : vector<16xf32>
        %mul3A_265 = vector.broadcast %squeeze3A_189 : f32 to vector<16xf32>
        %mul3A_266 = arith.mulf %mul3A_265, %get3A_29 : vector<16xf32>
        %add3A_267 = arith.addf %mul3A_264, %mul3A_266 : vector<16xf32>
        %max3A_268 = arith.maximumf %get3A_262, %add3A_267 : vector<16xf32>
        %add3A_269 = arith.constant 80 : i32
        %add3A_270 = arith.addi %squeeze3A, %add3A_269 : i32
        %swap3A_271 = arith.index_cast %add3A_270 : i32 to index
        %swap3A_272 = tpu.vector_load %arg13[%swap3A_271] {strides = array<i32>} : memref<40192xf32, #tpu.memory_space<vmem>>, vector<16xf32>,
        tpu.vector_store %arg13[%swap3A_271], %max3A_268 {strides = array<i32>} : memref<40192xf32, #tpu.memory_space<vmem>>, vector<16xf32>,
        %add3A_273 = arith.constant 96 : i32
        %add3A_274 = arith.addi %squeeze3A, %add3A_273 : i32
        %get3A_275 = arith.index_cast %add3A_274 : i32 to index
        %get3A_276 = tpu.vector_load %arg13[%get3A_275] {strides = array<i32>} : memref<40192xf32, #tpu.memory_space<vmem>>, vector<16xf32>,
        %mul3A_277 = vector.broadcast %squeeze3A_187 : f32 to vector<16xf32>
        %mul3A_278 = arith.mulf %mul3A_277, %get3A_15 : vector<16xf32>
        %mul3A_279 = vector.broadcast %squeeze3A_189 : f32 to vector<16xf32>
        %mul3A_280 = arith.mulf %mul3A_279, %get3A_31 : vector<16xf32>
        %add3A_281 = arith.addf %mul3A_278, %mul3A_280 : vector<16xf32>
        %max3A_282 = arith.maximumf %get3A_276, %add3A_281 : vector<16xf32>
        %add3A_283 = arith.constant 96 : i32
        %add3A_284 = arith.addi %squeeze3A, %add3A_283 : i32
        %swap3A_285 = arith.index_cast %add3A_284 : i32 to index
        %swap3A_286 = tpu.vector_load %arg13[%swap3A_285] {strides = array<i32>} : memref<40192xf32, #tpu.memory_space<vmem>>, vector<16xf32>,
        tpu.vector_store %arg13[%swap3A_285], %max3A_282 {strides = array<i32>} : memref<40192xf32, #tpu.memory_space<vmem>>, vector<16xf32>,
        %add3A_287 = arith.constant 112 : i32
        %add3A_288 = arith.addi %squeeze3A, %add3A_287 : i32
        %get3A_289 = arith.index_cast %add3A_288 : i32 to index
        %get3A_290 = tpu.vector_load %arg13[%get3A_289] {strides = array<i32>} : memref<40192xf32, #tpu.memory_space<vmem>>, vector<16xf32>,
        %mul3A_291 = vector.broadcast %squeeze3A_187 : f32 to vector<16xf32>
        %mul3A_292 = arith.mulf %mul3A_291, %get3A_17 : vector<16xf32>
        %mul3A_293 = vector.broadcast %squeeze3A_189 : f32 to vector<16xf32>
        %mul3A_294 = arith.mulf %mul3A_293, %get3A_33 : vector<16xf32>
        %add3A_295 = arith.addf %mul3A_292, %mul3A_294 : vector<16xf32>
        %max3A_296 = arith.maximumf %get3A_290, %add3A_295 : vector<16xf32>
        %add3A_297 = arith.constant 112 : i32
        %add3A_298 = arith.addi %squeeze3A, %add3A_297 : i32
        %swap3A_299 = arith.index_cast %add3A_298 : i32 to index
        %swap3A_300 = tpu.vector_load %arg13[%swap3A_299] {strides = array<i32>} : memref<40192xf32, #tpu.memory_space<vmem>>, vector<16xf32>,
        tpu.vector_store %arg13[%swap3A_299], %max3A_296 {strides = array<i32>} : memref<40192xf32, #tpu.memory_space<vmem>>, vector<16xf32>,
        %slice3A_301 = vector.extract_strided_slice %mul3A_185 {offsets = [1], sizes = [1], strides = [1]} : vector<16xi32> to vector<1xi32>
        %squeeze3A_302 = vector.extract %slice3A_301[0] : i32 from vector<1xi32>
        %slice3A_303 = vector.extract_strided_slice %gather3A_180 {offsets = [1], sizes = [1], strides = [1]} : vector<16xf32> to vector<1xf32>
        %squeeze3A_304 = vector.extract %slice3A_303[0] : f32 from vector<1xf32>
        %slice3A_305 = vector.extract_strided_slice %gather3A_179 {offsets = [1], sizes = [1], strides = [1]} : vector<16xf32> to vector<1xf32>
        %squeeze3A_306 = vector.extract %slice3A_305[0] : f32 from vector<1xf32>
        %add3A_307 = arith.constant 0 : i32
        %add3A_308 = arith.addi %squeeze3A_302, %add3A_307 : i32
        %get3A_309 = arith.index_cast %add3A_308 : i32 to index
        %get3A_310 = tpu.vector_load %arg13[%get3A_309] {strides = array<i32>} : memref<40192xf32, #tpu.memory_space<vmem>>, vector<16xf32>,
        %mul3A_311 = vector.broadcast %squeeze3A_304 : f32 to vector<16xf32>
        %mul3A_312 = arith.mulf %mul3A_311, %get3A_3 : vector<16xf32>
        %mul3A_313 = vector.broadcast %squeeze3A_306 : f32 to vector<16xf32>
        %mul3A_314 = arith.mulf %mul3A_313, %get3A_19 : vector<16xf32>
        %add3A_315 = arith.addf %mul3A_312, %mul3A_314 : vector<16xf32>
        %max3A_316 = arith.maximumf %get3A_310, %add3A_315 : vector<16xf32>
        %add3A_317 = arith.constant 0 : i32
        %add3A_318 = arith.addi %squeeze3A_302, %add3A_317 : i32
        %swap3A_319 = arith.index_cast %add3A_318 : i32 to index
        %swap3A_320 = tpu.vector_load %arg13[%swap3A_319] {strides = array<i32>} : memref<40192xf32, #tpu.memory_space<vmem>>, vector<16xf32>,
        tpu.vector_store %arg13[%swap3A_319], %max3A_316 {strides = array<i32>} : memref<40192xf32, #tpu.memory_space<vmem>>, vector<16xf32>,
        %add3A_321 = arith.constant 16 : i32
        %add3A_322 = arith.addi %squeeze3A_302, %add3A_321 : i32
        %get3A_323 = arith.index_cast %add3A_322 : i32 to index
        %get3A_324 = tpu.vector_load %arg13[%get3A_323] {strides = array<i32>} : memref<40192xf32, #tpu.memory_space<vmem>>, vector<16xf32>,
        %mul3A_325 = vector.broadcast %squeeze3A_304 : f32 to vector<16xf32>
        %mul3A_326 = arith.mulf %mul3A_325, %get3A_5 : vector<16xf32>
        %mul3A_327 = vector.broadcast %squeeze3A_306 : f32 to vector<16xf32>
        %mul3A_328 = arith.mulf %mul3A_327, %get3A_21 : vector<16xf32>
        %add3A_329 = arith.addf %mul3A_326, %mul3A_328 : vector<16xf32>
        %max3A_330 = arith.maximumf %get3A_324, %add3A_329 : vector<16xf32>
        %add3A_331 = arith.constant 16 : i32
        %add3A_332 = arith.addi %squeeze3A_302, %add3A_331 : i32
        %swap3A_333 = arith.index_cast %add3A_332 : i32 to index
        %swap3A_334 = tpu.vector_load %arg13[%swap3A_333] {strides = array<i32>} : memref<40192xf32, #tpu.memory_space<vmem>>, vector<16xf32>,
        tpu.vector_store %arg13[%swap3A_333], %max3A_330 {strides = array<i32>} : memref<40192xf32, #tpu.memory_space<vmem>>, vector<16xf32>,
        %add3A_335 = arith.constant 32 : i32
        %add3A_336 = arith.addi %squeeze3A_302, %add3A_335 : i32
        %get3A_337 = arith.index_cast %add3A_336 : i32 to index
        %get3A_338 = tpu.vector_load %arg13[%get3A_337] {strides = array<i32>} : memref<40192xf32, #tpu.memory_space<vmem>>, vector<16xf32>,
        %mul3A_339 = vector.broadcast %squeeze3A_304 : f32 to vector<16xf32>
        %mul3A_340 = arith.mulf %mul3A_339, %get3A_7 : vector<16xf32>
        %mul3A_341 = vector.broadcast %squeeze3A_306 : f32 to vector<16xf32>
        %mul3A_342 = arith.mulf %mul3A_341, %get3A_23 : vector<16xf32>
        %add3A_343 = arith.addf %mul3A_340, %mul3A_342 : vector<16xf32>
        %max3A_344 = arith.maximumf %get3A_338, %add3A_343 : vector<16xf32>
        %add3A_345 = arith.constant 32 : i32
        %add3A_346 = arith.addi %squeeze3A_302, %add3A_345 : i32
        %swap3A_347 = arith.index_cast %add3A_346 : i32 to index
        %swap3A_348 = tpu.vector_load %arg13[%swap3A_347] {strides = array<i32>} : memref<40192xf32, #tpu.memory_space<vmem>>, vector<16xf32>,
        tpu.vector_store %arg13[%swap3A_347], %max3A_344 {strides = array<i32>} : memref<40192xf32, #tpu.memory_space<vmem>>, vector<16xf32>,
        %add3A_349 = arith.constant 48 : i32
        %add3A_350 = arith.addi %squeeze3A_302, %add3A_349 : i32
        %get3A_351 = arith.index_cast %add3A_350 : i32 to index
        %get3A_352 = tpu.vector_load %arg13[%get3A_351] {strides = array<i32>} : memref<40192xf32, #tpu.memory_space<vmem>>, vector<16xf32>,
        %mul3A_353 = vector.broadcast %squeeze3A_304 : f32 to vector<16xf32>
        %mul3A_354 = arith.mulf %mul3A_353, %get3A_9 : vector<16xf32>
        %mul3A_355 = vector.broadcast %squeeze3A_306 : f32 to vector<16xf32>
        %mul3A_356 = arith.mulf %mul3A_355, %get3A_25 : vector<16xf32>
        %add3A_357 = arith.addf %mul3A_354, %mul3A_356 : vector<16xf32>
        %max3A_358 = arith.maximumf %get3A_352, %add3A_357 : vector<16xf32>
        %add3A_359 = arith.constant 48 : i32
        %add3A_360 = arith.addi %squeeze3A_302, %add3A_359 : i32
        %swap3A_361 = arith.index_cast %add3A_360 : i32 to index
        %swap3A_362 = tpu.vector_load %arg13[%swap3A_361] {strides = array<i32>} : memref<40192xf32, #tpu.memory_space<vmem>>, vector<16xf32>,
        tpu.vector_store %arg13[%swap3A_361], %max3A_358 {strides = array<i32>} : memref<40192xf32, #tpu.memory_space<vmem>>, vector<16xf32>,
        %add3A_363 = arith.constant 64 : i32
        %add3A_364 = arith.addi %squeeze3A_302, %add3A_363 : i32
        %get3A_365 = arith.index_cast %add3A_364 : i32 to index
        %get3A_366 = tpu.vector_load %arg13[%get3A_365] {strides = array<i32>} : memref<40192xf32, #tpu.memory_space<vmem>>, vector<16xf32>,
        %mul3A_367 = vector.broadcast %squeeze3A_304 : f32 to vector<16xf32>
        %mul3A_368 = arith.mulf %mul3A_367, %get3A_11 : vector<16xf32>
        %mul3A_369 = vector.broadcast %squeeze3A_306 : f32 to vector<16xf32>
        %mul3A_370 = arith.mulf %mul3A_369, %get3A_27 : vector<16xf32>
        %add3A_371 = arith.addf %mul3A_368, %mul3A_370 : vector<16xf32>
        %max3A_372 = arith.maximumf %get3A_366, %add3A_371 : vector<16xf32>
        %add3A_373 = arith.constant 64 : i32
        %add3A_374 = arith.addi %squeeze3A_302, %add3A_373 : i32
        %swap3A_375 = arith.index_cast %add3A_374 : i32 to index
        %swap3A_376 = tpu.vector_load %arg13[%swap3A_375] {strides = array<i32>} : memref<40192xf32, #tpu.memory_space<vmem>>, vector<16xf32>,
        tpu.vector_store %arg13[%swap3A_375], %max3A_372 {strides = array<i32>} : memref<40192xf32, #tpu.memory_space<vmem>>, vector<16xf32>,
        %add3A_377 = arith.constant 80 : i32
        %add3A_378 = arith.addi %squeeze3A_302, %add3A_377 : i32
        %get3A_379 = arith.index_cast %add3A_378 : i32 to index
        %get3A_380 = tpu.vector_load %arg13[%get3A_379] {strides = array<i32>} : memref<40192xf32, #tpu.memory_space<vmem>>, vector<16xf32>,
        %mul3A_381 = vector.broadcast %squeeze3A_304 : f32 to vector<16xf32>
        %mul3A_382 = arith.mulf %mul3A_381, %get3A_13 : vector<16xf32>
        %mul3A_383 = vector.broadcast %squeeze3A_306 : f32 to vector<16xf32>
        %mul3A_384 = arith.mulf %mul3A_383, %get3A_29 : vector<16xf32>
        %add3A_385 = arith.addf %mul3A_382, %mul3A_384 : vector<16xf32>
        %max3A_386 = arith.maximumf %get3A_380, %add3A_385 : vector<16xf32>
        %add3A_387 = arith.constant 80 : i32
        %add3A_388 = arith.addi %squeeze3A_302, %add3A_387 : i32
        %swap3A_389 = arith.index_cast %add3A_388 : i32 to index
        %swap3A_390 = tpu.vector_load %arg13[%swap3A_389] {strides = array<i32>} : memref<40192xf32, #tpu.memory_space<vmem>>, vector<16xf32>,
        tpu.vector_store %arg13[%swap3A_389], %max3A_386 {strides = array<i32>} : memref<40192xf32, #tpu.memory_space<vmem>>, vector<16xf32>,
        %add3A_391 = arith.constant 96 : i32
        %add3A_392 = arith.addi %squeeze3A_302, %add3A_391 : i32
        %get3A_393 = arith.index_cast %add3A_392 : i32 to index
        %get3A_394 = tpu.vector_load %arg13[%get3A_393] {strides = array<i32>} : memref<40192xf32, #tpu.memory_space<vmem>>, vector<16xf32>,
        %mul3A_395 = vector.broadcast %squeeze3A_304 : f32 to vector<16xf32>
        %mul3A_396 = arith.mulf %mul3A_395, %get3A_15 : vector<16xf32>
        %mul3A_397 = vector.broadcast %squeeze3A_306 : f32 to vector<16xf32>
        %mul3A_398 = arith.mulf %mul3A_397, %get3A_31 : vector<16xf32>
        %add3A_399 = arith.addf %mul3A_396, %mul3A_398 : vector<16xf32>
        %max3A_400 = arith.maximumf %get3A_394, %add3A_399 : vector<16xf32>
        %add3A_401 = arith.constant 96 : i32
        %add3A_402 = arith.addi %squeeze3A_302, %add3A_401 : i32
        %swap3A_403 = arith.index_cast %add3A_402 : i32 to index
        %swap3A_404 = tpu.vector_load %arg13[%swap3A_403] {strides = array<i32>} : memref<40192xf32, #tpu.memory_space<vmem>>, vector<16xf32>,
        tpu.vector_store %arg13[%swap3A_403], %max3A_400 {strides = array<i32>} : memref<40192xf32, #tpu.memory_space<vmem>>, vector<16xf32>,
        %add3A_405 = arith.constant 112 : i32
        %add3A_406 = arith.addi %squeeze3A_302, %add3A_405 : i32
        %get3A_407 = arith.index_cast %add3A_406 : i32 to index
        %get3A_408 = tpu.vector_load %arg13[%get3A_407] {strides = array<i32>} : memref<40192xf32, #tpu.memory_space<vmem>>, vector<16xf32>,
        %mul3A_409 = vector.broadcast %squeeze3A_304 : f32 to vector<16xf32>
        %mul3A_410 = arith.mulf %mul3A_409, %get3A_17 : vector<16xf32>
        %mul3A_411 = vector.broadcast %squeeze3A_306 : f32 to vector<16xf32>
        %mul3A_412 = arith.mulf %mul3A_411, %get3A_33 : vector<16xf32>
        %add3A_413 = arith.addf %mul3A_410, %mul3A_412 : vector<16xf32>
        %max3A_414 = arith.maximumf %get3A_408, %add3A_413 : vector<16xf32>
        %add3A_415 = arith.constant 112 : i32
        %add3A_416 = arith.addi %squeeze3A_302, %add3A_415 : i32
        %swap3A_417 = arith.index_cast %add3A_416 : i32 to index
        %swap3A_418 = tpu.vector_load %arg13[%swap3A_417] {strides = array<i32>} : memref<40192xf32, #tpu.memory_space<vmem>>, vector<16xf32>,
        tpu.vector_store %arg13[%swap3A_417], %max3A_414 {strides = array<i32>} : memref<40192xf32, #tpu.memory_space<vmem>>, vector<16xf32>,
        %slice3A_419 = vector.extract_strided_slice %mul3A_185 {offsets = [2], sizes = [1], strides = [1]} : vector<16xi32> to vector<1xi32>
        %squeeze3A_420 = vector.extract %slice3A_419[0] : i32 from vector<1xi32>
        %slice3A_421 = vector.extract_strided_slice %gather3A_180 {offsets = [2], sizes = [1], strides = [1]} : vector<16xf32> to vector<1xf32>
        %squeeze3A_422 = vector.extract %slice3A_421[0] : f32 from vector<1xf32>
        %slice3A_423 = vector.extract_strided_slice %gather3A_179 {offsets = [2], sizes = [1], strides = [1]} : vector<16xf32> to vector<1xf32>
        %squeeze3A_424 = vector.extract %slice3A_423[0] : f32 from vector<1xf32>
        %add3A_425 = arith.constant 0 : i32
        %add3A_426 = arith.addi %squeeze3A_420, %add3A_425 : i32
        %get3A_427 = arith.index_cast %add3A_426 : i32 to index
        %get3A_428 = tpu.vector_load %arg13[%get3A_427] {strides = array<i32>} : memref<40192xf32, #tpu.memory_space<vmem>>, vector<16xf32>,
        %mul3A_429 = vector.broadcast %squeeze3A_422 : f32 to vector<16xf32>
        %mul3A_430 = arith.mulf %mul3A_429, %get3A_3 : vector<16xf32>
        %mul3A_431 = vector.broadcast %squeeze3A_424 : f32 to vector<16xf32>
        %mul3A_432 = arith.mulf %mul3A_431, %get3A_19 : vector<16xf32>
        %add3A_433 = arith.addf %mul3A_430, %mul3A_432 : vector<16xf32>
        %max3A_434 = arith.maximumf %get3A_428, %add3A_433 : vector<16xf32>
        %add3A_435 = arith.constant 0 : i32
        %add3A_436 = arith.addi %squeeze3A_420, %add3A_435 : i32
        %swap3A_437 = arith.index_cast %add3A_436 : i32 to index
        %swap3A_438 = tpu.vector_load %arg13[%swap3A_437] {strides = array<i32>} : memref<40192xf32, #tpu.memory_space<vmem>>, vector<16xf32>,
        tpu.vector_store %arg13[%swap3A_437], %max3A_434 {strides = array<i32>} : memref<40192xf32, #tpu.memory_space<vmem>>, vector<16xf32>,
        %add3A_439 = arith.constant 16 : i32
        %add3A_440 = arith.addi %squeeze3A_420, %add3A_439 : i32
        %get3A_441 = arith.index_cast %add3A_440 : i32 to index
        %get3A_442 = tpu.vector_load %arg13[%get3A_441] {strides = array<i32>} : memref<40192xf32, #tpu.memory_space<vmem>>, vector<16xf32>,
        %mul3A_443 = vector.broadcast %squeeze3A_422 : f32 to vector<16xf32>
        %mul3A_444 = arith.mulf %mul3A_443, %get3A_5 : vector<16xf32>
        %mul3A_445 = vector.broadcast %squeeze3A_424 : f32 to vector<16xf32>
        %mul3A_446 = arith.mulf %mul3A_445, %get3A_21 : vector<16xf32>
        %add3A_447 = arith.addf %mul3A_444, %mul3A_446 : vector<16xf32>
        %max3A_448 = arith.maximumf %get3A_442, %add3A_447 : vector<16xf32>
        %add3A_449 = arith.constant 16 : i32
        %add3A_450 = arith.addi %squeeze3A_420, %add3A_449 : i32
        %swap3A_451 = arith.index_cast %add3A_450 : i32 to index
        %swap3A_452 = tpu.vector_load %arg13[%swap3A_451] {strides = array<i32>} : memref<40192xf32, #tpu.memory_space<vmem>>, vector<16xf32>,
        tpu.vector_store %arg13[%swap3A_451], %max3A_448 {strides = array<i32>} : memref<40192xf32, #tpu.memory_space<vmem>>, vector<16xf32>,
        %add3A_453 = arith.constant 32 : i32
        %add3A_454 = arith.addi %squeeze3A_420, %add3A_453 : i32
        %get3A_455 = arith.index_cast %add3A_454 : i32 to index
        %get3A_456 = tpu.vector_load %arg13[%get3A_455] {strides = array<i32>} : memref<40192xf32, #tpu.memory_space<vmem>>, vector<16xf32>,
        %mul3A_457 = vector.broadcast %squeeze3A_422 : f32 to vector<16xf32>
        %mul3A_458 = arith.mulf %mul3A_457, %get3A_7 : vector<16xf32>
        %mul3A_459 = vector.broadcast %squeeze3A_424 : f32 to vector<16xf32>
        %mul3A_460 = arith.mulf %mul3A_459, %get3A_23 : vector<16xf32>
        %add3A_461 = arith.addf %mul3A_458, %mul3A_460 : vector<16xf32>
        %max3A_462 = arith.maximumf %get3A_456, %add3A_461 : vector<16xf32>
        %add3A_463 = arith.constant 32 : i32
        %add3A_464 = arith.addi %squeeze3A_420, %add3A_463 : i32
        %swap3A_465 = arith.index_cast %add3A_464 : i32 to index
        %swap3A_466 = tpu.vector_load %arg13[%swap3A_465] {strides = array<i32>} : memref<40192xf32, #tpu.memory_space<vmem>>, vector<16xf32>,
        tpu.vector_store %arg13[%swap3A_465], %max3A_462 {strides = array<i32>} : memref<40192xf32, #tpu.memory_space<vmem>>, vector<16xf32>,
        %add3A_467 = arith.constant 48 : i32
        %add3A_468 = arith.addi %squeeze3A_420, %add3A_467 : i32
        %get3A_469 = arith.index_cast %add3A_468 : i32 to index
        %get3A_470 = tpu.vector_load %arg13[%get3A_469] {strides = array<i32>} : memref<40192xf32, #tpu.memory_space<vmem>>, vector<16xf32>,
        %mul3A_471 = vector.broadcast %squeeze3A_422 : f32 to vector<16xf32>
        %mul3A_472 = arith.mulf %mul3A_471, %get3A_9 : vector<16xf32>
        %mul3A_473 = vector.broadcast %squeeze3A_424 : f32 to vector<16xf32>
        %mul3A_474 = arith.mulf %mul3A_473, %get3A_25 : vector<16xf32>
        %add3A_475 = arith.addf %mul3A_472, %mul3A_474 : vector<16xf32>
        %max3A_476 = arith.maximumf %get3A_470, %add3A_475 : vector<16xf32>
        %add3A_477 = arith.constant 48 : i32
        %add3A_478 = arith.addi %squeeze3A_420, %add3A_477 : i32
        %swap3A_479 = arith.index_cast %add3A_478 : i32 to index
        %swap3A_480 = tpu.vector_load %arg13[%swap3A_479] {strides = array<i32>} : memref<40192xf32, #tpu.memory_space<vmem>>, vector<16xf32>,
        tpu.vector_store %arg13[%swap3A_479], %max3A_476 {strides = array<i32>} : memref<40192xf32, #tpu.memory_space<vmem>>, vector<16xf32>,
        %add3A_481 = arith.constant 64 : i32
        %add3A_482 = arith.addi %squeeze3A_420, %add3A_481 : i32
        %get3A_483 = arith.index_cast %add3A_482 : i32 to index
        %get3A_484 = tpu.vector_load %arg13[%get3A_483] {strides = array<i32>} : memref<40192xf32, #tpu.memory_space<vmem>>, vector<16xf32>,
        %mul3A_485 = vector.broadcast %squeeze3A_422 : f32 to vector<16xf32>
        %mul3A_486 = arith.mulf %mul3A_485, %get3A_11 : vector<16xf32>
        %mul3A_487 = vector.broadcast %squeeze3A_424 : f32 to vector<16xf32>
        %mul3A_488 = arith.mulf %mul3A_487, %get3A_27 : vector<16xf32>
        %add3A_489 = arith.addf %mul3A_486, %mul3A_488 : vector<16xf32>
        %max3A_490 = arith.maximumf %get3A_484, %add3A_489 : vector<16xf32>
        %add3A_491 = arith.constant 64 : i32
        %add3A_492 = arith.addi %squeeze3A_420, %add3A_491 : i32
        %swap3A_493 = arith.index_cast %add3A_492 : i32 to index
        %swap3A_494 = tpu.vector_load %arg13[%swap3A_493] {strides = array<i32>} : memref<40192xf32, #tpu.memory_space<vmem>>, vector<16xf32>,
        tpu.vector_store %arg13[%swap3A_493], %max3A_490 {strides = array<i32>} : memref<40192xf32, #tpu.memory_space<vmem>>, vector<16xf32>,
        %add3A_495 = arith.constant 80 : i32
        %add3A_496 = arith.addi %squeeze3A_420, %add3A_495 : i32
        %get3A_497 = arith.index_cast %add3A_496 : i32 to index
        %get3A_498 = tpu.vector_load %arg13[%get3A_497] {strides = array<i32>} : memref<40192xf32, #tpu.memory_space<vmem>>, vector<16xf32>,
        %mul3A_499 = vector.broadcast %squeeze3A_422 : f32 to vector<16xf32>
        %mul3A_500 = arith.mulf %mul3A_499, %get3A_13 : vector<16xf32>
        %mul3A_501 = vector.broadcast %squeeze3A_424 : f32 to vector<16xf32>
        %mul3A_502 = arith.mulf %mul3A_501, %get3A_29 : vector<16xf32>
        %add3A_503 = arith.addf %mul3A_500, %mul3A_502 : vector<16xf32>
        %max3A_504 = arith.maximumf %get3A_498, %add3A_503 : vector<16xf32>
        %add3A_505 = arith.constant 80 : i32
        %add3A_506 = arith.addi %squeeze3A_420, %add3A_505 : i32
        %swap3A_507 = arith.index_cast %add3A_506 : i32 to index
        %swap3A_508 = tpu.vector_load %arg13[%swap3A_507] {strides = array<i32>} : memref<40192xf32, #tpu.memory_space<vmem>>, vector<16xf32>,
        tpu.vector_store %arg13[%swap3A_507], %max3A_504 {strides = array<i32>} : memref<40192xf32, #tpu.memory_space<vmem>>, vector<16xf32>,
        %add3A_509 = arith.constant 96 : i32
        %add3A_510 = arith.addi %squeeze3A_420, %add3A_509 : i32
        %get3A_511 = arith.index_cast %add3A_510 : i32 to index
        %get3A_512 = tpu.vector_load %arg13[%get3A_511] {strides = array<i32>} : memref<40192xf32, #tpu.memory_space<vmem>>, vector<16xf32>,
        %mul3A_513 = vector.broadcast %squeeze3A_422 : f32 to vector<16xf32>
        %mul3A_514 = arith.mulf %mul3A_513, %get3A_15 : vector<16xf32>
        %mul3A_515 = vector.broadcast %squeeze3A_424 : f32 to vector<16xf32>
        %mul3A_516 = arith.mulf %mul3A_515, %get3A_31 : vector<16xf32>
        %add3A_517 = arith.addf %mul3A_514, %mul3A_516 : vector<16xf32>
        %max3A_518 = arith.maximumf %get3A_512, %add3A_517 : vector<16xf32>
        %add3A_519 = arith.constant 96 : i32
        %add3A_520 = arith.addi %squeeze3A_420, %add3A_519 : i32
        %swap3A_521 = arith.index_cast %add3A_520 : i32 to index
        %swap3A_522 = tpu.vector_load %arg13[%swap3A_521] {strides = array<i32>} : memref<40192xf32, #tpu.memory_space<vmem>>, vector<16xf32>,
        tpu.vector_store %arg13[%swap3A_521], %max3A_518 {strides = array<i32>} : memref<40192xf32, #tpu.memory_space<vmem>>, vector<16xf32>,
        %add3A_523 = arith.constant 112 : i32
        %add3A_524 = arith.addi %squeeze3A_420, %add3A_523 : i32
        %get3A_525 = arith.index_cast %add3A_524 : i32 to index
        %get3A_526 = tpu.vector_load %arg13[%get3A_525] {strides = array<i32>} : memref<40192xf32, #tpu.memory_space<vmem>>, vector<16xf32>,
        %mul3A_527 = vector.broadcast %squeeze3A_422 : f32 to vector<16xf32>
        %mul3A_528 = arith.mulf %mul3A_527, %get3A_17 : vector<16xf32>
        %mul3A_529 = vector.broadcast %squeeze3A_424 : f32 to vector<16xf32>
        %mul3A_530 = arith.mulf %mul3A_529, %get3A_33 : vector<16xf32>
        %add3A_531 = arith.addf %mul3A_528, %mul3A_530 : vector<16xf32>
        %max3A_532 = arith.maximumf %get3A_526, %add3A_531 : vector<16xf32>
        %add3A_533 = arith.constant 112 : i32
        %add3A_534 = arith.addi %squeeze3A_420, %add3A_533 : i32
        %swap3A_535 = arith.index_cast %add3A_534 : i32 to index
        %swap3A_536 = tpu.vector_load %arg13[%swap3A_535] {strides = array<i32>} : memref<40192xf32, #tpu.memory_space<vmem>>, vector<16xf32>,
        tpu.vector_store %arg13[%swap3A_535], %max3A_532 {strides = array<i32>} : memref<40192xf32, #tpu.memory_space<vmem>>, vector<16xf32>,
        %slice3A_537 = vector.extract_strided_slice %mul3A_185 {offsets = [3], sizes = [1], strides = [1]} : vector<16xi32> to vector<1xi32>
        %squeeze3A_538 = vector.extract %slice3A_537[0] : i32 from vector<1xi32>
        %slice3A_539 = vector.extract_strided_slice %gather3A_180 {offsets = [3], sizes = [1], strides = [1]} : vector<16xf32> to vector<1xf32>
        %squeeze3A_540 = vector.extract %slice3A_539[0] : f32 from vector<1xf32>
        %slice3A_541 = vector.extract_strided_slice %gather3A_179 {offsets = [3], sizes = [1], strides = [1]} : vector<16xf32> to vector<1xf32>
        %squeeze3A_542 = vector.extract %slice3A_541[0] : f32 from vector<1xf32>
        %add3A_543 = arith.constant 0 : i32
        %add3A_544 = arith.addi %squeeze3A_538, %add3A_543 : i32
        %get3A_545 = arith.index_cast %add3A_544 : i32 to index
        %get3A_546 = tpu.vector_load %arg13[%get3A_545] {strides = array<i32>} : memref<40192xf32, #tpu.memory_space<vmem>>, vector<16xf32>,
        %mul3A_547 = vector.broadcast %squeeze3A_540 : f32 to vector<16xf32>
        %mul3A_548 = arith.mulf %mul3A_547, %get3A_3 : vector<16xf32>
        %mul3A_549 = vector.broadcast %squeeze3A_542 : f32 to vector<16xf32>
        %mul3A_550 = arith.mulf %mul3A_549, %get3A_19 : vector<16xf32>
        %add3A_551 = arith.addf %mul3A_548, %mul3A_550 : vector<16xf32>
        %max3A_552 = arith.maximumf %get3A_546, %add3A_551 : vector<16xf32>
        %add3A_553 = arith.constant 0 : i32
        %add3A_554 = arith.addi %squeeze3A_538, %add3A_553 : i32
        %swap3A_555 = arith.index_cast %add3A_554 : i32 to index
        %swap3A_556 = tpu.vector_load %arg13[%swap3A_555] {strides = array<i32>} : memref<40192xf32, #tpu.memory_space<vmem>>, vector<16xf32>,
        tpu.vector_store %arg13[%swap3A_555], %max3A_552 {strides = array<i32>} : memref<40192xf32, #tpu.memory_space<vmem>>, vector<16xf32>,
        %add3A_557 = arith.constant 16 : i32
        %add3A_558 = arith.addi %squeeze3A_538, %add3A_557 : i32
        %get3A_559 = arith.index_cast %add3A_558 : i32 to index
        %get3A_560 = tpu.vector_load %arg13[%get3A_559] {strides = array<i32>} : memref<40192xf32, #tpu.memory_space<vmem>>, vector<16xf32>,
        %mul3A_561 = vector.broadcast %squeeze3A_540 : f32 to vector<16xf32>
        %mul3A_562 = arith.mulf %mul3A_561, %get3A_5 : vector<16xf32>
        %mul3A_563 = vector.broadcast %squeeze3A_542 : f32 to vector<16xf32>
        %mul3A_564 = arith.mulf %mul3A_563, %get3A_21 : vector<16xf32>
        %add3A_565 = arith.addf %mul3A_562, %mul3A_564 : vector<16xf32>
        %max3A_566 = arith.maximumf %get3A_560, %add3A_565 : vector<16xf32>
        %add3A_567 = arith.constant 16 : i32
        %add3A_568 = arith.addi %squeeze3A_538, %add3A_567 : i32
        %swap3A_569 = arith.index_cast %add3A_568 : i32 to index
        %swap3A_570 = tpu.vector_load %arg13[%swap3A_569] {strides = array<i32>} : memref<40192xf32, #tpu.memory_space<vmem>>, vector<16xf32>,
        tpu.vector_store %arg13[%swap3A_569], %max3A_566 {strides = array<i32>} : memref<40192xf32, #tpu.memory_space<vmem>>, vector<16xf32>,
        %add3A_571 = arith.constant 32 : i32
        %add3A_572 = arith.addi %squeeze3A_538, %add3A_571 : i32
        %get3A_573 = arith.index_cast %add3A_572 : i32 to index
        %get3A_574 = tpu.vector_load %arg13[%get3A_573] {strides = array<i32>} : memref<40192xf32, #tpu.memory_space<vmem>>, vector<16xf32>,
        %mul3A_575 = vector.broadcast %squeeze3A_540 : f32 to vector<16xf32>
        %mul3A_576 = arith.mulf %mul3A_575, %get3A_7 : vector<16xf32>
        %mul3A_577 = vector.broadcast %squeeze3A_542 : f32 to vector<16xf32>
        %mul3A_578 = arith.mulf %mul3A_577, %get3A_23 : vector<16xf32>
        %add3A_579 = arith.addf %mul3A_576, %mul3A_578 : vector<16xf32>
        %max3A_580 = arith.maximumf %get3A_574, %add3A_579 : vector<16xf32>
        %add3A_581 = arith.constant 32 : i32
        %add3A_582 = arith.addi %squeeze3A_538, %add3A_581 : i32
        %swap3A_583 = arith.index_cast %add3A_582 : i32 to index
        %swap3A_584 = tpu.vector_load %arg13[%swap3A_583] {strides = array<i32>} : memref<40192xf32, #tpu.memory_space<vmem>>, vector<16xf32>,
        tpu.vector_store %arg13[%swap3A_583], %max3A_580 {strides = array<i32>} : memref<40192xf32, #tpu.memory_space<vmem>>, vector<16xf32>,
        %add3A_585 = arith.constant 48 : i32
        %add3A_586 = arith.addi %squeeze3A_538, %add3A_585 : i32
        %get3A_587 = arith.index_cast %add3A_586 : i32 to index
        %get3A_588 = tpu.vector_load %arg13[%get3A_587] {strides = array<i32>} : memref<40192xf32, #tpu.memory_space<vmem>>, vector<16xf32>,
        %mul3A_589 = vector.broadcast %squeeze3A_540 : f32 to vector<16xf32>
        %mul3A_590 = arith.mulf %mul3A_589, %get3A_9 : vector<16xf32>
        %mul3A_591 = vector.broadcast %squeeze3A_542 : f32 to vector<16xf32>
        %mul3A_592 = arith.mulf %mul3A_591, %get3A_25 : vector<16xf32>
        %add3A_593 = arith.addf %mul3A_590, %mul3A_592 : vector<16xf32>
        %max3A_594 = arith.maximumf %get3A_588, %add3A_593 : vector<16xf32>
        %add3A_595 = arith.constant 48 : i32
        %add3A_596 = arith.addi %squeeze3A_538, %add3A_595 : i32
        %swap3A_597 = arith.index_cast %add3A_596 : i32 to index
        %swap3A_598 = tpu.vector_load %arg13[%swap3A_597] {strides = array<i32>} : memref<40192xf32, #tpu.memory_space<vmem>>, vector<16xf32>,
        tpu.vector_store %arg13[%swap3A_597], %max3A_594 {strides = array<i32>} : memref<40192xf32, #tpu.memory_space<vmem>>, vector<16xf32>,
        %add3A_599 = arith.constant 64 : i32
        %add3A_600 = arith.addi %squeeze3A_538, %add3A_599 : i32
        %get3A_601 = arith.index_cast %add3A_600 : i32 to index
        %get3A_602 = tpu.vector_load %arg13[%get3A_601] {strides = array<i32>} : memref<40192xf32, #tpu.memory_space<vmem>>, vector<16xf32>,
        %mul3A_603 = vector.broadcast %squeeze3A_540 : f32 to vector<16xf32>
        %mul3A_604 = arith.mulf %mul3A_603, %get3A_11 : vector<16xf32>
        %mul3A_605 = vector.broadcast %squeeze3A_542 : f32 to vector<16xf32>
        %mul3A_606 = arith.mulf %mul3A_605, %get3A_27 : vector<16xf32>
        %add3A_607 = arith.addf %mul3A_604, %mul3A_606 : vector<16xf32>
        %max3A_608 = arith.maximumf %get3A_602, %add3A_607 : vector<16xf32>
        %add3A_609 = arith.constant 64 : i32
        %add3A_610 = arith.addi %squeeze3A_538, %add3A_609 : i32
        %swap3A_611 = arith.index_cast %add3A_610 : i32 to index
        %swap3A_612 = tpu.vector_load %arg13[%swap3A_611] {strides = array<i32>} : memref<40192xf32, #tpu.memory_space<vmem>>, vector<16xf32>,
        tpu.vector_store %arg13[%swap3A_611], %max3A_608 {strides = array<i32>} : memref<40192xf32, #tpu.memory_space<vmem>>, vector<16xf32>,
        %add3A_613 = arith.constant 80 : i32
        %add3A_614 = arith.addi %squeeze3A_538, %add3A_613 : i32
        %get3A_615 = arith.index_cast %add3A_614 : i32 to index
        %get3A_616 = tpu.vector_load %arg13[%get3A_615] {strides = array<i32>} : memref<40192xf32, #tpu.memory_space<vmem>>, vector<16xf32>,
        %mul3A_617 = vector.broadcast %squeeze3A_540 : f32 to vector<16xf32>
        %mul3A_618 = arith.mulf %mul3A_617, %get3A_13 : vector<16xf32>
        %mul3A_619 = vector.broadcast %squeeze3A_542 : f32 to vector<16xf32>
        %mul3A_620 = arith.mulf %mul3A_619, %get3A_29 : vector<16xf32>
        %add3A_621 = arith.addf %mul3A_618, %mul3A_620 : vector<16xf32>
        %max3A_622 = arith.maximumf %get3A_616, %add3A_621 : vector<16xf32>
        %add3A_623 = arith.constant 80 : i32
        %add3A_624 = arith.addi %squeeze3A_538, %add3A_623 : i32
        %swap3A_625 = arith.index_cast %add3A_624 : i32 to index
        %swap3A_626 = tpu.vector_load %arg13[%swap3A_625] {strides = array<i32>} : memref<40192xf32, #tpu.memory_space<vmem>>, vector<16xf32>,
        tpu.vector_store %arg13[%swap3A_625], %max3A_622 {strides = array<i32>} : memref<40192xf32, #tpu.memory_space<vmem>>, vector<16xf32>,
        %add3A_627 = arith.constant 96 : i32
        %add3A_628 = arith.addi %squeeze3A_538, %add3A_627 : i32
        %get3A_629 = arith.index_cast %add3A_628 : i32 to index
        %get3A_630 = tpu.vector_load %arg13[%get3A_629] {strides = array<i32>} : memref<40192xf32, #tpu.memory_space<vmem>>, vector<16xf32>,
        %mul3A_631 = vector.broadcast %squeeze3A_540 : f32 to vector<16xf32>
        %mul3A_632 = arith.mulf %mul3A_631, %get3A_15 : vector<16xf32>
        %mul3A_633 = vector.broadcast %squeeze3A_542 : f32 to vector<16xf32>
        %mul3A_634 = arith.mulf %mul3A_633, %get3A_31 : vector<16xf32>
        %add3A_635 = arith.addf %mul3A_632, %mul3A_634 : vector<16xf32>
        %max3A_636 = arith.maximumf %get3A_630, %add3A_635 : vector<16xf32>
        %add3A_637 = arith.constant 96 : i32
        %add3A_638 = arith.addi %squeeze3A_538, %add3A_637 : i32
        %swap3A_639 = arith.index_cast %add3A_638 : i32 to index
        %swap3A_640 = tpu.vector_load %arg13[%swap3A_639] {strides = array<i32>} : memref<40192xf32, #tpu.memory_space<vmem>>, vector<16xf32>,
        tpu.vector_store %arg13[%swap3A_639], %max3A_636 {strides = array<i32>} : memref<40192xf32, #tpu.memory_space<vmem>>, vector<16xf32>,
        %add3A_641 = arith.constant 112 : i32
        %add3A_642 = arith.addi %squeeze3A_538, %add3A_641 : i32
        %get3A_643 = arith.index_cast %add3A_642 : i32 to index
        %get3A_644 = tpu.vector_load %arg13[%get3A_643] {strides = array<i32>} : memref<40192xf32, #tpu.memory_space<vmem>>, vector<16xf32>,
        %mul3A_645 = vector.broadcast %squeeze3A_540 : f32 to vector<16xf32>
        %mul3A_646 = arith.mulf %mul3A_645, %get3A_17 : vector<16xf32>
        %mul3A_647 = vector.broadcast %squeeze3A_542 : f32 to vector<16xf32>
        %mul3A_648 = arith.mulf %mul3A_647, %get3A_33 : vector<16xf32>
        %add3A_649 = arith.addf %mul3A_646, %mul3A_648 : vector<16xf32>
        %max3A_650 = arith.maximumf %get3A_644, %add3A_649 : vector<16xf32>
        %add3A_651 = arith.constant 112 : i32
        %add3A_652 = arith.addi %squeeze3A_538, %add3A_651 : i32
        %swap3A_653 = arith.index_cast %add3A_652 : i32 to index
        %swap3A_654 = tpu.vector_load %arg13[%swap3A_653] {strides = array<i32>} : memref<40192xf32, #tpu.memory_space<vmem>>, vector<16xf32>,
        tpu.vector_store %arg13[%swap3A_653], %max3A_650 {strides = array<i32>} : memref<40192xf32, #tpu.memory_space<vmem>>, vector<16xf32>,
        %slice3A_655 = vector.extract_strided_slice %mul3A_185 {offsets = [4], sizes = [1], strides = [1]} : vector<16xi32> to vector<1xi32>
        %squeeze3A_656 = vector.extract %slice3A_655[0] : i32 from vector<1xi32>
        %slice3A_657 = vector.extract_strided_slice %gather3A_180 {offsets = [4], sizes = [1], strides = [1]} : vector<16xf32> to vector<1xf32>
        %squeeze3A_658 = vector.extract %slice3A_657[0] : f32 from vector<1xf32>
        %slice3A_659 = vector.extract_strided_slice %gather3A_179 {offsets = [4], sizes = [1], strides = [1]} : vector<16xf32> to vector<1xf32>
        %squeeze3A_660 = vector.extract %slice3A_659[0] : f32 from vector<1xf32>
        %add3A_661 = arith.constant 0 : i32
        %add3A_662 = arith.addi %squeeze3A_656, %add3A_661 : i32
        %get3A_663 = arith.index_cast %add3A_662 : i32 to index
        %get3A_664 = tpu.vector_load %arg13[%get3A_663] {strides = array<i32>} : memref<40192xf32, #tpu.memory_space<vmem>>, vector<16xf32>,
        %mul3A_665 = vector.broadcast %squeeze3A_658 : f32 to vector<16xf32>
        %mul3A_666 = arith.mulf %mul3A_665, %get3A_3 : vector<16xf32>
        %mul3A_667 = vector.broadcast %squeeze3A_660 : f32 to vector<16xf32>
        %mul3A_668 = arith.mulf %mul3A_667, %get3A_19 : vector<16xf32>
        %add3A_669 = arith.addf %mul3A_666, %mul3A_668 : vector<16xf32>
        %max3A_670 = arith.maximumf %get3A_664, %add3A_669 : vector<16xf32>
        %add3A_671 = arith.constant 0 : i32
        %add3A_672 = arith.addi %squeeze3A_656, %add3A_671 : i32
        %swap3A_673 = arith.index_cast %add3A_672 : i32 to index
        %swap3A_674 = tpu.vector_load %arg13[%swap3A_673] {strides = array<i32>} : memref<40192xf32, #tpu.memory_space<vmem>>, vector<16xf32>,
        tpu.vector_store %arg13[%swap3A_673], %max3A_670 {strides = array<i32>} : memref<40192xf32, #tpu.memory_space<vmem>>, vector<16xf32>,
        %add3A_675 = arith.constant 16 : i32
        %add3A_676 = arith.addi %squeeze3A_656, %add3A_675 : i32
        %get3A_677 = arith.index_cast %add3A_676 : i32 to index
        %get3A_678 = tpu.vector_load %arg13[%get3A_677] {strides = array<i32>} : memref<40192xf32, #tpu.memory_space<vmem>>, vector<16xf32>,
        %mul3A_679 = vector.broadcast %squeeze3A_658 : f32 to vector<16xf32>
        %mul3A_680 = arith.mulf %mul3A_679, %get3A_5 : vector<16xf32>
        %mul3A_681 = vector.broadcast %squeeze3A_660 : f32 to vector<16xf32>
        %mul3A_682 = arith.mulf %mul3A_681, %get3A_21 : vector<16xf32>
        %add3A_683 = arith.addf %mul3A_680, %mul3A_682 : vector<16xf32>
        %max3A_684 = arith.maximumf %get3A_678, %add3A_683 : vector<16xf32>
        %add3A_685 = arith.constant 16 : i32
        %add3A_686 = arith.addi %squeeze3A_656, %add3A_685 : i32
        %swap3A_687 = arith.index_cast %add3A_686 : i32 to index
        %swap3A_688 = tpu.vector_load %arg13[%swap3A_687] {strides = array<i32>} : memref<40192xf32, #tpu.memory_space<vmem>>, vector<16xf32>,
        tpu.vector_store %arg13[%swap3A_687], %max3A_684 {strides = array<i32>} : memref<40192xf32, #tpu.memory_space<vmem>>, vector<16xf32>,
        %add3A_689 = arith.constant 32 : i32
        %add3A_690 = arith.addi %squeeze3A_656, %add3A_689 : i32
        %get3A_691 = arith.index_cast %add3A_690 : i32 to index
        %get3A_692 = tpu.vector_load %arg13[%get3A_691] {strides = array<i32>} : memref<40192xf32, #tpu.memory_space<vmem>>, vector<16xf32>,
        %mul3A_693 = vector.broadcast %squeeze3A_658 : f32 to vector<16xf32>
        %mul3A_694 = arith.mulf %mul3A_693, %get3A_7 : vector<16xf32>
        %mul3A_695 = vector.broadcast %squeeze3A_660 : f32 to vector<16xf32>
        %mul3A_696 = arith.mulf %mul3A_695, %get3A_23 : vector<16xf32>
        %add3A_697 = arith.addf %mul3A_694, %mul3A_696 : vector<16xf32>
        %max3A_698 = arith.maximumf %get3A_692, %add3A_697 : vector<16xf32>
        %add3A_699 = arith.constant 32 : i32
        %add3A_700 = arith.addi %squeeze3A_656, %add3A_699 : i32
        %swap3A_701 = arith.index_cast %add3A_700 : i32 to index
        %swap3A_702 = tpu.vector_load %arg13[%swap3A_701] {strides = array<i32>} : memref<40192xf32, #tpu.memory_space<vmem>>, vector<16xf32>,
        tpu.vector_store %arg13[%swap3A_701], %max3A_698 {strides = array<i32>} : memref<40192xf32, #tpu.memory_space<vmem>>, vector<16xf32>,
        %add3A_703 = arith.constant 48 : i32
        %add3A_704 = arith.addi %squeeze3A_656, %add3A_703 : i32
        %get3A_705 = arith.index_cast %add3A_704 : i32 to index
        %get3A_706 = tpu.vector_load %arg13[%get3A_705] {strides = array<i32>} : memref<40192xf32, #tpu.memory_space<vmem>>, vector<16xf32>,
        %mul3A_707 = vector.broadcast %squeeze3A_658 : f32 to vector<16xf32>
        %mul3A_708 = arith.mulf %mul3A_707, %get3A_9 : vector<16xf32>
        %mul3A_709 = vector.broadcast %squeeze3A_660 : f32 to vector<16xf32>
        %mul3A_710 = arith.mulf %mul3A_709, %get3A_25 : vector<16xf32>
        %add3A_711 = arith.addf %mul3A_708, %mul3A_710 : vector<16xf32>
        %max3A_712 = arith.maximumf %get3A_706, %add3A_711 : vector<16xf32>
        %add3A_713 = arith.constant 48 : i32
        %add3A_714 = arith.addi %squeeze3A_656, %add3A_713 : i32
        %swap3A_715 = arith.index_cast %add3A_714 : i32 to index
        %swap3A_716 = tpu.vector_load %arg13[%swap3A_715] {strides = array<i32>} : memref<40192xf32, #tpu.memory_space<vmem>>, vector<16xf32>,
        tpu.vector_store %arg13[%swap3A_715], %max3A_712 {strides = array<i32>} : memref<40192xf32, #tpu.memory_space<vmem>>, vector<16xf32>,
        %add3A_717 = arith.constant 64 : i32
        %add3A_718 = arith.addi %squeeze3A_656, %add3A_717 : i32
        %get3A_719 = arith.index_cast %add3A_718 : i32 to index
        %get3A_720 = tpu.vector_load %arg13[%get3A_719] {strides = array<i32>} : memref<40192xf32, #tpu.memory_space<vmem>>, vector<16xf32>,
        %mul3A_721 = vector.broadcast %squeeze3A_658 : f32 to vector<16xf32>
        %mul3A_722 = arith.mulf %mul3A_721, %get3A_11 : vector<16xf32>
        %mul3A_723 = vector.broadcast %squeeze3A_660 : f32 to vector<16xf32>
        %mul3A_724 = arith.mulf %mul3A_723, %get3A_27 : vector<16xf32>
        %add3A_725 = arith.addf %mul3A_722, %mul3A_724 : vector<16xf32>
        %max3A_726 = arith.maximumf %get3A_720, %add3A_725 : vector<16xf32>
        %add3A_727 = arith.constant 64 : i32
        %add3A_728 = arith.addi %squeeze3A_656, %add3A_727 : i32
        %swap3A_729 = arith.index_cast %add3A_728 : i32 to index
        %swap3A_730 = tpu.vector_load %arg13[%swap3A_729] {strides = array<i32>} : memref<40192xf32, #tpu.memory_space<vmem>>, vector<16xf32>,
        tpu.vector_store %arg13[%swap3A_729], %max3A_726 {strides = array<i32>} : memref<40192xf32, #tpu.memory_space<vmem>>, vector<16xf32>,
        %add3A_731 = arith.constant 80 : i32
        %add3A_732 = arith.addi %squeeze3A_656, %add3A_731 : i32
        %get3A_733 = arith.index_cast %add3A_732 : i32 to index
        %get3A_734 = tpu.vector_load %arg13[%get3A_733] {strides = array<i32>} : memref<40192xf32, #tpu.memory_space<vmem>>, vector<16xf32>,
        %mul3A_735 = vector.broadcast %squeeze3A_658 : f32 to vector<16xf32>
        %mul3A_736 = arith.mulf %mul3A_735, %get3A_13 : vector<16xf32>
        %mul3A_737 = vector.broadcast %squeeze3A_660 : f32 to vector<16xf32>
        %mul3A_738 = arith.mulf %mul3A_737, %get3A_29 : vector<16xf32>
        %add3A_739 = arith.addf %mul3A_736, %mul3A_738 : vector<16xf32>
        %max3A_740 = arith.maximumf %get3A_734, %add3A_739 : vector<16xf32>
        %add3A_741 = arith.constant 80 : i32
        %add3A_742 = arith.addi %squeeze3A_656, %add3A_741 : i32
        %swap3A_743 = arith.index_cast %add3A_742 : i32 to index
        %swap3A_744 = tpu.vector_load %arg13[%swap3A_743] {strides = array<i32>} : memref<40192xf32, #tpu.memory_space<vmem>>, vector<16xf32>,
        tpu.vector_store %arg13[%swap3A_743], %max3A_740 {strides = array<i32>} : memref<40192xf32, #tpu.memory_space<vmem>>, vector<16xf32>,
        %add3A_745 = arith.constant 96 : i32
        %add3A_746 = arith.addi %squeeze3A_656, %add3A_745 : i32
        %get3A_747 = arith.index_cast %add3A_746 : i32 to index
        %get3A_748 = tpu.vector_load %arg13[%get3A_747] {strides = array<i32>} : memref<40192xf32, #tpu.memory_space<vmem>>, vector<16xf32>,
        %mul3A_749 = vector.broadcast %squeeze3A_658 : f32 to vector<16xf32>
        %mul3A_750 = arith.mulf %mul3A_749, %get3A_15 : vector<16xf32>
        %mul3A_751 = vector.broadcast %squeeze3A_660 : f32 to vector<16xf32>
        %mul3A_752 = arith.mulf %mul3A_751, %get3A_31 : vector<16xf32>
        %add3A_753 = arith.addf %mul3A_750, %mul3A_752 : vector<16xf32>
        %max3A_754 = arith.maximumf %get3A_748, %add3A_753 : vector<16xf32>
        %add3A_755 = arith.constant 96 : i32
        %add3A_756 = arith.addi %squeeze3A_656, %add3A_755 : i32
        %swap3A_757 = arith.index_cast %add3A_756 : i32 to index
        %swap3A_758 = tpu.vector_load %arg13[%swap3A_757] {strides = array<i32>} : memref<40192xf32, #tpu.memory_space<vmem>>, vector<16xf32>,
        tpu.vector_store %arg13[%swap3A_757], %max3A_754 {strides = array<i32>} : memref<40192xf32, #tpu.memory_space<vmem>>, vector<16xf32>,
        %add3A_759 = arith.constant 112 : i32
        %add3A_760 = arith.addi %squeeze3A_656, %add3A_759 : i32
        %get3A_761 = arith.index_cast %add3A_760 : i32 to index
        %get3A_762 = tpu.vector_load %arg13[%get3A_761] {strides = array<i32>} : memref<40192xf32, #tpu.memory_space<vmem>>, vector<16xf32>,
        %mul3A_763 = vector.broadcast %squeeze3A_658 : f32 to vector<16xf32>
        %mul3A_764 = arith.mulf %mul3A_763, %get3A_17 : vector<16xf32>
        %mul3A_765 = vector.broadcast %squeeze3A_660 : f32 to vector<16xf32>
        %mul3A_766 = arith.mulf %mul3A_765, %get3A_33 : vector<16xf32>
        %add3A_767 = arith.addf %mul3A_764, %mul3A_766 : vector<16xf32>
        %max3A_768 = arith.maximumf %get3A_762, %add3A_767 : vector<16xf32>
        %add3A_769 = arith.constant 112 : i32
        %add3A_770 = arith.addi %squeeze3A_656, %add3A_769 : i32
        %swap3A_771 = arith.index_cast %add3A_770 : i32 to index
        %swap3A_772 = tpu.vector_load %arg13[%swap3A_771] {strides = array<i32>} : memref<40192xf32, #tpu.memory_space<vmem>>, vector<16xf32>,
        tpu.vector_store %arg13[%swap3A_771], %max3A_768 {strides = array<i32>} : memref<40192xf32, #tpu.memory_space<vmem>>, vector<16xf32>,
        %slice3A_773 = vector.extract_strided_slice %mul3A_185 {offsets = [5], sizes = [1], strides = [1]} : vector<16xi32> to vector<1xi32>
        %squeeze3A_774 = vector.extract %slice3A_773[0] : i32 from vector<1xi32>
        %slice3A_775 = vector.extract_strided_slice %gather3A_180 {offsets = [5], sizes = [1], strides = [1]} : vector<16xf32> to vector<1xf32>
        %squeeze3A_776 = vector.extract %slice3A_775[0] : f32 from vector<1xf32>
        %slice3A_777 = vector.extract_strided_slice %gather3A_179 {offsets = [5], sizes = [1], strides = [1]} : vector<16xf32> to vector<1xf32>
        %squeeze3A_778 = vector.extract %slice3A_777[0] : f32 from vector<1xf32>
        %add3A_779 = arith.constant 0 : i32
        %add3A_780 = arith.addi %squeeze3A_774, %add3A_779 : i32
        %get3A_781 = arith.index_cast %add3A_780 : i32 to index
        %get3A_782 = tpu.vector_load %arg13[%get3A_781] {strides = array<i32>} : memref<40192xf32, #tpu.memory_space<vmem>>, vector<16xf32>,
        %mul3A_783 = vector.broadcast %squeeze3A_776 : f32 to vector<16xf32>
        %mul3A_784 = arith.mulf %mul3A_783, %get3A_3 : vector<16xf32>
        %mul3A_785 = vector.broadcast %squeeze3A_778 : f32 to vector<16xf32>
        %mul3A_786 = arith.mulf %mul3A_785, %get3A_19 : vector<16xf32>
        %add3A_787 = arith.addf %mul3A_784, %mul3A_786 : vector<16xf32>
        %max3A_788 = arith.maximumf %get3A_782, %add3A_787 : vector<16xf32>
        %add3A_789 = arith.constant 0 : i32
        %add3A_790 = arith.addi %squeeze3A_774, %add3A_789 : i32
        %swap3A_791 = arith.index_cast %add3A_790 : i32 to index
        %swap3A_792 = tpu.vector_load %arg13[%swap3A_791] {strides = array<i32>} : memref<40192xf32, #tpu.memory_space<vmem>>, vector<16xf32>,
        tpu.vector_store %arg13[%swap3A_791], %max3A_788 {strides = array<i32>} : memref<40192xf32, #tpu.memory_space<vmem>>, vector<16xf32>,
        %add3A_793 = arith.constant 16 : i32
        %add3A_794 = arith.addi %squeeze3A_774, %add3A_793 : i32
        %get3A_795 = arith.index_cast %add3A_794 : i32 to index
        %get3A_796 = tpu.vector_load %arg13[%get3A_795] {strides = array<i32>} : memref<40192xf32, #tpu.memory_space<vmem>>, vector<16xf32>,
        %mul3A_797 = vector.broadcast %squeeze3A_776 : f32 to vector<16xf32>
        %mul3A_798 = arith.mulf %mul3A_797, %get3A_5 : vector<16xf32>
        %mul3A_799 = vector.broadcast %squeeze3A_778 : f32 to vector<16xf32>
        %mul3A_800 = arith.mulf %mul3A_799, %get3A_21 : vector<16xf32>
        %add3A_801 = arith.addf %mul3A_798, %mul3A_800 : vector<16xf32>
        %max3A_802 = arith.maximumf %get3A_796, %add3A_801 : vector<16xf32>
        %add3A_803 = arith.constant 16 : i32
        %add3A_804 = arith.addi %squeeze3A_774, %add3A_803 : i32
        %swap3A_805 = arith.index_cast %add3A_804 : i32 to index
        %swap3A_806 = tpu.vector_load %arg13[%swap3A_805] {strides = array<i32>} : memref<40192xf32, #tpu.memory_space<vmem>>, vector<16xf32>,
        tpu.vector_store %arg13[%swap3A_805], %max3A_802 {strides = array<i32>} : memref<40192xf32, #tpu.memory_space<vmem>>, vector<16xf32>,
        %add3A_807 = arith.constant 32 : i32
        %add3A_808 = arith.addi %squeeze3A_774, %add3A_807 : i32
        %get3A_809 = arith.index_cast %add3A_808 : i32 to index
        %get3A_810 = tpu.vector_load %arg13[%get3A_809] {strides = array<i32>} : memref<40192xf32, #tpu.memory_space<vmem>>, vector<16xf32>,
        %mul3A_811 = vector.broadcast %squeeze3A_776 : f32 to vector<16xf32>
        %mul3A_812 = arith.mulf %mul3A_811, %get3A_7 : vector<16xf32>
        %mul3A_813 = vector.broadcast %squeeze3A_778 : f32 to vector<16xf32>
        %mul3A_814 = arith.mulf %mul3A_813, %get3A_23 : vector<16xf32>
        %add3A_815 = arith.addf %mul3A_812, %mul3A_814 : vector<16xf32>
        %max3A_816 = arith.maximumf %get3A_810, %add3A_815 : vector<16xf32>
        %add3A_817 = arith.constant 32 : i32
        %add3A_818 = arith.addi %squeeze3A_774, %add3A_817 : i32
        %swap3A_819 = arith.index_cast %add3A_818 : i32 to index
        %swap3A_820 = tpu.vector_load %arg13[%swap3A_819] {strides = array<i32>} : memref<40192xf32, #tpu.memory_space<vmem>>, vector<16xf32>,
        tpu.vector_store %arg13[%swap3A_819], %max3A_816 {strides = array<i32>} : memref<40192xf32, #tpu.memory_space<vmem>>, vector<16xf32>,
        %add3A_821 = arith.constant 48 : i32
        %add3A_822 = arith.addi %squeeze3A_774, %add3A_821 : i32
        %get3A_823 = arith.index_cast %add3A_822 : i32 to index
        %get3A_824 = tpu.vector_load %arg13[%get3A_823] {strides = array<i32>} : memref<40192xf32, #tpu.memory_space<vmem>>, vector<16xf32>,
        %mul3A_825 = vector.broadcast %squeeze3A_776 : f32 to vector<16xf32>
        %mul3A_826 = arith.mulf %mul3A_825, %get3A_9 : vector<16xf32>
        %mul3A_827 = vector.broadcast %squeeze3A_778 : f32 to vector<16xf32>
        %mul3A_828 = arith.mulf %mul3A_827, %get3A_25 : vector<16xf32>
        %add3A_829 = arith.addf %mul3A_826, %mul3A_828 : vector<16xf32>
        %max3A_830 = arith.maximumf %get3A_824, %add3A_829 : vector<16xf32>
        %add3A_831 = arith.constant 48 : i32
        %add3A_832 = arith.addi %squeeze3A_774, %add3A_831 : i32
        %swap3A_833 = arith.index_cast %add3A_832 : i32 to index
        %swap3A_834 = tpu.vector_load %arg13[%swap3A_833] {strides = array<i32>} : memref<40192xf32, #tpu.memory_space<vmem>>, vector<16xf32>,
        tpu.vector_store %arg13[%swap3A_833], %max3A_830 {strides = array<i32>} : memref<40192xf32, #tpu.memory_space<vmem>>, vector<16xf32>,
        %add3A_835 = arith.constant 64 : i32
        %add3A_836 = arith.addi %squeeze3A_774, %add3A_835 : i32
        %get3A_837 = arith.index_cast %add3A_836 : i32 to index
        %get3A_838 = tpu.vector_load %arg13[%get3A_837] {strides = array<i32>} : memref<40192xf32, #tpu.memory_space<vmem>>, vector<16xf32>,
        %mul3A_839 = vector.broadcast %squeeze3A_776 : f32 to vector<16xf32>
        %mul3A_840 = arith.mulf %mul3A_839, %get3A_11 : vector<16xf32>
        %mul3A_841 = vector.broadcast %squeeze3A_778 : f32 to vector<16xf32>
        %mul3A_842 = arith.mulf %mul3A_841, %get3A_27 : vector<16xf32>
        %add3A_843 = arith.addf %mul3A_840, %mul3A_842 : vector<16xf32>
        %max3A_844 = arith.maximumf %get3A_838, %add3A_843 : vector<16xf32>
        %add3A_845 = arith.constant 64 : i32
        %add3A_846 = arith.addi %squeeze3A_774, %add3A_845 : i32
        %swap3A_847 = arith.index_cast %add3A_846 : i32 to index
        %swap3A_848 = tpu.vector_load %arg13[%swap3A_847] {strides = array<i32>} : memref<40192xf32, #tpu.memory_space<vmem>>, vector<16xf32>,
        tpu.vector_store %arg13[%swap3A_847], %max3A_844 {strides = array<i32>} : memref<40192xf32, #tpu.memory_space<vmem>>, vector<16xf32>,
        %add3A_849 = arith.constant 80 : i32
        %add3A_850 = arith.addi %squeeze3A_774, %add3A_849 : i32
        %get3A_851 = arith.index_cast %add3A_850 : i32 to index
        %get3A_852 = tpu.vector_load %arg13[%get3A_851] {strides = array<i32>} : memref<40192xf32, #tpu.memory_space<vmem>>, vector<16xf32>,
        %mul3A_853 = vector.broadcast %squeeze3A_776 : f32 to vector<16xf32>
        %mul3A_854 = arith.mulf %mul3A_853, %get3A_13 : vector<16xf32>
        %mul3A_855 = vector.broadcast %squeeze3A_778 : f32 to vector<16xf32>
        %mul3A_856 = arith.mulf %mul3A_855, %get3A_29 : vector<16xf32>
        %add3A_857 = arith.addf %mul3A_854, %mul3A_856 : vector<16xf32>
        %max3A_858 = arith.maximumf %get3A_852, %add3A_857 : vector<16xf32>
        %add3A_859 = arith.constant 80 : i32
        %add3A_860 = arith.addi %squeeze3A_774, %add3A_859 : i32
        %swap3A_861 = arith.index_cast %add3A_860 : i32 to index
        %swap3A_862 = tpu.vector_load %arg13[%swap3A_861] {strides = array<i32>} : memref<40192xf32, #tpu.memory_space<vmem>>, vector<16xf32>,
        tpu.vector_store %arg13[%swap3A_861], %max3A_858 {strides = array<i32>} : memref<40192xf32, #tpu.memory_space<vmem>>, vector<16xf32>,
        %add3A_863 = arith.constant 96 : i32
        %add3A_864 = arith.addi %squeeze3A_774, %add3A_863 : i32
        %get3A_865 = arith.index_cast %add3A_864 : i32 to index
        %get3A_866 = tpu.vector_load %arg13[%get3A_865] {strides = array<i32>} : memref<40192xf32, #tpu.memory_space<vmem>>, vector<16xf32>,
        %mul3A_867 = vector.broadcast %squeeze3A_776 : f32 to vector<16xf32>
        %mul3A_868 = arith.mulf %mul3A_867, %get3A_15 : vector<16xf32>
        %mul3A_869 = vector.broadcast %squeeze3A_778 : f32 to vector<16xf32>
        %mul3A_870 = arith.mulf %mul3A_869, %get3A_31 : vector<16xf32>
        %add3A_871 = arith.addf %mul3A_868, %mul3A_870 : vector<16xf32>
        %max3A_872 = arith.maximumf %get3A_866, %add3A_871 : vector<16xf32>
        %add3A_873 = arith.constant 96 : i32
        %add3A_874 = arith.addi %squeeze3A_774, %add3A_873 : i32
        %swap3A_875 = arith.index_cast %add3A_874 : i32 to index
        %swap3A_876 = tpu.vector_load %arg13[%swap3A_875] {strides = array<i32>} : memref<40192xf32, #tpu.memory_space<vmem>>, vector<16xf32>,
        tpu.vector_store %arg13[%swap3A_875], %max3A_872 {strides = array<i32>} : memref<40192xf32, #tpu.memory_space<vmem>>, vector<16xf32>,
        %add3A_877 = arith.constant 112 : i32
        %add3A_878 = arith.addi %squeeze3A_774, %add3A_877 : i32
        %get3A_879 = arith.index_cast %add3A_878 : i32 to index
        %get3A_880 = tpu.vector_load %arg13[%get3A_879] {strides = array<i32>} : memref<40192xf32, #tpu.memory_space<vmem>>, vector<16xf32>,
        %mul3A_881 = vector.broadcast %squeeze3A_776 : f32 to vector<16xf32>
        %mul3A_882 = arith.mulf %mul3A_881, %get3A_17 : vector<16xf32>
        %mul3A_883 = vector.broadcast %squeeze3A_778 : f32 to vector<16xf32>
        %mul3A_884 = arith.mulf %mul3A_883, %get3A_33 : vector<16xf32>
        %add3A_885 = arith.addf %mul3A_882, %mul3A_884 : vector<16xf32>
        %max3A_886 = arith.maximumf %get3A_880, %add3A_885 : vector<16xf32>
        %add3A_887 = arith.constant 112 : i32
        %add3A_888 = arith.addi %squeeze3A_774, %add3A_887 : i32
        %swap3A_889 = arith.index_cast %add3A_888 : i32 to index
        %swap3A_890 = tpu.vector_load %arg13[%swap3A_889] {strides = array<i32>} : memref<40192xf32, #tpu.memory_space<vmem>>, vector<16xf32>,
        tpu.vector_store %arg13[%swap3A_889], %max3A_886 {strides = array<i32>} : memref<40192xf32, #tpu.memory_space<vmem>>, vector<16xf32>,
        %slice3A_891 = vector.extract_strided_slice %mul3A_185 {offsets = [6], sizes = [1], strides = [1]} : vector<16xi32> to vector<1xi32>
        %squeeze3A_892 = vector.extract %slice3A_891[0] : i32 from vector<1xi32>
        %slice3A_893 = vector.extract_strided_slice %gather3A_180 {offsets = [6], sizes = [1], strides = [1]} : vector<16xf32> to vector<1xf32>
        %squeeze3A_894 = vector.extract %slice3A_893[0] : f32 from vector<1xf32>
        %slice3A_895 = vector.extract_strided_slice %gather3A_179 {offsets = [6], sizes = [1], strides = [1]} : vector<16xf32> to vector<1xf32>
        %squeeze3A_896 = vector.extract %slice3A_895[0] : f32 from vector<1xf32>
        %add3A_897 = arith.constant 0 : i32
        %add3A_898 = arith.addi %squeeze3A_892, %add3A_897 : i32
        %get3A_899 = arith.index_cast %add3A_898 : i32 to index
        %get3A_900 = tpu.vector_load %arg13[%get3A_899] {strides = array<i32>} : memref<40192xf32, #tpu.memory_space<vmem>>, vector<16xf32>,
        %mul3A_901 = vector.broadcast %squeeze3A_894 : f32 to vector<16xf32>
        %mul3A_902 = arith.mulf %mul3A_901, %get3A_3 : vector<16xf32>
        %mul3A_903 = vector.broadcast %squeeze3A_896 : f32 to vector<16xf32>
        %mul3A_904 = arith.mulf %mul3A_903, %get3A_19 : vector<16xf32>
        %add3A_905 = arith.addf %mul3A_902, %mul3A_904 : vector<16xf32>
        %max3A_906 = arith.maximumf %get3A_900, %add3A_905 : vector<16xf32>
        %add3A_907 = arith.constant 0 : i32
        %add3A_908 = arith.addi %squeeze3A_892, %add3A_907 : i32
        %swap3A_909 = arith.index_cast %add3A_908 : i32 to index
        %swap3A_910 = tpu.vector_load %arg13[%swap3A_909] {strides = array<i32>} : memref<40192xf32, #tpu.memory_space<vmem>>, vector<16xf32>,
        tpu.vector_store %arg13[%swap3A_909], %max3A_906 {strides = array<i32>} : memref<40192xf32, #tpu.memory_space<vmem>>, vector<16xf32>,
        %add3A_911 = arith.constant 16 : i32
        %add3A_912 = arith.addi %squeeze3A_892, %add3A_911 : i32
        %get3A_913 = arith.index_cast %add3A_912 : i32 to index
        %get3A_914 = tpu.vector_load %arg13[%get3A_913] {strides = array<i32>} : memref<40192xf32, #tpu.memory_space<vmem>>, vector<16xf32>,
        %mul3A_915 = vector.broadcast %squeeze3A_894 : f32 to vector<16xf32>
        %mul3A_916 = arith.mulf %mul3A_915, %get3A_5 : vector<16xf32>
        %mul3A_917 = vector.broadcast %squeeze3A_896 : f32 to vector<16xf32>
        %mul3A_918 = arith.mulf %mul3A_917, %get3A_21 : vector<16xf32>
        %add3A_919 = arith.addf %mul3A_916, %mul3A_918 : vector<16xf32>
        %max3A_920 = arith.maximumf %get3A_914, %add3A_919 : vector<16xf32>
        %add3A_921 = arith.constant 16 : i32
        %add3A_922 = arith.addi %squeeze3A_892, %add3A_921 : i32
        %swap3A_923 = arith.index_cast %add3A_922 : i32 to index
        %swap3A_924 = tpu.vector_load %arg13[%swap3A_923] {strides = array<i32>} : memref<40192xf32, #tpu.memory_space<vmem>>, vector<16xf32>,
        tpu.vector_store %arg13[%swap3A_923], %max3A_920 {strides = array<i32>} : memref<40192xf32, #tpu.memory_space<vmem>>, vector<16xf32>,
        %add3A_925 = arith.constant 32 : i32
        %add3A_926 = arith.addi %squeeze3A_892, %add3A_925 : i32
        %get3A_927 = arith.index_cast %add3A_926 : i32 to index
        %get3A_928 = tpu.vector_load %arg13[%get3A_927] {strides = array<i32>} : memref<40192xf32, #tpu.memory_space<vmem>>, vector<16xf32>,
        %mul3A_929 = vector.broadcast %squeeze3A_894 : f32 to vector<16xf32>
        %mul3A_930 = arith.mulf %mul3A_929, %get3A_7 : vector<16xf32>
        %mul3A_931 = vector.broadcast %squeeze3A_896 : f32 to vector<16xf32>
        %mul3A_932 = arith.mulf %mul3A_931, %get3A_23 : vector<16xf32>
        %add3A_933 = arith.addf %mul3A_930, %mul3A_932 : vector<16xf32>
        %max3A_934 = arith.maximumf %get3A_928, %add3A_933 : vector<16xf32>
        %add3A_935 = arith.constant 32 : i32
        %add3A_936 = arith.addi %squeeze3A_892, %add3A_935 : i32
        %swap3A_937 = arith.index_cast %add3A_936 : i32 to index
        %swap3A_938 = tpu.vector_load %arg13[%swap3A_937] {strides = array<i32>} : memref<40192xf32, #tpu.memory_space<vmem>>, vector<16xf32>,
        tpu.vector_store %arg13[%swap3A_937], %max3A_934 {strides = array<i32>} : memref<40192xf32, #tpu.memory_space<vmem>>, vector<16xf32>,
        %add3A_939 = arith.constant 48 : i32
        %add3A_940 = arith.addi %squeeze3A_892, %add3A_939 : i32
        %get3A_941 = arith.index_cast %add3A_940 : i32 to index
        %get3A_942 = tpu.vector_load %arg13[%get3A_941] {strides = array<i32>} : memref<40192xf32, #tpu.memory_space<vmem>>, vector<16xf32>,
        %mul3A_943 = vector.broadcast %squeeze3A_894 : f32 to vector<16xf32>
        %mul3A_944 = arith.mulf %mul3A_943, %get3A_9 : vector<16xf32>
        %mul3A_945 = vector.broadcast %squeeze3A_896 : f32 to vector<16xf32>
        %mul3A_946 = arith.mulf %mul3A_945, %get3A_25 : vector<16xf32>
        %add3A_947 = arith.addf %mul3A_944, %mul3A_946 : vector<16xf32>
        %max3A_948 = arith.maximumf %get3A_942, %add3A_947 : vector<16xf32>
        %add3A_949 = arith.constant 48 : i32
        %add3A_950 = arith.addi %squeeze3A_892, %add3A_949 : i32
        %swap3A_951 = arith.index_cast %add3A_950 : i32 to index
        %swap3A_952 = tpu.vector_load %arg13[%swap3A_951] {strides = array<i32>} : memref<40192xf32, #tpu.memory_space<vmem>>, vector<16xf32>,
        tpu.vector_store %arg13[%swap3A_951], %max3A_948 {strides = array<i32>} : memref<40192xf32, #tpu.memory_space<vmem>>, vector<16xf32>,
        %add3A_953 = arith.constant 64 : i32
        %add3A_954 = arith.addi %squeeze3A_892, %add3A_953 : i32
        %get3A_955 = arith.index_cast %add3A_954 : i32 to index
        %get3A_956 = tpu.vector_load %arg13[%get3A_955] {strides = array<i32>} : memref<40192xf32, #tpu.memory_space<vmem>>, vector<16xf32>,
        %mul3A_957 = vector.broadcast %squeeze3A_894 : f32 to vector<16xf32>
        %mul3A_958 = arith.mulf %mul3A_957, %get3A_11 : vector<16xf32>
        %mul3A_959 = vector.broadcast %squeeze3A_896 : f32 to vector<16xf32>
        %mul3A_960 = arith.mulf %mul3A_959, %get3A_27 : vector<16xf32>
        %add3A_961 = arith.addf %mul3A_958, %mul3A_960 : vector<16xf32>
        %max3A_962 = arith.maximumf %get3A_956, %add3A_961 : vector<16xf32>
        %add3A_963 = arith.constant 64 : i32
        %add3A_964 = arith.addi %squeeze3A_892, %add3A_963 : i32
        %swap3A_965 = arith.index_cast %add3A_964 : i32 to index
        %swap3A_966 = tpu.vector_load %arg13[%swap3A_965] {strides = array<i32>} : memref<40192xf32, #tpu.memory_space<vmem>>, vector<16xf32>,
        tpu.vector_store %arg13[%swap3A_965], %max3A_962 {strides = array<i32>} : memref<40192xf32, #tpu.memory_space<vmem>>, vector<16xf32>,
        %add3A_967 = arith.constant 80 : i32
        %add3A_968 = arith.addi %squeeze3A_892, %add3A_967 : i32
        %get3A_969 = arith.index_cast %add3A_968 : i32 to index
        %get3A_970 = tpu.vector_load %arg13[%get3A_969] {strides = array<i32>} : memref<40192xf32, #tpu.memory_space<vmem>>, vector<16xf32>,
        %mul3A_971 = vector.broadcast %squeeze3A_894 : f32 to vector<16xf32>
        %mul3A_972 = arith.mulf %mul3A_971, %get3A_13 : vector<16xf32>
        %mul3A_973 = vector.broadcast %squeeze3A_896 : f32 to vector<16xf32>
        %mul3A_974 = arith.mulf %mul3A_973, %get3A_29 : vector<16xf32>
        %add3A_975 = arith.addf %mul3A_972, %mul3A_974 : vector<16xf32>
        %max3A_976 = arith.maximumf %get3A_970, %add3A_975 : vector<16xf32>
        %add3A_977 = arith.constant 80 : i32
        %add3A_978 = arith.addi %squeeze3A_892, %add3A_977 : i32
        %swap3A_979 = arith.index_cast %add3A_978 : i32 to index
        %swap3A_980 = tpu.vector_load %arg13[%swap3A_979] {strides = array<i32>} : memref<40192xf32, #tpu.memory_space<vmem>>, vector<16xf32>,
        tpu.vector_store %arg13[%swap3A_979], %max3A_976 {strides = array<i32>} : memref<40192xf32, #tpu.memory_space<vmem>>, vector<16xf32>,
        %add3A_981 = arith.constant 96 : i32
        %add3A_982 = arith.addi %squeeze3A_892, %add3A_981 : i32
        %get3A_983 = arith.index_cast %add3A_982 : i32 to index
        %get3A_984 = tpu.vector_load %arg13[%get3A_983] {strides = array<i32>} : memref<40192xf32, #tpu.memory_space<vmem>>, vector<16xf32>,
        %mul3A_985 = vector.broadcast %squeeze3A_894 : f32 to vector<16xf32>
        %mul3A_986 = arith.mulf %mul3A_985, %get3A_15 : vector<16xf32>
        %mul3A_987 = vector.broadcast %squeeze3A_896 : f32 to vector<16xf32>
        %mul3A_988 = arith.mulf %mul3A_987, %get3A_31 : vector<16xf32>
        %add3A_989 = arith.addf %mul3A_986, %mul3A_988 : vector<16xf32>
        %max3A_990 = arith.maximumf %get3A_984, %add3A_989 : vector<16xf32>
        %add3A_991 = arith.constant 96 : i32
        %add3A_992 = arith.addi %squeeze3A_892, %add3A_991 : i32
        %swap3A_993 = arith.index_cast %add3A_992 : i32 to index
        %swap3A_994 = tpu.vector_load %arg13[%swap3A_993] {strides = array<i32>} : memref<40192xf32, #tpu.memory_space<vmem>>, vector<16xf32>,
        tpu.vector_store %arg13[%swap3A_993], %max3A_990 {strides = array<i32>} : memref<40192xf32, #tpu.memory_space<vmem>>, vector<16xf32>,
        %add3A_995 = arith.constant 112 : i32
        %add3A_996 = arith.addi %squeeze3A_892, %add3A_995 : i32
        %get3A_997 = arith.index_cast %add3A_996 : i32 to index
        %get3A_998 = tpu.vector_load %arg13[%get3A_997] {strides = array<i32>} : memref<40192xf32, #tpu.memory_space<vmem>>, vector<16xf32>,
        %mul3A_999 = vector.broadcast %squeeze3A_894 : f32 to vector<16xf32>
        %mul3A_1000 = arith.mulf %mul3A_999, %get3A_17 : vector<16xf32>
        %mul3A_1001 = vector.broadcast %squeeze3A_896 : f32 to vector<16xf32>
        %mul3A_1002 = arith.mulf %mul3A_1001, %get3A_33 : vector<16xf32>
        %add3A_1003 = arith.addf %mul3A_1000, %mul3A_1002 : vector<16xf32>
        %max3A_1004 = arith.maximumf %get3A_998, %add3A_1003 : vector<16xf32>
        %add3A_1005 = arith.constant 112 : i32
        %add3A_1006 = arith.addi %squeeze3A_892, %add3A_1005 : i32
        %swap3A_1007 = arith.index_cast %add3A_1006 : i32 to index
        %swap3A_1008 = tpu.vector_load %arg13[%swap3A_1007] {strides = array<i32>} : memref<40192xf32, #tpu.memory_space<vmem>>, vector<16xf32>,
        tpu.vector_store %arg13[%swap3A_1007], %max3A_1004 {strides = array<i32>} : memref<40192xf32, #tpu.memory_space<vmem>>, vector<16xf32>,
        %slice3A_1009 = vector.extract_strided_slice %mul3A_185 {offsets = [7], sizes = [1], strides = [1]} : vector<16xi32> to vector<1xi32>
        %squeeze3A_1010 = vector.extract %slice3A_1009[0] : i32 from vector<1xi32>
        %slice3A_1011 = vector.extract_strided_slice %gather3A_180 {offsets = [7], sizes = [1], strides = [1]} : vector<16xf32> to vector<1xf32>
        %squeeze3A_1012 = vector.extract %slice3A_1011[0] : f32 from vector<1xf32>
        %slice3A_1013 = vector.extract_strided_slice %gather3A_179 {offsets = [7], sizes = [1], strides = [1]} : vector<16xf32> to vector<1xf32>
        %squeeze3A_1014 = vector.extract %slice3A_1013[0] : f32 from vector<1xf32>
        %add3A_1015 = arith.constant 0 : i32
        %add3A_1016 = arith.addi %squeeze3A_1010, %add3A_1015 : i32
        %get3A_1017 = arith.index_cast %add3A_1016 : i32 to index
        %get3A_1018 = tpu.vector_load %arg13[%get3A_1017] {strides = array<i32>} : memref<40192xf32, #tpu.memory_space<vmem>>, vector<16xf32>,
        %mul3A_1019 = vector.broadcast %squeeze3A_1012 : f32 to vector<16xf32>
        %mul3A_1020 = arith.mulf %mul3A_1019, %get3A_3 : vector<16xf32>
        %mul3A_1021 = vector.broadcast %squeeze3A_1014 : f32 to vector<16xf32>
        %mul3A_1022 = arith.mulf %mul3A_1021, %get3A_19 : vector<16xf32>
        %add3A_1023 = arith.addf %mul3A_1020, %mul3A_1022 : vector<16xf32>
        %max3A_1024 = arith.maximumf %get3A_1018, %add3A_1023 : vector<16xf32>
        %add3A_1025 = arith.constant 0 : i32
        %add3A_1026 = arith.addi %squeeze3A_1010, %add3A_1025 : i32
        %swap3A_1027 = arith.index_cast %add3A_1026 : i32 to index
        %swap3A_1028 = tpu.vector_load %arg13[%swap3A_1027] {strides = array<i32>} : memref<40192xf32, #tpu.memory_space<vmem>>, vector<16xf32>,
        tpu.vector_store %arg13[%swap3A_1027], %max3A_1024 {strides = array<i32>} : memref<40192xf32, #tpu.memory_space<vmem>>, vector<16xf32>,
        %add3A_1029 = arith.constant 16 : i32
        %add3A_1030 = arith.addi %squeeze3A_1010, %add3A_1029 : i32
        %get3A_1031 = arith.index_cast %add3A_1030 : i32 to index
        %get3A_1032 = tpu.vector_load %arg13[%get3A_1031] {strides = array<i32>} : memref<40192xf32, #tpu.memory_space<vmem>>, vector<16xf32>,
        %mul3A_1033 = vector.broadcast %squeeze3A_1012 : f32 to vector<16xf32>
        %mul3A_1034 = arith.mulf %mul3A_1033, %get3A_5 : vector<16xf32>
        %mul3A_1035 = vector.broadcast %squeeze3A_1014 : f32 to vector<16xf32>
        %mul3A_1036 = arith.mulf %mul3A_1035, %get3A_21 : vector<16xf32>
        %add3A_1037 = arith.addf %mul3A_1034, %mul3A_1036 : vector<16xf32>
        %max3A_1038 = arith.maximumf %get3A_1032, %add3A_1037 : vector<16xf32>
        %add3A_1039 = arith.constant 16 : i32
        %add3A_1040 = arith.addi %squeeze3A_1010, %add3A_1039 : i32
        %swap3A_1041 = arith.index_cast %add3A_1040 : i32 to index
        %swap3A_1042 = tpu.vector_load %arg13[%swap3A_1041] {strides = array<i32>} : memref<40192xf32, #tpu.memory_space<vmem>>, vector<16xf32>,
        tpu.vector_store %arg13[%swap3A_1041], %max3A_1038 {strides = array<i32>} : memref<40192xf32, #tpu.memory_space<vmem>>, vector<16xf32>,
        %add3A_1043 = arith.constant 32 : i32
        %add3A_1044 = arith.addi %squeeze3A_1010, %add3A_1043 : i32
        %get3A_1045 = arith.index_cast %add3A_1044 : i32 to index
        %get3A_1046 = tpu.vector_load %arg13[%get3A_1045] {strides = array<i32>} : memref<40192xf32, #tpu.memory_space<vmem>>, vector<16xf32>,
        %mul3A_1047 = vector.broadcast %squeeze3A_1012 : f32 to vector<16xf32>
        %mul3A_1048 = arith.mulf %mul3A_1047, %get3A_7 : vector<16xf32>
        %mul3A_1049 = vector.broadcast %squeeze3A_1014 : f32 to vector<16xf32>
        %mul3A_1050 = arith.mulf %mul3A_1049, %get3A_23 : vector<16xf32>
        %add3A_1051 = arith.addf %mul3A_1048, %mul3A_1050 : vector<16xf32>
        %max3A_1052 = arith.maximumf %get3A_1046, %add3A_1051 : vector<16xf32>
        %add3A_1053 = arith.constant 32 : i32
        %add3A_1054 = arith.addi %squeeze3A_1010, %add3A_1053 : i32
        %swap3A_1055 = arith.index_cast %add3A_1054 : i32 to index
        %swap3A_1056 = tpu.vector_load %arg13[%swap3A_1055] {strides = array<i32>} : memref<40192xf32, #tpu.memory_space<vmem>>, vector<16xf32>,
        tpu.vector_store %arg13[%swap3A_1055], %max3A_1052 {strides = array<i32>} : memref<40192xf32, #tpu.memory_space<vmem>>, vector<16xf32>,
        %add3A_1057 = arith.constant 48 : i32
        %add3A_1058 = arith.addi %squeeze3A_1010, %add3A_1057 : i32
        %get3A_1059 = arith.index_cast %add3A_1058 : i32 to index
        %get3A_1060 = tpu.vector_load %arg13[%get3A_1059] {strides = array<i32>} : memref<40192xf32, #tpu.memory_space<vmem>>, vector<16xf32>,
        %mul3A_1061 = vector.broadcast %squeeze3A_1012 : f32 to vector<16xf32>
        %mul3A_1062 = arith.mulf %mul3A_1061, %get3A_9 : vector<16xf32>
        %mul3A_1063 = vector.broadcast %squeeze3A_1014 : f32 to vector<16xf32>
        %mul3A_1064 = arith.mulf %mul3A_1063, %get3A_25 : vector<16xf32>
        %add3A_1065 = arith.addf %mul3A_1062, %mul3A_1064 : vector<16xf32>
        %max3A_1066 = arith.maximumf %get3A_1060, %add3A_1065 : vector<16xf32>
        %add3A_1067 = arith.constant 48 : i32
        %add3A_1068 = arith.addi %squeeze3A_1010, %add3A_1067 : i32
        %swap3A_1069 = arith.index_cast %add3A_1068 : i32 to index
        %swap3A_1070 = tpu.vector_load %arg13[%swap3A_1069] {strides = array<i32>} : memref<40192xf32, #tpu.memory_space<vmem>>, vector<16xf32>,
        tpu.vector_store %arg13[%swap3A_1069], %max3A_1066 {strides = array<i32>} : memref<40192xf32, #tpu.memory_space<vmem>>, vector<16xf32>,
        %add3A_1071 = arith.constant 64 : i32
        %add3A_1072 = arith.addi %squeeze3A_1010, %add3A_1071 : i32
        %get3A_1073 = arith.index_cast %add3A_1072 : i32 to index
        %get3A_1074 = tpu.vector_load %arg13[%get3A_1073] {strides = array<i32>} : memref<40192xf32, #tpu.memory_space<vmem>>, vector<16xf32>,
        %mul3A_1075 = vector.broadcast %squeeze3A_1012 : f32 to vector<16xf32>
        %mul3A_1076 = arith.mulf %mul3A_1075, %get3A_11 : vector<16xf32>
        %mul3A_1077 = vector.broadcast %squeeze3A_1014 : f32 to vector<16xf32>
        %mul3A_1078 = arith.mulf %mul3A_1077, %get3A_27 : vector<16xf32>
        %add3A_1079 = arith.addf %mul3A_1076, %mul3A_1078 : vector<16xf32>
        %max3A_1080 = arith.maximumf %get3A_1074, %add3A_1079 : vector<16xf32>
        %add3A_1081 = arith.constant 64 : i32
        %add3A_1082 = arith.addi %squeeze3A_1010, %add3A_1081 : i32
        %swap3A_1083 = arith.index_cast %add3A_1082 : i32 to index
        %swap3A_1084 = tpu.vector_load %arg13[%swap3A_1083] {strides = array<i32>} : memref<40192xf32, #tpu.memory_space<vmem>>, vector<16xf32>,
        tpu.vector_store %arg13[%swap3A_1083], %max3A_1080 {strides = array<i32>} : memref<40192xf32, #tpu.memory_space<vmem>>, vector<16xf32>,
        %add3A_1085 = arith.constant 80 : i32
        %add3A_1086 = arith.addi %squeeze3A_1010, %add3A_1085 : i32
        %get3A_1087 = arith.index_cast %add3A_1086 : i32 to index
        %get3A_1088 = tpu.vector_load %arg13[%get3A_1087] {strides = array<i32>} : memref<40192xf32, #tpu.memory_space<vmem>>, vector<16xf32>,
        %mul3A_1089 = vector.broadcast %squeeze3A_1012 : f32 to vector<16xf32>
        %mul3A_1090 = arith.mulf %mul3A_1089, %get3A_13 : vector<16xf32>
        %mul3A_1091 = vector.broadcast %squeeze3A_1014 : f32 to vector<16xf32>
        %mul3A_1092 = arith.mulf %mul3A_1091, %get3A_29 : vector<16xf32>
        %add3A_1093 = arith.addf %mul3A_1090, %mul3A_1092 : vector<16xf32>
        %max3A_1094 = arith.maximumf %get3A_1088, %add3A_1093 : vector<16xf32>
        %add3A_1095 = arith.constant 80 : i32
        %add3A_1096 = arith.addi %squeeze3A_1010, %add3A_1095 : i32
        %swap3A_1097 = arith.index_cast %add3A_1096 : i32 to index
        %swap3A_1098 = tpu.vector_load %arg13[%swap3A_1097] {strides = array<i32>} : memref<40192xf32, #tpu.memory_space<vmem>>, vector<16xf32>,
        tpu.vector_store %arg13[%swap3A_1097], %max3A_1094 {strides = array<i32>} : memref<40192xf32, #tpu.memory_space<vmem>>, vector<16xf32>,
        %add3A_1099 = arith.constant 96 : i32
        %add3A_1100 = arith.addi %squeeze3A_1010, %add3A_1099 : i32
        %get3A_1101 = arith.index_cast %add3A_1100 : i32 to index
        %get3A_1102 = tpu.vector_load %arg13[%get3A_1101] {strides = array<i32>} : memref<40192xf32, #tpu.memory_space<vmem>>, vector<16xf32>,
        %mul3A_1103 = vector.broadcast %squeeze3A_1012 : f32 to vector<16xf32>
        %mul3A_1104 = arith.mulf %mul3A_1103, %get3A_15 : vector<16xf32>
        %mul3A_1105 = vector.broadcast %squeeze3A_1014 : f32 to vector<16xf32>
        %mul3A_1106 = arith.mulf %mul3A_1105, %get3A_31 : vector<16xf32>
        %add3A_1107 = arith.addf %mul3A_1104, %mul3A_1106 : vector<16xf32>
        %max3A_1108 = arith.maximumf %get3A_1102, %add3A_1107 : vector<16xf32>
        %add3A_1109 = arith.constant 96 : i32
        %add3A_1110 = arith.addi %squeeze3A_1010, %add3A_1109 : i32
        %swap3A_1111 = arith.index_cast %add3A_1110 : i32 to index
        %swap3A_1112 = tpu.vector_load %arg13[%swap3A_1111] {strides = array<i32>} : memref<40192xf32, #tpu.memory_space<vmem>>, vector<16xf32>,
        tpu.vector_store %arg13[%swap3A_1111], %max3A_1108 {strides = array<i32>} : memref<40192xf32, #tpu.memory_space<vmem>>, vector<16xf32>,
        %add3A_1113 = arith.constant 112 : i32
        %add3A_1114 = arith.addi %squeeze3A_1010, %add3A_1113 : i32
        %get3A_1115 = arith.index_cast %add3A_1114 : i32 to index
        %get3A_1116 = tpu.vector_load %arg13[%get3A_1115] {strides = array<i32>} : memref<40192xf32, #tpu.memory_space<vmem>>, vector<16xf32>,
        %mul3A_1117 = vector.broadcast %squeeze3A_1012 : f32 to vector<16xf32>
        %mul3A_1118 = arith.mulf %mul3A_1117, %get3A_17 : vector<16xf32>
        %mul3A_1119 = vector.broadcast %squeeze3A_1014 : f32 to vector<16xf32>
        %mul3A_1120 = arith.mulf %mul3A_1119, %get3A_33 : vector<16xf32>
        %add3A_1121 = arith.addf %mul3A_1118, %mul3A_1120 : vector<16xf32>
        %max3A_1122 = arith.maximumf %get3A_1116, %add3A_1121 : vector<16xf32>
        %add3A_1123 = arith.constant 112 : i32
        %add3A_1124 = arith.addi %squeeze3A_1010, %add3A_1123 : i32
        %swap3A_1125 = arith.index_cast %add3A_1124 : i32 to index
        %swap3A_1126 = tpu.vector_load %arg13[%swap3A_1125] {strides = array<i32>} : memref<40192xf32, #tpu.memory_space<vmem>>, vector<16xf32>,
        tpu.vector_store %arg13[%swap3A_1125], %max3A_1122 {strides = array<i32>} : memref<40192xf32, #tpu.memory_space<vmem>>, vector<16xf32>,
        %slice3A_1127 = vector.extract_strided_slice %mul3A_185 {offsets = [8], sizes = [1], strides = [1]} : vector<16xi32> to vector<1xi32>
        %squeeze3A_1128 = vector.extract %slice3A_1127[0] : i32 from vector<1xi32>
        %slice3A_1129 = vector.extract_strided_slice %gather3A_180 {offsets = [8], sizes = [1], strides = [1]} : vector<16xf32> to vector<1xf32>
        %squeeze3A_1130 = vector.extract %slice3A_1129[0] : f32 from vector<1xf32>
        %slice3A_1131 = vector.extract_strided_slice %gather3A_179 {offsets = [8], sizes = [1], strides = [1]} : vector<16xf32> to vector<1xf32>
        %squeeze3A_1132 = vector.extract %slice3A_1131[0] : f32 from vector<1xf32>
        %add3A_1133 = arith.constant 0 : i32
        %add3A_1134 = arith.addi %squeeze3A_1128, %add3A_1133 : i32
        %get3A_1135 = arith.index_cast %add3A_1134 : i32 to index
        %get3A_1136 = tpu.vector_load %arg13[%get3A_1135] {strides = array<i32>} : memref<40192xf32, #tpu.memory_space<vmem>>, vector<16xf32>,
        %mul3A_1137 = vector.broadcast %squeeze3A_1130 : f32 to vector<16xf32>
        %mul3A_1138 = arith.mulf %mul3A_1137, %get3A_3 : vector<16xf32>
        %mul3A_1139 = vector.broadcast %squeeze3A_1132 : f32 to vector<16xf32>
        %mul3A_1140 = arith.mulf %mul3A_1139, %get3A_19 : vector<16xf32>
        %add3A_1141 = arith.addf %mul3A_1138, %mul3A_1140 : vector<16xf32>
        %max3A_1142 = arith.maximumf %get3A_1136, %add3A_1141 : vector<16xf32>
        %add3A_1143 = arith.constant 0 : i32
        %add3A_1144 = arith.addi %squeeze3A_1128, %add3A_1143 : i32
        %swap3A_1145 = arith.index_cast %add3A_1144 : i32 to index
        %swap3A_1146 = tpu.vector_load %arg13[%swap3A_1145] {strides = array<i32>} : memref<40192xf32, #tpu.memory_space<vmem>>, vector<16xf32>,
        tpu.vector_store %arg13[%swap3A_1145], %max3A_1142 {strides = array<i32>} : memref<40192xf32, #tpu.memory_space<vmem>>, vector<16xf32>,
        %add3A_1147 = arith.constant 16 : i32
        %add3A_1148 = arith.addi %squeeze3A_1128, %add3A_1147 : i32
        %get3A_1149 = arith.index_cast %add3A_1148 : i32 to index
        %get3A_1150 = tpu.vector_load %arg13[%get3A_1149] {strides = array<i32>} : memref<40192xf32, #tpu.memory_space<vmem>>, vector<16xf32>,
        %mul3A_1151 = vector.broadcast %squeeze3A_1130 : f32 to vector<16xf32>
        %mul3A_1152 = arith.mulf %mul3A_1151, %get3A_5 : vector<16xf32>
        %mul3A_1153 = vector.broadcast %squeeze3A_1132 : f32 to vector<16xf32>
        %mul3A_1154 = arith.mulf %mul3A_1153, %get3A_21 : vector<16xf32>
        %add3A_1155 = arith.addf %mul3A_1152, %mul3A_1154 : vector<16xf32>
        %max3A_1156 = arith.maximumf %get3A_1150, %add3A_1155 : vector<16xf32>
        %add3A_1157 = arith.constant 16 : i32
        %add3A_1158 = arith.addi %squeeze3A_1128, %add3A_1157 : i32
        %swap3A_1159 = arith.index_cast %add3A_1158 : i32 to index
        %swap3A_1160 = tpu.vector_load %arg13[%swap3A_1159] {strides = array<i32>} : memref<40192xf32, #tpu.memory_space<vmem>>, vector<16xf32>,
        tpu.vector_store %arg13[%swap3A_1159], %max3A_1156 {strides = array<i32>} : memref<40192xf32, #tpu.memory_space<vmem>>, vector<16xf32>,
        %add3A_1161 = arith.constant 32 : i32
        %add3A_1162 = arith.addi %squeeze3A_1128, %add3A_1161 : i32
        %get3A_1163 = arith.index_cast %add3A_1162 : i32 to index
        %get3A_1164 = tpu.vector_load %arg13[%get3A_1163] {strides = array<i32>} : memref<40192xf32, #tpu.memory_space<vmem>>, vector<16xf32>,
        %mul3A_1165 = vector.broadcast %squeeze3A_1130 : f32 to vector<16xf32>
        %mul3A_1166 = arith.mulf %mul3A_1165, %get3A_7 : vector<16xf32>
        %mul3A_1167 = vector.broadcast %squeeze3A_1132 : f32 to vector<16xf32>
        %mul3A_1168 = arith.mulf %mul3A_1167, %get3A_23 : vector<16xf32>
        %add3A_1169 = arith.addf %mul3A_1166, %mul3A_1168 : vector<16xf32>
        %max3A_1170 = arith.maximumf %get3A_1164, %add3A_1169 : vector<16xf32>
        %add3A_1171 = arith.constant 32 : i32
        %add3A_1172 = arith.addi %squeeze3A_1128, %add3A_1171 : i32
        %swap3A_1173 = arith.index_cast %add3A_1172 : i32 to index
        %swap3A_1174 = tpu.vector_load %arg13[%swap3A_1173] {strides = array<i32>} : memref<40192xf32, #tpu.memory_space<vmem>>, vector<16xf32>,
        tpu.vector_store %arg13[%swap3A_1173], %max3A_1170 {strides = array<i32>} : memref<40192xf32, #tpu.memory_space<vmem>>, vector<16xf32>,
        %add3A_1175 = arith.constant 48 : i32
        %add3A_1176 = arith.addi %squeeze3A_1128, %add3A_1175 : i32
        %get3A_1177 = arith.index_cast %add3A_1176 : i32 to index
        %get3A_1178 = tpu.vector_load %arg13[%get3A_1177] {strides = array<i32>} : memref<40192xf32, #tpu.memory_space<vmem>>, vector<16xf32>,
        %mul3A_1179 = vector.broadcast %squeeze3A_1130 : f32 to vector<16xf32>
        %mul3A_1180 = arith.mulf %mul3A_1179, %get3A_9 : vector<16xf32>
        %mul3A_1181 = vector.broadcast %squeeze3A_1132 : f32 to vector<16xf32>
        %mul3A_1182 = arith.mulf %mul3A_1181, %get3A_25 : vector<16xf32>
        %add3A_1183 = arith.addf %mul3A_1180, %mul3A_1182 : vector<16xf32>
        %max3A_1184 = arith.maximumf %get3A_1178, %add3A_1183 : vector<16xf32>
        %add3A_1185 = arith.constant 48 : i32
        %add3A_1186 = arith.addi %squeeze3A_1128, %add3A_1185 : i32
        %swap3A_1187 = arith.index_cast %add3A_1186 : i32 to index
        %swap3A_1188 = tpu.vector_load %arg13[%swap3A_1187] {strides = array<i32>} : memref<40192xf32, #tpu.memory_space<vmem>>, vector<16xf32>,
        tpu.vector_store %arg13[%swap3A_1187], %max3A_1184 {strides = array<i32>} : memref<40192xf32, #tpu.memory_space<vmem>>, vector<16xf32>,
        %add3A_1189 = arith.constant 64 : i32
        %add3A_1190 = arith.addi %squeeze3A_1128, %add3A_1189 : i32
        %get3A_1191 = arith.index_cast %add3A_1190 : i32 to index
        %get3A_1192 = tpu.vector_load %arg13[%get3A_1191] {strides = array<i32>} : memref<40192xf32, #tpu.memory_space<vmem>>, vector<16xf32>,
        %mul3A_1193 = vector.broadcast %squeeze3A_1130 : f32 to vector<16xf32>
        %mul3A_1194 = arith.mulf %mul3A_1193, %get3A_11 : vector<16xf32>
        %mul3A_1195 = vector.broadcast %squeeze3A_1132 : f32 to vector<16xf32>
        %mul3A_1196 = arith.mulf %mul3A_1195, %get3A_27 : vector<16xf32>
        %add3A_1197 = arith.addf %mul3A_1194, %mul3A_1196 : vector<16xf32>
        %max3A_1198 = arith.maximumf %get3A_1192, %add3A_1197 : vector<16xf32>
        %add3A_1199 = arith.constant 64 : i32
        %add3A_1200 = arith.addi %squeeze3A_1128, %add3A_1199 : i32
        %swap3A_1201 = arith.index_cast %add3A_1200 : i32 to index
        %swap3A_1202 = tpu.vector_load %arg13[%swap3A_1201] {strides = array<i32>} : memref<40192xf32, #tpu.memory_space<vmem>>, vector<16xf32>,
        tpu.vector_store %arg13[%swap3A_1201], %max3A_1198 {strides = array<i32>} : memref<40192xf32, #tpu.memory_space<vmem>>, vector<16xf32>,
        %add3A_1203 = arith.constant 80 : i32
        %add3A_1204 = arith.addi %squeeze3A_1128, %add3A_1203 : i32
        %get3A_1205 = arith.index_cast %add3A_1204 : i32 to index
        %get3A_1206 = tpu.vector_load %arg13[%get3A_1205] {strides = array<i32>} : memref<40192xf32, #tpu.memory_space<vmem>>, vector<16xf32>,
        %mul3A_1207 = vector.broadcast %squeeze3A_1130 : f32 to vector<16xf32>
        %mul3A_1208 = arith.mulf %mul3A_1207, %get3A_13 : vector<16xf32>
        %mul3A_1209 = vector.broadcast %squeeze3A_1132 : f32 to vector<16xf32>
        %mul3A_1210 = arith.mulf %mul3A_1209, %get3A_29 : vector<16xf32>
        %add3A_1211 = arith.addf %mul3A_1208, %mul3A_1210 : vector<16xf32>
        %max3A_1212 = arith.maximumf %get3A_1206, %add3A_1211 : vector<16xf32>
        %add3A_1213 = arith.constant 80 : i32
        %add3A_1214 = arith.addi %squeeze3A_1128, %add3A_1213 : i32
        %swap3A_1215 = arith.index_cast %add3A_1214 : i32 to index
        %swap3A_1216 = tpu.vector_load %arg13[%swap3A_1215] {strides = array<i32>} : memref<40192xf32, #tpu.memory_space<vmem>>, vector<16xf32>,
        tpu.vector_store %arg13[%swap3A_1215], %max3A_1212 {strides = array<i32>} : memref<40192xf32, #tpu.memory_space<vmem>>, vector<16xf32>,
        %add3A_1217 = arith.constant 96 : i32
        %add3A_1218 = arith.addi %squeeze3A_1128, %add3A_1217 : i32
        %get3A_1219 = arith.index_cast %add3A_1218 : i32 to index
        %get3A_1220 = tpu.vector_load %arg13[%get3A_1219] {strides = array<i32>} : memref<40192xf32, #tpu.memory_space<vmem>>, vector<16xf32>,
        %mul3A_1221 = vector.broadcast %squeeze3A_1130 : f32 to vector<16xf32>
        %mul3A_1222 = arith.mulf %mul3A_1221, %get3A_15 : vector<16xf32>
        %mul3A_1223 = vector.broadcast %squeeze3A_1132 : f32 to vector<16xf32>
        %mul3A_1224 = arith.mulf %mul3A_1223, %get3A_31 : vector<16xf32>
        %add3A_1225 = arith.addf %mul3A_1222, %mul3A_1224 : vector<16xf32>
        %max3A_1226 = arith.maximumf %get3A_1220, %add3A_1225 : vector<16xf32>
        %add3A_1227 = arith.constant 96 : i32
        %add3A_1228 = arith.addi %squeeze3A_1128, %add3A_1227 : i32
        %swap3A_1229 = arith.index_cast %add3A_1228 : i32 to index
        %swap3A_1230 = tpu.vector_load %arg13[%swap3A_1229] {strides = array<i32>} : memref<40192xf32, #tpu.memory_space<vmem>>, vector<16xf32>,
        tpu.vector_store %arg13[%swap3A_1229], %max3A_1226 {strides = array<i32>} : memref<40192xf32, #tpu.memory_space<vmem>>, vector<16xf32>,
        %add3A_1231 = arith.constant 112 : i32
        %add3A_1232 = arith.addi %squeeze3A_1128, %add3A_1231 : i32
        %get3A_1233 = arith.index_cast %add3A_1232 : i32 to index
        %get3A_1234 = tpu.vector_load %arg13[%get3A_1233] {strides = array<i32>} : memref<40192xf32, #tpu.memory_space<vmem>>, vector<16xf32>,
        %mul3A_1235 = vector.broadcast %squeeze3A_1130 : f32 to vector<16xf32>
        %mul3A_1236 = arith.mulf %mul3A_1235, %get3A_17 : vector<16xf32>
        %mul3A_1237 = vector.broadcast %squeeze3A_1132 : f32 to vector<16xf32>
        %mul3A_1238 = arith.mulf %mul3A_1237, %get3A_33 : vector<16xf32>
        %add3A_1239 = arith.addf %mul3A_1236, %mul3A_1238 : vector<16xf32>
        %max3A_1240 = arith.maximumf %get3A_1234, %add3A_1239 : vector<16xf32>
        %add3A_1241 = arith.constant 112 : i32
        %add3A_1242 = arith.addi %squeeze3A_1128, %add3A_1241 : i32
        %swap3A_1243 = arith.index_cast %add3A_1242 : i32 to index
        %swap3A_1244 = tpu.vector_load %arg13[%swap3A_1243] {strides = array<i32>} : memref<40192xf32, #tpu.memory_space<vmem>>, vector<16xf32>,
        tpu.vector_store %arg13[%swap3A_1243], %max3A_1240 {strides = array<i32>} : memref<40192xf32, #tpu.memory_space<vmem>>, vector<16xf32>,
        %slice3A_1245 = vector.extract_strided_slice %mul3A_185 {offsets = [9], sizes = [1], strides = [1]} : vector<16xi32> to vector<1xi32>
        %squeeze3A_1246 = vector.extract %slice3A_1245[0] : i32 from vector<1xi32>
        %slice3A_1247 = vector.extract_strided_slice %gather3A_180 {offsets = [9], sizes = [1], strides = [1]} : vector<16xf32> to vector<1xf32>
        %squeeze3A_1248 = vector.extract %slice3A_1247[0] : f32 from vector<1xf32>
        %slice3A_1249 = vector.extract_strided_slice %gather3A_179 {offsets = [9], sizes = [1], strides = [1]} : vector<16xf32> to vector<1xf32>
        %squeeze3A_1250 = vector.extract %slice3A_1249[0] : f32 from vector<1xf32>
        %add3A_1251 = arith.constant 0 : i32
        %add3A_1252 = arith.addi %squeeze3A_1246, %add3A_1251 : i32
        %get3A_1253 = arith.index_cast %add3A_1252 : i32 to index
        %get3A_1254 = tpu.vector_load %arg13[%get3A_1253] {strides = array<i32>} : memref<40192xf32, #tpu.memory_space<vmem>>, vector<16xf32>,
        %mul3A_1255 = vector.broadcast %squeeze3A_1248 : f32 to vector<16xf32>
        %mul3A_1256 = arith.mulf %mul3A_1255, %get3A_3 : vector<16xf32>
        %mul3A_1257 = vector.broadcast %squeeze3A_1250 : f32 to vector<16xf32>
        %mul3A_1258 = arith.mulf %mul3A_1257, %get3A_19 : vector<16xf32>
        %add3A_1259 = arith.addf %mul3A_1256, %mul3A_1258 : vector<16xf32>
        %max3A_1260 = arith.maximumf %get3A_1254, %add3A_1259 : vector<16xf32>
        %add3A_1261 = arith.constant 0 : i32
        %add3A_1262 = arith.addi %squeeze3A_1246, %add3A_1261 : i32
        %swap3A_1263 = arith.index_cast %add3A_1262 : i32 to index
        %swap3A_1264 = tpu.vector_load %arg13[%swap3A_1263] {strides = array<i32>} : memref<40192xf32, #tpu.memory_space<vmem>>, vector<16xf32>,
        tpu.vector_store %arg13[%swap3A_1263], %max3A_1260 {strides = array<i32>} : memref<40192xf32, #tpu.memory_space<vmem>>, vector<16xf32>,
        %add3A_1265 = arith.constant 16 : i32
        %add3A_1266 = arith.addi %squeeze3A_1246, %add3A_1265 : i32
        %get3A_1267 = arith.index_cast %add3A_1266 : i32 to index
        %get3A_1268 = tpu.vector_load %arg13[%get3A_1267] {strides = array<i32>} : memref<40192xf32, #tpu.memory_space<vmem>>, vector<16xf32>,
        %mul3A_1269 = vector.broadcast %squeeze3A_1248 : f32 to vector<16xf32>
        %mul3A_1270 = arith.mulf %mul3A_1269, %get3A_5 : vector<16xf32>
        %mul3A_1271 = vector.broadcast %squeeze3A_1250 : f32 to vector<16xf32>
        %mul3A_1272 = arith.mulf %mul3A_1271, %get3A_21 : vector<16xf32>
        %add3A_1273 = arith.addf %mul3A_1270, %mul3A_1272 : vector<16xf32>
        %max3A_1274 = arith.maximumf %get3A_1268, %add3A_1273 : vector<16xf32>
        %add3A_1275 = arith.constant 16 : i32
        %add3A_1276 = arith.addi %squeeze3A_1246, %add3A_1275 : i32
        %swap3A_1277 = arith.index_cast %add3A_1276 : i32 to index
        %swap3A_1278 = tpu.vector_load %arg13[%swap3A_1277] {strides = array<i32>} : memref<40192xf32, #tpu.memory_space<vmem>>, vector<16xf32>,
        tpu.vector_store %arg13[%swap3A_1277], %max3A_1274 {strides = array<i32>} : memref<40192xf32, #tpu.memory_space<vmem>>, vector<16xf32>,
        %add3A_1279 = arith.constant 32 : i32
        %add3A_1280 = arith.addi %squeeze3A_1246, %add3A_1279 : i32
        %get3A_1281 = arith.index_cast %add3A_1280 : i32 to index
        %get3A_1282 = tpu.vector_load %arg13[%get3A_1281] {strides = array<i32>} : memref<40192xf32, #tpu.memory_space<vmem>>, vector<16xf32>,
        %mul3A_1283 = vector.broadcast %squeeze3A_1248 : f32 to vector<16xf32>
        %mul3A_1284 = arith.mulf %mul3A_1283, %get3A_7 : vector<16xf32>
        %mul3A_1285 = vector.broadcast %squeeze3A_1250 : f32 to vector<16xf32>
        %mul3A_1286 = arith.mulf %mul3A_1285, %get3A_23 : vector<16xf32>
        %add3A_1287 = arith.addf %mul3A_1284, %mul3A_1286 : vector<16xf32>
        %max3A_1288 = arith.maximumf %get3A_1282, %add3A_1287 : vector<16xf32>
        %add3A_1289 = arith.constant 32 : i32
        %add3A_1290 = arith.addi %squeeze3A_1246, %add3A_1289 : i32
        %swap3A_1291 = arith.index_cast %add3A_1290 : i32 to index
        %swap3A_1292 = tpu.vector_load %arg13[%swap3A_1291] {strides = array<i32>} : memref<40192xf32, #tpu.memory_space<vmem>>, vector<16xf32>,
        tpu.vector_store %arg13[%swap3A_1291], %max3A_1288 {strides = array<i32>} : memref<40192xf32, #tpu.memory_space<vmem>>, vector<16xf32>,
        %add3A_1293 = arith.constant 48 : i32
        %add3A_1294 = arith.addi %squeeze3A_1246, %add3A_1293 : i32
        %get3A_1295 = arith.index_cast %add3A_1294 : i32 to index
        %get3A_1296 = tpu.vector_load %arg13[%get3A_1295] {strides = array<i32>} : memref<40192xf32, #tpu.memory_space<vmem>>, vector<16xf32>,
        %mul3A_1297 = vector.broadcast %squeeze3A_1248 : f32 to vector<16xf32>
        %mul3A_1298 = arith.mulf %mul3A_1297, %get3A_9 : vector<16xf32>
        %mul3A_1299 = vector.broadcast %squeeze3A_1250 : f32 to vector<16xf32>
        %mul3A_1300 = arith.mulf %mul3A_1299, %get3A_25 : vector<16xf32>
        %add3A_1301 = arith.addf %mul3A_1298, %mul3A_1300 : vector<16xf32>
        %max3A_1302 = arith.maximumf %get3A_1296, %add3A_1301 : vector<16xf32>
        %add3A_1303 = arith.constant 48 : i32
        %add3A_1304 = arith.addi %squeeze3A_1246, %add3A_1303 : i32
        %swap3A_1305 = arith.index_cast %add3A_1304 : i32 to index
        %swap3A_1306 = tpu.vector_load %arg13[%swap3A_1305] {strides = array<i32>} : memref<40192xf32, #tpu.memory_space<vmem>>, vector<16xf32>,
        tpu.vector_store %arg13[%swap3A_1305], %max3A_1302 {strides = array<i32>} : memref<40192xf32, #tpu.memory_space<vmem>>, vector<16xf32>,
        %add3A_1307 = arith.constant 64 : i32
        %add3A_1308 = arith.addi %squeeze3A_1246, %add3A_1307 : i32
        %get3A_1309 = arith.index_cast %add3A_1308 : i32 to index
        %get3A_1310 = tpu.vector_load %arg13[%get3A_1309] {strides = array<i32>} : memref<40192xf32, #tpu.memory_space<vmem>>, vector<16xf32>,
        %mul3A_1311 = vector.broadcast %squeeze3A_1248 : f32 to vector<16xf32>
        %mul3A_1312 = arith.mulf %mul3A_1311, %get3A_11 : vector<16xf32>
        %mul3A_1313 = vector.broadcast %squeeze3A_1250 : f32 to vector<16xf32>
        %mul3A_1314 = arith.mulf %mul3A_1313, %get3A_27 : vector<16xf32>
        %add3A_1315 = arith.addf %mul3A_1312, %mul3A_1314 : vector<16xf32>
        %max3A_1316 = arith.maximumf %get3A_1310, %add3A_1315 : vector<16xf32>
        %add3A_1317 = arith.constant 64 : i32
        %add3A_1318 = arith.addi %squeeze3A_1246, %add3A_1317 : i32
        %swap3A_1319 = arith.index_cast %add3A_1318 : i32 to index
        %swap3A_1320 = tpu.vector_load %arg13[%swap3A_1319] {strides = array<i32>} : memref<40192xf32, #tpu.memory_space<vmem>>, vector<16xf32>,
        tpu.vector_store %arg13[%swap3A_1319], %max3A_1316 {strides = array<i32>} : memref<40192xf32, #tpu.memory_space<vmem>>, vector<16xf32>,
        %add3A_1321 = arith.constant 80 : i32
        %add3A_1322 = arith.addi %squeeze3A_1246, %add3A_1321 : i32
        %get3A_1323 = arith.index_cast %add3A_1322 : i32 to index
        %get3A_1324 = tpu.vector_load %arg13[%get3A_1323] {strides = array<i32>} : memref<40192xf32, #tpu.memory_space<vmem>>, vector<16xf32>,
        %mul3A_1325 = vector.broadcast %squeeze3A_1248 : f32 to vector<16xf32>
        %mul3A_1326 = arith.mulf %mul3A_1325, %get3A_13 : vector<16xf32>
        %mul3A_1327 = vector.broadcast %squeeze3A_1250 : f32 to vector<16xf32>
        %mul3A_1328 = arith.mulf %mul3A_1327, %get3A_29 : vector<16xf32>
        %add3A_1329 = arith.addf %mul3A_1326, %mul3A_1328 : vector<16xf32>
        %max3A_1330 = arith.maximumf %get3A_1324, %add3A_1329 : vector<16xf32>
        %add3A_1331 = arith.constant 80 : i32
        %add3A_1332 = arith.addi %squeeze3A_1246, %add3A_1331 : i32
        %swap3A_1333 = arith.index_cast %add3A_1332 : i32 to index
        %swap3A_1334 = tpu.vector_load %arg13[%swap3A_1333] {strides = array<i32>} : memref<40192xf32, #tpu.memory_space<vmem>>, vector<16xf32>,
        tpu.vector_store %arg13[%swap3A_1333], %max3A_1330 {strides = array<i32>} : memref<40192xf32, #tpu.memory_space<vmem>>, vector<16xf32>,
        %add3A_1335 = arith.constant 96 : i32
        %add3A_1336 = arith.addi %squeeze3A_1246, %add3A_1335 : i32
        %get3A_1337 = arith.index_cast %add3A_1336 : i32 to index
        %get3A_1338 = tpu.vector_load %arg13[%get3A_1337] {strides = array<i32>} : memref<40192xf32, #tpu.memory_space<vmem>>, vector<16xf32>,
        %mul3A_1339 = vector.broadcast %squeeze3A_1248 : f32 to vector<16xf32>
        %mul3A_1340 = arith.mulf %mul3A_1339, %get3A_15 : vector<16xf32>
        %mul3A_1341 = vector.broadcast %squeeze3A_1250 : f32 to vector<16xf32>
        %mul3A_1342 = arith.mulf %mul3A_1341, %get3A_31 : vector<16xf32>
        %add3A_1343 = arith.addf %mul3A_1340, %mul3A_1342 : vector<16xf32>
        %max3A_1344 = arith.maximumf %get3A_1338, %add3A_1343 : vector<16xf32>
        %add3A_1345 = arith.constant 96 : i32
        %add3A_1346 = arith.addi %squeeze3A_1246, %add3A_1345 : i32
        %swap3A_1347 = arith.index_cast %add3A_1346 : i32 to index
        %swap3A_1348 = tpu.vector_load %arg13[%swap3A_1347] {strides = array<i32>} : memref<40192xf32, #tpu.memory_space<vmem>>, vector<16xf32>,
        tpu.vector_store %arg13[%swap3A_1347], %max3A_1344 {strides = array<i32>} : memref<40192xf32, #tpu.memory_space<vmem>>, vector<16xf32>,
        %add3A_1349 = arith.constant 112 : i32
        %add3A_1350 = arith.addi %squeeze3A_1246, %add3A_1349 : i32
        %get3A_1351 = arith.index_cast %add3A_1350 : i32 to index
        %get3A_1352 = tpu.vector_load %arg13[%get3A_1351] {strides = array<i32>} : memref<40192xf32, #tpu.memory_space<vmem>>, vector<16xf32>,
        %mul3A_1353 = vector.broadcast %squeeze3A_1248 : f32 to vector<16xf32>
        %mul3A_1354 = arith.mulf %mul3A_1353, %get3A_17 : vector<16xf32>
        %mul3A_1355 = vector.broadcast %squeeze3A_1250 : f32 to vector<16xf32>
        %mul3A_1356 = arith.mulf %mul3A_1355, %get3A_33 : vector<16xf32>
        %add3A_1357 = arith.addf %mul3A_1354, %mul3A_1356 : vector<16xf32>
        %max3A_1358 = arith.maximumf %get3A_1352, %add3A_1357 : vector<16xf32>
        %add3A_1359 = arith.constant 112 : i32
        %add3A_1360 = arith.addi %squeeze3A_1246, %add3A_1359 : i32
        %swap3A_1361 = arith.index_cast %add3A_1360 : i32 to index
        %swap3A_1362 = tpu.vector_load %arg13[%swap3A_1361] {strides = array<i32>} : memref<40192xf32, #tpu.memory_space<vmem>>, vector<16xf32>,
        tpu.vector_store %arg13[%swap3A_1361], %max3A_1358 {strides = array<i32>} : memref<40192xf32, #tpu.memory_space<vmem>>, vector<16xf32>,
        %slice3A_1363 = vector.extract_strided_slice %mul3A_185 {offsets = [10], sizes = [1], strides = [1]} : vector<16xi32> to vector<1xi32>
        %squeeze3A_1364 = vector.extract %slice3A_1363[0] : i32 from vector<1xi32>
        %slice3A_1365 = vector.extract_strided_slice %gather3A_180 {offsets = [10], sizes = [1], strides = [1]} : vector<16xf32> to vector<1xf32>
        %squeeze3A_1366 = vector.extract %slice3A_1365[0] : f32 from vector<1xf32>
        %slice3A_1367 = vector.extract_strided_slice %gather3A_179 {offsets = [10], sizes = [1], strides = [1]} : vector<16xf32> to vector<1xf32>
        %squeeze3A_1368 = vector.extract %slice3A_1367[0] : f32 from vector<1xf32>
        %add3A_1369 = arith.constant 0 : i32
        %add3A_1370 = arith.addi %squeeze3A_1364, %add3A_1369 : i32
        %get3A_1371 = arith.index_cast %add3A_1370 : i32 to index
        %get3A_1372 = tpu.vector_load %arg13[%get3A_1371] {strides = array<i32>} : memref<40192xf32, #tpu.memory_space<vmem>>, vector<16xf32>,
        %mul3A_1373 = vector.broadcast %squeeze3A_1366 : f32 to vector<16xf32>
        %mul3A_1374 = arith.mulf %mul3A_1373, %get3A_3 : vector<16xf32>
        %mul3A_1375 = vector.broadcast %squeeze3A_1368 : f32 to vector<16xf32>
        %mul3A_1376 = arith.mulf %mul3A_1375, %get3A_19 : vector<16xf32>
        %add3A_1377 = arith.addf %mul3A_1374, %mul3A_1376 : vector<16xf32>
        %max3A_1378 = arith.maximumf %get3A_1372, %add3A_1377 : vector<16xf32>
        %add3A_1379 = arith.constant 0 : i32
        %add3A_1380 = arith.addi %squeeze3A_1364, %add3A_1379 : i32
        %swap3A_1381 = arith.index_cast %add3A_1380 : i32 to index
        %swap3A_1382 = tpu.vector_load %arg13[%swap3A_1381] {strides = array<i32>} : memref<40192xf32, #tpu.memory_space<vmem>>, vector<16xf32>,
        tpu.vector_store %arg13[%swap3A_1381], %max3A_1378 {strides = array<i32>} : memref<40192xf32, #tpu.memory_space<vmem>>, vector<16xf32>,
        %add3A_1383 = arith.constant 16 : i32
        %add3A_1384 = arith.addi %squeeze3A_1364, %add3A_1383 : i32
        %get3A_1385 = arith.index_cast %add3A_1384 : i32 to index
        %get3A_1386 = tpu.vector_load %arg13[%get3A_1385] {strides = array<i32>} : memref<40192xf32, #tpu.memory_space<vmem>>, vector<16xf32>,
        %mul3A_1387 = vector.broadcast %squeeze3A_1366 : f32 to vector<16xf32>
        %mul3A_1388 = arith.mulf %mul3A_1387, %get3A_5 : vector<16xf32>
        %mul3A_1389 = vector.broadcast %squeeze3A_1368 : f32 to vector<16xf32>
        %mul3A_1390 = arith.mulf %mul3A_1389, %get3A_21 : vector<16xf32>
        %add3A_1391 = arith.addf %mul3A_1388, %mul3A_1390 : vector<16xf32>
        %max3A_1392 = arith.maximumf %get3A_1386, %add3A_1391 : vector<16xf32>
        %add3A_1393 = arith.constant 16 : i32
        %add3A_1394 = arith.addi %squeeze3A_1364, %add3A_1393 : i32
        %swap3A_1395 = arith.index_cast %add3A_1394 : i32 to index
        %swap3A_1396 = tpu.vector_load %arg13[%swap3A_1395] {strides = array<i32>} : memref<40192xf32, #tpu.memory_space<vmem>>, vector<16xf32>,
        tpu.vector_store %arg13[%swap3A_1395], %max3A_1392 {strides = array<i32>} : memref<40192xf32, #tpu.memory_space<vmem>>, vector<16xf32>,
        %add3A_1397 = arith.constant 32 : i32
        %add3A_1398 = arith.addi %squeeze3A_1364, %add3A_1397 : i32
        %get3A_1399 = arith.index_cast %add3A_1398 : i32 to index
        %get3A_1400 = tpu.vector_load %arg13[%get3A_1399] {strides = array<i32>} : memref<40192xf32, #tpu.memory_space<vmem>>, vector<16xf32>,
        %mul3A_1401 = vector.broadcast %squeeze3A_1366 : f32 to vector<16xf32>
        %mul3A_1402 = arith.mulf %mul3A_1401, %get3A_7 : vector<16xf32>
        %mul3A_1403 = vector.broadcast %squeeze3A_1368 : f32 to vector<16xf32>
        %mul3A_1404 = arith.mulf %mul3A_1403, %get3A_23 : vector<16xf32>
        %add3A_1405 = arith.addf %mul3A_1402, %mul3A_1404 : vector<16xf32>
        %max3A_1406 = arith.maximumf %get3A_1400, %add3A_1405 : vector<16xf32>
        %add3A_1407 = arith.constant 32 : i32
        %add3A_1408 = arith.addi %squeeze3A_1364, %add3A_1407 : i32
        %swap3A_1409 = arith.index_cast %add3A_1408 : i32 to index
        %swap3A_1410 = tpu.vector_load %arg13[%swap3A_1409] {strides = array<i32>} : memref<40192xf32, #tpu.memory_space<vmem>>, vector<16xf32>,
        tpu.vector_store %arg13[%swap3A_1409], %max3A_1406 {strides = array<i32>} : memref<40192xf32, #tpu.memory_space<vmem>>, vector<16xf32>,
        %add3A_1411 = arith.constant 48 : i32
        %add3A_1412 = arith.addi %squeeze3A_1364, %add3A_1411 : i32
        %get3A_1413 = arith.index_cast %add3A_1412 : i32 to index
        %get3A_1414 = tpu.vector_load %arg13[%get3A_1413] {strides = array<i32>} : memref<40192xf32, #tpu.memory_space<vmem>>, vector<16xf32>,
        %mul3A_1415 = vector.broadcast %squeeze3A_1366 : f32 to vector<16xf32>
        %mul3A_1416 = arith.mulf %mul3A_1415, %get3A_9 : vector<16xf32>
        %mul3A_1417 = vector.broadcast %squeeze3A_1368 : f32 to vector<16xf32>
        %mul3A_1418 = arith.mulf %mul3A_1417, %get3A_25 : vector<16xf32>
        %add3A_1419 = arith.addf %mul3A_1416, %mul3A_1418 : vector<16xf32>
        %max3A_1420 = arith.maximumf %get3A_1414, %add3A_1419 : vector<16xf32>
        %add3A_1421 = arith.constant 48 : i32
        %add3A_1422 = arith.addi %squeeze3A_1364, %add3A_1421 : i32
        %swap3A_1423 = arith.index_cast %add3A_1422 : i32 to index
        %swap3A_1424 = tpu.vector_load %arg13[%swap3A_1423] {strides = array<i32>} : memref<40192xf32, #tpu.memory_space<vmem>>, vector<16xf32>,
        tpu.vector_store %arg13[%swap3A_1423], %max3A_1420 {strides = array<i32>} : memref<40192xf32, #tpu.memory_space<vmem>>, vector<16xf32>,
        %add3A_1425 = arith.constant 64 : i32
        %add3A_1426 = arith.addi %squeeze3A_1364, %add3A_1425 : i32
        %get3A_1427 = arith.index_cast %add3A_1426 : i32 to index
        %get3A_1428 = tpu.vector_load %arg13[%get3A_1427] {strides = array<i32>} : memref<40192xf32, #tpu.memory_space<vmem>>, vector<16xf32>,
        %mul3A_1429 = vector.broadcast %squeeze3A_1366 : f32 to vector<16xf32>
        %mul3A_1430 = arith.mulf %mul3A_1429, %get3A_11 : vector<16xf32>
        %mul3A_1431 = vector.broadcast %squeeze3A_1368 : f32 to vector<16xf32>
        %mul3A_1432 = arith.mulf %mul3A_1431, %get3A_27 : vector<16xf32>
        %add3A_1433 = arith.addf %mul3A_1430, %mul3A_1432 : vector<16xf32>
        %max3A_1434 = arith.maximumf %get3A_1428, %add3A_1433 : vector<16xf32>
        %add3A_1435 = arith.constant 64 : i32
        %add3A_1436 = arith.addi %squeeze3A_1364, %add3A_1435 : i32
        %swap3A_1437 = arith.index_cast %add3A_1436 : i32 to index
        %swap3A_1438 = tpu.vector_load %arg13[%swap3A_1437] {strides = array<i32>} : memref<40192xf32, #tpu.memory_space<vmem>>, vector<16xf32>,
        tpu.vector_store %arg13[%swap3A_1437], %max3A_1434 {strides = array<i32>} : memref<40192xf32, #tpu.memory_space<vmem>>, vector<16xf32>,
        %add3A_1439 = arith.constant 80 : i32
        %add3A_1440 = arith.addi %squeeze3A_1364, %add3A_1439 : i32
        %get3A_1441 = arith.index_cast %add3A_1440 : i32 to index
        %get3A_1442 = tpu.vector_load %arg13[%get3A_1441] {strides = array<i32>} : memref<40192xf32, #tpu.memory_space<vmem>>, vector<16xf32>,
        %mul3A_1443 = vector.broadcast %squeeze3A_1366 : f32 to vector<16xf32>
        %mul3A_1444 = arith.mulf %mul3A_1443, %get3A_13 : vector<16xf32>
        %mul3A_1445 = vector.broadcast %squeeze3A_1368 : f32 to vector<16xf32>
        %mul3A_1446 = arith.mulf %mul3A_1445, %get3A_29 : vector<16xf32>
        %add3A_1447 = arith.addf %mul3A_1444, %mul3A_1446 : vector<16xf32>
        %max3A_1448 = arith.maximumf %get3A_1442, %add3A_1447 : vector<16xf32>
        %add3A_1449 = arith.constant 80 : i32
        %add3A_1450 = arith.addi %squeeze3A_1364, %add3A_1449 : i32
        %swap3A_1451 = arith.index_cast %add3A_1450 : i32 to index
        %swap3A_1452 = tpu.vector_load %arg13[%swap3A_1451] {strides = array<i32>} : memref<40192xf32, #tpu.memory_space<vmem>>, vector<16xf32>,
        tpu.vector_store %arg13[%swap3A_1451], %max3A_1448 {strides = array<i32>} : memref<40192xf32, #tpu.memory_space<vmem>>, vector<16xf32>,
        %add3A_1453 = arith.constant 96 : i32
        %add3A_1454 = arith.addi %squeeze3A_1364, %add3A_1453 : i32
        %get3A_1455 = arith.index_cast %add3A_1454 : i32 to index
        %get3A_1456 = tpu.vector_load %arg13[%get3A_1455] {strides = array<i32>} : memref<40192xf32, #tpu.memory_space<vmem>>, vector<16xf32>,
        %mul3A_1457 = vector.broadcast %squeeze3A_1366 : f32 to vector<16xf32>
        %mul3A_1458 = arith.mulf %mul3A_1457, %get3A_15 : vector<16xf32>
        %mul3A_1459 = vector.broadcast %squeeze3A_1368 : f32 to vector<16xf32>
        %mul3A_1460 = arith.mulf %mul3A_1459, %get3A_31 : vector<16xf32>
        %add3A_1461 = arith.addf %mul3A_1458, %mul3A_1460 : vector<16xf32>
        %max3A_1462 = arith.maximumf %get3A_1456, %add3A_1461 : vector<16xf32>
        %add3A_1463 = arith.constant 96 : i32
        %add3A_1464 = arith.addi %squeeze3A_1364, %add3A_1463 : i32
        %swap3A_1465 = arith.index_cast %add3A_1464 : i32 to index
        %swap3A_1466 = tpu.vector_load %arg13[%swap3A_1465] {strides = array<i32>} : memref<40192xf32, #tpu.memory_space<vmem>>, vector<16xf32>,
        tpu.vector_store %arg13[%swap3A_1465], %max3A_1462 {strides = array<i32>} : memref<40192xf32, #tpu.memory_space<vmem>>, vector<16xf32>,
        %add3A_1467 = arith.constant 112 : i32
        %add3A_1468 = arith.addi %squeeze3A_1364, %add3A_1467 : i32
        %get3A_1469 = arith.index_cast %add3A_1468 : i32 to index
        %get3A_1470 = tpu.vector_load %arg13[%get3A_1469] {strides = array<i32>} : memref<40192xf32, #tpu.memory_space<vmem>>, vector<16xf32>,
        %mul3A_1471 = vector.broadcast %squeeze3A_1366 : f32 to vector<16xf32>
        %mul3A_1472 = arith.mulf %mul3A_1471, %get3A_17 : vector<16xf32>
        %mul3A_1473 = vector.broadcast %squeeze3A_1368 : f32 to vector<16xf32>
        %mul3A_1474 = arith.mulf %mul3A_1473, %get3A_33 : vector<16xf32>
        %add3A_1475 = arith.addf %mul3A_1472, %mul3A_1474 : vector<16xf32>
        %max3A_1476 = arith.maximumf %get3A_1470, %add3A_1475 : vector<16xf32>
        %add3A_1477 = arith.constant 112 : i32
        %add3A_1478 = arith.addi %squeeze3A_1364, %add3A_1477 : i32
        %swap3A_1479 = arith.index_cast %add3A_1478 : i32 to index
        %swap3A_1480 = tpu.vector_load %arg13[%swap3A_1479] {strides = array<i32>} : memref<40192xf32, #tpu.memory_space<vmem>>, vector<16xf32>,
        tpu.vector_store %arg13[%swap3A_1479], %max3A_1476 {strides = array<i32>} : memref<40192xf32, #tpu.memory_space<vmem>>, vector<16xf32>,
        %slice3A_1481 = vector.extract_strided_slice %mul3A_185 {offsets = [11], sizes = [1], strides = [1]} : vector<16xi32> to vector<1xi32>
        %squeeze3A_1482 = vector.extract %slice3A_1481[0] : i32 from vector<1xi32>
        %slice3A_1483 = vector.extract_strided_slice %gather3A_180 {offsets = [11], sizes = [1], strides = [1]} : vector<16xf32> to vector<1xf32>
        %squeeze3A_1484 = vector.extract %slice3A_1483[0] : f32 from vector<1xf32>
        %slice3A_1485 = vector.extract_strided_slice %gather3A_179 {offsets = [11], sizes = [1], strides = [1]} : vector<16xf32> to vector<1xf32>
        %squeeze3A_1486 = vector.extract %slice3A_1485[0] : f32 from vector<1xf32>
        %add3A_1487 = arith.constant 0 : i32
        %add3A_1488 = arith.addi %squeeze3A_1482, %add3A_1487 : i32
        %get3A_1489 = arith.index_cast %add3A_1488 : i32 to index
        %get3A_1490 = tpu.vector_load %arg13[%get3A_1489] {strides = array<i32>} : memref<40192xf32, #tpu.memory_space<vmem>>, vector<16xf32>,
        %mul3A_1491 = vector.broadcast %squeeze3A_1484 : f32 to vector<16xf32>
        %mul3A_1492 = arith.mulf %mul3A_1491, %get3A_3 : vector<16xf32>
        %mul3A_1493 = vector.broadcast %squeeze3A_1486 : f32 to vector<16xf32>
        %mul3A_1494 = arith.mulf %mul3A_1493, %get3A_19 : vector<16xf32>
        %add3A_1495 = arith.addf %mul3A_1492, %mul3A_1494 : vector<16xf32>
        %max3A_1496 = arith.maximumf %get3A_1490, %add3A_1495 : vector<16xf32>
        %add3A_1497 = arith.constant 0 : i32
        %add3A_1498 = arith.addi %squeeze3A_1482, %add3A_1497 : i32
        %swap3A_1499 = arith.index_cast %add3A_1498 : i32 to index
        %swap3A_1500 = tpu.vector_load %arg13[%swap3A_1499] {strides = array<i32>} : memref<40192xf32, #tpu.memory_space<vmem>>, vector<16xf32>,
        tpu.vector_store %arg13[%swap3A_1499], %max3A_1496 {strides = array<i32>} : memref<40192xf32, #tpu.memory_space<vmem>>, vector<16xf32>,
        %add3A_1501 = arith.constant 16 : i32
        %add3A_1502 = arith.addi %squeeze3A_1482, %add3A_1501 : i32
        %get3A_1503 = arith.index_cast %add3A_1502 : i32 to index
        %get3A_1504 = tpu.vector_load %arg13[%get3A_1503] {strides = array<i32>} : memref<40192xf32, #tpu.memory_space<vmem>>, vector<16xf32>,
        %mul3A_1505 = vector.broadcast %squeeze3A_1484 : f32 to vector<16xf32>
        %mul3A_1506 = arith.mulf %mul3A_1505, %get3A_5 : vector<16xf32>
        %mul3A_1507 = vector.broadcast %squeeze3A_1486 : f32 to vector<16xf32>
        %mul3A_1508 = arith.mulf %mul3A_1507, %get3A_21 : vector<16xf32>
        %add3A_1509 = arith.addf %mul3A_1506, %mul3A_1508 : vector<16xf32>
        %max3A_1510 = arith.maximumf %get3A_1504, %add3A_1509 : vector<16xf32>
        %add3A_1511 = arith.constant 16 : i32
        %add3A_1512 = arith.addi %squeeze3A_1482, %add3A_1511 : i32
        %swap3A_1513 = arith.index_cast %add3A_1512 : i32 to index
        %swap3A_1514 = tpu.vector_load %arg13[%swap3A_1513] {strides = array<i32>} : memref<40192xf32, #tpu.memory_space<vmem>>, vector<16xf32>,
        tpu.vector_store %arg13[%swap3A_1513], %max3A_1510 {strides = array<i32>} : memref<40192xf32, #tpu.memory_space<vmem>>, vector<16xf32>,
        %add3A_1515 = arith.constant 32 : i32
        %add3A_1516 = arith.addi %squeeze3A_1482, %add3A_1515 : i32
        %get3A_1517 = arith.index_cast %add3A_1516 : i32 to index
        %get3A_1518 = tpu.vector_load %arg13[%get3A_1517] {strides = array<i32>} : memref<40192xf32, #tpu.memory_space<vmem>>, vector<16xf32>,
        %mul3A_1519 = vector.broadcast %squeeze3A_1484 : f32 to vector<16xf32>
        %mul3A_1520 = arith.mulf %mul3A_1519, %get3A_7 : vector<16xf32>
        %mul3A_1521 = vector.broadcast %squeeze3A_1486 : f32 to vector<16xf32>
        %mul3A_1522 = arith.mulf %mul3A_1521, %get3A_23 : vector<16xf32>
        %add3A_1523 = arith.addf %mul3A_1520, %mul3A_1522 : vector<16xf32>
        %max3A_1524 = arith.maximumf %get3A_1518, %add3A_1523 : vector<16xf32>
        %add3A_1525 = arith.constant 32 : i32
        %add3A_1526 = arith.addi %squeeze3A_1482, %add3A_1525 : i32
        %swap3A_1527 = arith.index_cast %add3A_1526 : i32 to index
        %swap3A_1528 = tpu.vector_load %arg13[%swap3A_1527] {strides = array<i32>} : memref<40192xf32, #tpu.memory_space<vmem>>, vector<16xf32>,
        tpu.vector_store %arg13[%swap3A_1527], %max3A_1524 {strides = array<i32>} : memref<40192xf32, #tpu.memory_space<vmem>>, vector<16xf32>,
        %add3A_1529 = arith.constant 48 : i32
        %add3A_1530 = arith.addi %squeeze3A_1482, %add3A_1529 : i32
        %get3A_1531 = arith.index_cast %add3A_1530 : i32 to index
        %get3A_1532 = tpu.vector_load %arg13[%get3A_1531] {strides = array<i32>} : memref<40192xf32, #tpu.memory_space<vmem>>, vector<16xf32>,
        %mul3A_1533 = vector.broadcast %squeeze3A_1484 : f32 to vector<16xf32>
        %mul3A_1534 = arith.mulf %mul3A_1533, %get3A_9 : vector<16xf32>
        %mul3A_1535 = vector.broadcast %squeeze3A_1486 : f32 to vector<16xf32>
        %mul3A_1536 = arith.mulf %mul3A_1535, %get3A_25 : vector<16xf32>
        %add3A_1537 = arith.addf %mul3A_1534, %mul3A_1536 : vector<16xf32>
        %max3A_1538 = arith.maximumf %get3A_1532, %add3A_1537 : vector<16xf32>
        %add3A_1539 = arith.constant 48 : i32
        %add3A_1540 = arith.addi %squeeze3A_1482, %add3A_1539 : i32
        %swap3A_1541 = arith.index_cast %add3A_1540 : i32 to index
        %swap3A_1542 = tpu.vector_load %arg13[%swap3A_1541] {strides = array<i32>} : memref<40192xf32, #tpu.memory_space<vmem>>, vector<16xf32>,
        tpu.vector_store %arg13[%swap3A_1541], %max3A_1538 {strides = array<i32>} : memref<40192xf32, #tpu.memory_space<vmem>>, vector<16xf32>,
        %add3A_1543 = arith.constant 64 : i32
        %add3A_1544 = arith.addi %squeeze3A_1482, %add3A_1543 : i32
        %get3A_1545 = arith.index_cast %add3A_1544 : i32 to index
        %get3A_1546 = tpu.vector_load %arg13[%get3A_1545] {strides = array<i32>} : memref<40192xf32, #tpu.memory_space<vmem>>, vector<16xf32>,
        %mul3A_1547 = vector.broadcast %squeeze3A_1484 : f32 to vector<16xf32>
        %mul3A_1548 = arith.mulf %mul3A_1547, %get3A_11 : vector<16xf32>
        %mul3A_1549 = vector.broadcast %squeeze3A_1486 : f32 to vector<16xf32>
        %mul3A_1550 = arith.mulf %mul3A_1549, %get3A_27 : vector<16xf32>
        %add3A_1551 = arith.addf %mul3A_1548, %mul3A_1550 : vector<16xf32>
        %max3A_1552 = arith.maximumf %get3A_1546, %add3A_1551 : vector<16xf32>
        %add3A_1553 = arith.constant 64 : i32
        %add3A_1554 = arith.addi %squeeze3A_1482, %add3A_1553 : i32
        %swap3A_1555 = arith.index_cast %add3A_1554 : i32 to index
        %swap3A_1556 = tpu.vector_load %arg13[%swap3A_1555] {strides = array<i32>} : memref<40192xf32, #tpu.memory_space<vmem>>, vector<16xf32>,
        tpu.vector_store %arg13[%swap3A_1555], %max3A_1552 {strides = array<i32>} : memref<40192xf32, #tpu.memory_space<vmem>>, vector<16xf32>,
        %add3A_1557 = arith.constant 80 : i32
        %add3A_1558 = arith.addi %squeeze3A_1482, %add3A_1557 : i32
        %get3A_1559 = arith.index_cast %add3A_1558 : i32 to index
        %get3A_1560 = tpu.vector_load %arg13[%get3A_1559] {strides = array<i32>} : memref<40192xf32, #tpu.memory_space<vmem>>, vector<16xf32>,
        %mul3A_1561 = vector.broadcast %squeeze3A_1484 : f32 to vector<16xf32>
        %mul3A_1562 = arith.mulf %mul3A_1561, %get3A_13 : vector<16xf32>
        %mul3A_1563 = vector.broadcast %squeeze3A_1486 : f32 to vector<16xf32>
        %mul3A_1564 = arith.mulf %mul3A_1563, %get3A_29 : vector<16xf32>
        %add3A_1565 = arith.addf %mul3A_1562, %mul3A_1564 : vector<16xf32>
        %max3A_1566 = arith.maximumf %get3A_1560, %add3A_1565 : vector<16xf32>
        %add3A_1567 = arith.constant 80 : i32
        %add3A_1568 = arith.addi %squeeze3A_1482, %add3A_1567 : i32
        %swap3A_1569 = arith.index_cast %add3A_1568 : i32 to index
        %swap3A_1570 = tpu.vector_load %arg13[%swap3A_1569] {strides = array<i32>} : memref<40192xf32, #tpu.memory_space<vmem>>, vector<16xf32>,
        tpu.vector_store %arg13[%swap3A_1569], %max3A_1566 {strides = array<i32>} : memref<40192xf32, #tpu.memory_space<vmem>>, vector<16xf32>,
        %add3A_1571 = arith.constant 96 : i32
        %add3A_1572 = arith.addi %squeeze3A_1482, %add3A_1571 : i32
        %get3A_1573 = arith.index_cast %add3A_1572 : i32 to index
        %get3A_1574 = tpu.vector_load %arg13[%get3A_1573] {strides = array<i32>} : memref<40192xf32, #tpu.memory_space<vmem>>, vector<16xf32>,
        %mul3A_1575 = vector.broadcast %squeeze3A_1484 : f32 to vector<16xf32>
        %mul3A_1576 = arith.mulf %mul3A_1575, %get3A_15 : vector<16xf32>
        %mul3A_1577 = vector.broadcast %squeeze3A_1486 : f32 to vector<16xf32>
        %mul3A_1578 = arith.mulf %mul3A_1577, %get3A_31 : vector<16xf32>
        %add3A_1579 = arith.addf %mul3A_1576, %mul3A_1578 : vector<16xf32>
        %max3A_1580 = arith.maximumf %get3A_1574, %add3A_1579 : vector<16xf32>
        %add3A_1581 = arith.constant 96 : i32
        %add3A_1582 = arith.addi %squeeze3A_1482, %add3A_1581 : i32
        %swap3A_1583 = arith.index_cast %add3A_1582 : i32 to index
        %swap3A_1584 = tpu.vector_load %arg13[%swap3A_1583] {strides = array<i32>} : memref<40192xf32, #tpu.memory_space<vmem>>, vector<16xf32>,
        tpu.vector_store %arg13[%swap3A_1583], %max3A_1580 {strides = array<i32>} : memref<40192xf32, #tpu.memory_space<vmem>>, vector<16xf32>,
        %add3A_1585 = arith.constant 112 : i32
        %add3A_1586 = arith.addi %squeeze3A_1482, %add3A_1585 : i32
        %get3A_1587 = arith.index_cast %add3A_1586 : i32 to index
        %get3A_1588 = tpu.vector_load %arg13[%get3A_1587] {strides = array<i32>} : memref<40192xf32, #tpu.memory_space<vmem>>, vector<16xf32>,
        %mul3A_1589 = vector.broadcast %squeeze3A_1484 : f32 to vector<16xf32>
        %mul3A_1590 = arith.mulf %mul3A_1589, %get3A_17 : vector<16xf32>
        %mul3A_1591 = vector.broadcast %squeeze3A_1486 : f32 to vector<16xf32>
        %mul3A_1592 = arith.mulf %mul3A_1591, %get3A_33 : vector<16xf32>
        %add3A_1593 = arith.addf %mul3A_1590, %mul3A_1592 : vector<16xf32>
        %max3A_1594 = arith.maximumf %get3A_1588, %add3A_1593 : vector<16xf32>
        %add3A_1595 = arith.constant 112 : i32
        %add3A_1596 = arith.addi %squeeze3A_1482, %add3A_1595 : i32
        %swap3A_1597 = arith.index_cast %add3A_1596 : i32 to index
        %swap3A_1598 = tpu.vector_load %arg13[%swap3A_1597] {strides = array<i32>} : memref<40192xf32, #tpu.memory_space<vmem>>, vector<16xf32>,
        tpu.vector_store %arg13[%swap3A_1597], %max3A_1594 {strides = array<i32>} : memref<40192xf32, #tpu.memory_space<vmem>>, vector<16xf32>,
        %slice3A_1599 = vector.extract_strided_slice %mul3A_185 {offsets = [12], sizes = [1], strides = [1]} : vector<16xi32> to vector<1xi32>
        %squeeze3A_1600 = vector.extract %slice3A_1599[0] : i32 from vector<1xi32>
        %slice3A_1601 = vector.extract_strided_slice %gather3A_180 {offsets = [12], sizes = [1], strides = [1]} : vector<16xf32> to vector<1xf32>
        %squeeze3A_1602 = vector.extract %slice3A_1601[0] : f32 from vector<1xf32>
        %slice3A_1603 = vector.extract_strided_slice %gather3A_179 {offsets = [12], sizes = [1], strides = [1]} : vector<16xf32> to vector<1xf32>
        %squeeze3A_1604 = vector.extract %slice3A_1603[0] : f32 from vector<1xf32>
        %add3A_1605 = arith.constant 0 : i32
        %add3A_1606 = arith.addi %squeeze3A_1600, %add3A_1605 : i32
        %get3A_1607 = arith.index_cast %add3A_1606 : i32 to index
        %get3A_1608 = tpu.vector_load %arg13[%get3A_1607] {strides = array<i32>} : memref<40192xf32, #tpu.memory_space<vmem>>, vector<16xf32>,
        %mul3A_1609 = vector.broadcast %squeeze3A_1602 : f32 to vector<16xf32>
        %mul3A_1610 = arith.mulf %mul3A_1609, %get3A_3 : vector<16xf32>
        %mul3A_1611 = vector.broadcast %squeeze3A_1604 : f32 to vector<16xf32>
        %mul3A_1612 = arith.mulf %mul3A_1611, %get3A_19 : vector<16xf32>
        %add3A_1613 = arith.addf %mul3A_1610, %mul3A_1612 : vector<16xf32>
        %max3A_1614 = arith.maximumf %get3A_1608, %add3A_1613 : vector<16xf32>
        %add3A_1615 = arith.constant 0 : i32
        %add3A_1616 = arith.addi %squeeze3A_1600, %add3A_1615 : i32
        %swap3A_1617 = arith.index_cast %add3A_1616 : i32 to index
        %swap3A_1618 = tpu.vector_load %arg13[%swap3A_1617] {strides = array<i32>} : memref<40192xf32, #tpu.memory_space<vmem>>, vector<16xf32>,
        tpu.vector_store %arg13[%swap3A_1617], %max3A_1614 {strides = array<i32>} : memref<40192xf32, #tpu.memory_space<vmem>>, vector<16xf32>,
        %add3A_1619 = arith.constant 16 : i32
        %add3A_1620 = arith.addi %squeeze3A_1600, %add3A_1619 : i32
        %get3A_1621 = arith.index_cast %add3A_1620 : i32 to index
        %get3A_1622 = tpu.vector_load %arg13[%get3A_1621] {strides = array<i32>} : memref<40192xf32, #tpu.memory_space<vmem>>, vector<16xf32>,
        %mul3A_1623 = vector.broadcast %squeeze3A_1602 : f32 to vector<16xf32>
        %mul3A_1624 = arith.mulf %mul3A_1623, %get3A_5 : vector<16xf32>
        %mul3A_1625 = vector.broadcast %squeeze3A_1604 : f32 to vector<16xf32>
        %mul3A_1626 = arith.mulf %mul3A_1625, %get3A_21 : vector<16xf32>
        %add3A_1627 = arith.addf %mul3A_1624, %mul3A_1626 : vector<16xf32>
        %max3A_1628 = arith.maximumf %get3A_1622, %add3A_1627 : vector<16xf32>
        %add3A_1629 = arith.constant 16 : i32
        %add3A_1630 = arith.addi %squeeze3A_1600, %add3A_1629 : i32
        %swap3A_1631 = arith.index_cast %add3A_1630 : i32 to index
        %swap3A_1632 = tpu.vector_load %arg13[%swap3A_1631] {strides = array<i32>} : memref<40192xf32, #tpu.memory_space<vmem>>, vector<16xf32>,
        tpu.vector_store %arg13[%swap3A_1631], %max3A_1628 {strides = array<i32>} : memref<40192xf32, #tpu.memory_space<vmem>>, vector<16xf32>,
        %add3A_1633 = arith.constant 32 : i32
        %add3A_1634 = arith.addi %squeeze3A_1600, %add3A_1633 : i32
        %get3A_1635 = arith.index_cast %add3A_1634 : i32 to index
        %get3A_1636 = tpu.vector_load %arg13[%get3A_1635] {strides = array<i32>} : memref<40192xf32, #tpu.memory_space<vmem>>, vector<16xf32>,
        %mul3A_1637 = vector.broadcast %squeeze3A_1602 : f32 to vector<16xf32>
        %mul3A_1638 = arith.mulf %mul3A_1637, %get3A_7 : vector<16xf32>
        %mul3A_1639 = vector.broadcast %squeeze3A_1604 : f32 to vector<16xf32>
        %mul3A_1640 = arith.mulf %mul3A_1639, %get3A_23 : vector<16xf32>
        %add3A_1641 = arith.addf %mul3A_1638, %mul3A_1640 : vector<16xf32>
        %max3A_1642 = arith.maximumf %get3A_1636, %add3A_1641 : vector<16xf32>
        %add3A_1643 = arith.constant 32 : i32
        %add3A_1644 = arith.addi %squeeze3A_1600, %add3A_1643 : i32
        %swap3A_1645 = arith.index_cast %add3A_1644 : i32 to index
        %swap3A_1646 = tpu.vector_load %arg13[%swap3A_1645] {strides = array<i32>} : memref<40192xf32, #tpu.memory_space<vmem>>, vector<16xf32>,
        tpu.vector_store %arg13[%swap3A_1645], %max3A_1642 {strides = array<i32>} : memref<40192xf32, #tpu.memory_space<vmem>>, vector<16xf32>,
        %add3A_1647 = arith.constant 48 : i32
        %add3A_1648 = arith.addi %squeeze3A_1600, %add3A_1647 : i32
        %get3A_1649 = arith.index_cast %add3A_1648 : i32 to index
        %get3A_1650 = tpu.vector_load %arg13[%get3A_1649] {strides = array<i32>} : memref<40192xf32, #tpu.memory_space<vmem>>, vector<16xf32>,
        %mul3A_1651 = vector.broadcast %squeeze3A_1602 : f32 to vector<16xf32>
        %mul3A_1652 = arith.mulf %mul3A_1651, %get3A_9 : vector<16xf32>
        %mul3A_1653 = vector.broadcast %squeeze3A_1604 : f32 to vector<16xf32>
        %mul3A_1654 = arith.mulf %mul3A_1653, %get3A_25 : vector<16xf32>
        %add3A_1655 = arith.addf %mul3A_1652, %mul3A_1654 : vector<16xf32>
        %max3A_1656 = arith.maximumf %get3A_1650, %add3A_1655 : vector<16xf32>
        %add3A_1657 = arith.constant 48 : i32
        %add3A_1658 = arith.addi %squeeze3A_1600, %add3A_1657 : i32
        %swap3A_1659 = arith.index_cast %add3A_1658 : i32 to index
        %swap3A_1660 = tpu.vector_load %arg13[%swap3A_1659] {strides = array<i32>} : memref<40192xf32, #tpu.memory_space<vmem>>, vector<16xf32>,
        tpu.vector_store %arg13[%swap3A_1659], %max3A_1656 {strides = array<i32>} : memref<40192xf32, #tpu.memory_space<vmem>>, vector<16xf32>,
        %add3A_1661 = arith.constant 64 : i32
        %add3A_1662 = arith.addi %squeeze3A_1600, %add3A_1661 : i32
        %get3A_1663 = arith.index_cast %add3A_1662 : i32 to index
        %get3A_1664 = tpu.vector_load %arg13[%get3A_1663] {strides = array<i32>} : memref<40192xf32, #tpu.memory_space<vmem>>, vector<16xf32>,
        %mul3A_1665 = vector.broadcast %squeeze3A_1602 : f32 to vector<16xf32>
        %mul3A_1666 = arith.mulf %mul3A_1665, %get3A_11 : vector<16xf32>
        %mul3A_1667 = vector.broadcast %squeeze3A_1604 : f32 to vector<16xf32>
        %mul3A_1668 = arith.mulf %mul3A_1667, %get3A_27 : vector<16xf32>
        %add3A_1669 = arith.addf %mul3A_1666, %mul3A_1668 : vector<16xf32>
        %max3A_1670 = arith.maximumf %get3A_1664, %add3A_1669 : vector<16xf32>
        %add3A_1671 = arith.constant 64 : i32
        %add3A_1672 = arith.addi %squeeze3A_1600, %add3A_1671 : i32
        %swap3A_1673 = arith.index_cast %add3A_1672 : i32 to index
        %swap3A_1674 = tpu.vector_load %arg13[%swap3A_1673] {strides = array<i32>} : memref<40192xf32, #tpu.memory_space<vmem>>, vector<16xf32>,
        tpu.vector_store %arg13[%swap3A_1673], %max3A_1670 {strides = array<i32>} : memref<40192xf32, #tpu.memory_space<vmem>>, vector<16xf32>,
        %add3A_1675 = arith.constant 80 : i32
        %add3A_1676 = arith.addi %squeeze3A_1600, %add3A_1675 : i32
        %get3A_1677 = arith.index_cast %add3A_1676 : i32 to index
        %get3A_1678 = tpu.vector_load %arg13[%get3A_1677] {strides = array<i32>} : memref<40192xf32, #tpu.memory_space<vmem>>, vector<16xf32>,
        %mul3A_1679 = vector.broadcast %squeeze3A_1602 : f32 to vector<16xf32>
        %mul3A_1680 = arith.mulf %mul3A_1679, %get3A_13 : vector<16xf32>
        %mul3A_1681 = vector.broadcast %squeeze3A_1604 : f32 to vector<16xf32>
        %mul3A_1682 = arith.mulf %mul3A_1681, %get3A_29 : vector<16xf32>
        %add3A_1683 = arith.addf %mul3A_1680, %mul3A_1682 : vector<16xf32>
        %max3A_1684 = arith.maximumf %get3A_1678, %add3A_1683 : vector<16xf32>
        %add3A_1685 = arith.constant 80 : i32
        %add3A_1686 = arith.addi %squeeze3A_1600, %add3A_1685 : i32
        %swap3A_1687 = arith.index_cast %add3A_1686 : i32 to index
        %swap3A_1688 = tpu.vector_load %arg13[%swap3A_1687] {strides = array<i32>} : memref<40192xf32, #tpu.memory_space<vmem>>, vector<16xf32>,
        tpu.vector_store %arg13[%swap3A_1687], %max3A_1684 {strides = array<i32>} : memref<40192xf32, #tpu.memory_space<vmem>>, vector<16xf32>,
        %add3A_1689 = arith.constant 96 : i32
        %add3A_1690 = arith.addi %squeeze3A_1600, %add3A_1689 : i32
        %get3A_1691 = arith.index_cast %add3A_1690 : i32 to index
        %get3A_1692 = tpu.vector_load %arg13[%get3A_1691] {strides = array<i32>} : memref<40192xf32, #tpu.memory_space<vmem>>, vector<16xf32>,
        %mul3A_1693 = vector.broadcast %squeeze3A_1602 : f32 to vector<16xf32>
        %mul3A_1694 = arith.mulf %mul3A_1693, %get3A_15 : vector<16xf32>
        %mul3A_1695 = vector.broadcast %squeeze3A_1604 : f32 to vector<16xf32>
        %mul3A_1696 = arith.mulf %mul3A_1695, %get3A_31 : vector<16xf32>
        %add3A_1697 = arith.addf %mul3A_1694, %mul3A_1696 : vector<16xf32>
        %max3A_1698 = arith.maximumf %get3A_1692, %add3A_1697 : vector<16xf32>
        %add3A_1699 = arith.constant 96 : i32
        %add3A_1700 = arith.addi %squeeze3A_1600, %add3A_1699 : i32
        %swap3A_1701 = arith.index_cast %add3A_1700 : i32 to index
        %swap3A_1702 = tpu.vector_load %arg13[%swap3A_1701] {strides = array<i32>} : memref<40192xf32, #tpu.memory_space<vmem>>, vector<16xf32>,
        tpu.vector_store %arg13[%swap3A_1701], %max3A_1698 {strides = array<i32>} : memref<40192xf32, #tpu.memory_space<vmem>>, vector<16xf32>,
        %add3A_1703 = arith.constant 112 : i32
        %add3A_1704 = arith.addi %squeeze3A_1600, %add3A_1703 : i32
        %get3A_1705 = arith.index_cast %add3A_1704 : i32 to index
        %get3A_1706 = tpu.vector_load %arg13[%get3A_1705] {strides = array<i32>} : memref<40192xf32, #tpu.memory_space<vmem>>, vector<16xf32>,
        %mul3A_1707 = vector.broadcast %squeeze3A_1602 : f32 to vector<16xf32>
        %mul3A_1708 = arith.mulf %mul3A_1707, %get3A_17 : vector<16xf32>
        %mul3A_1709 = vector.broadcast %squeeze3A_1604 : f32 to vector<16xf32>
        %mul3A_1710 = arith.mulf %mul3A_1709, %get3A_33 : vector<16xf32>
        %add3A_1711 = arith.addf %mul3A_1708, %mul3A_1710 : vector<16xf32>
        %max3A_1712 = arith.maximumf %get3A_1706, %add3A_1711 : vector<16xf32>
        %add3A_1713 = arith.constant 112 : i32
        %add3A_1714 = arith.addi %squeeze3A_1600, %add3A_1713 : i32
        %swap3A_1715 = arith.index_cast %add3A_1714 : i32 to index
        %swap3A_1716 = tpu.vector_load %arg13[%swap3A_1715] {strides = array<i32>} : memref<40192xf32, #tpu.memory_space<vmem>>, vector<16xf32>,
        tpu.vector_store %arg13[%swap3A_1715], %max3A_1712 {strides = array<i32>} : memref<40192xf32, #tpu.memory_space<vmem>>, vector<16xf32>,
        %slice3A_1717 = vector.extract_strided_slice %mul3A_185 {offsets = [13], sizes = [1], strides = [1]} : vector<16xi32> to vector<1xi32>
        %squeeze3A_1718 = vector.extract %slice3A_1717[0] : i32 from vector<1xi32>
        %slice3A_1719 = vector.extract_strided_slice %gather3A_180 {offsets = [13], sizes = [1], strides = [1]} : vector<16xf32> to vector<1xf32>
        %squeeze3A_1720 = vector.extract %slice3A_1719[0] : f32 from vector<1xf32>
        %slice3A_1721 = vector.extract_strided_slice %gather3A_179 {offsets = [13], sizes = [1], strides = [1]} : vector<16xf32> to vector<1xf32>
        %squeeze3A_1722 = vector.extract %slice3A_1721[0] : f32 from vector<1xf32>
        %add3A_1723 = arith.constant 0 : i32
        %add3A_1724 = arith.addi %squeeze3A_1718, %add3A_1723 : i32
        %get3A_1725 = arith.index_cast %add3A_1724 : i32 to index
        %get3A_1726 = tpu.vector_load %arg13[%get3A_1725] {strides = array<i32>} : memref<40192xf32, #tpu.memory_space<vmem>>, vector<16xf32>,
        %mul3A_1727 = vector.broadcast %squeeze3A_1720 : f32 to vector<16xf32>
        %mul3A_1728 = arith.mulf %mul3A_1727, %get3A_3 : vector<16xf32>
        %mul3A_1729 = vector.broadcast %squeeze3A_1722 : f32 to vector<16xf32>
        %mul3A_1730 = arith.mulf %mul3A_1729, %get3A_19 : vector<16xf32>
        %add3A_1731 = arith.addf %mul3A_1728, %mul3A_1730 : vector<16xf32>
        %max3A_1732 = arith.maximumf %get3A_1726, %add3A_1731 : vector<16xf32>
        %add3A_1733 = arith.constant 0 : i32
        %add3A_1734 = arith.addi %squeeze3A_1718, %add3A_1733 : i32
        %swap3A_1735 = arith.index_cast %add3A_1734 : i32 to index
        %swap3A_1736 = tpu.vector_load %arg13[%swap3A_1735] {strides = array<i32>} : memref<40192xf32, #tpu.memory_space<vmem>>, vector<16xf32>,
        tpu.vector_store %arg13[%swap3A_1735], %max3A_1732 {strides = array<i32>} : memref<40192xf32, #tpu.memory_space<vmem>>, vector<16xf32>,
        %add3A_1737 = arith.constant 16 : i32
        %add3A_1738 = arith.addi %squeeze3A_1718, %add3A_1737 : i32
        %get3A_1739 = arith.index_cast %add3A_1738 : i32 to index
        %get3A_1740 = tpu.vector_load %arg13[%get3A_1739] {strides = array<i32>} : memref<40192xf32, #tpu.memory_space<vmem>>, vector<16xf32>,
        %mul3A_1741 = vector.broadcast %squeeze3A_1720 : f32 to vector<16xf32>
        %mul3A_1742 = arith.mulf %mul3A_1741, %get3A_5 : vector<16xf32>
        %mul3A_1743 = vector.broadcast %squeeze3A_1722 : f32 to vector<16xf32>
        %mul3A_1744 = arith.mulf %mul3A_1743, %get3A_21 : vector<16xf32>
        %add3A_1745 = arith.addf %mul3A_1742, %mul3A_1744 : vector<16xf32>
        %max3A_1746 = arith.maximumf %get3A_1740, %add3A_1745 : vector<16xf32>
        %add3A_1747 = arith.constant 16 : i32
        %add3A_1748 = arith.addi %squeeze3A_1718, %add3A_1747 : i32
        %swap3A_1749 = arith.index_cast %add3A_1748 : i32 to index
        %swap3A_1750 = tpu.vector_load %arg13[%swap3A_1749] {strides = array<i32>} : memref<40192xf32, #tpu.memory_space<vmem>>, vector<16xf32>,
        tpu.vector_store %arg13[%swap3A_1749], %max3A_1746 {strides = array<i32>} : memref<40192xf32, #tpu.memory_space<vmem>>, vector<16xf32>,
        %add3A_1751 = arith.constant 32 : i32
        %add3A_1752 = arith.addi %squeeze3A_1718, %add3A_1751 : i32
        %get3A_1753 = arith.index_cast %add3A_1752 : i32 to index
        %get3A_1754 = tpu.vector_load %arg13[%get3A_1753] {strides = array<i32>} : memref<40192xf32, #tpu.memory_space<vmem>>, vector<16xf32>,
        %mul3A_1755 = vector.broadcast %squeeze3A_1720 : f32 to vector<16xf32>
        %mul3A_1756 = arith.mulf %mul3A_1755, %get3A_7 : vector<16xf32>
        %mul3A_1757 = vector.broadcast %squeeze3A_1722 : f32 to vector<16xf32>
        %mul3A_1758 = arith.mulf %mul3A_1757, %get3A_23 : vector<16xf32>
        %add3A_1759 = arith.addf %mul3A_1756, %mul3A_1758 : vector<16xf32>
        %max3A_1760 = arith.maximumf %get3A_1754, %add3A_1759 : vector<16xf32>
        %add3A_1761 = arith.constant 32 : i32
        %add3A_1762 = arith.addi %squeeze3A_1718, %add3A_1761 : i32
        %swap3A_1763 = arith.index_cast %add3A_1762 : i32 to index
        %swap3A_1764 = tpu.vector_load %arg13[%swap3A_1763] {strides = array<i32>} : memref<40192xf32, #tpu.memory_space<vmem>>, vector<16xf32>,
        tpu.vector_store %arg13[%swap3A_1763], %max3A_1760 {strides = array<i32>} : memref<40192xf32, #tpu.memory_space<vmem>>, vector<16xf32>,
        %add3A_1765 = arith.constant 48 : i32
        %add3A_1766 = arith.addi %squeeze3A_1718, %add3A_1765 : i32
        %get3A_1767 = arith.index_cast %add3A_1766 : i32 to index
        %get3A_1768 = tpu.vector_load %arg13[%get3A_1767] {strides = array<i32>} : memref<40192xf32, #tpu.memory_space<vmem>>, vector<16xf32>,
        %mul3A_1769 = vector.broadcast %squeeze3A_1720 : f32 to vector<16xf32>
        %mul3A_1770 = arith.mulf %mul3A_1769, %get3A_9 : vector<16xf32>
        %mul3A_1771 = vector.broadcast %squeeze3A_1722 : f32 to vector<16xf32>
        %mul3A_1772 = arith.mulf %mul3A_1771, %get3A_25 : vector<16xf32>
        %add3A_1773 = arith.addf %mul3A_1770, %mul3A_1772 : vector<16xf32>
        %max3A_1774 = arith.maximumf %get3A_1768, %add3A_1773 : vector<16xf32>
        %add3A_1775 = arith.constant 48 : i32
        %add3A_1776 = arith.addi %squeeze3A_1718, %add3A_1775 : i32
        %swap3A_1777 = arith.index_cast %add3A_1776 : i32 to index
        %swap3A_1778 = tpu.vector_load %arg13[%swap3A_1777] {strides = array<i32>} : memref<40192xf32, #tpu.memory_space<vmem>>, vector<16xf32>,
        tpu.vector_store %arg13[%swap3A_1777], %max3A_1774 {strides = array<i32>} : memref<40192xf32, #tpu.memory_space<vmem>>, vector<16xf32>,
        %add3A_1779 = arith.constant 64 : i32
        %add3A_1780 = arith.addi %squeeze3A_1718, %add3A_1779 : i32
        %get3A_1781 = arith.index_cast %add3A_1780 : i32 to index
        %get3A_1782 = tpu.vector_load %arg13[%get3A_1781] {strides = array<i32>} : memref<40192xf32, #tpu.memory_space<vmem>>, vector<16xf32>,
        %mul3A_1783 = vector.broadcast %squeeze3A_1720 : f32 to vector<16xf32>
        %mul3A_1784 = arith.mulf %mul3A_1783, %get3A_11 : vector<16xf32>
        %mul3A_1785 = vector.broadcast %squeeze3A_1722 : f32 to vector<16xf32>
        %mul3A_1786 = arith.mulf %mul3A_1785, %get3A_27 : vector<16xf32>
        %add3A_1787 = arith.addf %mul3A_1784, %mul3A_1786 : vector<16xf32>
        %max3A_1788 = arith.maximumf %get3A_1782, %add3A_1787 : vector<16xf32>
        %add3A_1789 = arith.constant 64 : i32
        %add3A_1790 = arith.addi %squeeze3A_1718, %add3A_1789 : i32
        %swap3A_1791 = arith.index_cast %add3A_1790 : i32 to index
        %swap3A_1792 = tpu.vector_load %arg13[%swap3A_1791] {strides = array<i32>} : memref<40192xf32, #tpu.memory_space<vmem>>, vector<16xf32>,
        tpu.vector_store %arg13[%swap3A_1791], %max3A_1788 {strides = array<i32>} : memref<40192xf32, #tpu.memory_space<vmem>>, vector<16xf32>,
        %add3A_1793 = arith.constant 80 : i32
        %add3A_1794 = arith.addi %squeeze3A_1718, %add3A_1793 : i32
        %get3A_1795 = arith.index_cast %add3A_1794 : i32 to index
        %get3A_1796 = tpu.vector_load %arg13[%get3A_1795] {strides = array<i32>} : memref<40192xf32, #tpu.memory_space<vmem>>, vector<16xf32>,
        %mul3A_1797 = vector.broadcast %squeeze3A_1720 : f32 to vector<16xf32>
        %mul3A_1798 = arith.mulf %mul3A_1797, %get3A_13 : vector<16xf32>
        %mul3A_1799 = vector.broadcast %squeeze3A_1722 : f32 to vector<16xf32>
        %mul3A_1800 = arith.mulf %mul3A_1799, %get3A_29 : vector<16xf32>
        %add3A_1801 = arith.addf %mul3A_1798, %mul3A_1800 : vector<16xf32>
        %max3A_1802 = arith.maximumf %get3A_1796, %add3A_1801 : vector<16xf32>
        %add3A_1803 = arith.constant 80 : i32
        %add3A_1804 = arith.addi %squeeze3A_1718, %add3A_1803 : i32
        %swap3A_1805 = arith.index_cast %add3A_1804 : i32 to index
        %swap3A_1806 = tpu.vector_load %arg13[%swap3A_1805] {strides = array<i32>} : memref<40192xf32, #tpu.memory_space<vmem>>, vector<16xf32>,
        tpu.vector_store %arg13[%swap3A_1805], %max3A_1802 {strides = array<i32>} : memref<40192xf32, #tpu.memory_space<vmem>>, vector<16xf32>,
        %add3A_1807 = arith.constant 96 : i32
        %add3A_1808 = arith.addi %squeeze3A_1718, %add3A_1807 : i32
        %get3A_1809 = arith.index_cast %add3A_1808 : i32 to index
        %get3A_1810 = tpu.vector_load %arg13[%get3A_1809] {strides = array<i32>} : memref<40192xf32, #tpu.memory_space<vmem>>, vector<16xf32>,
        %mul3A_1811 = vector.broadcast %squeeze3A_1720 : f32 to vector<16xf32>
        %mul3A_1812 = arith.mulf %mul3A_1811, %get3A_15 : vector<16xf32>
        %mul3A_1813 = vector.broadcast %squeeze3A_1722 : f32 to vector<16xf32>
        %mul3A_1814 = arith.mulf %mul3A_1813, %get3A_31 : vector<16xf32>
        %add3A_1815 = arith.addf %mul3A_1812, %mul3A_1814 : vector<16xf32>
        %max3A_1816 = arith.maximumf %get3A_1810, %add3A_1815 : vector<16xf32>
        %add3A_1817 = arith.constant 96 : i32
        %add3A_1818 = arith.addi %squeeze3A_1718, %add3A_1817 : i32
        %swap3A_1819 = arith.index_cast %add3A_1818 : i32 to index
        %swap3A_1820 = tpu.vector_load %arg13[%swap3A_1819] {strides = array<i32>} : memref<40192xf32, #tpu.memory_space<vmem>>, vector<16xf32>,
        tpu.vector_store %arg13[%swap3A_1819], %max3A_1816 {strides = array<i32>} : memref<40192xf32, #tpu.memory_space<vmem>>, vector<16xf32>,
        %add3A_1821 = arith.constant 112 : i32
        %add3A_1822 = arith.addi %squeeze3A_1718, %add3A_1821 : i32
        %get3A_1823 = arith.index_cast %add3A_1822 : i32 to index
        %get3A_1824 = tpu.vector_load %arg13[%get3A_1823] {strides = array<i32>} : memref<40192xf32, #tpu.memory_space<vmem>>, vector<16xf32>,
        %mul3A_1825 = vector.broadcast %squeeze3A_1720 : f32 to vector<16xf32>
        %mul3A_1826 = arith.mulf %mul3A_1825, %get3A_17 : vector<16xf32>
        %mul3A_1827 = vector.broadcast %squeeze3A_1722 : f32 to vector<16xf32>
        %mul3A_1828 = arith.mulf %mul3A_1827, %get3A_33 : vector<16xf32>
        %add3A_1829 = arith.addf %mul3A_1826, %mul3A_1828 : vector<16xf32>
        %max3A_1830 = arith.maximumf %get3A_1824, %add3A_1829 : vector<16xf32>
        %add3A_1831 = arith.constant 112 : i32
        %add3A_1832 = arith.addi %squeeze3A_1718, %add3A_1831 : i32
        %swap3A_1833 = arith.index_cast %add3A_1832 : i32 to index
        %swap3A_1834 = tpu.vector_load %arg13[%swap3A_1833] {strides = array<i32>} : memref<40192xf32, #tpu.memory_space<vmem>>, vector<16xf32>,
        tpu.vector_store %arg13[%swap3A_1833], %max3A_1830 {strides = array<i32>} : memref<40192xf32, #tpu.memory_space<vmem>>, vector<16xf32>,
        %slice3A_1835 = vector.extract_strided_slice %mul3A_185 {offsets = [14], sizes = [1], strides = [1]} : vector<16xi32> to vector<1xi32>
        %squeeze3A_1836 = vector.extract %slice3A_1835[0] : i32 from vector<1xi32>
        %slice3A_1837 = vector.extract_strided_slice %gather3A_180 {offsets = [14], sizes = [1], strides = [1]} : vector<16xf32> to vector<1xf32>
        %squeeze3A_1838 = vector.extract %slice3A_1837[0] : f32 from vector<1xf32>
        %slice3A_1839 = vector.extract_strided_slice %gather3A_179 {offsets = [14], sizes = [1], strides = [1]} : vector<16xf32> to vector<1xf32>
        %squeeze3A_1840 = vector.extract %slice3A_1839[0] : f32 from vector<1xf32>
        %add3A_1841 = arith.constant 0 : i32
        %add3A_1842 = arith.addi %squeeze3A_1836, %add3A_1841 : i32
        %get3A_1843 = arith.index_cast %add3A_1842 : i32 to index
        %get3A_1844 = tpu.vector_load %arg13[%get3A_1843] {strides = array<i32>} : memref<40192xf32, #tpu.memory_space<vmem>>, vector<16xf32>,
        %mul3A_1845 = vector.broadcast %squeeze3A_1838 : f32 to vector<16xf32>
        %mul3A_1846 = arith.mulf %mul3A_1845, %get3A_3 : vector<16xf32>
        %mul3A_1847 = vector.broadcast %squeeze3A_1840 : f32 to vector<16xf32>
        %mul3A_1848 = arith.mulf %mul3A_1847, %get3A_19 : vector<16xf32>
        %add3A_1849 = arith.addf %mul3A_1846, %mul3A_1848 : vector<16xf32>
        %max3A_1850 = arith.maximumf %get3A_1844, %add3A_1849 : vector<16xf32>
        %add3A_1851 = arith.constant 0 : i32
        %add3A_1852 = arith.addi %squeeze3A_1836, %add3A_1851 : i32
        %swap3A_1853 = arith.index_cast %add3A_1852 : i32 to index
        %swap3A_1854 = tpu.vector_load %arg13[%swap3A_1853] {strides = array<i32>} : memref<40192xf32, #tpu.memory_space<vmem>>, vector<16xf32>,
        tpu.vector_store %arg13[%swap3A_1853], %max3A_1850 {strides = array<i32>} : memref<40192xf32, #tpu.memory_space<vmem>>, vector<16xf32>,
        %add3A_1855 = arith.constant 16 : i32
        %add3A_1856 = arith.addi %squeeze3A_1836, %add3A_1855 : i32
        %get3A_1857 = arith.index_cast %add3A_1856 : i32 to index
        %get3A_1858 = tpu.vector_load %arg13[%get3A_1857] {strides = array<i32>} : memref<40192xf32, #tpu.memory_space<vmem>>, vector<16xf32>,
        %mul3A_1859 = vector.broadcast %squeeze3A_1838 : f32 to vector<16xf32>
        %mul3A_1860 = arith.mulf %mul3A_1859, %get3A_5 : vector<16xf32>
        %mul3A_1861 = vector.broadcast %squeeze3A_1840 : f32 to vector<16xf32>
        %mul3A_1862 = arith.mulf %mul3A_1861, %get3A_21 : vector<16xf32>
        %add3A_1863 = arith.addf %mul3A_1860, %mul3A_1862 : vector<16xf32>
        %max3A_1864 = arith.maximumf %get3A_1858, %add3A_1863 : vector<16xf32>
        %add3A_1865 = arith.constant 16 : i32
        %add3A_1866 = arith.addi %squeeze3A_1836, %add3A_1865 : i32
        %swap3A_1867 = arith.index_cast %add3A_1866 : i32 to index
        %swap3A_1868 = tpu.vector_load %arg13[%swap3A_1867] {strides = array<i32>} : memref<40192xf32, #tpu.memory_space<vmem>>, vector<16xf32>,
        tpu.vector_store %arg13[%swap3A_1867], %max3A_1864 {strides = array<i32>} : memref<40192xf32, #tpu.memory_space<vmem>>, vector<16xf32>,
        %add3A_1869 = arith.constant 32 : i32
        %add3A_1870 = arith.addi %squeeze3A_1836, %add3A_1869 : i32
        %get3A_1871 = arith.index_cast %add3A_1870 : i32 to index
        %get3A_1872 = tpu.vector_load %arg13[%get3A_1871] {strides = array<i32>} : memref<40192xf32, #tpu.memory_space<vmem>>, vector<16xf32>,
        %mul3A_1873 = vector.broadcast %squeeze3A_1838 : f32 to vector<16xf32>
        %mul3A_1874 = arith.mulf %mul3A_1873, %get3A_7 : vector<16xf32>
        %mul3A_1875 = vector.broadcast %squeeze3A_1840 : f32 to vector<16xf32>
        %mul3A_1876 = arith.mulf %mul3A_1875, %get3A_23 : vector<16xf32>
        %add3A_1877 = arith.addf %mul3A_1874, %mul3A_1876 : vector<16xf32>
        %max3A_1878 = arith.maximumf %get3A_1872, %add3A_1877 : vector<16xf32>
        %add3A_1879 = arith.constant 32 : i32
        %add3A_1880 = arith.addi %squeeze3A_1836, %add3A_1879 : i32
        %swap3A_1881 = arith.index_cast %add3A_1880 : i32 to index
        %swap3A_1882 = tpu.vector_load %arg13[%swap3A_1881] {strides = array<i32>} : memref<40192xf32, #tpu.memory_space<vmem>>, vector<16xf32>,
        tpu.vector_store %arg13[%swap3A_1881], %max3A_1878 {strides = array<i32>} : memref<40192xf32, #tpu.memory_space<vmem>>, vector<16xf32>,
        %add3A_1883 = arith.constant 48 : i32
        %add3A_1884 = arith.addi %squeeze3A_1836, %add3A_1883 : i32
        %get3A_1885 = arith.index_cast %add3A_1884 : i32 to index
        %get3A_1886 = tpu.vector_load %arg13[%get3A_1885] {strides = array<i32>} : memref<40192xf32, #tpu.memory_space<vmem>>, vector<16xf32>,
        %mul3A_1887 = vector.broadcast %squeeze3A_1838 : f32 to vector<16xf32>
        %mul3A_1888 = arith.mulf %mul3A_1887, %get3A_9 : vector<16xf32>
        %mul3A_1889 = vector.broadcast %squeeze3A_1840 : f32 to vector<16xf32>
        %mul3A_1890 = arith.mulf %mul3A_1889, %get3A_25 : vector<16xf32>
        %add3A_1891 = arith.addf %mul3A_1888, %mul3A_1890 : vector<16xf32>
        %max3A_1892 = arith.maximumf %get3A_1886, %add3A_1891 : vector<16xf32>
        %add3A_1893 = arith.constant 48 : i32
        %add3A_1894 = arith.addi %squeeze3A_1836, %add3A_1893 : i32
        %swap3A_1895 = arith.index_cast %add3A_1894 : i32 to index
        %swap3A_1896 = tpu.vector_load %arg13[%swap3A_1895] {strides = array<i32>} : memref<40192xf32, #tpu.memory_space<vmem>>, vector<16xf32>,
        tpu.vector_store %arg13[%swap3A_1895], %max3A_1892 {strides = array<i32>} : memref<40192xf32, #tpu.memory_space<vmem>>, vector<16xf32>,
        %add3A_1897 = arith.constant 64 : i32
        %add3A_1898 = arith.addi %squeeze3A_1836, %add3A_1897 : i32
        %get3A_1899 = arith.index_cast %add3A_1898 : i32 to index
        %get3A_1900 = tpu.vector_load %arg13[%get3A_1899] {strides = array<i32>} : memref<40192xf32, #tpu.memory_space<vmem>>, vector<16xf32>,
        %mul3A_1901 = vector.broadcast %squeeze3A_1838 : f32 to vector<16xf32>
        %mul3A_1902 = arith.mulf %mul3A_1901, %get3A_11 : vector<16xf32>
        %mul3A_1903 = vector.broadcast %squeeze3A_1840 : f32 to vector<16xf32>
        %mul3A_1904 = arith.mulf %mul3A_1903, %get3A_27 : vector<16xf32>
        %add3A_1905 = arith.addf %mul3A_1902, %mul3A_1904 : vector<16xf32>
        %max3A_1906 = arith.maximumf %get3A_1900, %add3A_1905 : vector<16xf32>
        %add3A_1907 = arith.constant 64 : i32
        %add3A_1908 = arith.addi %squeeze3A_1836, %add3A_1907 : i32
        %swap3A_1909 = arith.index_cast %add3A_1908 : i32 to index
        %swap3A_1910 = tpu.vector_load %arg13[%swap3A_1909] {strides = array<i32>} : memref<40192xf32, #tpu.memory_space<vmem>>, vector<16xf32>,
        tpu.vector_store %arg13[%swap3A_1909], %max3A_1906 {strides = array<i32>} : memref<40192xf32, #tpu.memory_space<vmem>>, vector<16xf32>,
        %add3A_1911 = arith.constant 80 : i32
        %add3A_1912 = arith.addi %squeeze3A_1836, %add3A_1911 : i32
        %get3A_1913 = arith.index_cast %add3A_1912 : i32 to index
        %get3A_1914 = tpu.vector_load %arg13[%get3A_1913] {strides = array<i32>} : memref<40192xf32, #tpu.memory_space<vmem>>, vector<16xf32>,
        %mul3A_1915 = vector.broadcast %squeeze3A_1838 : f32 to vector<16xf32>
        %mul3A_1916 = arith.mulf %mul3A_1915, %get3A_13 : vector<16xf32>
        %mul3A_1917 = vector.broadcast %squeeze3A_1840 : f32 to vector<16xf32>
        %mul3A_1918 = arith.mulf %mul3A_1917, %get3A_29 : vector<16xf32>
        %add3A_1919 = arith.addf %mul3A_1916, %mul3A_1918 : vector<16xf32>
        %max3A_1920 = arith.maximumf %get3A_1914, %add3A_1919 : vector<16xf32>
        %add3A_1921 = arith.constant 80 : i32
        %add3A_1922 = arith.addi %squeeze3A_1836, %add3A_1921 : i32
        %swap3A_1923 = arith.index_cast %add3A_1922 : i32 to index
        %swap3A_1924 = tpu.vector_load %arg13[%swap3A_1923] {strides = array<i32>} : memref<40192xf32, #tpu.memory_space<vmem>>, vector<16xf32>,
        tpu.vector_store %arg13[%swap3A_1923], %max3A_1920 {strides = array<i32>} : memref<40192xf32, #tpu.memory_space<vmem>>, vector<16xf32>,
        %add3A_1925 = arith.constant 96 : i32
        %add3A_1926 = arith.addi %squeeze3A_1836, %add3A_1925 : i32
        %get3A_1927 = arith.index_cast %add3A_1926 : i32 to index
        %get3A_1928 = tpu.vector_load %arg13[%get3A_1927] {strides = array<i32>} : memref<40192xf32, #tpu.memory_space<vmem>>, vector<16xf32>,
        %mul3A_1929 = vector.broadcast %squeeze3A_1838 : f32 to vector<16xf32>
        %mul3A_1930 = arith.mulf %mul3A_1929, %get3A_15 : vector<16xf32>
        %mul3A_1931 = vector.broadcast %squeeze3A_1840 : f32 to vector<16xf32>
        %mul3A_1932 = arith.mulf %mul3A_1931, %get3A_31 : vector<16xf32>
        %add3A_1933 = arith.addf %mul3A_1930, %mul3A_1932 : vector<16xf32>
        %max3A_1934 = arith.maximumf %get3A_1928, %add3A_1933 : vector<16xf32>
        %add3A_1935 = arith.constant 96 : i32
        %add3A_1936 = arith.addi %squeeze3A_1836, %add3A_1935 : i32
        %swap3A_1937 = arith.index_cast %add3A_1936 : i32 to index
        %swap3A_1938 = tpu.vector_load %arg13[%swap3A_1937] {strides = array<i32>} : memref<40192xf32, #tpu.memory_space<vmem>>, vector<16xf32>,
        tpu.vector_store %arg13[%swap3A_1937], %max3A_1934 {strides = array<i32>} : memref<40192xf32, #tpu.memory_space<vmem>>, vector<16xf32>,
        %add3A_1939 = arith.constant 112 : i32
        %add3A_1940 = arith.addi %squeeze3A_1836, %add3A_1939 : i32
        %get3A_1941 = arith.index_cast %add3A_1940 : i32 to index
        %get3A_1942 = tpu.vector_load %arg13[%get3A_1941] {strides = array<i32>} : memref<40192xf32, #tpu.memory_space<vmem>>, vector<16xf32>,
        %mul3A_1943 = vector.broadcast %squeeze3A_1838 : f32 to vector<16xf32>
        %mul3A_1944 = arith.mulf %mul3A_1943, %get3A_17 : vector<16xf32>
        %mul3A_1945 = vector.broadcast %squeeze3A_1840 : f32 to vector<16xf32>
        %mul3A_1946 = arith.mulf %mul3A_1945, %get3A_33 : vector<16xf32>
        %add3A_1947 = arith.addf %mul3A_1944, %mul3A_1946 : vector<16xf32>
        %max3A_1948 = arith.maximumf %get3A_1942, %add3A_1947 : vector<16xf32>
        %add3A_1949 = arith.constant 112 : i32
        %add3A_1950 = arith.addi %squeeze3A_1836, %add3A_1949 : i32
        %swap3A_1951 = arith.index_cast %add3A_1950 : i32 to index
        %swap3A_1952 = tpu.vector_load %arg13[%swap3A_1951] {strides = array<i32>} : memref<40192xf32, #tpu.memory_space<vmem>>, vector<16xf32>,
        tpu.vector_store %arg13[%swap3A_1951], %max3A_1948 {strides = array<i32>} : memref<40192xf32, #tpu.memory_space<vmem>>, vector<16xf32>,
        %slice3A_1953 = vector.extract_strided_slice %mul3A_185 {offsets = [15], sizes = [1], strides = [1]} : vector<16xi32> to vector<1xi32>
        %squeeze3A_1954 = vector.extract %slice3A_1953[0] : i32 from vector<1xi32>
        %slice3A_1955 = vector.extract_strided_slice %gather3A_180 {offsets = [15], sizes = [1], strides = [1]} : vector<16xf32> to vector<1xf32>
        %squeeze3A_1956 = vector.extract %slice3A_1955[0] : f32 from vector<1xf32>
        %slice3A_1957 = vector.extract_strided_slice %gather3A_179 {offsets = [15], sizes = [1], strides = [1]} : vector<16xf32> to vector<1xf32>
        %squeeze3A_1958 = vector.extract %slice3A_1957[0] : f32 from vector<1xf32>
        %add3A_1959 = arith.constant 0 : i32
        %add3A_1960 = arith.addi %squeeze3A_1954, %add3A_1959 : i32
        %get3A_1961 = arith.index_cast %add3A_1960 : i32 to index
        %get3A_1962 = tpu.vector_load %arg13[%get3A_1961] {strides = array<i32>} : memref<40192xf32, #tpu.memory_space<vmem>>, vector<16xf32>,
        %mul3A_1963 = vector.broadcast %squeeze3A_1956 : f32 to vector<16xf32>
        %mul3A_1964 = arith.mulf %mul3A_1963, %get3A_3 : vector<16xf32>
        %mul3A_1965 = vector.broadcast %squeeze3A_1958 : f32 to vector<16xf32>
        %mul3A_1966 = arith.mulf %mul3A_1965, %get3A_19 : vector<16xf32>
        %add3A_1967 = arith.addf %mul3A_1964, %mul3A_1966 : vector<16xf32>
        %max3A_1968 = arith.maximumf %get3A_1962, %add3A_1967 : vector<16xf32>
        %add3A_1969 = arith.constant 0 : i32
        %add3A_1970 = arith.addi %squeeze3A_1954, %add3A_1969 : i32
        %swap3A_1971 = arith.index_cast %add3A_1970 : i32 to index
        %swap3A_1972 = tpu.vector_load %arg13[%swap3A_1971] {strides = array<i32>} : memref<40192xf32, #tpu.memory_space<vmem>>, vector<16xf32>,
        tpu.vector_store %arg13[%swap3A_1971], %max3A_1968 {strides = array<i32>} : memref<40192xf32, #tpu.memory_space<vmem>>, vector<16xf32>,
        %add3A_1973 = arith.constant 16 : i32
        %add3A_1974 = arith.addi %squeeze3A_1954, %add3A_1973 : i32
        %get3A_1975 = arith.index_cast %add3A_1974 : i32 to index
        %get3A_1976 = tpu.vector_load %arg13[%get3A_1975] {strides = array<i32>} : memref<40192xf32, #tpu.memory_space<vmem>>, vector<16xf32>,
        %mul3A_1977 = vector.broadcast %squeeze3A_1956 : f32 to vector<16xf32>
        %mul3A_1978 = arith.mulf %mul3A_1977, %get3A_5 : vector<16xf32>
        %mul3A_1979 = vector.broadcast %squeeze3A_1958 : f32 to vector<16xf32>
        %mul3A_1980 = arith.mulf %mul3A_1979, %get3A_21 : vector<16xf32>
        %add3A_1981 = arith.addf %mul3A_1978, %mul3A_1980 : vector<16xf32>
        %max3A_1982 = arith.maximumf %get3A_1976, %add3A_1981 : vector<16xf32>
        %add3A_1983 = arith.constant 16 : i32
        %add3A_1984 = arith.addi %squeeze3A_1954, %add3A_1983 : i32
        %swap3A_1985 = arith.index_cast %add3A_1984 : i32 to index
        %swap3A_1986 = tpu.vector_load %arg13[%swap3A_1985] {strides = array<i32>} : memref<40192xf32, #tpu.memory_space<vmem>>, vector<16xf32>,
        tpu.vector_store %arg13[%swap3A_1985], %max3A_1982 {strides = array<i32>} : memref<40192xf32, #tpu.memory_space<vmem>>, vector<16xf32>,
        %add3A_1987 = arith.constant 32 : i32
        %add3A_1988 = arith.addi %squeeze3A_1954, %add3A_1987 : i32
        %get3A_1989 = arith.index_cast %add3A_1988 : i32 to index
        %get3A_1990 = tpu.vector_load %arg13[%get3A_1989] {strides = array<i32>} : memref<40192xf32, #tpu.memory_space<vmem>>, vector<16xf32>,
        %mul3A_1991 = vector.broadcast %squeeze3A_1956 : f32 to vector<16xf32>
        %mul3A_1992 = arith.mulf %mul3A_1991, %get3A_7 : vector<16xf32>
        %mul3A_1993 = vector.broadcast %squeeze3A_1958 : f32 to vector<16xf32>
        %mul3A_1994 = arith.mulf %mul3A_1993, %get3A_23 : vector<16xf32>
        %add3A_1995 = arith.addf %mul3A_1992, %mul3A_1994 : vector<16xf32>
        %max3A_1996 = arith.maximumf %get3A_1990, %add3A_1995 : vector<16xf32>
        %add3A_1997 = arith.constant 32 : i32
        %add3A_1998 = arith.addi %squeeze3A_1954, %add3A_1997 : i32
        %swap3A_1999 = arith.index_cast %add3A_1998 : i32 to index
        %swap3A_2000 = tpu.vector_load %arg13[%swap3A_1999] {strides = array<i32>} : memref<40192xf32, #tpu.memory_space<vmem>>, vector<16xf32>,
        tpu.vector_store %arg13[%swap3A_1999], %max3A_1996 {strides = array<i32>} : memref<40192xf32, #tpu.memory_space<vmem>>, vector<16xf32>,
        %add3A_2001 = arith.constant 48 : i32
        %add3A_2002 = arith.addi %squeeze3A_1954, %add3A_2001 : i32
        %get3A_2003 = arith.index_cast %add3A_2002 : i32 to index
        %get3A_2004 = tpu.vector_load %arg13[%get3A_2003] {strides = array<i32>} : memref<40192xf32, #tpu.memory_space<vmem>>, vector<16xf32>,
        %mul3A_2005 = vector.broadcast %squeeze3A_1956 : f32 to vector<16xf32>
        %mul3A_2006 = arith.mulf %mul3A_2005, %get3A_9 : vector<16xf32>
        %mul3A_2007 = vector.broadcast %squeeze3A_1958 : f32 to vector<16xf32>
        %mul3A_2008 = arith.mulf %mul3A_2007, %get3A_25 : vector<16xf32>
        %add3A_2009 = arith.addf %mul3A_2006, %mul3A_2008 : vector<16xf32>
        %max3A_2010 = arith.maximumf %get3A_2004, %add3A_2009 : vector<16xf32>
        %add3A_2011 = arith.constant 48 : i32
        %add3A_2012 = arith.addi %squeeze3A_1954, %add3A_2011 : i32
        %swap3A_2013 = arith.index_cast %add3A_2012 : i32 to index
        %swap3A_2014 = tpu.vector_load %arg13[%swap3A_2013] {strides = array<i32>} : memref<40192xf32, #tpu.memory_space<vmem>>, vector<16xf32>,
        tpu.vector_store %arg13[%swap3A_2013], %max3A_2010 {strides = array<i32>} : memref<40192xf32, #tpu.memory_space<vmem>>, vector<16xf32>,
        %add3A_2015 = arith.constant 64 : i32
        %add3A_2016 = arith.addi %squeeze3A_1954, %add3A_2015 : i32
        %get3A_2017 = arith.index_cast %add3A_2016 : i32 to index
        %get3A_2018 = tpu.vector_load %arg13[%get3A_2017] {strides = array<i32>} : memref<40192xf32, #tpu.memory_space<vmem>>, vector<16xf32>,
        %mul3A_2019 = vector.broadcast %squeeze3A_1956 : f32 to vector<16xf32>
        %mul3A_2020 = arith.mulf %mul3A_2019, %get3A_11 : vector<16xf32>
        %mul3A_2021 = vector.broadcast %squeeze3A_1958 : f32 to vector<16xf32>
        %mul3A_2022 = arith.mulf %mul3A_2021, %get3A_27 : vector<16xf32>
        %add3A_2023 = arith.addf %mul3A_2020, %mul3A_2022 : vector<16xf32>
        %max3A_2024 = arith.maximumf %get3A_2018, %add3A_2023 : vector<16xf32>
        %add3A_2025 = arith.constant 64 : i32
        %add3A_2026 = arith.addi %squeeze3A_1954, %add3A_2025 : i32
        %swap3A_2027 = arith.index_cast %add3A_2026 : i32 to index
        %swap3A_2028 = tpu.vector_load %arg13[%swap3A_2027] {strides = array<i32>} : memref<40192xf32, #tpu.memory_space<vmem>>, vector<16xf32>,
        tpu.vector_store %arg13[%swap3A_2027], %max3A_2024 {strides = array<i32>} : memref<40192xf32, #tpu.memory_space<vmem>>, vector<16xf32>,
        %add3A_2029 = arith.constant 80 : i32
        %add3A_2030 = arith.addi %squeeze3A_1954, %add3A_2029 : i32
        %get3A_2031 = arith.index_cast %add3A_2030 : i32 to index
        %get3A_2032 = tpu.vector_load %arg13[%get3A_2031] {strides = array<i32>} : memref<40192xf32, #tpu.memory_space<vmem>>, vector<16xf32>,
        %mul3A_2033 = vector.broadcast %squeeze3A_1956 : f32 to vector<16xf32>
        %mul3A_2034 = arith.mulf %mul3A_2033, %get3A_13 : vector<16xf32>
        %mul3A_2035 = vector.broadcast %squeeze3A_1958 : f32 to vector<16xf32>
        %mul3A_2036 = arith.mulf %mul3A_2035, %get3A_29 : vector<16xf32>
        %add3A_2037 = arith.addf %mul3A_2034, %mul3A_2036 : vector<16xf32>
        %max3A_2038 = arith.maximumf %get3A_2032, %add3A_2037 : vector<16xf32>
        %add3A_2039 = arith.constant 80 : i32
        %add3A_2040 = arith.addi %squeeze3A_1954, %add3A_2039 : i32
        %swap3A_2041 = arith.index_cast %add3A_2040 : i32 to index
        %swap3A_2042 = tpu.vector_load %arg13[%swap3A_2041] {strides = array<i32>} : memref<40192xf32, #tpu.memory_space<vmem>>, vector<16xf32>,
        tpu.vector_store %arg13[%swap3A_2041], %max3A_2038 {strides = array<i32>} : memref<40192xf32, #tpu.memory_space<vmem>>, vector<16xf32>,
        %add3A_2043 = arith.constant 96 : i32
        %add3A_2044 = arith.addi %squeeze3A_1954, %add3A_2043 : i32
        %get3A_2045 = arith.index_cast %add3A_2044 : i32 to index
        %get3A_2046 = tpu.vector_load %arg13[%get3A_2045] {strides = array<i32>} : memref<40192xf32, #tpu.memory_space<vmem>>, vector<16xf32>,
        %mul3A_2047 = vector.broadcast %squeeze3A_1956 : f32 to vector<16xf32>
        %mul3A_2048 = arith.mulf %mul3A_2047, %get3A_15 : vector<16xf32>
        %mul3A_2049 = vector.broadcast %squeeze3A_1958 : f32 to vector<16xf32>
        %mul3A_2050 = arith.mulf %mul3A_2049, %get3A_31 : vector<16xf32>
        %add3A_2051 = arith.addf %mul3A_2048, %mul3A_2050 : vector<16xf32>
        %max3A_2052 = arith.maximumf %get3A_2046, %add3A_2051 : vector<16xf32>
        %add3A_2053 = arith.constant 96 : i32
        %add3A_2054 = arith.addi %squeeze3A_1954, %add3A_2053 : i32
        %swap3A_2055 = arith.index_cast %add3A_2054 : i32 to index
        %swap3A_2056 = tpu.vector_load %arg13[%swap3A_2055] {strides = array<i32>} : memref<40192xf32, #tpu.memory_space<vmem>>, vector<16xf32>,
        tpu.vector_store %arg13[%swap3A_2055], %max3A_2052 {strides = array<i32>} : memref<40192xf32, #tpu.memory_space<vmem>>, vector<16xf32>,
        %add3A_2057 = arith.constant 112 : i32
        %add3A_2058 = arith.addi %squeeze3A_1954, %add3A_2057 : i32
        %get3A_2059 = arith.index_cast %add3A_2058 : i32 to index
        %get3A_2060 = tpu.vector_load %arg13[%get3A_2059] {strides = array<i32>} : memref<40192xf32, #tpu.memory_space<vmem>>, vector<16xf32>,
        %mul3A_2061 = vector.broadcast %squeeze3A_1956 : f32 to vector<16xf32>
        %mul3A_2062 = arith.mulf %mul3A_2061, %get3A_17 : vector<16xf32>
        %mul3A_2063 = vector.broadcast %squeeze3A_1958 : f32 to vector<16xf32>
        %mul3A_2064 = arith.mulf %mul3A_2063, %get3A_33 : vector<16xf32>
        %add3A_2065 = arith.addf %mul3A_2062, %mul3A_2064 : vector<16xf32>
        %max3A_2066 = arith.maximumf %get3A_2060, %add3A_2065 : vector<16xf32>
        %add3A_2067 = arith.constant 112 : i32
        %add3A_2068 = arith.addi %squeeze3A_1954, %add3A_2067 : i32
        %swap3A_2069 = arith.index_cast %add3A_2068 : i32 to index
        %swap3A_2070 = tpu.vector_load %arg13[%swap3A_2069] {strides = array<i32>} : memref<40192xf32, #tpu.memory_space<vmem>>, vector<16xf32>,
        tpu.vector_store %arg13[%swap3A_2069], %max3A_2066 {strides = array<i32>} : memref<40192xf32, #tpu.memory_space<vmem>>, vector<16xf32>,
        %while3A_2071 = arith.constant 0 : i32
        scf.yield %while3A_2071 : i32
      }
      %scan3A_171 = arith.constant 0 : i32
      scf.yield %scan3A_171 : i32
    }
    %scan3A_88 = arith.constant 50 : i32
    %mul3A_89 = arith.constant 128 : i32
    %mul3A_90 = arith.muli %mul3A_2, %mul3A_89 : i32
    "tpu.region"() ({
      %run_scoped3A = tpu.sem_alloc : memref<!tpu.dma_semaphore, #tpu.memory_space<semaphore_mem>>
      %dma_start3A_91 = arith.constant 0 : i32
      %dma_start3A_92 = tpu.memref_slice %arg13[%dma_start3A_91] : memref<40192xf32, #tpu.memory_space<vmem>> -> memref<40064xf32, #tpu.memory_space<vmem>>
      %dma_start3A_93 = tpu.memref_slice %arg7[%mul3A_90] : memref<1282048xf32, #tpu.memory_space<hbm>> -> memref<40064xf32, #tpu.memory_space<hbm>>
      %dma_start3A_94 = tpu.memref_slice %arg7[%mul3A_90] : memref<1282048xf32, #tpu.memory_space<hbm>> -> memref<40064xf32, #tpu.memory_space<hbm>>
      %dma_start3A_95 = arith.constant 0 : i32
      %dma_start3A_96 = tpu.memref_slice %arg13[%dma_start3A_95] : memref<40192xf32, #tpu.memory_space<vmem>> -> memref<40064xf32, #tpu.memory_space<vmem>>
      tpu.enqueue_dma source(%dma_start3A_96 : memref<40064xf32, #tpu.memory_space<vmem>>) target(%dma_start3A_94 : memref<40064xf32, #tpu.memory_space<hbm>>) target_semaphore(%run_scoped3A : memref<!tpu.dma_semaphore, #tpu.memory_space<semaphore_mem>>)
      %dma_wait3A = arith.constant 0 : i32
      %dma_wait3A_97 = tpu.memref_slice %arg13[%dma_wait3A] : memref<40192xf32, #tpu.memory_space<vmem>> -> memref<40064xf32, #tpu.memory_space<vmem>>
      %dma_wait3A_98 = tpu.memref_slice %arg7[%mul3A_90] : memref<1282048xf32, #tpu.memory_space<hbm>> -> memref<40064xf32, #tpu.memory_space<hbm>>
      %dma_wait3A_99 = tpu.memref_slice %arg7[%mul3A_90] : memref<1282048xf32, #tpu.memory_space<hbm>> -> memref<40064xf32, #tpu.memory_space<hbm>>
      %dma_wait3A_100 = arith.constant 0 : i32
      %dma_wait3A_101 = tpu.memref_slice %arg13[%dma_wait3A_100] : memref<40192xf32, #tpu.memory_space<vmem>> -> memref<40064xf32, #tpu.memory_space<vmem>>
      tpu.wait_dma2 semaphore(%run_scoped3A : memref<!tpu.dma_semaphore, #tpu.memory_space<semaphore_mem>>) src(%dma_wait3A_101 : memref<40064xf32, #tpu.memory_space<vmem>>) dst(%dma_wait3A_99 : memref<40064xf32, #tpu.memory_space<hbm>>)
      tpu.yield
    }) : () -> ()
    return
  }
}

module attributes {stable_mosaic.version = 14 : i64} {
  func.func @_tail_body(%arg0: memref<10016x1xf32, #tpu.memory_space<vmem>>, %arg1: memref<10016x128xf32, #tpu.memory_space<vmem>>, %arg2: memref<1x128xf32, #tpu.memory_space<vmem>>, %arg3: memref<1x128xf32, #tpu.memory_space<vmem>>, %arg4: memref<1x128xf32, #tpu.memory_space<vmem>>, %arg5: memref<1x128xf32, #tpu.memory_space<vmem>>, %arg6: memref<1x128xf32, #tpu.memory_space<vmem>>, %arg7: memref<128x128xf32, #tpu.memory_space<vmem>>, %arg8: memref<1x128xf32, #tpu.memory_space<vmem>>, %arg9: memref<1x1xf32, #tpu.memory_space<vmem>>, %arg10: memref<1x128xf32, #tpu.memory_space<vmem>>, %arg11: memref<1x1xf32, #tpu.memory_space<vmem>>, %arg12: memref<10016x1xf32, #tpu.memory_space<vmem>>, %arg13: memref<1x1xf32, #tpu.memory_space<vmem>>) attributes {dimension_semantics = [], scalar_prefetch = 0 : i64, scratch_operands = 0 : i64, tpu.core_type = #tpu.core_type<tc>} {
    %get3A = arith.constant 0 : index
    %get3A_0 = arith.constant 0 : index
    %get3A_1 = vector.load %arg0[%get3A, %get3A_0] : memref<10016x1xf32, #tpu.memory_space<vmem>>, vector<10016x1xf32>
    %get3A_2 = arith.constant 0 : index
    %get3A_3 = arith.constant 0 : index
    %get3A_4 = vector.load %arg2[%get3A_2, %get3A_3] : memref<1x128xf32, #tpu.memory_space<vmem>>, vector<1x128xf32>
    %mul3A = vector.broadcast %get3A_1 : vector<10016x1xf32> to vector<10016x128xf32>
    %mul3A_5 = vector.broadcast %get3A_4 : vector<1x128xf32> to vector<10016x128xf32>
    %mul3A_6 = arith.mulf %mul3A, %mul3A_5 : vector<10016x128xf32>
    %get3A_7 = arith.constant 0 : index
    %get3A_8 = arith.constant 0 : index
    %get3A_9 = vector.load %arg3[%get3A_7, %get3A_8] : memref<1x128xf32, #tpu.memory_space<vmem>>, vector<1x128xf32>
    %add3A = vector.broadcast %get3A_9 : vector<1x128xf32> to vector<10016x128xf32>
    %add3A_10 = arith.addf %mul3A_6, %add3A : vector<10016x128xf32>
    %get3A_11 = arith.constant 0 : index
    %get3A_12 = arith.constant 0 : index
    %get3A_13 = vector.load %arg1[%get3A_11, %get3A_12] : memref<10016x128xf32, #tpu.memory_space<vmem>>, vector<10016x128xf32>
    %add3A_14 = arith.addf %add3A_10, %get3A_13 : vector<10016x128xf32>
    %max3A = arith.constant 0.000000e+00 : f32
    %max3A_15 = vector.broadcast %max3A : f32 to vector<10016x128xf32>
    %max3A_16 = arith.maximumf %add3A_14, %max3A_15 : vector<10016x128xf32>
    %get3A_17 = arith.constant 0 : index
    %get3A_18 = arith.constant 0 : index
    %get3A_19 = vector.load %arg4[%get3A_17, %get3A_18] : memref<1x128xf32, #tpu.memory_space<vmem>>, vector<1x128xf32>
    %mul3A_20 = vector.broadcast %get3A_1 : vector<10016x1xf32> to vector<10016x128xf32>
    %mul3A_21 = vector.broadcast %get3A_19 : vector<1x128xf32> to vector<10016x128xf32>
    %mul3A_22 = arith.mulf %mul3A_20, %mul3A_21 : vector<10016x128xf32>
    %get3A_23 = arith.constant 0 : index
    %get3A_24 = arith.constant 0 : index
    %get3A_25 = vector.load %arg5[%get3A_23, %get3A_24] : memref<1x128xf32, #tpu.memory_space<vmem>>, vector<1x128xf32>
    %add3A_26 = vector.broadcast %get3A_25 : vector<1x128xf32> to vector<10016x128xf32>
    %add3A_27 = arith.addf %mul3A_22, %add3A_26 : vector<10016x128xf32>
    %get3A_28 = arith.constant 0 : index
    %get3A_29 = arith.constant 0 : index
    %get3A_30 = vector.load %arg6[%get3A_28, %get3A_29] : memref<1x128xf32, #tpu.memory_space<vmem>>, vector<1x128xf32>
    %add3A_31 = vector.broadcast %get3A_30 : vector<1x128xf32> to vector<10016x128xf32>
    %add3A_32 = arith.addf %add3A_27, %add3A_31 : vector<10016x128xf32>
    %get3A_33 = arith.constant 0 : index
    %get3A_34 = arith.constant 0 : index
    %get3A_35 = vector.load %arg7[%get3A_33, %get3A_34] : memref<128x128xf32, #tpu.memory_space<vmem>>, vector<128x128xf32>
    %dot_general3A = arith.constant dense<0.000000e+00> : vector<10016x128xf32>
    %dot_general3A_36 = tpu.matmul %max3A_16, %get3A_35, %dot_general3A {dimension_numbers = #tpu.dot_dimension_numbers<[1], [0], [0], [1], [0, 0, 1, 1], [], []>, transpose_lhs_hint = false} : vector<10016x128xf32>, vector<128x128xf32>, vector<10016x128xf32> -> vector<10016x128xf32>
    %add3A_37 = arith.addf %add3A_32, %dot_general3A_36 : vector<10016x128xf32>
    %max3A_38 = arith.constant 0.000000e+00 : f32
    %max3A_39 = vector.broadcast %max3A_38 : f32 to vector<10016x128xf32>
    %max3A_40 = arith.maximumf %add3A_37, %max3A_39 : vector<10016x128xf32>
    %get3A_41 = arith.constant 0 : index
    %get3A_42 = arith.constant 0 : index
    %get3A_43 = vector.load %arg8[%get3A_41, %get3A_42] : memref<1x128xf32, #tpu.memory_space<vmem>>, vector<1x128xf32>
    %mul3A_44 = vector.broadcast %get3A_43 : vector<1x128xf32> to vector<10016x128xf32>
    %mul3A_45 = arith.mulf %max3A_40, %mul3A_44 : vector<10016x128xf32>
    %reduce_sum3A = arith.constant dense<0.000000e+00> : vector<10016xf32>
    %reduce_sum3A_46 = vector.multi_reduction <add>, %mul3A_45, %reduce_sum3A [1] : vector<10016x128xf32> to vector<10016xf32>
    %broadcast_in_dim3A = vector.shape_cast %reduce_sum3A_46 : vector<10016xf32> to vector<10016x1xf32>
    %get3A_47 = arith.constant 0 : index
    %get3A_48 = arith.constant 0 : index
    %get3A_49 = vector.load %arg9[%get3A_47, %get3A_48] : memref<1x1xf32, #tpu.memory_space<vmem>>, vector<1x1xf32>
    %get3A_50 = vector.extract %get3A_49[0, 0] : f32 from vector<1x1xf32>
    %add3A_51 = vector.broadcast %get3A_50 : f32 to vector<10016x1xf32>
    %add3A_52 = arith.addf %broadcast_in_dim3A, %add3A_51 : vector<10016x1xf32>
    %logistic3A = arith.negf %add3A_52 : vector<10016x1xf32>
    %logistic3A_53 = math.exp %logistic3A : vector<10016x1xf32>
    %logistic3A_54 = arith.constant 1.000000e+00 : f32
    %logistic3A_55 = vector.broadcast %logistic3A_54 : f32 to vector<10016x1xf32>
    %logistic3A_56 = arith.addf %logistic3A_55, %logistic3A_53 : vector<10016x1xf32>
    %logistic3A_57 = arith.divf %logistic3A_55, %logistic3A_56 : vector<10016x1xf32>
    %swap3A = arith.constant 0 : index
    %swap3A_58 = arith.constant 0 : index
    %swap3A_59 = vector.load %arg12[%swap3A, %swap3A_58] : memref<10016x1xf32, #tpu.memory_space<vmem>>, vector<10016x1xf32>
    tpu.vector_store %arg12[%swap3A, %swap3A_58], %logistic3A_57 {strides = array<i32>} : memref<10016x1xf32, #tpu.memory_space<vmem>>, vector<10016x1xf32>,
    %iota3A = tpu.iota {dimensions = array<i32: 0>} : vector<10016x1xi32>
    %lt3A = arith.constant 10000 : i32
    %lt3A_60 = vector.broadcast %lt3A : i32 to vector<10016x1xi32>
    %lt3A_61 = arith.cmpi slt, %iota3A, %lt3A_60 : vector<10016x1xi32>
    %jit3A = arith.constant 0.000000e+00 : f32
    %broadcast_in_dim3A_62 = vector.shape_cast %lt3A_61 : vector<10016x1xi1> to vector<10016x1xi1>
    %broadcast_in_dim3A_63 = vector.broadcast %broadcast_in_dim3A_62 : vector<10016x1xi1> to vector<10016x128xi1>
    %broadcast_in_dim3A_64 = vector.broadcast %jit3A : f32 to vector<10016x128xf32>
    %select_n3A = arith.select %broadcast_in_dim3A_63, %max3A_40, %broadcast_in_dim3A_64 : vector<10016x128xi1>, vector<10016x128xf32>
    %reduce_sum3A_65 = arith.constant dense<0.000000e+00> : vector<128xf32>
    %reduce_sum3A_66 = vector.multi_reduction <add>, %select_n3A, %reduce_sum3A_65 [0] : vector<10016x128xf32> to vector<128xf32>
    %broadcast_in_dim3A_67 = vector.shape_cast %reduce_sum3A_66 : vector<128xf32> to vector<1x128xf32>
    %mul3A_68 = arith.constant 9.99999974E-5 : f32
    %mul3A_69 = vector.broadcast %mul3A_68 : f32 to vector<1x128xf32>
    %mul3A_70 = arith.mulf %broadcast_in_dim3A_67, %mul3A_69 : vector<1x128xf32>
    %get3A_71 = arith.constant 0 : index
    %get3A_72 = arith.constant 0 : index
    %get3A_73 = vector.load %arg10[%get3A_71, %get3A_72] : memref<1x128xf32, #tpu.memory_space<vmem>>, vector<1x128xf32>
    %mul3A_74 = arith.mulf %mul3A_70, %get3A_73 : vector<1x128xf32>
    %reduce_sum3A_75 = arith.constant dense<0.000000e+00> : vector<1xf32>
    %reduce_sum3A_76 = vector.multi_reduction <add>, %mul3A_74, %reduce_sum3A_75 [1] : vector<1x128xf32> to vector<1xf32>
    %broadcast_in_dim3A_77 = vector.shape_cast %reduce_sum3A_76 : vector<1xf32> to vector<1x1xf32>
    %get3A_78 = arith.constant 0 : index
    %get3A_79 = arith.constant 0 : index
    %get3A_80 = vector.load %arg11[%get3A_78, %get3A_79] : memref<1x1xf32, #tpu.memory_space<vmem>>, vector<1x1xf32>
    %get3A_81 = vector.extract %get3A_80[0, 0] : f32 from vector<1x1xf32>
    %add3A_82 = vector.broadcast %get3A_81 : f32 to vector<1x1xf32>
    %add3A_83 = arith.addf %broadcast_in_dim3A_77, %add3A_82 : vector<1x1xf32>
    %logistic3A_84 = arith.negf %add3A_83 : vector<1x1xf32>
    %logistic3A_85 = math.exp %logistic3A_84 : vector<1x1xf32>
    %logistic3A_86 = arith.constant 1.000000e+00 : f32
    %logistic3A_87 = vector.broadcast %logistic3A_86 : f32 to vector<1x1xf32>
    %logistic3A_88 = arith.addf %logistic3A_87, %logistic3A_85 : vector<1x1xf32>
    %logistic3A_89 = arith.divf %logistic3A_87, %logistic3A_88 : vector<1x1xf32>
    %swap3A_90 = arith.constant 0 : index
    %swap3A_91 = arith.constant 0 : index
    %swap3A_92 = vector.load %arg13[%swap3A_90, %swap3A_91] : memref<1x1xf32, #tpu.memory_space<vmem>>, vector<1x1xf32>
    tpu.vector_store %arg13[%swap3A_90, %swap3A_91], %logistic3A_89 {strides = array<i32>} : memref<1x1xf32, #tpu.memory_space<vmem>>, vector<1x1xf32>,
    return
  }
}

</mosaic_0001>

<sc_bundles>
// kernel: kernel.4.cloned.1.call-start
scs
__scs_entry_jumppad:
0x0: {  	(pc) =	sbr.rel $0x88, $3  }
0x1: {  	(tag) =	ssettag $0x0;
	lr =	simm.s32 $0x1  }
0x2: {  	[smem:$0x3F94] =	sst lr;
	_ =	strace $0xD0000000  }
0x3: {  	_ = 	snop  }
0x4: {  	_ = 	snop  }
0x5: {  	_ = 	snop  }
0x6: {  	_ = 	snop  }
0x7: {  	_ = 	snop  }
__scs_overlays_trampoline_lowered:
0x8: {  	[smem:$0x3FA3] =	sst s0  }
0x9: {  	[smem:$0x3FA4] =	sst s1  }
0xa: {  	[smem:$0x3FA5] =	sst s2  }
0xb: {  	[smem:$0x3FA6] =	sst s3  }
0xc: {  	[smem:$0x3FA7] =	sst s4  }
0xd: {  	[smem:$0x3FA8] =	sst s5  }
0xe: {  	[smem:$0x3FA9] =	sst s6  }
0xf: {  	[smem:$0x3FAA] =	sst s7  }
0x10: {  	[smem:$0x3FAB] =	sst s8  }
0x11: {  	[smem:$0x3FAC] =	sst s9;
	s0 =	simm.s32 @!p0 $0x0  }
0x12: {  	s1 =	sld [smem:$0x3F92];
	s0 =	simm.s32 @p0 $0x1  }
0x13: {  	[smem:$0x3FAD] =	sst s0;
	s0 =	simm.s32 @!p1 $0x0  }
0x14: {  	s2 =	sld [smem:$0x3F91];
	s0 =	simm.s32 @p1 $0x1  }
0x15: {  	[smem:$0x3FAE] =	sst s0;
	s0 =	simm.s32 @!p2 $0x0  }
0x16: {  	s3 =	sld [smem:$0x3FDB];
	s0 =	simm.s32 @p2 $0x1  }
0x17: {  	s4 =	simm.s32 $0x1BF5;
	[smem:$0x3FB0] =	sst s0  }
0x18: {  	s0 =	sld [smem:$0x3F93];
	_ =	swait.ge [sflag:s4], $0x0  }
0x19: {  	s7 =	sld [smem:$0x3F94]  }
0x1a: {  	s8 =	sadd.s32 $0xFFFFE003, lr  }
0x1b: {  	s9 =	sadd.s32 $0xFFFFFEF7, lr;
	s5 =	simm.s32 $0xFFFFFFFF;
	p2 =	slt.u32 s8, $0xFFFFF086  }
0x1c: {  	p1 =	slt.u32 s9, $0xF7A;
	s5 =	simm.s32 @!p2 $0x0  }
0x1d: {  	s5 =	simm.s32 @p1 $0x1;
	p0 =	seq.s32 s7, s2  }
0x1e: {  	s7 =	smul.u32 @!p0 $0xF7A, s2;
	p2 =	seq.s32 @!p0 s5, $0x0  }
0x1f: {  	s9 =	smul.u32 $0xF7A, s1;
	s8 =	simm.s32 @!p0 $0x1BF5;
	p2 =	por !p2, p0  }
0x20: {  	[sflag:s8] =	ssyncset.s32 @!p0 $0xFFFFF086;
	s6 =	sadd.s32 @!p0 s3, s7;
	s7 =	simm.s32 @!p0 $0x108  }
0x21: {  	s3 =	sadd.s32 s3, s9;
	s6 =	sadd.s32 @!p0 $0x88, s6;
	s7 =	simm.s32 @p2 $0x1082  }
0x22: {  	[simem:s7], [sflag:s8] =	dma.local @!p0 [hbm:s6], $0xF7A  }
0x23: {  	s9 =	sor.u32 $0xD0000000, s2;
	s6 =	simm.s32 $0x108;
	_ =	swait.ge @!p0 [sflag:s8], $0x0  }
0x24: {  	s3 =	sadd.s32 $0x88, s3;
	s6 =	simm.s32 @!p1 $0x1082;
	[sflag:s4] =	ssyncset.s32 $0xFFFFF086  }
0x25: {  	[simem:s6], [sflag:s4] =	dma.local [hbm:s3], $0xF7A  }
0x26: {  	[smem:$0x3F94] =	sst s1;
	(tag) =	ssettag s2;
	_ =	strace s9  }
0x27: {  	s1 =	sld [smem:$0x3FA4]  }
0x28: {  	s2 =	sld [smem:$0x3FA5]  }
0x29: {  	s4 =	sld [smem:$0x3FA7]  }
0x2a: {  	p0 =	seq.s32 s5, $0x0;
	s5 =	sld [smem:$0x3FA8]  }
0x2b: {  	s6 =	sld [smem:$0x3FA9]  }
0x2c: {  	s7 =	sld [smem:$0x3FAA]  }
0x2d: {  	s3 =	simm.s32 $0x108;
	s8 =	sld [smem:$0x3FAB]  }
0x2e: {  	s3 =	simm.s32 @!p0 $0x1082;
	s9 =	sld [smem:$0x3FAC]  }
0x2f: {  	lr =	sadd.s32 s0, s3;
	s0 =	sld [smem:$0x3FA3]  }
0x30: {  	s3 =	sld [smem:$0x3FA6]  }
0x31: {  	[smem:$0x3FAF] =	sst s10  }
0x32: {  	s10 =	sld [smem:$0x3FAD];
	_ =	sdelay $0x3  }
0x33: {  	p0 =	seq.s32 s10, $0x1;
	s10 =	sld [smem:$0x3FAF];
	_ =	sdelay $0x3  }
0x34: {  	[smem:$0x3FAF] =	sst s10  }
0x35: {  	s10 =	sld [smem:$0x3FAE];
	_ =	sdelay $0x3  }
0x36: {  	p1 =	seq.s32 s10, $0x1;
	s10 =	sld [smem:$0x3FAF];
	_ =	sdelay $0x3  }
0x37: {  	[smem:$0x3FAF] =	sst s10  }
0x38: {  	s10 =	sld [smem:$0x3FB0]  }
0x39: {  	_ = 	snop;
	(pc) =	sbr.ind lr, $3  }
0x3a: {  	_ = 	snop  }
0x3b: {  	_ = 	snop  }
0x3c: {  	p2 =	seq.s32 s10, $0x1;
	s10 =	sld [smem:$0x3FAF]  }
0x3d: {  	_ =	shalt  }
0x3e: {  	_ =	shalt  }
0x3f: {  	_ =	shalt  }
0x40: {  	_ =	shalt  }
0x41: {  	_ =	shalt  }
0x42: {  	_ =	shalt  }
0x43: {  	_ =	shalt  }
0x44: {  	_ =	shalt  }
0x45: {  	_ =	shalt  }
0x46: {  	_ =	shalt  }
0x47: {  	_ =	shalt  }
0x48: {  	_ =	shalt  }
0x49: {  	_ =	shalt  }
0x4a: {  	_ =	shalt  }
0x4b: {  	_ =	shalt  }
0x4c: {  	_ =	shalt  }
0x4d: {  	_ =	shalt  }
0x4e: {  	_ =	shalt  }
0x4f: {  	_ =	shalt  }
0x50: {  	_ =	shalt  }
0x51: {  	_ =	shalt  }
0x52: {  	_ =	shalt  }
0x53: {  	_ =	shalt  }
0x54: {  	_ =	shalt  }
0x55: {  	_ =	shalt  }
0x56: {  	_ =	shalt  }
0x57: {  	_ =	shalt  }
0x58: {  	_ =	shalt  }
0x59: {  	_ =	shalt  }
0x5a: {  	_ =	shalt  }
0x5b: {  	_ =	shalt  }
0x5c: {  	_ =	shalt  }
0x5d: {  	_ =	shalt  }
0x5e: {  	_ =	shalt  }
0x5f: {  	_ =	shalt  }
0x60: {  	_ =	shalt  }
0x61: {  	_ =	shalt  }
0x62: {  	_ =	shalt  }
0x63: {  	_ =	shalt  }
0x64: {  	_ =	shalt  }
0x65: {  	_ =	shalt  }
0x66: {  	_ =	shalt  }
0x67: {  	_ =	shalt  }
0x68: {  	_ =	shalt  }
0x69: {  	_ =	shalt  }
0x6a: {  	_ =	shalt  }
0x6b: {  	_ =	shalt  }
0x6c: {  	_ =	shalt  }
0x6d: {  	_ =	shalt  }
0x6e: {  	_ =	shalt  }
0x6f: {  	_ =	shalt  }
0x70: {  	_ =	shalt  }
0x71: {  	_ =	shalt  }
0x72: {  	_ =	shalt  }
0x73: {  	_ =	shalt  }
0x74: {  	_ =	shalt  }
0x75: {  	_ =	shalt  }
0x76: {  	_ =	shalt  }
0x77: {  	_ =	shalt  }
0x78: {  	_ =	shalt  }
0x79: {  	_ =	shalt  }
0x7a: {  	_ =	shalt  }
0x7b: {  	_ =	shalt  }
0x7c: {  	_ =	shalt  }
0x7d: {  	_ =	shalt  }
0x7e: {  	_ =	shalt  }
0x7f: {  	_ =	shalt  }
0x80: {  	_ =	shalt  }
0x81: {  	_ =	shalt  }
0x82: {  	_ =	shalt  }
0x83: {  	_ =	shalt  }
0x84: {  	_ =	shalt  }
0x85: {  	_ =	shalt  }
0x86: {  	_ =	shalt  }
0x87: {  	_ =	shalt  }
.Lfunc_end0:
.L_simem_size_0:
called_computation_lowered:
.L_overlay_start_0:
0x88: {  	s2 =	sld [smem:$0x3FD9]  }
0x89: {  	s3 =	sld [smem:$0x3FFE];
	_ =	sdelay $0x1  }
0x8a: {  	s1 =	srdreg.scid  }
0x8b: {  	s0 =	sand.u32 $0x1, s1  }
0x8c: {  	s14 =	sshll.u32 s0, $0xA;
	s2 =	sadd.s32 s3, s2  }
0x8d: {  	s2 =	sadd.s32 s2, s14  }
0x8e: {  	[smem:$0x3FBB] =	sst s2  }
0x8f: {  	_ = 	snop  }
0x90: {  	s2 =	sld [smem:$0x3FD0];
	_ =	sdelay $0x2  }
0x91: {  	s15 =	simm.s32 $0xA;
	s4 =	simm.s32 $0x10  }
0x92: {  	[smem:s4], [sflag:s15] =	dma.local [hbm:s2], $0x1  }
0x93: {  	_ =	swait.eq [sflag:s15], $0x1  }
0x94: {  	[sflag:s15] =	ssyncset.done $0x0  }
0x95: {  	[sflag:s15] =	ssyncadd.s32 $0xFFFFFFFF  }
0x96: {  	s16 =	sld [smem:$0x10];
	(tm) =	ssettm $0x1  }
0x97: {  	s17 =	sld [smem:$0x3FFB];
	_ =	sdelay $0x3  }
0x98: {  	_ =	strace s17  }
0x99: {  	s3 =	sld [smem:$0x3FFC];
	_ =	sdelay $0x3  }
0x9a: {  	_ =	strace s3  }
0x9b: {  	s3 =	sld [smem:$0x3FFD];
	_ =	sdelay $0x3  }
0x9c: {  	_ =	strace s3  }
0x9d: {  	_ =	strace $0x8FFFFFFF  }
0x9e: {  	s18 =	sld [smem:$0x3FDB];
	_ =	sdelay $0x1  }
0x9f: {  	s19 =	simm.s32 $_scs_section_size  }
0xa0: {  	s5 =	simm.s32 $_size__tile_overlayer_lowered;
	s6 =	simm.s32 $_tile_overlayer_lowered  }
0xa1: {  	s22 =	simm.s32 $0x1BFF;
	s21 =	sshll.u32 s6, $0x1;
	s3 =	sadd.s32 s19, s18  }
0xa2: {  	s7 =	simm.s32 $0x0;
	s20 =	sshll.u32 s5, $0x1;
	s5 =	sadd.s32 s21, s3  }
0xa3: {  	[timem:s7], [sflag:s22] =	dma.local [hbm:s5], s20  }
0xa4: {  	_ =	swait.ge [sflag:s22], s20  }
0xa5: {  	s4 =	ssub.s32 $0x0, s20;
	[sflag:s22] =	ssyncset.done $0x0  }
0xa6: {  	[sflag:s22] =	ssyncadd.s32 s4;
	_ =	sdelay $0x1  }
0xa7: {  	s23 =	simm.s32 $0x1B8B  }
0xa8: {  	_ =	swait.ge [sflag:s23], $0x1  }
0xa9: {  	[sflag:s23] =	ssyncset.done $0x0  }
0xaa: {  	s25 =	simm.s32 $0x1B8E;
	s24 =	sld [smem:$0x3FFE];
	[sflag:s23] =	ssyncadd.s32 $0xFFFFFFFF  }
0xab: {  	s26 =	simm.s32 $execute0_lowered;
	[smem:$0x3FD2] =	sst s25  }
0xac: {  	s5 =	sshll.u32 s26, $0x1;
	_ =	strace $0x80000046;
	[dreg:$0x1] =	wrdreg $0xFFFFFFFF  }
0xad: {  	s28 =	simm.s32 $_size_execute0_lowered;
	s3 =	sadd.s32 s3, s5;
	[dreg:$0x0] =	wrdreg $0x0  }
0xae: {  	s5 =	sshll.u32 s28, $0x1;
	[dreg:$0x2] =	wrdreg s3  }
0xaf: {  	[dreg:$0x3] =	wrdreg s5  }
0xb0: {  	[dreg:$0x4] =	wrdreg $0xC0  }
0xb1: {  	_ =	task [dreg:s7], $0x5FFFF  }
0xb2: {  	[dreg:$0x1] =	wrdreg $0xFFFFFFFF  }
0xb3: {  	[dreg:$0x0] =	wrdreg $0x60  }
0xb4: {  	[dreg:$0x2] =	wrdreg s24  }
0xb5: {  	[dreg:$0x3] =	wrdreg s16  }
0xb6: {  	[dreg:$0x4] =	wrdreg $0x9  }
0xb7: {  	_ =	task.clear_ibuf [dreg:s7], $0x5FFFF;
	_ =	strace $0x90000046  }
0xb8: {  	s29 =	simm.s32 $0x9;
	_ =	strace $0x80000048  }
0xb9: {  	_ =	swait.ge [sflag:s29], $0x1  }
0xba: {  	[sflag:s29] =	ssyncadd.s32 $0xFFFFFFFF  }
0xbb: {  	_ =	strace $0x90000048  }
0xbc: {  	_ =	sfence  }
0xbd: {  	s30 =	sld [smem:$0x0];
	_ =	sdelay $0x2  }
0xbe: {  	s31 =	sshll.u32 s1, $0xD;
	s1 =	sshrl.u32 s1, $0x2  }
0xbf: {  	s3 =	sand.u32 $0x4000, s31;
	s1 =	sadd.s32 s1, s30  }
0xc0: {  	s0 =	sor.u32 s3, s0;
	s1 =	sshll.u32 s1, $0x11  }
0xc1: {  	s0 =	sor.u32 s1, s0  }
0xc2: {  	s0 =	sadd.s32 $0x8F2B, s0  }
0xc3: {  	[sflag:s0] =	ssyncadd.remote.s32 $0x1  }
0xc4: {  	_ =	sfence.sel $0xFFFF  }
0xc5: {  	[dreg:$0x0] =	wrdreg $0xFFFFFFFF;
	(pc) =	sbr.abs _section_cstart, $3  }
0xc6: {  	[dreg:$0x1] =	wrdreg $0xFFFFFFFF  }
0xc7: {  	_ =	task.clear_ibuf [dreg:s7], $0x2FFFF;
	_ =	strace $0x9FFFFFFF  }
0xc8: {  	(tm) =	ssettm $0x7FFFFFFF  }
0xc9: {  	_ =	shalt  }
tec
execute0_lowered:
.L_overlay_start_1:
0x0: {  	(tag) =	ssettag $0x1  }
0x1: {  	s8 =	rddreg [dreg:$0x0]  }
0x2: {  	s2 =	rddreg [dreg:$0x1]  }
0x3: {  	s4 =	srdreg.scid;
	s0 =	stileid.u32  }
0x4: {  	s3 =	simm.s32 $0x0;
	s13 =	simm.s32 $0x3280;
	s14 =	simm.s32 $0x6500  }
0x5: {  	s15 =	simm.s32 $0xC000;
	s6 =	sand.u32 $0x1, s4;
	s29 =	sshll.u32 s0, $0x1  }
0x6: {  	s16 =	simm.s32 $0x0;
	[smem:$0x7FF] =	sst s3;
	s7 =	sor.u32 s6, s29  }
0x7: {  	s4 =	sadd.s32 $0x14400, s8;
	s5 =	sadd.s32 $0xA600, s8;
	s9 =	smul.u32 $0x1390, s7  }
.Ltmp0:
0x8: {  	_ =	strace $0x80000047;
	s10 =	ssub.s32 $0x2, s6;
	(pc) =	sbr.rel .LBB2_1-.Ltmp0, $4  }
0x9: {  	s6 =	sadd.s32 $0x800, s8;
	s11 =	smul.u32 $0x139, s7;
	s12 =	sshrl.u32 s10, $0x1  }
0xa: {  	v2 =	vimm.f32 $-1.000000020e+30;
	s7 =	sadd.s32 $0x1E200, s8;
	s30 =	ssub.s32 s10, s12;
	s10 =	simm.s32 $0x9780  }
0xb: {  	v3 =	vimm.s32 $0x0;
	v4 =	vimm.f32 $0.0e+00;
	v5 =	vlaneseq.u32;
	s12 =	simm.s32 $0xBF00;
	s8 =	sadd.s32 s9, s8;
	s31 =	sadd.s32 $0x139, s11  }
0xc: {  	v6 =	vimm.s32 $0x3200;
	s9 =	smax.u32 s30, $0x1;
	v1 =	vmov s11;
	s11 =	simm.s32 $0x3;
	v0 =	vmov s31;
	s8 =	sadd.s32 $0x1E800, s8  }
.LBB2_9:
0xd: {  	s16 =	sadd.s32 $0x1, s16  }
0xe: {  	p0 =	sne.s32 s16, s9  }
.Ltmp1:
0xf: {  	_ = 	snop;
	(pc) =	sbr.rel @!p0 .LBB2_10-.Ltmp1, $4  }
0x10: {  	[hbm4b:s8+s3] =	stream.linear.scatter [tilespmem:s15], [sflag:$0x3], $0x9C80, $0x38;
	[tilespmem:$0x17680] =	vst v63  }
0x11: {  	_ =	swait.ge [sflag:s11], $0x9C80  }
0x12: {  	[sflag:s11] =	ssyncset.done $0x0  }
0x13: {  	[sflag:s11] =	ssyncadd.s32 $0xFFFF6380  }
.LBB2_1:
0x14: {  	[tilespmem:s10], [sflag:$0x3] =	stream.linear.gather [hbm4b:s7+s3], $0x2780, $0x38;
	[tilespmem:$0x17680] =	vst v63  }
0x15: {  	_ =	swait.ge [sflag:s11], $0x2780  }
0x16: {  	[sflag:s11] =	ssyncset.done $0x0  }
0x17: {  	[sflag:s11] =	ssyncadd.s32 $0xFFFFD880  }
0x18: {  	[tilespmem:s12], [sflag:$0x3] =	stream.linear.gather [hbm4b:s2+s3], $0x100, $0x38;
	[tilespmem:$0x17680] =	vst v63  }
0x19: {  	_ =	swait.ge [sflag:s11], $0x100  }
0x1a: {  	[sflag:s11] =	ssyncset.done $0x0  }
0x1b: {  	[sflag:s11] =	ssyncadd.s32 $0xFFFFFF00  }
0x1c: {  	v7 =	vld [tilespmem:$0xBF00]  }
0x1d: {  	v8 =	vld [tilespmem:$0xBF10]  }
0x1e: {  	v9 =	vld [tilespmem:$0xBF20]  }
0x1f: {  	v10 =	vld [tilespmem:$0xBF30]  }
0x20: {  	v11 =	vld [tilespmem:$0xBF40]  }
0x21: {  	v12 =	vld [tilespmem:$0xBF50]  }
0x22: {  	v13 =	vld [tilespmem:$0xBF60]  }
0x23: {  	v14 =	vld [tilespmem:$0xBF70]  }
0x24: {  	v15 =	vld [tilespmem:$0xBF80]  }
0x25: {  	v16 =	vld [tilespmem:$0xBF90]  }
0x26: {  	v17 =	vld [tilespmem:$0xBFA0]  }
0x27: {  	v18 =	vld [tilespmem:$0xBFB0]  }
0x28: {  	v19 =	vld [tilespmem:$0xBFC0]  }
0x29: {  	v20 =	vld [tilespmem:$0xBFD0]  }
0x2a: {  	s17 =	simm.s32 $0xC040;
	v21 =	vld [tilespmem:$0xBFE0]  }
0x2b: {  	v22 =	vld [tilespmem:$0xBFF0];
	[tilespmem:s17+$0xFFFFFFC0] =	vst v2  }
0x2c: {  	[tilespmem:s17+$0x30] =	vst v2  }
0x2d: {  	[tilespmem:s17+$0x20] =	vst v2  }
0x2e: {  	[tilespmem:s17+$0x10] =	vst v2  }
0x2f: {  	[tilespmem:s17+$0x0] =	vst v2  }
0x30: {  	[tilespmem:s17+$0xFFFFFFF0] =	vst v2  }
0x31: {  	s18 =	simm.s32 $0x0;
	[tilespmem:s17+$0xFFFFFFE0] =	vst v2  }
.LBB2_2:
0x32: {  	s18 =	sadd.s32 $0x8, s18;
	[tilespmem:s17+$0xFFFFFFD0] =	vst v2;
	s17 =	sadd.s32 $0x80, s17  }
0x33: {  	[tilespmem:s17+$0xFFFFFFC0] =	vst v2;
	p0 =	slt.u32 s18, $0x9C8  }
0x34: {  	[tilespmem:s17+$0x30] =	vst v2  }
.Ltmp2:
0x35: {  	[tilespmem:s17+$0x20] =	vst v2;
	(pc) =	sbr.rel @p0 .LBB2_2-.Ltmp2, $4  }
0x36: {  	[tilespmem:s17+$0x10] =	vst v2  }
0x37: {  	[tilespmem:s17+$0x0] =	vst v2  }
0x38: {  	[tilespmem:s17+$0xFFFFFFF0] =	vst v2  }
0x39: {  	[tilespmem:s17+$0xFFFFFFE0] =	vst v2  }
0x3a: {  	[tilespmem:s17+$0xFFFFFFD0] =	vst v2  }
0x3b: {  	[tilespmem:$0x3200] =	vst v0  }
0x3c: {  	[tilespmem:$0x6480] =	vst v3  }
0x3d: {  	s17 =	simm.s32 $0x0;
	[tilespmem:$0x9700] =	vst v4  }
0x3e: {  	[tilespmem:s17], [sflag:$0x1] =	stream.linear.gather [hbm4b:s4+s17], $0x1900, $0x38;
	[tilespmem:$0x17680] =	vst v63  }
.Ltmp3:
0x3f: {  	_ = 	snop;
	(pc) =	sbr.rel .LBB2_5-.Ltmp3, $4  }
0x40: {  	_ = 	snop  }
0x41: {  	[tilespmem:s13], [sflag:$0x1] =	stream.linear.gather [hbm4b:s5+s17], $0x1900, $0x38;
	[tilespmem:$0x17680] =	vst v63  }
0x42: {  	p0 =	por $0x0, $0x0;
	s18 =	simm.s32 $0x0  }
0x43: {  	[tilespmem:s14], [sflag:$0x1] =	stream.linear.gather [hbm4b:s6+s17], $0x1900, $0x38;
	[tilespmem:$0x17680] =	vst v63  }
.LBB2_4:
0x44: {  	p1 =	seq.s32 s18, $0x32  }
.Ltmp4:
0x45: {  	_ = 	snop;
	(pc) =	sbr.rel @p1 .LBB2_9-.Ltmp4, $2  }
0x46: {  	_ =	sdelay $0x2  }
0x47: {  	p0 =	por !p0, !p0  }
.LBB2_5:
0x48: {  	s19 =	smov.u32 s18  }
0x49: {  	s20 =	sand.u32 $0x1, s18;
	s18 =	sadd.s32 $0x1, s18;
	p1 =	seq.s32 s19, $0x31  }
0x4a: {  	s19 =	sxor.u32 @!p1 $0x1, s20;
	s21 =	smul.u32 @!p1 $0x320, s18  }
0x4b: {  	s22 =	smul.u32 @!p1 $0x1900, s19  }
0x4c: {  	s24 =	simm.s32 @!p1 $0x0;
	s19 =	sadd.s32 @!p1 $0x1, s19;
	s23 =	sadd.s32 @!p1 s4, s21  }
0x4d: {  	[tilespmem:s22], [sflag:s19] =	stream.linear.gather @!p1 [hbm4b:s23+s24], $0x1900, $0x38;
	[tilespmem:$0x17680] =	vst v63  }
0x4e: {  	s25 =	sadd.s32 @!p1 s5, s21;
	s23 =	sadd.s32 @!p1 $0x3280, s22  }
0x4f: {  	[tilespmem:s23], [sflag:s19] =	stream.linear.gather @!p1 [hbm4b:s25+s24], $0x1900, $0x38;
	[tilespmem:$0x17680] =	vst v63  }
0x50: {  	s20 =	sadd.s32 $0x1, s20;
	s21 =	sadd.s32 @!p1 s6, s21;
	s22 =	sadd.s32 @!p1 $0x6500, s22  }
0x51: {  	[tilespmem:s22], [sflag:s19] =	stream.linear.gather @!p1 [hbm4b:s21+s24], $0x1900, $0x38;
	[tilespmem:$0x17680] =	vst v63  }
0x52: {  	s19 =	simm.s32 $0x1;
	_ =	swait.ge [sflag:s20], $0x1900  }
0x53: {  	s26 =	simm.s32 $0x30;
	s19 =	simm.s32 @!p0 $0x0;
	[sflag:s20] =	ssyncset.done $0x0  }
0x54: {  	s28 =	simm.s32 $0x20;
	s19 =	smul.u32 $0x1900, s19;
	[sflag:s20] =	ssyncadd.s32 $0xFFFFE700  }
0x55: {  	s29 =	simm.s32 $0x0;
	s23 =	sand.u32 $0x60, s28;
	_ =	swait.ge [sflag:s20], $0x1900  }
0x56: {  	s25 =	simm.s32 $0x70;
	s22 =	sadd.s32 $0x30, s19;
	[sflag:s20] =	ssyncset.done $0x0  }
0x57: {  	s21 =	simm.s32 $0x10;
	s28 =	sadd.s32 $0xFFFFFFD0, s22;
	[sflag:s20] =	ssyncadd.s32 $0xFFFFE700  }
0x58: {  	s24 =	sand.u32 $0x40, s29;
	s31 =	sand.u32 $0x3F80, s28;
	_ =	swait.ge [sflag:s20], $0x1900  }
0x59: {  	s30 =	sand.u32 $0x3F80, s22;
	s0 =	sor.u32 s24, s31;
	[sflag:s20] =	ssyncset.done $0x0  }
0x5a: {  	[sflag:s20] =	ssyncadd.s32 $0xFFFFE700;
	s20 =	sand.u32 $0x70, s26;
	s26 =	sadd.s32 $0xFFFFFFF0, s22  }
0x5b: {  	s20 =	sor.u32 s20, s30;
	s29 =	sand.u32 $0x3F80, s26;
	s30 =	sadd.s32 $0xFFFFFFE0, s22;
	v26 =	vld [tilespmem:s0+$0x0]  }
0x5c: {  	s21 =	sand.u32 $0x50, s21;
	v25 =	vld [tilespmem:s20+$0x0];
	s23 =	sor.u32 s23, s29;
	s1 =	sand.u32 $0x3F80, s30  }
0x5d: {  	s20 =	sand.u32 $0x70, s25;
	v28 =	vld [tilespmem:s23+$0x0];
	s24 =	sor.u32 s21, s1  }
0x5e: {  	v24 =	vor.u32 s30, v5;
	s29 =	simm.s32 $0x60;
	s30 =	simm.s32 $0x40;
	s23 =	sadd.s32 $0x70, s19;
	v29 =	vld [tilespmem:s24+$0x0]  }
0x5f: {  	v23 =	vor.u32 s22, v5;
	s21 =	simm.s32 $0x50;
	s22 =	sand.u32 $0x60, s29;
	s31 =	sand.u32 $0x3F80, s23  }
0x60: {  	v30 =	vor.u32 s28, v5;
	v27 =	vor.u32 s26, v5;
	s26 =	sadd.s32 $0xFFFFFFF0, s23;
	s28 =	sadd.s32 $0xFFFFFFD0, s23;
	s24 =	sand.u32 $0x40, s30  }
0x61: {  	s0 =	sand.u32 $0x3F80, s26;
	s20 =	sor.u32 s20, s31;
	s1 =	sand.u32 $0x3F80, s28;
	vm0 =	vge.s32 v26, v1;
	vm1 =	vlt.s32 v26, v0;
	vm2 =	vge.s32 v25, v1  }
0x62: {  	s31 =	sadd.s32 $0xFFFFFFE0, s23;
	s22 =	sor.u32 s22, s0;
	s0 =	sor.u32 s24, s1;
	vm0 =	vmand vm0, vm1;
	vm3 =	vge.s32 v28, v1;
	vm5 =	vlt.s32 v28, v0  }
0x63: {  	s21 =	sand.u32 $0x50, s21;
	s1 =	sand.u32 $0x3F80, s31;
	v34 =	vld [tilespmem:s0+$0x0];
	v26 =	vmpcnt.ones.xlane vm0;
	vm1 =	vge.s32 v29, v1;
	vm4 =	vlt.s32 v29, v0  }
0x64: {  	v33 =	vld [tilespmem:s22+$0x0];
	s22 =	sor.u32 s21, s1;
	vm7 =	vmmov vm0;
	vm4 =	vmand vm1, vm4;
	vm1 =	vmand vm3, vm5  }
0x65: {  	v36 =	vld [tilespmem:s22+$0x0];
	vm3 =	vlt.s32 v25, v0;
	(v2sf) =	vpush v26, $0x0;
	v29 =	vmpcnt.ones.xlane vm4  }
0x66: {  	v32 =	vmpcnt.ones.xlane vm1;
	vm2 =	vmand vm2, vm3;
	vm0 =	vmmov vm1  }
0x67: {  	v35 =	vmpcnt.ones.xlane vm2;
	vm1 =	vmmov vm2;
	(v2sf) =	vpush v29, $0x0  }
0x68: {  	vm2 =	vmmov vm4;
	vm3 =	vge.s32 v34, v1;
	(v2sf) =	vpush v32, $0x0  }
0x69: {  	vm4 =	vlt.s32 v34, v0;
	vm5 =	vge.s32 v33, v1;
	(v2sf) =	vpush v35, $0x0  }
0x6a: {  	vm4 =	vmand vm3, vm4;
	vm3 =	vge.s32 v36, v1;
	vm8 =	vlt.s32 v36, v0  }
0x6b: {  	v31 =	vld [tilespmem:s20+$0x0];
	v62 =	vmpcnt.ones.xlane vm4;
	vm3 =	vmand vm3, vm8;
	vm8 =	vlt.s32 v33, v0  }
0x6c: {  	s29 =	simm.s32 $0xA0;
	s24 =	simm.s32 $0xB0;
	v63 =	vmpcnt.ones.xlane vm3;
	vm5 =	vmand vm5, vm8  }
0x6d: {  	s30 =	simm.s32 $0x80;
	s20 =	sadd.s32 $0xB0, s19;
	s25 =	sand.u32 $0x70, s24;
	v37 =	vmpcnt.ones.xlane vm5;
	(v2sf) =	vpush v62, $0x0  }
0x6e: {  	s24 =	sand.u32 $0x40, s30;
	s21 =	simm.s32 $0x8;
	v26 =	vor.u32 s26, v5;
	s26 =	sadd.s32 $0xFFFFFFF0, s20;
	(v2sf) =	vpush v63, $0x0  }
0x6f: {  	v28 =	vor.u32 s28, v5;
	s28 =	sand.u32 $0x60, s29;
	s29 =	sadd.s32 $0xFFFFFFD0, s20;
	s0 =	sand.u32 $0x3F80, s26;
	(v2sf) =	vpush v37, $0x0  }
0x70: {  	s1 =	sand.u32 $0x3F80, s29;
	v25 =	vor.u32 s31, v5;
	s31 =	sand.u32 $0x3F80, s20;
	vm6 =	vge.s32 v31, v1;
	s28 =	sor.u32 s28, s0;
	vm8 =	vlt.s32 v31, v0  }
0x71: {  	s22 =	sor.u32 s25, s31;
	s31 =	sadd.s32 $0xFFFFFFE0, s20;
	v29 =	vor.u32 s23, v5;
	s23 =	simm.s32 $0x90;
	v34 =	vld [tilespmem:s28+$0x0];
	vm6 =	vmand vm6, vm8  }
0x72: {  	[tilespmem:s17+$0x15D00] =	vst.msk vm7, v30;
	s25 =	sor.u32 s24, s1;
	s30 =	sand.u32 $0x3F80, s31;
	v32 =	vld [tilespmem:s22+$0x0];
	s23 =	sand.u32 $0x50, s23;
	v36 =	vmpcnt.ones.xlane vm6  }
0x73: {  	v30 =	vor.u32 s26, v5;
	v33 =	vor.u32 s31, v5;
	s22 =	simm.s32 $0xF0;
	v31 =	vor.u32 s29, v5;
	v35 =	vld [tilespmem:s25+$0x0];
	s24 =	sor.u32 s23, s30;
	s23 =	simm.s32 $0x0  }
.LBB2_6:
0x74: {  	s25 =	sand.u32 $0x70, s22;
	v37 =	vld [tilespmem:s24+$0x0];
	v38 =	vor.u32 s20, v5;
	(v2sf) =	vpush v36, $0x0;
	vm7 =	vmmov vm4;
	s24 =	sadd.s32 $0xFFFFFFE0, s22;
	s26 =	sadd.s32 $0xFFFFFFF0, s22  }
0x75: {  	vm4 =	vmmov vm0;
	vm0 =	vmmov vm5;
	vm5 =	vmmov vm1;
	s28 =	sadd.s32 $0xFFFFFFD0, s22;
	s21 =	sadd.s32 $0x4, s21;
	s20 =	spop (v2sf)  }
0x76: {  	vm1 =	vmmov vm6;
	s26 =	sand.u32 $0x60, s26;
	s23 =	sadd.s32 s23, s20;
	s29 =	spop (v2sf)  }
0x77: {  	s20 =	sadd.s32 s22, s19;
	vm6 =	vge.s32 v32, v1;
	[tilespmem:s23+$0x15D00] =	vst.msk vm2, v24;
	s23 =	sadd.s32 s23, s29;
	s29 =	spop (v2sf);
	v24 =	vmovc v25;
	v25 =	vmov v33;
	vm2 =	vmmov vm3  }
0x78: {  	s30 =	sand.u32 $0x3F80, s20;
	vm9 =	vge.s32 v34, v1;
	vm3 =	vge.s32 v35, v1;
	vm8 =	vlt.s32 v35, v0;
	[tilespmem:s23+$0x15D00] =	vst.msk vm4, v27;
	s23 =	sadd.s32 s23, s29;
	s29 =	spop (v2sf)  }
0x79: {  	p1 =	slt.u32 s21, $0x18C;
	s31 =	sadd.s32 $0xFFFFFFF0, s20;
	vm4 =	vmand vm3, vm8;
	vm3 =	vge.s32 v37, v1;
	vm8 =	vlt.s32 v37, v0;
	[tilespmem:s23+$0x15D00] =	vst.msk vm5, v23;
	s23 =	sadd.s32 s23, s29;
	v23 =	vmovc v29  }
.Ltmp5:
0x7a: {  	s28 =	sand.u32 $0x40, s28;
	s29 =	sadd.s32 $0xFFFFFFD0, s20;
	vm5 =	vlt.s32 v34, v0;
	v35 =	vmpcnt.ones.xlane vm4;
	vm3 =	vmand vm3, vm8;
	[tilespmem:s23+$0x15D00] =	vst.msk vm7, v28;
	(pc) =	sbr.rel @p1 .LBB2_6-.Ltmp5, $4  }
0x7b: {  	s0 =	sand.u32 $0x3F80, s31;
	s25 =	sor.u32 s25, s30;
	v29 =	vmovc v38;
	vm5 =	vmand vm9, vm5;
	vm7 =	vlt.s32 v32, v0;
	v28 =	vmovc v31;
	v33 =	vmpcnt.ones.xlane vm3  }
0x7c: {  	s1 =	sadd.s32 $0xFFFFFFE0, s20;
	v27 =	vmovc v26;
	v26 =	vmovc v30;
	s0 =	sor.u32 s26, s0;
	s30 =	sand.u32 $0x3F80, s29;
	v37 =	vmpcnt.ones.xlane vm5;
	vm6 =	vmand vm6, vm7;
	v32 =	vld [tilespmem:s25+$0x0];
	(v2sf) =	vpush v35, $0x0  }
0x7d: {  	s24 =	sand.u32 $0x50, s24;
	s26 =	sand.u32 $0x3F80, s1;
	v31 =	vor.u32 s29, v5;
	s25 =	sor.u32 s28, s30;
	v36 =	vmpcnt.ones.xlane vm6;
	v34 =	vld [tilespmem:s0+$0x0];
	(v2sf) =	vpush v33, $0x0  }
0x7e: {  	s22 =	sadd.s32 $0x40, s22;
	v30 =	vor.u32 s31, v5;
	s24 =	sor.u32 s24, s26;
	v33 =	vor.u32 s1, v5;
	v35 =	vld [tilespmem:s25+$0x0];
	(v2sf) =	vpush v37, $0x0  }
0x7f: {  	v37 =	vld [tilespmem:s24+$0x0];
	_ =	sdelay $0x2  }
0x80: {  	(v2sf) =	vpush v36, $0x0;
	vm8 =	vge.s32 v32, v1  }
0x81: {  	vm10 =	vge.s32 v34, v1;
	vm7 =	vge.s32 v35, v1;
	vm9 =	vlt.s32 v35, v0  }
0x82: {  	vm9 =	vmand vm7, vm9;
	vm12 =	vge.s32 v37, v1;
	vm11 =	vlt.s32 v37, v0  }
0x83: {  	vm13 =	vlt.s32 v34, v0;
	vm7 =	vmand vm12, vm11;
	v60 =	vmpcnt.ones.xlane vm9  }
0x84: {  	vm14 =	vlt.s32 v32, v0;
	vm10 =	vmand vm10, vm13;
	v61 =	vmpcnt.ones.xlane vm7  }
0x85: {  	vm8 =	vmand vm8, vm14;
	v62 =	vmpcnt.ones.xlane vm10;
	(v2sf) =	vpush v60, $0x0  }
0x86: {  	v63 =	vmpcnt.ones.xlane vm8;
	(v2sf) =	vpush v61, $0x0  }
0x87: {  	(v2sf) =	vpush v62, $0x0  }
0x88: {  	(v2sf) =	vpush v63, $0x0;
	_ =	sdelay $0x3  }
0x89: {  	s0 =	spop (v2sf)  }
0x8a: {  	s1 =	spop (v2sf);
	s0 =	sadd.s32 s23, s0  }
0x8b: {  	s19 =	spop (v2sf);
	s1 =	sadd.s32 s0, s1  }
0x8c: {  	s19 =	sadd.s32 s1, s19;
	s21 =	spop (v2sf)  }
0x8d: {  	s21 =	sadd.s32 s19, s21;
	s22 =	spop (v2sf)  }
0x8e: {  	s22 =	sadd.s32 s21, s22;
	s28 =	spop (v2sf)  }
0x8f: {  	s23 =	sadd.s32 s22, s28;
	s29 =	spop (v2sf)  }
0x90: {  	s24 =	sadd.s32 s23, s29;
	s25 =	spop (v2sf)  }
0x91: {  	s25 =	sadd.s32 s24, s25;
	s26 =	spop (v2sf)  }
0x92: {  	s26 =	sadd.s32 s25, s26;
	s28 =	spop (v2sf)  }
0x93: {  	vm0 =	vmmov vm0;
	[tilespmem:s0+$0x15D00] =	vst.msk vm2, v24;
	s0 =	sadd.s32 s26, s28;
	s30 =	spop (v2sf)  }
0x94: {  	[tilespmem:s1+$0x15D00] =	vst.msk vm0, v27;
	s1 =	sadd.s32 s0, s30;
	s31 =	spop (v2sf)  }
0x95: {  	s28 =	sadd.s32 s1, s31  }
0x96: {  	s29 =	sadd.s32 $0xF, s28  }
0x97: {  	s30 =	sand.u32 $0xF, s29  }
0x98: {  	vm15 =	vmmov vm4;
	s31 =	sshra.s32 s29, $0x1F;
	p2 =	slt.s32 s29, $0x1;
	p1 =	sne.s32 s30, $0x0  }
0x99: {  	vm1 =	vmmov vm1;
	[tilespmem:s21+$0x15D00] =	vst.msk vm15, v28;
	s21 =	sshrl.u32 s31, $0x1C;
	p1 =	por !p2, !p1  }
0x9a: {  	vm4 =	vmmov vm5;
	vm5 =	vmmov vm3;
	[tilespmem:s19+$0x15D00] =	vst.msk vm1, v23;
	s19 =	sadd.s32 s21, s29;
	s21 =	simm.s32 $0x1;
	p1 =	por !p1, !p1  }
0x9b: {  	vm6 =	vmmov vm6;
	vm1 =	vmmov vm4;
	[tilespmem:s22+$0x15D00] =	vst.msk vm5, v25;
	s19 =	sshra.s32 s19, $0x4;
	s21 =	simm.s32 @!p1 $0x0  }
0x9c: {  	vm0 =	vmmov vm6;
	[tilespmem:s23+$0x15D00] =	vst.msk vm1, v26;
	s19 =	ssub.s32 s19, s21  }
0x9d: {  	vm11 =	vmmov vm9;
	[tilespmem:s24+$0x15D00] =	vst.msk vm0, v29;
	p1 =	slt.s32 s19, $0x1  }
.Ltmp6:
0x9e: {  	vm12 =	vmmov vm10;
	vm13 =	vmmov vm7;
	[tilespmem:s25+$0x15D00] =	vst.msk vm11, v31;
	(pc) =	sbr.rel @p1 .LBB2_4-.Ltmp6, $4  }
0x9f: {  	vm14 =	vmmov vm8;
	vm0 =	vmmov vm12;
	[tilespmem:s26+$0x15D00] =	vst.msk vm13, v33  }
0xa0: {  	v23 =	vor.u32 s20, v5;
	vm15 =	vmmov vm14;
	[tilespmem:s0+$0x15D00] =	vst.msk vm0, v30  }
0xa1: {  	[tilespmem:s1+$0x15D00] =	vst.msk vm15, v23  }
0xa2: {  	s20 =	simm.s32 $0x15D00;
	[tilespmem:s28+$0x15D00] =	vst v6  }
.LBB2_8:
0xa3: {  	v23 =	vld [tilespmem:s20+$0x0];
	_ =	sdelay $0x7  }
0xa4: {  	v24 =	vld.idx.msk [tilespmem:v23+s3+$0x0], $0xffff;
	_ =	sdelay $0x4  }
0xa5: {  	v24 =	vsub.s32 v24, v1  }
0xa6: {  	v25 =	vshll.u32 v24, $0x7  }
0xa7: {  	(v2sf) =	vpush v25, $0x0;
	_ =	sdelay $0xe  }
0xa8: {  	s0 =	spop (v2sf);
	(v2sf) =	vpush v25, $0x1;
	_ =	sdelay $0x1  }
0xa9: {  	v47 =	vld.idx.msk [tilespmem:v23+s13+$0x0], $0xffff;
	_ =	sdelay $0x4  }
0xaa: {  	v23 =	vld.idx.msk [tilespmem:v23+s14+$0x0], $0xffff;
	_ =	sdelay $0x2  }
0xab: {  	v24 =	vld.idx.msk [tilespmem:v47+s10+$0x0], $0xffff;
	_ =	sdelay $0x1  }
0xac: {  	v27 =	vbroadcast v23, $0x0;
	_ =	sdelay $0x1  }
0xad: {  	v30 =	vmul.f32 v27, v15;
	v33 =	vmul.f32 v27, v16  }
0xae: {  	v35 =	vmul.f32 v27, v17;
	v26 =	vbroadcast v24, $0x0;
	s28 =	spop (v2sf);
	(v2sf) =	vpush v25, $0x2  }
0xaf: {  	v37 =	vmul.f32 v27, v18;
	v54 =	vmul.f32 v27, v19;
	v28 =	vld [tilespmem:s0+$0xC000]  }
0xb0: {  	v58 =	vmul.f32 v27, v20;
	v29 =	vmul.f32 v26, v7;
	v31 =	vld [tilespmem:s0+$0xC010]  }
0xb1: {  	v62 =	vmul.f32 v27, v21;
	v32 =	vmul.f32 v26, v8;
	v34 =	vld [tilespmem:s0+$0xC020]  }
0xb2: {  	v27 =	vmul.f32 v27, v22;
	v48 =	vmul.f32 v26, v9;
	v29 =	vadd.f32 v29, v30;
	v36 =	vld [tilespmem:s0+$0xC030]  }
0xb3: {  	v49 =	vmul.f32 v26, v10;
	v53 =	vmul.f32 v26, v11;
	v32 =	vadd.f32 v32, v33;
	v52 =	vld [tilespmem:s0+$0xC040]  }
0xb4: {  	v57 =	vmul.f32 v26, v12;
	v30 =	vadd.f32 v48, v35;
	v55 =	vld [tilespmem:s0+$0xC050];
	v28 =	vmax.f32 v28, v29  }
0xb5: {  	v61 =	vmul.f32 v26, v13;
	v51 =	vadd.f32 v49, v37;
	v38 =	vld [tilespmem:s0+$0xC070];
	v50 =	vmax.f32 v31, v32;
	[tilespmem:s0+$0xC000] =	vst v28  }
0xb6: {  	v26 =	vmul.f32 v26, v14;
	v60 =	vadd.f32 v53, v54;
	v59 =	vld [tilespmem:s0+$0xC060];
	v30 =	vmax.f32 v34, v30;
	[tilespmem:s0+$0xC010] =	vst v50  }
0xb7: {  	v63 =	vadd.f32 v57, v58;
	v56 =	vmax.f32 v36, v51;
	[tilespmem:s0+$0xC020] =	vst v30  }
0xb8: {  	v26 =	vadd.f32 v26, v27;
	v32 =	vmax.f32 v52, v60;
	[tilespmem:s0+$0xC030] =	vst v56  }
0xb9: {  	v27 =	vbroadcast v23, $0x1;
	v34 =	vadd.f32 v61, v62;
	v36 =	vmax.f32 v55, v63;
	[tilespmem:s0+$0xC040] =	vst v32  }
0xba: {  	v26 =	vmax.f32 v38, v26;
	[tilespmem:s0+$0xC050] =	vst v36  }
0xbb: {  	v39 =	vmul.f32 v27, v15;
	[tilespmem:s0+$0xC070] =	vst v26;
	v37 =	vmax.f32 v59, v34  }
0xbc: {  	v42 =	vmul.f32 v27, v16;
	v26 =	vbroadcast v24, $0x1;
	[tilespmem:s0+$0xC060] =	vst v37  }
0xbd: {  	v45 =	vmul.f32 v27, v17;
	v48 =	vmul.f32 v27, v18;
	v28 =	vld [tilespmem:s28+$0xC000];
	s29 =	spop (v2sf);
	(v2sf) =	vpush v25, $0x3  }
0xbe: {  	v53 =	vmul.f32 v27, v19;
	v38 =	vmul.f32 v26, v7;
	v40 =	vld [tilespmem:s28+$0xC010]  }
0xbf: {  	v57 =	vmul.f32 v27, v20;
	v41 =	vmul.f32 v26, v8;
	v43 =	vld [tilespmem:s28+$0xC020]  }
0xc0: {  	v61 =	vmul.f32 v27, v21;
	v44 =	vmul.f32 v26, v9;
	v29 =	vadd.f32 v38, v39;
	v46 =	vld [tilespmem:s28+$0xC030]  }
0xc1: {  	v27 =	vmul.f32 v27, v22;
	v47 =	vmul.f32 v26, v10;
	v32 =	vadd.f32 v41, v42;
	v51 =	vld [tilespmem:s28+$0xC040]  }
0xc2: {  	v52 =	vmul.f32 v26, v11;
	v30 =	vadd.f32 v44, v45;
	v54 =	vld [tilespmem:s28+$0xC050];
	v28 =	vmax.f32 v28, v29  }
0xc3: {  	v56 =	vmul.f32 v26, v12;
	v50 =	vadd.f32 v47, v48;
	v58 =	vld [tilespmem:s28+$0xC060];
	v49 =	vmax.f32 v40, v32;
	[tilespmem:s28+$0xC000] =	vst v28  }
0xc4: {  	v60 =	vmul.f32 v26, v13;
	v59 =	vadd.f32 v52, v53;
	v62 =	vld [tilespmem:s28+$0xC070];
	v30 =	vmax.f32 v43, v30;
	[tilespmem:s28+$0xC010] =	vst v49  }
0xc5: {  	v26 =	vmul.f32 v26, v14;
	v63 =	vadd.f32 v56, v57;
	v55 =	vmax.f32 v46, v50;
	[tilespmem:s28+$0xC020] =	vst v30  }
0xc6: {  	v34 =	vadd.f32 v60, v61;
	v32 =	vmax.f32 v51, v59;
	[tilespmem:s28+$0xC030] =	vst v55  }
0xc7: {  	v26 =	vadd.f32 v26, v27;
	v27 =	vbroadcast v23, $0x2;
	v36 =	vmax.f32 v54, v63;
	[tilespmem:s28+$0xC040] =	vst v32  }
0xc8: {  	v37 =	vmax.f32 v58, v34;
	[tilespmem:s28+$0xC050] =	vst v36  }
0xc9: {  	v39 =	vmul.f32 v27, v15;
	v26 =	vmax.f32 v62, v26;
	[tilespmem:s28+$0xC060] =	vst v37  }
0xca: {  	v42 =	vmul.f32 v27, v16;
	[tilespmem:s28+$0xC070] =	vst v26;
	v26 =	vbroadcast v24, $0x2  }
0xcb: {  	v45 =	vmul.f32 v27, v17;
	v48 =	vmul.f32 v27, v18;
	v28 =	vld [tilespmem:s29+$0xC000]  }
0xcc: {  	v53 =	vmul.f32 v27, v19;
	v38 =	vmul.f32 v26, v7;
	v40 =	vld [tilespmem:s29+$0xC010];
	s30 =	spop (v2sf);
	(v2sf) =	vpush v25, $0x4  }
0xcd: {  	v57 =	vmul.f32 v27, v20;
	v41 =	vmul.f32 v26, v8;
	v43 =	vld [tilespmem:s29+$0xC020]  }
0xce: {  	v61 =	vmul.f32 v27, v21;
	v44 =	vmul.f32 v26, v9;
	v29 =	vadd.f32 v38, v39;
	v46 =	vld [tilespmem:s29+$0xC030]  }
0xcf: {  	v27 =	vmul.f32 v27, v22;
	v47 =	vmul.f32 v26, v10;
	v32 =	vadd.f32 v41, v42;
	v51 =	vld [tilespmem:s29+$0xC040]  }
0xd0: {  	v52 =	vmul.f32 v26, v11;
	v30 =	vadd.f32 v44, v45;
	v54 =	vld [tilespmem:s29+$0xC050];
	v28 =	vmax.f32 v28, v29  }
0xd1: {  	v56 =	vmul.f32 v26, v12;
	v50 =	vadd.f32 v47, v48;
	v58 =	vld [tilespmem:s29+$0xC060];
	v49 =	vmax.f32 v40, v32;
	[tilespmem:s29+$0xC000] =	vst v28  }
0xd2: {  	v60 =	vmul.f32 v26, v13;
	v59 =	vadd.f32 v52, v53;
	v62 =	vld [tilespmem:s29+$0xC070];
	v30 =	vmax.f32 v43, v30;
	[tilespmem:s29+$0xC010] =	vst v49  }
0xd3: {  	v26 =	vmul.f32 v26, v14;
	v63 =	vadd.f32 v56, v57;
	v55 =	vmax.f32 v46, v50;
	[tilespmem:s29+$0xC020] =	vst v30  }
0xd4: {  	v34 =	vadd.f32 v60, v61;
	v32 =	vmax.f32 v51, v59;
	[tilespmem:s29+$0xC030] =	vst v55  }
0xd5: {  	v26 =	vadd.f32 v26, v27;
	v27 =	vbroadcast v23, $0x3;
	v36 =	vmax.f32 v54, v63;
	[tilespmem:s29+$0xC040] =	vst v32  }
0xd6: {  	v37 =	vmax.f32 v58, v34;
	[tilespmem:s29+$0xC050] =	vst v36  }
0xd7: {  	v39 =	vmul.f32 v27, v15;
	v26 =	vmax.f32 v62, v26;
	[tilespmem:s29+$0xC060] =	vst v37  }
0xd8: {  	v42 =	vmul.f32 v27, v16;
	[tilespmem:s29+$0xC070] =	vst v26;
	v26 =	vbroadcast v24, $0x3  }
0xd9: {  	v45 =	vmul.f32 v27, v17;
	v48 =	vmul.f32 v27, v18;
	v28 =	vld [tilespmem:s30+$0xC000]  }
0xda: {  	v53 =	vmul.f32 v27, v19;
	v38 =	vmul.f32 v26, v7;
	v40 =	vld [tilespmem:s30+$0xC010]  }
0xdb: {  	v57 =	vmul.f32 v27, v20;
	v41 =	vmul.f32 v26, v8;
	v43 =	vld [tilespmem:s30+$0xC020];
	s31 =	spop (v2sf);
	(v2sf) =	vpush v25, $0x5  }
0xdc: {  	v61 =	vmul.f32 v27, v21;
	v44 =	vmul.f32 v26, v9;
	v29 =	vadd.f32 v38, v39;
	v46 =	vld [tilespmem:s30+$0xC030]  }
0xdd: {  	v27 =	vmul.f32 v27, v22;
	v47 =	vmul.f32 v26, v10;
	v32 =	vadd.f32 v41, v42;
	v51 =	vld [tilespmem:s30+$0xC040]  }
0xde: {  	v52 =	vmul.f32 v26, v11;
	v30 =	vadd.f32 v44, v45;
	v54 =	vld [tilespmem:s30+$0xC050];
	v28 =	vmax.f32 v28, v29  }
0xdf: {  	v56 =	vmul.f32 v26, v12;
	v50 =	vadd.f32 v47, v48;
	v58 =	vld [tilespmem:s30+$0xC060];
	v49 =	vmax.f32 v40, v32;
	[tilespmem:s30+$0xC000] =	vst v28  }
0xe0: {  	v60 =	vmul.f32 v26, v13;
	v59 =	vadd.f32 v52, v53;
	v62 =	vld [tilespmem:s30+$0xC070];
	v30 =	vmax.f32 v43, v30;
	[tilespmem:s30+$0xC010] =	vst v49  }
0xe1: {  	v26 =	vmul.f32 v26, v14;
	v63 =	vadd.f32 v56, v57;
	v55 =	vmax.f32 v46, v50;
	[tilespmem:s30+$0xC020] =	vst v30  }
0xe2: {  	v34 =	vadd.f32 v60, v61;
	v32 =	vmax.f32 v51, v59;
	[tilespmem:s30+$0xC030] =	vst v55  }
0xe3: {  	v26 =	vadd.f32 v26, v27;
	v27 =	vbroadcast v23, $0x4;
	v36 =	vmax.f32 v54, v63;
	[tilespmem:s30+$0xC040] =	vst v32  }
0xe4: {  	v37 =	vmax.f32 v58, v34;
	[tilespmem:s30+$0xC050] =	vst v36  }
0xe5: {  	v39 =	vmul.f32 v27, v15;
	v42 =	vmul.f32 v27, v16;
	v26 =	vmax.f32 v62, v26;
	[tilespmem:s30+$0xC060] =	vst v37  }
0xe6: {  	v45 =	vmul.f32 v27, v17;
	[tilespmem:s30+$0xC070] =	vst v26;
	v26 =	vbroadcast v24, $0x4  }
0xe7: {  	v48 =	vmul.f32 v27, v18;
	v53 =	vmul.f32 v27, v19;
	v28 =	vld [tilespmem:s31+$0xC000]  }
0xe8: {  	v57 =	vmul.f32 v27, v20;
	v38 =	vmul.f32 v26, v7;
	v40 =	vld [tilespmem:s31+$0xC010]  }
0xe9: {  	v61 =	vmul.f32 v27, v21;
	v41 =	vmul.f32 v26, v8;
	v43 =	vld [tilespmem:s31+$0xC020]  }
0xea: {  	v44 =	vmul.f32 v26, v9;
	v29 =	vadd.f32 v38, v39;
	v46 =	vld [tilespmem:s31+$0xC030];
	s1 =	spop (v2sf);
	(v2sf) =	vpush v25, $0x6  }
0xeb: {  	v27 =	vmul.f32 v27, v22;
	v47 =	vmul.f32 v26, v10;
	v32 =	vadd.f32 v41, v42;
	v51 =	vld [tilespmem:s31+$0xC040]  }
0xec: {  	v52 =	vmul.f32 v26, v11;
	v30 =	vadd.f32 v44, v45;
	v54 =	vld [tilespmem:s31+$0xC050];
	v28 =	vmax.f32 v28, v29  }
0xed: {  	v56 =	vmul.f32 v26, v12;
	v50 =	vadd.f32 v47, v48;
	v58 =	vld [tilespmem:s31+$0xC060];
	v49 =	vmax.f32 v40, v32;
	[tilespmem:s31+$0xC000] =	vst v28  }
0xee: {  	v60 =	vmul.f32 v26, v13;
	v59 =	vadd.f32 v52, v53;
	v62 =	vld [tilespmem:s31+$0xC070];
	v30 =	vmax.f32 v43, v30;
	[tilespmem:s31+$0xC010] =	vst v49  }
0xef: {  	v26 =	vmul.f32 v26, v14;
	v63 =	vadd.f32 v56, v57;
	v55 =	vmax.f32 v46, v50;
	[tilespmem:s31+$0xC020] =	vst v30  }
0xf0: {  	v34 =	vadd.f32 v60, v61;
	v32 =	vmax.f32 v51, v59;
	[tilespmem:s31+$0xC030] =	vst v55  }
0xf1: {  	v26 =	vadd.f32 v26, v27;
	v27 =	vbroadcast v23, $0x5;
	v36 =	vmax.f32 v54, v63;
	[tilespmem:s31+$0xC040] =	vst v32  }
0xf2: {  	v37 =	vmax.f32 v58, v34;
	[tilespmem:s31+$0xC050] =	vst v36  }
0xf3: {  	v39 =	vmul.f32 v27, v15;
	v42 =	vmul.f32 v27, v16;
	v26 =	vmax.f32 v62, v26;
	[tilespmem:s31+$0xC060] =	vst v37  }
0xf4: {  	v45 =	vmul.f32 v27, v17;
	[tilespmem:s31+$0xC070] =	vst v26;
	v26 =	vbroadcast v24, $0x5  }
0xf5: {  	v48 =	vmul.f32 v27, v18;
	v53 =	vmul.f32 v27, v19;
	v28 =	vld [tilespmem:s1+$0xC000]  }
0xf6: {  	v57 =	vmul.f32 v27, v20;
	v38 =	vmul.f32 v26, v7;
	v40 =	vld [tilespmem:s1+$0xC010]  }
0xf7: {  	v61 =	vmul.f32 v27, v21;
	v41 =	vmul.f32 v26, v8;
	v43 =	vld [tilespmem:s1+$0xC020]  }
0xf8: {  	v27 =	vmul.f32 v27, v22;
	v44 =	vmul.f32 v26, v9;
	v29 =	vadd.f32 v38, v39;
	v46 =	vld [tilespmem:s1+$0xC030]  }
0xf9: {  	v47 =	vmul.f32 v26, v10;
	v32 =	vadd.f32 v41, v42;
	v51 =	vld [tilespmem:s1+$0xC040];
	s21 =	spop (v2sf);
	(v2sf) =	vpush v25, $0x7  }
0xfa: {  	v52 =	vmul.f32 v26, v11;
	v30 =	vadd.f32 v44, v45;
	v54 =	vld [tilespmem:s1+$0xC050];
	v28 =	vmax.f32 v28, v29  }
0xfb: {  	v56 =	vmul.f32 v26, v12;
	v50 =	vadd.f32 v47, v48;
	v58 =	vld [tilespmem:s1+$0xC060];
	v49 =	vmax.f32 v40, v32;
	[tilespmem:s1+$0xC000] =	vst v28  }
0xfc: {  	v60 =	vmul.f32 v26, v13;
	v59 =	vadd.f32 v52, v53;
	v62 =	vld [tilespmem:s1+$0xC070];
	v30 =	vmax.f32 v43, v30;
	[tilespmem:s1+$0xC010] =	vst v49  }
0xfd: {  	v26 =	vmul.f32 v26, v14;
	v63 =	vadd.f32 v56, v57;
	v55 =	vmax.f32 v46, v50;
	[tilespmem:s1+$0xC020] =	vst v30  }
0xfe: {  	v34 =	vadd.f32 v60, v61;
	v32 =	vmax.f32 v51, v59;
	[tilespmem:s1+$0xC030] =	vst v55  }
0xff: {  	v26 =	vadd.f32 v26, v27;
	v27 =	vbroadcast v23, $0x6;
	v36 =	vmax.f32 v54, v63;
	[tilespmem:s1+$0xC040] =	vst v32  }
0x100: {  	v37 =	vmax.f32 v58, v34;
	[tilespmem:s1+$0xC050] =	vst v36  }
0x101: {  	v39 =	vmul.f32 v27, v15;
	v42 =	vmul.f32 v27, v16;
	v26 =	vmax.f32 v62, v26;
	[tilespmem:s1+$0xC060] =	vst v37  }
0x102: {  	v45 =	vmul.f32 v27, v17;
	[tilespmem:s1+$0xC070] =	vst v26;
	v26 =	vbroadcast v24, $0x6  }
0x103: {  	v48 =	vmul.f32 v27, v18;
	v53 =	vmul.f32 v27, v19;
	v28 =	vld [tilespmem:s21+$0xC000]  }
0x104: {  	v57 =	vmul.f32 v27, v20;
	v38 =	vmul.f32 v26, v7;
	v40 =	vld [tilespmem:s21+$0xC010]  }
0x105: {  	v61 =	vmul.f32 v27, v21;
	v41 =	vmul.f32 v26, v8;
	v43 =	vld [tilespmem:s21+$0xC020]  }
0x106: {  	v27 =	vmul.f32 v27, v22;
	v44 =	vmul.f32 v26, v9;
	v29 =	vadd.f32 v38, v39;
	v46 =	vld [tilespmem:s21+$0xC030]  }
0x107: {  	v47 =	vmul.f32 v26, v10;
	v52 =	vmul.f32 v26, v11;
	v32 =	vadd.f32 v41, v42;
	v51 =	vld [tilespmem:s21+$0xC040]  }
0x108: {  	v30 =	vadd.f32 v44, v45;
	v54 =	vld [tilespmem:s21+$0xC050];
	v28 =	vmax.f32 v28, v29;
	s22 =	spop (v2sf);
	(v2sf) =	vpush v25, $0x8  }
0x109: {  	v56 =	vmul.f32 v26, v12;
	v50 =	vadd.f32 v47, v48;
	v58 =	vld [tilespmem:s21+$0xC060];
	v49 =	vmax.f32 v40, v32;
	[tilespmem:s21+$0xC000] =	vst v28  }
0x10a: {  	v60 =	vmul.f32 v26, v13;
	v59 =	vadd.f32 v52, v53;
	v62 =	vld [tilespmem:s21+$0xC070];
	v30 =	vmax.f32 v43, v30;
	[tilespmem:s21+$0xC010] =	vst v49  }
0x10b: {  	v26 =	vmul.f32 v26, v14;
	v63 =	vadd.f32 v56, v57;
	v55 =	vmax.f32 v46, v50;
	[tilespmem:s21+$0xC020] =	vst v30  }
0x10c: {  	v34 =	vadd.f32 v60, v61;
	v32 =	vmax.f32 v51, v59;
	[tilespmem:s21+$0xC030] =	vst v55  }
0x10d: {  	v26 =	vadd.f32 v26, v27;
	v27 =	vbroadcast v23, $0x7;
	v36 =	vmax.f32 v54, v63;
	[tilespmem:s21+$0xC040] =	vst v32  }
0x10e: {  	v37 =	vmax.f32 v58, v34;
	[tilespmem:s21+$0xC050] =	vst v36  }
0x10f: {  	v39 =	vmul.f32 v27, v15;
	v42 =	vmul.f32 v27, v16;
	v26 =	vmax.f32 v62, v26;
	[tilespmem:s21+$0xC060] =	vst v37  }
0x110: {  	v45 =	vmul.f32 v27, v17;
	[tilespmem:s21+$0xC070] =	vst v26;
	v26 =	vbroadcast v24, $0x7  }
0x111: {  	v48 =	vmul.f32 v27, v18;
	v53 =	vmul.f32 v27, v19;
	v28 =	vld [tilespmem:s22+$0xC000]  }
0x112: {  	v57 =	vmul.f32 v27, v20;
	v38 =	vmul.f32 v26, v7;
	v40 =	vld [tilespmem:s22+$0xC010]  }
0x113: {  	v61 =	vmul.f32 v27, v21;
	v41 =	vmul.f32 v26, v8;
	v43 =	vld [tilespmem:s22+$0xC020]  }
0x114: {  	v27 =	vmul.f32 v27, v22;
	v44 =	vmul.f32 v26, v9;
	v29 =	vadd.f32 v38, v39;
	v46 =	vld [tilespmem:s22+$0xC030]  }
0x115: {  	v47 =	vmul.f32 v26, v10;
	v52 =	vmul.f32 v26, v11;
	v32 =	vadd.f32 v41, v42;
	v51 =	vld [tilespmem:s22+$0xC040]  }
0x116: {  	v56 =	vmul.f32 v26, v12;
	v30 =	vadd.f32 v44, v45;
	v54 =	vld [tilespmem:s22+$0xC050];
	v28 =	vmax.f32 v28, v29  }
0x117: {  	v50 =	vadd.f32 v47, v48;
	v58 =	vld [tilespmem:s22+$0xC060];
	v49 =	vmax.f32 v40, v32;
	[tilespmem:s22+$0xC000] =	vst v28;
	s23 =	spop (v2sf);
	(v2sf) =	vpush v25, $0x9  }
0x118: {  	v60 =	vmul.f32 v26, v13;
	v59 =	vadd.f32 v52, v53;
	v62 =	vld [tilespmem:s22+$0xC070];
	v30 =	vmax.f32 v43, v30;
	[tilespmem:s22+$0xC010] =	vst v49  }
0x119: {  	v26 =	vmul.f32 v26, v14;
	v63 =	vadd.f32 v56, v57;
	v55 =	vmax.f32 v46, v50;
	[tilespmem:s22+$0xC020] =	vst v30  }
0x11a: {  	v34 =	vadd.f32 v60, v61;
	v32 =	vmax.f32 v51, v59;
	[tilespmem:s22+$0xC030] =	vst v55  }
0x11b: {  	v26 =	vadd.f32 v26, v27;
	v27 =	vbroadcast v23, $0x8;
	v36 =	vmax.f32 v54, v63;
	[tilespmem:s22+$0xC040] =	vst v32  }
0x11c: {  	v37 =	vmax.f32 v58, v34;
	[tilespmem:s22+$0xC050] =	vst v36  }
0x11d: {  	v39 =	vmul.f32 v27, v15;
	v42 =	vmul.f32 v27, v16;
	v26 =	vmax.f32 v62, v26;
	[tilespmem:s22+$0xC060] =	vst v37  }
0x11e: {  	v45 =	vmul.f32 v27, v17;
	[tilespmem:s22+$0xC070] =	vst v26;
	v26 =	vbroadcast v24, $0x8  }
0x11f: {  	v48 =	vmul.f32 v27, v18;
	v53 =	vmul.f32 v27, v19;
	v28 =	vld [tilespmem:s23+$0xC000]  }
0x120: {  	v57 =	vmul.f32 v27, v20;
	v38 =	vmul.f32 v26, v7;
	v40 =	vld [tilespmem:s23+$0xC010]  }
0x121: {  	v61 =	vmul.f32 v27, v21;
	v41 =	vmul.f32 v26, v8;
	v43 =	vld [tilespmem:s23+$0xC020]  }
0x122: {  	v27 =	vmul.f32 v27, v22;
	v44 =	vmul.f32 v26, v9;
	v29 =	vadd.f32 v38, v39;
	v46 =	vld [tilespmem:s23+$0xC030]  }
0x123: {  	v47 =	vmul.f32 v26, v10;
	v52 =	vmul.f32 v26, v11;
	v32 =	vadd.f32 v41, v42;
	v51 =	vld [tilespmem:s23+$0xC040]  }
0x124: {  	v56 =	vmul.f32 v26, v12;
	v30 =	vadd.f32 v44, v45;
	v54 =	vld [tilespmem:s23+$0xC050];
	v28 =	vmax.f32 v28, v29  }
0x125: {  	v60 =	vmul.f32 v26, v13;
	v50 =	vadd.f32 v47, v48;
	v58 =	vld [tilespmem:s23+$0xC060];
	v49 =	vmax.f32 v40, v32;
	[tilespmem:s23+$0xC000] =	vst v28  }
0x126: {  	v59 =	vadd.f32 v52, v53;
	v62 =	vld [tilespmem:s23+$0xC070];
	v30 =	vmax.f32 v43, v30;
	[tilespmem:s23+$0xC010] =	vst v49;
	s24 =	spop (v2sf);
	(v2sf) =	vpush v25, $0xA  }
0x127: {  	v26 =	vmul.f32 v26, v14;
	v63 =	vadd.f32 v56, v57;
	v55 =	vmax.f32 v46, v50;
	[tilespmem:s23+$0xC020] =	vst v30  }
0x128: {  	v34 =	vadd.f32 v60, v61;
	v32 =	vmax.f32 v51, v59;
	[tilespmem:s23+$0xC030] =	vst v55  }
0x129: {  	v26 =	vadd.f32 v26, v27;
	v27 =	vbroadcast v23, $0x9;
	v36 =	vmax.f32 v54, v63;
	[tilespmem:s23+$0xC040] =	vst v32  }
0x12a: {  	v37 =	vmax.f32 v58, v34;
	[tilespmem:s23+$0xC050] =	vst v36  }
0x12b: {  	v39 =	vmul.f32 v27, v15;
	v42 =	vmul.f32 v27, v16;
	v26 =	vmax.f32 v62, v26;
	[tilespmem:s23+$0xC060] =	vst v37  }
0x12c: {  	v45 =	vmul.f32 v27, v17;
	[tilespmem:s23+$0xC070] =	vst v26;
	v26 =	vbroadcast v24, $0x9  }
0x12d: {  	v48 =	vmul.f32 v27, v18;
	v53 =	vmul.f32 v27, v19;
	v28 =	vld [tilespmem:s24+$0xC000]  }
0x12e: {  	v57 =	vmul.f32 v27, v20;
	v38 =	vmul.f32 v26, v7;
	v40 =	vld [tilespmem:s24+$0xC010]  }
0x12f: {  	v61 =	vmul.f32 v27, v21;
	v41 =	vmul.f32 v26, v8;
	v43 =	vld [tilespmem:s24+$0xC020]  }
0x130: {  	v27 =	vmul.f32 v27, v22;
	v44 =	vmul.f32 v26, v9;
	v29 =	vadd.f32 v38, v39;
	v46 =	vld [tilespmem:s24+$0xC030]  }
0x131: {  	v47 =	vmul.f32 v26, v10;
	v52 =	vmul.f32 v26, v11;
	v32 =	vadd.f32 v41, v42;
	v51 =	vld [tilespmem:s24+$0xC040]  }
0x132: {  	v56 =	vmul.f32 v26, v12;
	v30 =	vadd.f32 v44, v45;
	v54 =	vld [tilespmem:s24+$0xC050];
	v28 =	vmax.f32 v28, v29  }
0x133: {  	v60 =	vmul.f32 v26, v13;
	v50 =	vadd.f32 v47, v48;
	v58 =	vld [tilespmem:s24+$0xC060];
	v49 =	vmax.f32 v40, v32;
	[tilespmem:s24+$0xC000] =	vst v28  }
0x134: {  	v26 =	vmul.f32 v26, v14;
	v59 =	vadd.f32 v52, v53;
	v62 =	vld [tilespmem:s24+$0xC070];
	v30 =	vmax.f32 v43, v30;
	[tilespmem:s24+$0xC010] =	vst v49  }
0x135: {  	v63 =	vadd.f32 v56, v57;
	v55 =	vmax.f32 v46, v50;
	[tilespmem:s24+$0xC020] =	vst v30;
	s25 =	spop (v2sf);
	(v2sf) =	vpush v25, $0xB  }
0x136: {  	v34 =	vadd.f32 v60, v61;
	v32 =	vmax.f32 v51, v59;
	[tilespmem:s24+$0xC030] =	vst v55  }
0x137: {  	v26 =	vadd.f32 v26, v27;
	v27 =	vbroadcast v23, $0xA;
	v36 =	vmax.f32 v54, v63;
	[tilespmem:s24+$0xC040] =	vst v32  }
0x138: {  	v37 =	vmax.f32 v58, v34;
	[tilespmem:s24+$0xC050] =	vst v36  }
0x139: {  	v26 =	vmax.f32 v62, v26;
	v40 =	vmul.f32 v27, v15;
	[tilespmem:s24+$0xC060] =	vst v37  }
0x13a: {  	v43 =	vmul.f32 v27, v16;
	[tilespmem:s24+$0xC070] =	vst v26;
	v26 =	vbroadcast v24, $0xA  }
0x13b: {  	v46 =	vmul.f32 v27, v17;
	v54 =	vmul.f32 v27, v19;
	v28 =	vld [tilespmem:s25+$0xC000]  }
0x13c: {  	v58 =	vmul.f32 v27, v20;
	v39 =	vmul.f32 v26, v7;
	v41 =	vld [tilespmem:s25+$0xC010]  }
0x13d: {  	v62 =	vmul.f32 v27, v21;
	v42 =	vmul.f32 v26, v8;
	v44 =	vld [tilespmem:s25+$0xC020]  }
0x13e: {  	v49 =	vmul.f32 v27, v18;
	v45 =	vmul.f32 v26, v9;
	v29 =	vadd.f32 v39, v40;
	v47 =	vld [tilespmem:s25+$0xC030]  }
0x13f: {  	v27 =	vmul.f32 v27, v22;
	v48 =	vmul.f32 v26, v10;
	v32 =	vadd.f32 v42, v43;
	v52 =	vld [tilespmem:s25+$0xC040]  }
0x140: {  	v53 =	vmul.f32 v26, v11;
	v30 =	vadd.f32 v45, v46;
	v55 =	vld [tilespmem:s25+$0xC050];
	v28 =	vmax.f32 v28, v29  }
0x141: {  	v57 =	vmul.f32 v26, v12;
	v51 =	vadd.f32 v48, v49;
	v59 =	vld [tilespmem:s25+$0xC060];
	v50 =	vmax.f32 v41, v32;
	[tilespmem:s25+$0xC000] =	vst v28  }
0x142: {  	v61 =	vmul.f32 v26, v13;
	v60 =	vadd.f32 v53, v54;
	v63 =	vld [tilespmem:s25+$0xC070];
	v30 =	vmax.f32 v44, v30;
	[tilespmem:s25+$0xC010] =	vst v50  }
0x143: {  	v26 =	vmul.f32 v26, v14;
	v36 =	vadd.f32 v57, v58;
	v56 =	vmax.f32 v47, v51;
	[tilespmem:s25+$0xC020] =	vst v30  }
0x144: {  	v40 =	vadd.f32 v61, v62;
	v39 =	vmax.f32 v52, v60;
	[tilespmem:s25+$0xC030] =	vst v56;
	s26 =	spop (v2sf);
	(v2sf) =	vpush v25, $0xC  }
0x145: {  	v26 =	vadd.f32 v26, v27;
	v27 =	vbroadcast v23, $0xB;
	v41 =	vmax.f32 v55, v36;
	[tilespmem:s25+$0xC040] =	vst v39  }
0x146: {  	v42 =	vmax.f32 v59, v40;
	[tilespmem:s25+$0xC050] =	vst v41  }
0x147: {  	v53 =	vmul.f32 v27, v18;
	v58 =	vmul.f32 v27, v19;
	v26 =	vmax.f32 v63, v26;
	[tilespmem:s25+$0xC060] =	vst v42  }
0x148: {  	v62 =	vmul.f32 v27, v20;
	[tilespmem:s25+$0xC070] =	vst v26;
	v26 =	vbroadcast v24, $0xB  }
0x149: {  	v44 =	vmul.f32 v27, v15;
	v47 =	vmul.f32 v27, v16;
	v28 =	vld [tilespmem:s26+$0xC000]  }
0x14a: {  	v50 =	vmul.f32 v27, v17;
	v43 =	vmul.f32 v26, v7;
	v45 =	vld [tilespmem:s26+$0xC010]  }
0x14b: {  	v42 =	vmul.f32 v27, v21;
	v46 =	vmul.f32 v26, v8;
	v48 =	vld [tilespmem:s26+$0xC020]  }
0x14c: {  	v27 =	vmul.f32 v27, v22;
	v49 =	vmul.f32 v26, v9;
	v29 =	vadd.f32 v43, v44;
	v51 =	vld [tilespmem:s26+$0xC030]  }
0x14d: {  	v52 =	vmul.f32 v26, v10;
	v57 =	vmul.f32 v26, v11;
	v32 =	vadd.f32 v46, v47;
	v56 =	vld [tilespmem:s26+$0xC040]  }
0x14e: {  	v61 =	vmul.f32 v26, v12;
	v30 =	vadd.f32 v49, v50;
	v59 =	vld [tilespmem:s26+$0xC050];
	v28 =	vmax.f32 v28, v29  }
0x14f: {  	v41 =	vmul.f32 v26, v13;
	v55 =	vadd.f32 v52, v53;
	v63 =	vld [tilespmem:s26+$0xC060];
	v54 =	vmax.f32 v45, v32;
	[tilespmem:s26+$0xC000] =	vst v28  }
0x150: {  	v26 =	vmul.f32 v26, v14;
	v40 =	vadd.f32 v57, v58;
	v43 =	vld [tilespmem:s26+$0xC070];
	v30 =	vmax.f32 v48, v30;
	[tilespmem:s26+$0xC010] =	vst v54  }
0x151: {  	v44 =	vadd.f32 v61, v62;
	v60 =	vmax.f32 v51, v55;
	[tilespmem:s26+$0xC020] =	vst v30  }
0x152: {  	v46 =	vadd.f32 v41, v42;
	v26 =	vadd.f32 v26, v27;
	v45 =	vmax.f32 v56, v40;
	[tilespmem:s26+$0xC030] =	vst v60  }
0x153: {  	v27 =	vbroadcast v23, $0xC;
	v47 =	vmax.f32 v59, v44;
	[tilespmem:s26+$0xC040] =	vst v45;
	s28 =	spop (v2sf);
	(v2sf) =	vpush v25, $0xD  }
0x154: {  	v48 =	vmax.f32 v63, v46;
	[tilespmem:s26+$0xC050] =	vst v47  }
0x155: {  	v50 =	vmul.f32 v27, v15;
	v26 =	vmax.f32 v43, v26;
	[tilespmem:s26+$0xC060] =	vst v48  }
0x156: {  	v53 =	vmul.f32 v27, v16;
	[tilespmem:s26+$0xC070] =	vst v26;
	v26 =	vbroadcast v24, $0xC  }
0x157: {  	v56 =	vmul.f32 v27, v17;
	v59 =	vmul.f32 v27, v18;
	v28 =	vld [tilespmem:s28+$0xC000]  }
0x158: {  	v40 =	vmul.f32 v27, v19;
	v49 =	vmul.f32 v26, v7;
	v51 =	vld [tilespmem:s28+$0xC010]  }
0x159: {  	v44 =	vmul.f32 v27, v20;
	v52 =	vmul.f32 v26, v8;
	v54 =	vld [tilespmem:s28+$0xC020]  }
0x15a: {  	v48 =	vmul.f32 v27, v21;
	v55 =	vmul.f32 v26, v9;
	v29 =	vadd.f32 v49, v50;
	v57 =	vld [tilespmem:s28+$0xC030]  }
0x15b: {  	v27 =	vmul.f32 v27, v22;
	v58 =	vmul.f32 v26, v10;
	v32 =	vadd.f32 v52, v53;
	v62 =	vld [tilespmem:s28+$0xC040]  }
0x15c: {  	v63 =	vmul.f32 v26, v11;
	v30 =	vadd.f32 v55, v56;
	v41 =	vld [tilespmem:s28+$0xC050];
	v28 =	vmax.f32 v28, v29  }
0x15d: {  	v43 =	vmul.f32 v26, v12;
	v61 =	vadd.f32 v58, v59;
	v45 =	vld [tilespmem:s28+$0xC060];
	v60 =	vmax.f32 v51, v32;
	[tilespmem:s28+$0xC000] =	vst v28  }
0x15e: {  	v47 =	vmul.f32 v26, v13;
	v46 =	vadd.f32 v63, v40;
	v49 =	vld [tilespmem:s28+$0xC070];
	v30 =	vmax.f32 v54, v30;
	[tilespmem:s28+$0xC010] =	vst v60  }
0x15f: {  	v26 =	vmul.f32 v26, v14;
	v50 =	vadd.f32 v43, v44;
	v42 =	vmax.f32 v57, v61;
	[tilespmem:s28+$0xC020] =	vst v30  }
0x160: {  	v52 =	vadd.f32 v47, v48;
	v51 =	vmax.f32 v62, v46;
	[tilespmem:s28+$0xC030] =	vst v42  }
0x161: {  	v26 =	vadd.f32 v26, v27;
	v27 =	vbroadcast v23, $0xD;
	v53 =	vmax.f32 v41, v50;
	[tilespmem:s28+$0xC040] =	vst v51  }
0x162: {  	v54 =	vmax.f32 v45, v52;
	[tilespmem:s28+$0xC050] =	vst v53;
	s29 =	spop (v2sf);
	(v2sf) =	vpush v25, $0xE  }
0x163: {  	v56 =	vmul.f32 v27, v15;
	v59 =	vmul.f32 v27, v16;
	v26 =	vmax.f32 v49, v26;
	[tilespmem:s28+$0xC060] =	vst v54  }
0x164: {  	v62 =	vmul.f32 v27, v17;
	[tilespmem:s28+$0xC070] =	vst v26;
	v26 =	vbroadcast v24, $0xD  }
0x165: {  	v41 =	vmul.f32 v27, v18;
	v46 =	vmul.f32 v27, v19;
	v28 =	vld [tilespmem:s29+$0xC000]  }
0x166: {  	v50 =	vmul.f32 v27, v20;
	v55 =	vmul.f32 v26, v7;
	v57 =	vld [tilespmem:s29+$0xC010]  }
0x167: {  	v54 =	vmul.f32 v27, v21;
	v58 =	vmul.f32 v26, v8;
	v60 =	vld [tilespmem:s29+$0xC020]  }
0x168: {  	v27 =	vmul.f32 v27, v22;
	v61 =	vmul.f32 v26, v9;
	v29 =	vadd.f32 v55, v56;
	v63 =	vld [tilespmem:s29+$0xC030]  }
0x169: {  	v40 =	vmul.f32 v26, v10;
	v45 =	vmul.f32 v26, v11;
	v32 =	vadd.f32 v58, v59;
	v44 =	vld [tilespmem:s29+$0xC040]  }
0x16a: {  	v49 =	vmul.f32 v26, v12;
	v30 =	vadd.f32 v61, v62;
	v47 =	vld [tilespmem:s29+$0xC050];
	v28 =	vmax.f32 v28, v29  }
0x16b: {  	v53 =	vmul.f32 v26, v13;
	v43 =	vadd.f32 v40, v41;
	v51 =	vld [tilespmem:s29+$0xC060];
	v42 =	vmax.f32 v57, v32;
	[tilespmem:s29+$0xC000] =	vst v28  }
0x16c: {  	v26 =	vmul.f32 v26, v14;
	v52 =	vadd.f32 v45, v46;
	v55 =	vld [tilespmem:s29+$0xC070];
	v30 =	vmax.f32 v60, v30;
	[tilespmem:s29+$0xC010] =	vst v42  }
0x16d: {  	v56 =	vadd.f32 v49, v50;
	v58 =	vadd.f32 v53, v54;
	v48 =	vmax.f32 v63, v43;
	[tilespmem:s29+$0xC020] =	vst v30  }
0x16e: {  	v26 =	vadd.f32 v26, v27;
	v27 =	vbroadcast v23, $0xE;
	v57 =	vmax.f32 v44, v52;
	[tilespmem:s29+$0xC030] =	vst v48  }
0x16f: {  	v59 =	vmax.f32 v47, v56;
	[tilespmem:s29+$0xC040] =	vst v57  }
0x170: {  	v62 =	vmul.f32 v27, v15;
	v60 =	vmax.f32 v51, v58;
	[tilespmem:s29+$0xC050] =	vst v59  }
0x171: {  	v40 =	vmul.f32 v27, v16;
	v26 =	vmax.f32 v55, v26;
	[tilespmem:s29+$0xC060] =	vst v60;
	s30 =	spop (v2sf);
	(v2sf) =	vpush v25, $0xF  }
0x172: {  	v46 =	vmul.f32 v27, v18;
	[tilespmem:s29+$0xC070] =	vst v26;
	v26 =	vbroadcast v24, $0xE  }
0x173: {  	v43 =	vmul.f32 v27, v17;
	v51 =	vmul.f32 v27, v19;
	v28 =	vld [tilespmem:s30+$0xC000]  }
0x174: {  	v55 =	vmul.f32 v27, v20;
	v61 =	vmul.f32 v26, v7;
	v63 =	vld [tilespmem:s30+$0xC010]  }
0x175: {  	v59 =	vmul.f32 v27, v21;
	v39 =	vmul.f32 v26, v8;
	v41 =	vld [tilespmem:s30+$0xC020]  }
0x176: {  	v27 =	vmul.f32 v27, v22;
	v42 =	vmul.f32 v26, v9;
	v25 =	vadd.f32 v61, v62;
	v44 =	vld [tilespmem:s30+$0xC030]  }
0x177: {  	v45 =	vmul.f32 v26, v10;
	v50 =	vmul.f32 v26, v11;
	v31 =	vadd.f32 v39, v40;
	v49 =	vld [tilespmem:s30+$0xC040]  }
0x178: {  	v54 =	vmul.f32 v26, v12;
	v29 =	vadd.f32 v42, v43;
	v52 =	vld [tilespmem:s30+$0xC050];
	v25 =	vmax.f32 v28, v25  }
0x179: {  	v58 =	vmul.f32 v26, v13;
	v48 =	vadd.f32 v45, v46;
	v60 =	vld [tilespmem:s30+$0xC070];
	v47 =	vmax.f32 v63, v31;
	[tilespmem:s30+$0xC000] =	vst v25  }
0x17a: {  	v26 =	vmul.f32 v26, v14;
	v57 =	vadd.f32 v50, v51;
	v56 =	vld [tilespmem:s30+$0xC060];
	v29 =	vmax.f32 v41, v29;
	[tilespmem:s30+$0xC010] =	vst v47  }
0x17b: {  	v61 =	vadd.f32 v54, v55;
	v53 =	vmax.f32 v44, v48;
	[tilespmem:s30+$0xC020] =	vst v29  }
0x17c: {  	v26 =	vadd.f32 v26, v27;
	v62 =	vmax.f32 v49, v57;
	[tilespmem:s30+$0xC030] =	vst v53  }
0x17d: {  	v63 =	vadd.f32 v58, v59;
	v31 =	vmax.f32 v52, v61;
	[tilespmem:s30+$0xC040] =	vst v62  }
0x17e: {  	v23 =	vbroadcast v23, $0xF;
	v33 =	vmax.f32 v60, v26;
	[tilespmem:s30+$0xC050] =	vst v31  }
0x17f: {  	v24 =	vbroadcast v24, $0xF;
	[tilespmem:s30+$0xC070] =	vst v33;
	v32 =	vmax.f32 v56, v63  }
0x180: {  	v35 =	vmul.f32 v23, v15;
	v38 =	vmul.f32 v23, v16;
	[tilespmem:s30+$0xC060] =	vst v32;
	s31 =	spop (v2sf)  }
0x181: {  	v34 =	vmul.f32 v24, v7;
	v37 =	vmul.f32 v24, v8;
	v25 =	vld [tilespmem:s31+$0xC000]  }
0x182: {  	v40 =	vmul.f32 v24, v9;
	v43 =	vmul.f32 v24, v10;
	v36 =	vld [tilespmem:s31+$0xC010]  }
0x183: {  	v41 =	vmul.f32 v23, v17;
	v44 =	vmul.f32 v23, v18;
	v39 =	vld [tilespmem:s31+$0xC020]  }
0x184: {  	v26 =	vadd.f32 v34, v35;
	v48 =	vmul.f32 v24, v11;
	v49 =	vmul.f32 v23, v19;
	v42 =	vld [tilespmem:s31+$0xC030]  }
0x185: {  	v52 =	vmul.f32 v24, v12;
	v57 =	vmul.f32 v23, v21;
	v29 =	vadd.f32 v37, v38;
	v47 =	vld [tilespmem:s31+$0xC040]  }
0x186: {  	v53 =	vmul.f32 v23, v20;
	v27 =	vadd.f32 v40, v41;
	v50 =	vld [tilespmem:s31+$0xC050];
	v25 =	vmax.f32 v25, v26  }
0x187: {  	v23 =	vmul.f32 v23, v22;
	v46 =	vadd.f32 v43, v44;
	v54 =	vld [tilespmem:s31+$0xC060];
	v45 =	vmax.f32 v36, v29;
	[tilespmem:s31+$0xC000] =	vst v25  }
0x188: {  	v55 =	vadd.f32 v48, v49;
	v56 =	vmul.f32 v24, v13;
	v58 =	vld [tilespmem:s31+$0xC070];
	v27 =	vmax.f32 v39, v27;
	[tilespmem:s31+$0xC010] =	vst v45  }
0x189: {  	p1 =	seq.s32 s19, $0x1;
	v24 =	vmul.f32 v24, v14;
	v59 =	vadd.f32 v52, v53;
	v51 =	vmax.f32 v42, v46;
	[tilespmem:s31+$0xC020] =	vst v27  }
.Ltmp7:
0x18a: {  	v61 =	vadd.f32 v56, v57;
	v60 =	vmax.f32 v47, v55;
	[tilespmem:s31+$0xC030] =	vst v51;
	(pc) =	sbr.rel @!p1 .LBB2_8-.Ltmp7, $4  }
0x18b: {  	v23 =	vadd.f32 v24, v23;
	v62 =	vmax.f32 v50, v59;
	[tilespmem:s31+$0xC040] =	vst v60  }
0x18c: {  	v63 =	vmax.f32 v54, v61;
	[tilespmem:s31+$0xC050] =	vst v62  }
0x18d: {  	v23 =	vmax.f32 v58, v23;
	[tilespmem:s31+$0xC060] =	vst v63  }
0x18e: {  	s20 =	sadd.s32 $0x10, s20;
	s19 =	sadd.s32 $0xFFFFFFFF, s19;
	[tilespmem:s31+$0xC070] =	vst v23  }
.Ltmp8:
0x18f: {  	_ = 	snop;
	(pc) =	sbr.rel .LBB2_4-.Ltmp8, $1  }
0x190: {  	_ =	sdelay $0x3  }
.LBB2_10:
0x191: {  	_ =	sfence.sel $0x180000  }
0x192: {  	[bflag:$0x0] =	sbarrier.arrive $0xFFFF  }
0x193: {  	_ =	strace $0x90000047  }
0x194: {  	s0 =	stileid.u32;
	[bflag:$0x2] =	sbarrier.arrive $0xFFFF  }
0x195: {  	p0 =	sne.s32 s0, $0x0;
	s0 =	rddreg [dreg:$0x2]  }
0x196: {  	s0 =	sadd.s32 @!p0 $0x100000, s0  }
0x197: {  	[sflag:s0] =	ssyncadd.tile.s32 @!p0 $0x1;
	_ =	shalt  }
.Lfunc_end2:
_tile_overlayer_lowered:
.L_overlay_start_2:
0x198: {  	(tag) =	ssettag $0x2  }
0x199: {  	s0 =	rddreg [dreg:$0x0];
	s2 =	stileid.u32  }
0x19a: {  	s1 =	rddreg [dreg:$0x1];
	p0 =	sne.s32 s2, $0x0  }
0x19b: {  	s3 =	rddreg [dreg:$0x2];
	[bflag:$0x3] =	sbarrier.arrive $0xFFFF;
	s2 =	simm.s32 @!p0 $0x1C03  }
0x19c: {  	[timem:s3], [sflag:s2] =	dma.local @!p0 [hbm:s0], s1  }
0x19d: {  	s0 =	simm.s32 @!p0 $0x3  }
0x19e: {  	_ =	swait.ge @!p0 [sflag:s0], s1  }
0x19f: {  	s1 =	ssub.s32 @!p0 $0x0, s1;
	[sflag:s0] =	ssyncset.done @!p0 $0x0  }
0x1a0: {  	[sflag:s0] =	ssyncadd.s32 @!p0 s1  }
0x1a1: {  	[bflag:$0x3] =	sbarrier.arrive $0xFFFF  }
0x1a2: {  	_ =	shalt  }

</sc_bundles>
